<compile_context>
chip_gen: v7x
topology: tpu7x:2x2x1
jax: 0.10.2.dev20260603
libtpu: 0.0.44.dev20260713+nightly
codegen_flags: <defaults>
</compile_context>

<pallas_src>
import functools

import jax
import jax.numpy as jnp
from jax import lax
from jax.experimental import pallas as pl
from jax.experimental.pallas import tpu as pltpu
from jax.experimental.pallas import tpu_sc as plsc

BATCH = 16384
NROWS = 1000000
FACTORS = 32
LANES = 16
EMBW = 128

CB = 16
BLKU = CB * 128

_MESH = plsc.VectorSubcoreMesh(core_axis_name="c", subcore_axis_name="s")
_NW = _MESH.num_cores * _MESH.num_subcores
_FULL_COLS = NROWS // 128
_BLOCKS = _FULL_COLS // CB
_BPW = _BLOCKS // _NW
_EXTRA_BLOCKS = _BLOCKS - _BPW * _NW
_COVERED = _BLOCKS * BLKU
_XSTART = NROWS - 640
_XW = 640
_XOFF = _COVERED - _XSTART
_TAILW = NROWS - _COVERED

_NGROUPS = BATCH // LANES


def _wid():
    return lax.axis_index("s") * _MESH.num_cores + lax.axis_index("c")


def _iota():
    return lax.iota(jnp.int32, LANES)


@functools.partial(
    pl.kernel,
    out_type=jax.ShapeDtypeStruct((BATCH + 16, EMBW), jnp.float32),
    mesh=_MESH,
    scratch_types=[
        pltpu.VMEM((BATCH,), jnp.int32),
        pltpu.VMEM((BATCH,), jnp.int32),
        pltpu.VMEM((BATCH,), jnp.int32),
        pltpu.VMEM((FACTORS, BLKU), jnp.float32),
        pltpu.VMEM((LANES, EMBW), jnp.float32),
        pltpu.VMEM((LANES, EMBW), jnp.float32),
        pltpu.VMEM((LANES, EMBW), jnp.float32),
        pltpu.VMEM((LANES, EMBW), jnp.float32),
        pltpu.SemaphoreType.DMA,
        pltpu.SemaphoreType.DMA,
        pltpu.SemaphoreType.DMA,
        pltpu.SemaphoreType.DMA,
        pltpu.SemaphoreType.DMA,
        pltpu.SemaphoreType.DMA,
    ],
    compiler_params=pltpu.CompilerParams(needs_layout_passes=False),
)
def _extract(idx_hbm, tab_hbm, tail_hbm, emb_hbm,
             idx_v, l1_v, l2_v, blk0, est0, est1, est2, est3,
             semb0, semb1, seme0, seme1, seme2, seme3):
    ests = (est0, est1, est2, est3)
    esems = (seme0, seme1, seme2, seme3)
    wid = _wid()
    nblk = jnp.where(wid >= _NW - _EXTRA_BLOCKS, _BPW + 1, _BPW)
    blk_lo = wid * _BPW + jnp.maximum(wid - (_NW - _EXTRA_BLOCKS), 0)
    u_lo = blk_lo * BLKU
    u_hi = jnp.where(wid == _NW - 1, NROWS, (blk_lo + nblk) * BLKU)

    pltpu.sync_copy(idx_hbm, idx_v)

    def l1_body(g, n):
        u = idx_v[pl.ds(g * LANES, LANES)]
        m = (u >= u_lo) & (u < u_hi)
        packed = ((u - u_lo) << 14) | (g * LANES + _iota())
        c = plsc.cumsum(m.astype(jnp.int32))
        plsc.store_scatter(l1_v, [n + c - 1], packed, mask=m)
        return n + c[LANES - 1]

    n1 = lax.fori_loop(0, _NGROUPS, l1_body, jnp.int32(0))
    ng1 = (n1 + LANES - 1) // LANES

    def blk_src(b):
        return tab_hbm.at[:, pl.ds((blk_lo + b) * BLKU, BLKU)]

    def tail_src():
        return tail_hbm

    has_tail = wid == _NW - 1

    def process_resident(blk, j_lo, width, joff, qg0):

        def l2_body(q, n2):
            p = l1_v[pl.ds(q * LANES, LANES)]
            valid = _iota() < (n1 - q * LANES)
            j = p >> 14
            m = valid & (j >= j_lo) & (j < j_lo + width)
            repacked = ((j - j_lo) << 14) | (p & 16383)
            c = plsc.cumsum(m.astype(jnp.int32))
            plsc.store_scatter(l2_v, [n2 + c - 1], repacked, mask=m)
            return n2 + c[LANES - 1]

        n2 = lax.fori_loop(0, ng1, l2_body, jnp.int32(0))
        ng2 = (n2 + LANES - 1) // LANES

        def ext_body(q, qg):
            k = qg % 4
            p = l2_v[pl.ds(q * LANES, LANES)]
            valid = _iota() < (n2 - q * LANES)
            jl = jnp.where(valid, (p >> 14) + joff, 0)
            bv = jnp.where(valid, p & 16383, BATCH)

            def do(est, esem):
                @pl.when(qg >= 4)
                def _():
                    pltpu.make_async_copy(est, emb_hbm.at[pl.ds(0, LANES)],
                                          esem).wait()

                def fbody(f, carry):
                    fv = jnp.full((LANES,), 1, jnp.int32) * f
                    vals = plsc.load_gather(blk, [fv, jl])
                    plsc.store_scatter(est, [_iota(), fv], vals)
                    return carry

                lax.fori_loop(0, FACTORS, fbody, jnp.int32(0))
                pltpu.async_copy(est, emb_hbm.at[bv], esem)

            for t in range(4):
                @pl.when(k == t)
                def _(t=t):
                    do(ests[t], esems[t])

            return qg + 1

        return lax.fori_loop(0, ng2, ext_body, qg0)

    def stream_body(b, qg):
        @pl.when(b < nblk)
        def _():
            pltpu.async_copy(blk_src(b), blk0, semb0)

        @pl.when(b >= nblk)
        def _():
            pltpu.async_copy(tail_src(), blk0.at[:, pl.ds(0, _XW)], semb1)

        @pl.when(b < nblk)
        def _():
            pltpu.make_async_copy(blk_src(b), blk0, semb0).wait()

        @pl.when(b >= nblk)
        def _():
            pltpu.make_async_copy(tail_src(), blk0.at[:, pl.ds(0, _XW)],
                                  semb1).wait()

        width = jnp.where(b < nblk, BLKU, _TAILW)
        joff = jnp.where(b < nblk, 0, _XOFF)
        return process_resident(blk0, b * BLKU, width, joff, qg)

    qg = lax.fori_loop(0, nblk + has_tail.astype(jnp.int32), stream_body,
                       jnp.int32(0))

    for t in range(4):
        @pl.when(qg >= t + 1)
        def _(t=t):
            pltpu.make_async_copy(ests[t], emb_hbm.at[pl.ds(0, LANES)],
                                  esems[t]).wait()


_RPW = BATCH // _NW
_RCH = 128


@functools.partial(
    pl.kernel,
    out_type=jax.ShapeDtypeStruct((_NW, 1, _RPW), jnp.float32),
    mesh=_MESH,
    scratch_types=[
        pltpu.VMEM((_RCH, EMBW), jnp.float32),
        pltpu.VMEM((_RCH, EMBW), jnp.float32),
        pltpu.VMEM((1, _RPW), jnp.float32),
        pltpu.SemaphoreType.DMA,
        pltpu.SemaphoreType.DMA,
    ],
    compiler_params=pltpu.CompilerParams(needs_layout_passes=False),
)
def _rowdot(uemb_hbm, iemb_hbm, out_hbm, ublk, iblk, out_v, semu, semi):
    wid = _wid()
    r0 = wid * _RPW

    for ch in range(_RPW // _RCH):
        cu = pltpu.async_copy(
            uemb_hbm.at[pl.ds(r0 + ch * _RCH, _RCH)], ublk, semu)
        ci = pltpu.async_copy(
            iemb_hbm.at[pl.ds(r0 + ch * _RCH, _RCH)], iblk, semi)
        cu.wait()
        ci.wait()

        def group(g, carry):
            rows = g * LANES + _iota()
            acc = jnp.zeros((LANES,), jnp.float32)
            for f in range(FACTORS):
                fv = jnp.full((LANES,), f, jnp.int32)
                acc = acc + (plsc.load_gather(ublk, [rows, fv])
                             * plsc.load_gather(iblk, [rows, fv]))
            plsc.store_scatter(
                out_v,
                [jnp.zeros((LANES,), jnp.int32), ch * _RCH + rows], acc)
            return carry

        lax.fori_loop(0, _RCH // LANES, group, 0)
    pltpu.sync_copy(out_v, out_hbm.at[wid])


def kernel(user, item, user_table, item_table):
    user = user.astype(jnp.int32)
    item = item.astype(jnp.int32)
    utab_t = user_table.T
    itab_t = item_table.T
    uemb = _extract(user, utab_t, utab_t[:, _XSTART:])
    iemb = _extract(item, itab_t, itab_t[:, _XSTART:])
    out = _rowdot(uemb, iemb)
    return out.reshape(BATCH)

# --- scband reference (transcript-rebuilt; emitter-appended) ---
"""Pipeline reference for scband-bpr-mf-24103356465311 (READ-ONLY COPY).

The authoritative reference and input builder live on the scoring server;
editing this copy changes nothing except your own understanding.
"""

import jax, jax.numpy as jnp
import numpy as np

NUM_USERS = 1000000
NUM_ITEMS = 1000000
FACTORS = 32
BATCH = 16384

def setup_inputs(seed: int = 0) -> dict:
    key = jax.random.key(seed)
    k1, k2, k3, k4 = jax.random.split(key, 4)
    user = jax.random.randint(k1, (BATCH,), 0, NUM_USERS, dtype=jnp.int64 if jax.config.jax_enable_x64 else jnp.int32)
    item = jax.random.randint(k2, (BATCH,), 0, NUM_ITEMS, dtype=jnp.int64 if jax.config.jax_enable_x64 else jnp.int32)
    user_table = jax.random.normal(k3, (NUM_USERS, FACTORS), dtype=jnp.float32) * 0.01
    item_table = jax.random.normal(k4, (NUM_ITEMS, FACTORS), dtype=jnp.float32) * 0.01
    return {"user": user, "item": item, "user_table": user_table, "item_table": item_table}

def reference(user, item, user_table, item_table):
    # Embedding lookups (gather)
    user_emb = jnp.take(user_table, user, axis=0)  # [B, F]
    item_emb = jnp.take(item_table, item, axis=0)  # [B, F]
    # Elementwise product + row-wise sum (dot product per example)
    dot = (user_emb * item_emb).sum(axis=1)  # [B]
    return dot

if __name__ == "__main__":
    import jax
    _d = setup_inputs()
    print(jax.jit(kernel)(*tuple(_d.values())))

</pallas_src>

<mosaic_0001>
#map = affine_map<(d0, d1) -> (0)>
#map1 = affine_map<(d0, d1) -> (0, 0)>
module attributes {stable_mosaic.version = 14 : i64} {
  func.func @_extract(%arg0: i32, %arg1: i32, %arg2: memref<16384xi32, #tpu.memory_space<hbm>>, %arg3: memref<32x1000000xf32, #tpu.memory_space<hbm>>, %arg4: memref<32x640xf32, #tpu.memory_space<hbm>>, %arg5: memref<16400x128xf32, #tpu.memory_space<hbm>>, %arg6: memref<16384xi32, #tpu.memory_space<vmem>>, %arg7: memref<16384xi32, #tpu.memory_space<vmem>>, %arg8: memref<16384xi32, #tpu.memory_space<vmem>>, %arg9: memref<32x2048xf32, #tpu.memory_space<vmem>>, %arg10: memref<16x128xf32, #tpu.memory_space<vmem>>, %arg11: memref<16x128xf32, #tpu.memory_space<vmem>>, %arg12: memref<16x128xf32, #tpu.memory_space<vmem>>, %arg13: memref<16x128xf32, #tpu.memory_space<vmem>>, %arg14: memref<!tpu.dma_semaphore, #tpu.memory_space<semaphore_mem>>, %arg15: memref<!tpu.dma_semaphore, #tpu.memory_space<semaphore_mem>>, %arg16: memref<!tpu.dma_semaphore, #tpu.memory_space<semaphore_mem>>, %arg17: memref<!tpu.dma_semaphore, #tpu.memory_space<semaphore_mem>>, %arg18: memref<!tpu.dma_semaphore, #tpu.memory_space<semaphore_mem>>, %arg19: memref<!tpu.dma_semaphore, #tpu.memory_space<semaphore_mem>>) attributes {dimension_semantics = [#tpu.dimension_semantics<core_parallel>, #tpu.dimension_semantics<subcore_parallel>], iteration_bounds = array<i64: 2, 16>, scalar_prefetch = 0 : i64, scratch_operands = 14 : i64, tpu.core_type = #tpu.core_type<sc_vector_subcore>, window_params = [{transform_indices = #map}, {transform_indices = #map1}, {transform_indices = #map1}, {transform_indices = #map1}]} {
    %mul3A = arith.constant 2 : i32
    %mul3A_0 = arith.muli %arg1, %mul3A : i32
    %add3A = arith.addi %mul3A_0, %arg0 : i32
    %ge3A = arith.constant 24 : i32
    %ge3A_1 = arith.cmpi sge, %add3A, %ge3A : i32
    %jit3A = arith.constant 16 : i32
    %jit3A_2 = arith.constant 15 : i32
    %select_n3A = arith.select %ge3A_1, %jit3A, %jit3A_2 : i32
    %mul3A_3 = arith.constant 15 : i32
    %mul3A_4 = arith.muli %add3A, %mul3A_3 : i32
    %sub3A = arith.constant 24 : i32
    %sub3A_5 = arith.subi %add3A, %sub3A : i32
    %max3A = arith.constant 0 : i32
    %max3A_6 = arith.maxsi %sub3A_5, %max3A : i32
    %add3A_7 = arith.addi %mul3A_4, %max3A_6 : i32
    %mul3A_8 = arith.constant 2048 : i32
    %mul3A_9 = arith.muli %add3A_7, %mul3A_8 : i32
    %eq3A = arith.constant 31 : i32
    %eq3A_10 = arith.cmpi eq, %add3A, %eq3A : i32
    %add3A_11 = arith.addi %add3A_7, %select_n3A : i32
    %mul3A_12 = arith.constant 2048 : i32
    %mul3A_13 = arith.muli %add3A_11, %mul3A_12 : i32
    %jit3A_14 = arith.constant 1000000 : i32
    %select_n3A_15 = arith.select %eq3A_10, %jit3A_14, %mul3A_13 : i32
    "tpu.region"() ({
      %run_scoped3A = tpu.sem_alloc : memref<!tpu.dma_semaphore, #tpu.memory_space<semaphore_mem>>
      tpu.enqueue_dma source(%arg2 : memref<16384xi32, #tpu.memory_space<hbm>>) target(%arg6 : memref<16384xi32, #tpu.memory_space<vmem>>) target_semaphore(%run_scoped3A : memref<!tpu.dma_semaphore, #tpu.memory_space<semaphore_mem>>)
      tpu.wait_dma2 semaphore(%run_scoped3A : memref<!tpu.dma_semaphore, #tpu.memory_space<semaphore_mem>>) src(%arg2 : memref<16384xi32, #tpu.memory_space<hbm>>) dst(%arg6 : memref<16384xi32, #tpu.memory_space<vmem>>)
      tpu.yield
    }) : () -> ()
    %scan3A = arith.constant 0 : i32
    %scan3A_16 = arith.constant 0 : i32
    %scan3A_17 = arith.constant 1024 : i32
    %scan3A_18 = arith.addi %scan3A_16, %scan3A_17 : i32
    %scan3A_19 = arith.constant 1 : i32
    %scan3A_20 = scf.for %scan3A_78 = %scan3A_16 to %scan3A_18 step %scan3A_19 iter_args(%scan3A_79 = %scan3A) -> (i32)  : i32 {
      %mul3A_80 = arith.constant 16 : i32
      %mul3A_81 = arith.muli %scan3A_78, %mul3A_80 : i32
      %get3A = arith.index_cast %mul3A_81 : i32 to index
      %get3A_82 = tpu.vector_load %arg6[%get3A] {strides = array<i32>} : memref<16384xi32, #tpu.memory_space<vmem>>, vector<16xi32>,
      %ge3A_83 = vector.broadcast %mul3A_9 : i32 to vector<16xi32>
      %ge3A_84 = arith.cmpi sge, %get3A_82, %ge3A_83 : vector<16xi32>
      %lt3A = vector.broadcast %select_n3A_15 : i32 to vector<16xi32>
      %lt3A_85 = arith.cmpi slt, %get3A_82, %lt3A : vector<16xi32>
      %and3A_86 = arith.andi %ge3A_84, %lt3A_85 : vector<16xi1>
      %sub3A_87 = vector.broadcast %mul3A_9 : i32 to vector<16xi32>
      %sub3A_88 = arith.subi %get3A_82, %sub3A_87 : vector<16xi32>
      %shift_left3A = arith.constant 14 : i32
      %shift_left3A_89 = vector.broadcast %shift_left3A : i32 to vector<16xi32>
      %shift_left3A_90 = arith.shli %sub3A_88, %shift_left3A_89 : vector<16xi32>
      %mul3A_91 = arith.constant 16 : i32
      %mul3A_92 = arith.muli %scan3A_78, %mul3A_91 : i32
      %iota3A = tpu.iota {dimensions = array<i32: 0>} : vector<16xi32>
      %add3A_93 = vector.broadcast %mul3A_92 : i32 to vector<16xi32>
      %add3A_94 = arith.addi %add3A_93, %iota3A : vector<16xi32>
      %or3A = arith.ori %shift_left3A_90, %add3A_94 : vector<16xi32>
      %convert_element_type3A_95 = arith.extui %and3A_86 : vector<16xi1> to vector<16xi32>
      %broadcast_in_dim3A = arith.constant true
      %broadcast_in_dim3A_96 = vector.broadcast %broadcast_in_dim3A : i1 to vector<16xi1>
      %masked_cumsum3A = tpu.scan <sum>, %convert_element_type3A_95 masked %broadcast_in_dim3A_96 : vector<16xi32>, vector<16xi1> -> vector<16xi32>
      %add3A_97 = vector.broadcast %scan3A_79 : i32 to vector<16xi32>
      %add3A_98 = arith.addi %add3A_97, %masked_cumsum3A : vector<16xi32>
      %sub3A_99 = arith.constant 1 : i32
      %sub3A_100 = vector.broadcast %sub3A_99 : i32 to vector<16xi32>
      %sub3A_101 = arith.subi %add3A_98, %sub3A_100 : vector<16xi32>
      tpu.vector_store_idx %arg7[%sub3A_101], %or3A masked %and3A_86 : memref<16384xi32, #tpu.memory_space<vmem>>[vector<16xi32>], vector<16xi32>, vector<16xi1>
      %slice3A = vector.extract_strided_slice %masked_cumsum3A {offsets = [15], sizes = [1], strides = [1]} : vector<16xi32> to vector<1xi32>
      %squeeze3A = vector.extract %slice3A[0] : i32 from vector<1xi32>
      %add3A_102 = arith.addi %scan3A_79, %squeeze3A : i32
      scf.yield %add3A_102 : i32
    }
    %scan3A_21 = arith.constant 1024 : i32
    %add3A_22 = arith.constant 16 : i32
    %add3A_23 = arith.addi %scan3A_20, %add3A_22 : i32
    %sub3A_24 = arith.constant 1 : i32
    %sub3A_25 = arith.subi %add3A_23, %sub3A_24 : i32
    %jit3A_26 = arith.constant 16 : i32
    %div3A = arith.divsi %sub3A_25, %jit3A_26 : i32
    %sign3A = arith.constant 0 : i32
    %sign3A_27 = arith.cmpi sgt, %sub3A_25, %sign3A : i32
    %sign3A_28 = arith.extui %sign3A_27 : i1 to i32
    %sign3A_29 = arith.constant 0 : i32
    %sign3A_30 = arith.cmpi slt, %sub3A_25, %sign3A_29 : i32
    %sign3A_31 = arith.extui %sign3A_30 : i1 to i32
    %sign3A_32 = arith.subi %sign3A_28, %sign3A_31 : i32
    %sign3A_33 = arith.constant 0 : i32
    %sign3A_34 = arith.cmpi sgt, %jit3A_26, %sign3A_33 : i32
    %sign3A_35 = arith.extui %sign3A_34 : i1 to i32
    %sign3A_36 = arith.constant 0 : i32
    %sign3A_37 = arith.cmpi slt, %jit3A_26, %sign3A_36 : i32
    %sign3A_38 = arith.extui %sign3A_37 : i1 to i32
    %sign3A_39 = arith.subi %sign3A_35, %sign3A_38 : i32
    %ne3A = arith.cmpi ne, %sign3A_32, %sign3A_39 : i32
    %rem3A = arith.remsi %sub3A_25, %jit3A_26 : i32
    %ne3A_40 = arith.constant 0 : i32
    %ne3A_41 = arith.cmpi ne, %rem3A, %ne3A_40 : i32
    %and3A = arith.andi %ne3A, %ne3A_41 : i1
    %sub3A_42 = arith.constant 1 : i32
    %sub3A_43 = arith.subi %div3A, %sub3A_42 : i32
    %select_n3A_44 = arith.select %and3A, %sub3A_43, %div3A : i32
    %eq3A_45 = arith.constant 31 : i32
    %eq3A_46 = arith.cmpi eq, %add3A, %eq3A_45 : i32
    %convert_element_type3A = arith.extui %eq3A_46 : i1 to i32
    %add3A_47 = arith.addi %select_n3A, %convert_element_type3A : i32
    %while3A = arith.constant 0 : i32
    %while3A_48 = arith.constant 0 : i32
    %while3A_49 = arith.subi %add3A_47, %while3A : i32
    %while3A_50 = arith.addi %while3A, %while3A_49 : i32
    %while3A_51 = arith.constant 1 : i32
    %while3A_52 = arith.divsi %while3A_49, %while3A_51 : i32
    %while3A_53 = arith.muli %while3A_52, %while3A_51 : i32
    %while3A_54 = arith.addi %while3A, %while3A_53 : i32
    %while3A_55 = arith.constant 1 : i32
    %while3A_56 = scf.for %while3A_78 = %while3A to %while3A_54 step %while3A_55 iter_args(%while3A_79 = %while3A_48) -> (i32)  : i32 {
      %lt3A = arith.cmpi slt, %while3A_78, %select_n3A : i32
      %convert_element_type3A_80 = arith.extui %lt3A : i1 to i32
      %cond3A_81 = arith.constant 0 : i32
      %cond3A_82 = arith.cmpi ne, %convert_element_type3A_80, %cond3A_81 : i32
      scf.if %cond3A_82 {
        %add3A_156 = arith.addi %add3A_7, %while3A_78 : i32
        %mul3A_157 = arith.constant 2048 : i32
        %mul3A_158 = arith.muli %add3A_156, %mul3A_157 : i32
        %dma_start3A = arith.constant 0 : i32
        %dma_start3A_159 = tpu.memref_slice %arg3[%dma_start3A, %mul3A_158] : memref<32x1000000xf32, #tpu.memory_space<hbm>> -> memref<32x2048xf32, #tpu.memory_space<hbm>>
        %dma_start3A_160 = arith.constant 0 : i32
        %dma_start3A_161 = tpu.memref_slice %arg3[%dma_start3A_160, %mul3A_158] : memref<32x1000000xf32, #tpu.memory_space<hbm>> -> memref<32x2048xf32, #tpu.memory_space<hbm>>
        tpu.enqueue_dma source(%dma_start3A_161 : memref<32x2048xf32, #tpu.memory_space<hbm>>) target(%arg9 : memref<32x2048xf32, #tpu.memory_space<vmem>>) target_semaphore(%arg14 : memref<!tpu.dma_semaphore, #tpu.memory_space<semaphore_mem>>)
      } else {
      }
      %ge3A_83 = arith.cmpi sge, %while3A_78, %select_n3A : i32
      %convert_element_type3A_84 = arith.extui %ge3A_83 : i1 to i32
      %cond3A_85 = arith.constant 0 : i32
      %cond3A_86 = arith.cmpi ne, %convert_element_type3A_84, %cond3A_85 : i32
      scf.if %cond3A_86 {
        %dma_start3A = arith.constant 0 : i32
        %dma_start3A_156 = arith.constant 0 : i32
        %dma_start3A_157 = tpu.memref_slice %arg9[%dma_start3A, %dma_start3A_156] : memref<32x2048xf32, #tpu.memory_space<vmem>> -> memref<32x640xf32, #tpu.memory_space<vmem>>
        %dma_start3A_158 = arith.constant 0 : i32
        %dma_start3A_159 = arith.constant 0 : i32
        %dma_start3A_160 = tpu.memref_slice %arg9[%dma_start3A_158, %dma_start3A_159] : memref<32x2048xf32, #tpu.memory_space<vmem>> -> memref<32x640xf32, #tpu.memory_space<vmem>>
        tpu.enqueue_dma source(%arg4 : memref<32x640xf32, #tpu.memory_space<hbm>>) target(%dma_start3A_160 : memref<32x640xf32, #tpu.memory_space<vmem>>) target_semaphore(%arg15 : memref<!tpu.dma_semaphore, #tpu.memory_space<semaphore_mem>>)
      } else {
      }
      %lt3A_87 = arith.cmpi slt, %while3A_78, %select_n3A : i32
      %convert_element_type3A_88 = arith.extui %lt3A_87 : i1 to i32
      %cond3A_89 = arith.constant 0 : i32
      %cond3A_90 = arith.cmpi ne, %convert_element_type3A_88, %cond3A_89 : i32
      scf.if %cond3A_90 {
        %add3A_156 = arith.addi %add3A_7, %while3A_78 : i32
        %mul3A_157 = arith.constant 2048 : i32
        %mul3A_158 = arith.muli %add3A_156, %mul3A_157 : i32
        %dma_wait3A = arith.constant 0 : i32
        %dma_wait3A_159 = tpu.memref_slice %arg3[%dma_wait3A, %mul3A_158] : memref<32x1000000xf32, #tpu.memory_space<hbm>> -> memref<32x2048xf32, #tpu.memory_space<hbm>>
        %dma_wait3A_160 = arith.constant 0 : i32
        %dma_wait3A_161 = tpu.memref_slice %arg3[%dma_wait3A_160, %mul3A_158] : memref<32x1000000xf32, #tpu.memory_space<hbm>> -> memref<32x2048xf32, #tpu.memory_space<hbm>>
        tpu.wait_dma2 semaphore(%arg14 : memref<!tpu.dma_semaphore, #tpu.memory_space<semaphore_mem>>) src(%dma_wait3A_161 : memref<32x2048xf32, #tpu.memory_space<hbm>>) dst(%arg9 : memref<32x2048xf32, #tpu.memory_space<vmem>>)
      } else {
      }
      %ge3A_91 = arith.cmpi sge, %while3A_78, %select_n3A : i32
      %convert_element_type3A_92 = arith.extui %ge3A_91 : i1 to i32
      %cond3A_93 = arith.constant 0 : i32
      %cond3A_94 = arith.cmpi ne, %convert_element_type3A_92, %cond3A_93 : i32
      scf.if %cond3A_94 {
        %dma_wait3A = arith.constant 0 : i32
        %dma_wait3A_156 = arith.constant 0 : i32
        %dma_wait3A_157 = tpu.memref_slice %arg9[%dma_wait3A, %dma_wait3A_156] : memref<32x2048xf32, #tpu.memory_space<vmem>> -> memref<32x640xf32, #tpu.memory_space<vmem>>
        %dma_wait3A_158 = arith.constant 0 : i32
        %dma_wait3A_159 = arith.constant 0 : i32
        %dma_wait3A_160 = tpu.memref_slice %arg9[%dma_wait3A_158, %dma_wait3A_159] : memref<32x2048xf32, #tpu.memory_space<vmem>> -> memref<32x640xf32, #tpu.memory_space<vmem>>
        tpu.wait_dma2 semaphore(%arg15 : memref<!tpu.dma_semaphore, #tpu.memory_space<semaphore_mem>>) src(%arg4 : memref<32x640xf32, #tpu.memory_space<hbm>>) dst(%dma_wait3A_160 : memref<32x640xf32, #tpu.memory_space<vmem>>)
      } else {
      }
      %lt3A_95 = arith.cmpi slt, %while3A_78, %select_n3A : i32
      %jit3A_96 = arith.constant 2048 : i32
      %jit3A_97 = arith.constant 576 : i32
      %select_n3A_98 = arith.select %lt3A_95, %jit3A_96, %jit3A_97 : i32
      %lt3A_99 = arith.cmpi slt, %while3A_78, %select_n3A : i32
      %jit3A_100 = arith.constant 0 : i32
      %jit3A_101 = arith.constant 64 : i32
      %select_n3A_102 = arith.select %lt3A_99, %jit3A_100, %jit3A_101 : i32
      %mul3A_103 = arith.constant 2048 : i32
      %mul3A_104 = arith.muli %while3A_78, %mul3A_103 : i32
      %while3A_105 = arith.constant 0 : i32
      %while3A_106 = arith.constant 0 : i32
      %while3A_107 = arith.subi %select_n3A_44, %while3A_105 : i32
      %while3A_108 = arith.addi %while3A_105, %while3A_107 : i32
      %while3A_109 = arith.constant 1 : i32
      %while3A_110 = arith.divsi %while3A_107, %while3A_109 : i32
      %while3A_111 = arith.muli %while3A_110, %while3A_109 : i32
      %while3A_112 = arith.addi %while3A_105, %while3A_111 : i32
      %while3A_113 = arith.constant 1 : i32
      %while3A_114 = scf.for %while3A_156 = %while3A_105 to %while3A_112 step %while3A_113 iter_args(%while3A_157 = %while3A_106) -> (i32)  : i32 {
        %mul3A_158 = arith.constant 16 : i32
        %mul3A_159 = arith.muli %while3A_156, %mul3A_158 : i32
        %get3A = arith.index_cast %mul3A_159 : i32 to index
        %get3A_160 = tpu.vector_load %arg7[%get3A] {strides = array<i32>} : memref<16384xi32, #tpu.memory_space<vmem>>, vector<16xi32>,
        %iota3A = tpu.iota {dimensions = array<i32: 0>} : vector<16xi32>
        %mul3A_161 = arith.constant 16 : i32
        %mul3A_162 = arith.muli %while3A_156, %mul3A_161 : i32
        %sub3A_163 = arith.subi %scan3A_20, %mul3A_162 : i32
        %lt3A_164 = vector.broadcast %sub3A_163 : i32 to vector<16xi32>
        %lt3A_165 = arith.cmpi slt, %iota3A, %lt3A_164 : vector<16xi32>
        %shift_right_arithmetic3A = arith.constant 14 : i32
        %shift_right_arithmetic3A_166 = vector.broadcast %shift_right_arithmetic3A : i32 to vector<16xi32>
        %shift_right_arithmetic3A_167 = arith.shrsi %get3A_160, %shift_right_arithmetic3A_166 : vector<16xi32>
        %ge3A_168 = vector.broadcast %mul3A_104 : i32 to vector<16xi32>
        %ge3A_169 = arith.cmpi sge, %shift_right_arithmetic3A_167, %ge3A_168 : vector<16xi32>
        %and3A_170 = arith.andi %lt3A_165, %ge3A_169 : vector<16xi1>
        %add3A_171 = arith.addi %mul3A_104, %select_n3A_98 : i32
        %lt3A_172 = vector.broadcast %add3A_171 : i32 to vector<16xi32>
        %lt3A_173 = arith.cmpi slt, %shift_right_arithmetic3A_167, %lt3A_172 : vector<16xi32>
        %and3A_174 = arith.andi %and3A_170, %lt3A_173 : vector<16xi1>
        %sub3A_175 = vector.broadcast %mul3A_104 : i32 to vector<16xi32>
        %sub3A_176 = arith.subi %shift_right_arithmetic3A_167, %sub3A_175 : vector<16xi32>
        %shift_left3A = arith.constant 14 : i32
        %shift_left3A_177 = vector.broadcast %shift_left3A : i32 to vector<16xi32>
        %shift_left3A_178 = arith.shli %sub3A_176, %shift_left3A_177 : vector<16xi32>
        %and3A_179 = arith.constant 16383 : i32
        %and3A_180 = vector.broadcast %and3A_179 : i32 to vector<16xi32>
        %and3A_181 = arith.andi %get3A_160, %and3A_180 : vector<16xi32>
        %or3A = arith.ori %shift_left3A_178, %and3A_181 : vector<16xi32>
        %convert_element_type3A_182 = arith.extui %and3A_174 : vector<16xi1> to vector<16xi32>
        %broadcast_in_dim3A = arith.constant true
        %broadcast_in_dim3A_183 = vector.broadcast %broadcast_in_dim3A : i1 to vector<16xi1>
        %masked_cumsum3A = tpu.scan <sum>, %convert_element_type3A_182 masked %broadcast_in_dim3A_183 : vector<16xi32>, vector<16xi1> -> vector<16xi32>
        %add3A_184 = vector.broadcast %while3A_157 : i32 to vector<16xi32>
        %add3A_185 = arith.addi %add3A_184, %masked_cumsum3A : vector<16xi32>
        %sub3A_186 = arith.constant 1 : i32
        %sub3A_187 = vector.broadcast %sub3A_186 : i32 to vector<16xi32>
        %sub3A_188 = arith.subi %add3A_185, %sub3A_187 : vector<16xi32>
        tpu.vector_store_idx %arg8[%sub3A_188], %or3A masked %and3A_174 : memref<16384xi32, #tpu.memory_space<vmem>>[vector<16xi32>], vector<16xi32>, vector<16xi1>
        %slice3A = vector.extract_strided_slice %masked_cumsum3A {offsets = [15], sizes = [1], strides = [1]} : vector<16xi32> to vector<1xi32>
        %squeeze3A = vector.extract %slice3A[0] : i32 from vector<1xi32>
        %add3A_189 = arith.addi %while3A_157, %squeeze3A : i32
        scf.yield %add3A_189 : i32
      }
      %while3A_115 = arith.constant 1 : i32
      %while3A_116 = scf.for %while3A_156 = %while3A_112 to %while3A_108 step %while3A_115 iter_args(%while3A_157 = %while3A_114) -> (i32)  : i32 {
        %mul3A_158 = arith.constant 16 : i32
        %mul3A_159 = arith.muli %while3A_156, %mul3A_158 : i32
        %get3A = arith.index_cast %mul3A_159 : i32 to index
        %get3A_160 = tpu.vector_load %arg7[%get3A] {strides = array<i32>} : memref<16384xi32, #tpu.memory_space<vmem>>, vector<16xi32>,
        %iota3A = tpu.iota {dimensions = array<i32: 0>} : vector<16xi32>
        %mul3A_161 = arith.constant 16 : i32
        %mul3A_162 = arith.muli %while3A_156, %mul3A_161 : i32
        %sub3A_163 = arith.subi %scan3A_20, %mul3A_162 : i32
        %lt3A_164 = vector.broadcast %sub3A_163 : i32 to vector<16xi32>
        %lt3A_165 = arith.cmpi slt, %iota3A, %lt3A_164 : vector<16xi32>
        %shift_right_arithmetic3A = arith.constant 14 : i32
        %shift_right_arithmetic3A_166 = vector.broadcast %shift_right_arithmetic3A : i32 to vector<16xi32>
        %shift_right_arithmetic3A_167 = arith.shrsi %get3A_160, %shift_right_arithmetic3A_166 : vector<16xi32>
        %ge3A_168 = vector.broadcast %mul3A_104 : i32 to vector<16xi32>
        %ge3A_169 = arith.cmpi sge, %shift_right_arithmetic3A_167, %ge3A_168 : vector<16xi32>
        %and3A_170 = arith.andi %lt3A_165, %ge3A_169 : vector<16xi1>
        %add3A_171 = arith.addi %mul3A_104, %select_n3A_98 : i32
        %lt3A_172 = vector.broadcast %add3A_171 : i32 to vector<16xi32>
        %lt3A_173 = arith.cmpi slt, %shift_right_arithmetic3A_167, %lt3A_172 : vector<16xi32>
        %and3A_174 = arith.andi %and3A_170, %lt3A_173 : vector<16xi1>
        %sub3A_175 = vector.broadcast %mul3A_104 : i32 to vector<16xi32>
        %sub3A_176 = arith.subi %shift_right_arithmetic3A_167, %sub3A_175 : vector<16xi32>
        %shift_left3A = arith.constant 14 : i32
        %shift_left3A_177 = vector.broadcast %shift_left3A : i32 to vector<16xi32>
        %shift_left3A_178 = arith.shli %sub3A_176, %shift_left3A_177 : vector<16xi32>
        %and3A_179 = arith.constant 16383 : i32
        %and3A_180 = vector.broadcast %and3A_179 : i32 to vector<16xi32>
        %and3A_181 = arith.andi %get3A_160, %and3A_180 : vector<16xi32>
        %or3A = arith.ori %shift_left3A_178, %and3A_181 : vector<16xi32>
        %convert_element_type3A_182 = arith.extui %and3A_174 : vector<16xi1> to vector<16xi32>
        %broadcast_in_dim3A = arith.constant true
        %broadcast_in_dim3A_183 = vector.broadcast %broadcast_in_dim3A : i1 to vector<16xi1>
        %masked_cumsum3A = tpu.scan <sum>, %convert_element_type3A_182 masked %broadcast_in_dim3A_183 : vector<16xi32>, vector<16xi1> -> vector<16xi32>
        %add3A_184 = vector.broadcast %while3A_157 : i32 to vector<16xi32>
        %add3A_185 = arith.addi %add3A_184, %masked_cumsum3A : vector<16xi32>
        %sub3A_186 = arith.constant 1 : i32
        %sub3A_187 = vector.broadcast %sub3A_186 : i32 to vector<16xi32>
        %sub3A_188 = arith.subi %add3A_185, %sub3A_187 : vector<16xi32>
        tpu.vector_store_idx %arg8[%sub3A_188], %or3A masked %and3A_174 : memref<16384xi32, #tpu.memory_space<vmem>>[vector<16xi32>], vector<16xi32>, vector<16xi1>
        %slice3A = vector.extract_strided_slice %masked_cumsum3A {offsets = [15], sizes = [1], strides = [1]} : vector<16xi32> to vector<1xi32>
        %squeeze3A = vector.extract %slice3A[0] : i32 from vector<1xi32>
        %add3A_189 = arith.addi %while3A_157, %squeeze3A : i32
        scf.yield %add3A_189 : i32
      }
      %add3A_117 = arith.constant 16 : i32
      %add3A_118 = arith.addi %while3A_116, %add3A_117 : i32
      %sub3A_119 = arith.constant 1 : i32
      %sub3A_120 = arith.subi %add3A_118, %sub3A_119 : i32
      %jit3A_121 = arith.constant 16 : i32
      %div3A_122 = arith.divsi %sub3A_120, %jit3A_121 : i32
      %sign3A_123 = arith.constant 0 : i32
      %sign3A_124 = arith.cmpi sgt, %sub3A_120, %sign3A_123 : i32
      %sign3A_125 = arith.extui %sign3A_124 : i1 to i32
      %sign3A_126 = arith.constant 0 : i32
      %sign3A_127 = arith.cmpi slt, %sub3A_120, %sign3A_126 : i32
      %sign3A_128 = arith.extui %sign3A_127 : i1 to i32
      %sign3A_129 = arith.subi %sign3A_125, %sign3A_128 : i32
      %sign3A_130 = arith.constant 0 : i32
      %sign3A_131 = arith.cmpi sgt, %jit3A_121, %sign3A_130 : i32
      %sign3A_132 = arith.extui %sign3A_131 : i1 to i32
      %sign3A_133 = arith.constant 0 : i32
      %sign3A_134 = arith.cmpi slt, %jit3A_121, %sign3A_133 : i32
      %sign3A_135 = arith.extui %sign3A_134 : i1 to i32
      %sign3A_136 = arith.subi %sign3A_132, %sign3A_135 : i32
      %ne3A_137 = arith.cmpi ne, %sign3A_129, %sign3A_136 : i32
      %rem3A_138 = arith.remsi %sub3A_120, %jit3A_121 : i32
      %ne3A_139 = arith.constant 0 : i32
      %ne3A_140 = arith.cmpi ne, %rem3A_138, %ne3A_139 : i32
      %and3A_141 = arith.andi %ne3A_137, %ne3A_140 : i1
      %sub3A_142 = arith.constant 1 : i32
      %sub3A_143 = arith.subi %div3A_122, %sub3A_142 : i32
      %select_n3A_144 = arith.select %and3A_141, %sub3A_143, %div3A_122 : i32
      %while3A_145 = arith.constant 0 : i32
      %while3A_146 = arith.subi %select_n3A_144, %while3A_145 : i32
      %while3A_147 = arith.addi %while3A_145, %while3A_146 : i32
      %while3A_148 = arith.constant 1 : i32
      %while3A_149 = arith.divsi %while3A_146, %while3A_148 : i32
      %while3A_150 = arith.muli %while3A_149, %while3A_148 : i32
      %while3A_151 = arith.addi %while3A_145, %while3A_150 : i32
      %while3A_152 = arith.constant 1 : i32
      %while3A_153 = scf.for %while3A_156 = %while3A_145 to %while3A_151 step %while3A_152 iter_args(%while3A_157 = %while3A_79) -> (i32)  : i32 {
        %jit3A_158 = arith.constant 4 : i32
        %eq3A_159 = arith.constant 0 : i32
        %eq3A_160 = arith.cmpi eq, %jit3A_158, %eq3A_159 : i32
        %jit3A_161 = arith.constant 1 : i32
        %select_n3A_162 = arith.select %eq3A_160, %jit3A_161, %jit3A_158 : i32
        %rem3A_163 = arith.remsi %while3A_157, %select_n3A_162 : i32
        %ne3A_164 = arith.constant 0 : i32
        %ne3A_165 = arith.cmpi ne, %rem3A_163, %ne3A_164 : i32
        %lt3A_166 = arith.constant 0 : i32
        %lt3A_167 = arith.cmpi slt, %rem3A_163, %lt3A_166 : i32
        %lt3A_168 = arith.constant 0 : i32
        %lt3A_169 = arith.cmpi slt, %select_n3A_162, %lt3A_168 : i32
        %ne3A_170 = arith.xori %lt3A_167, %lt3A_169 : i1
        %and3A_171 = arith.andi %ne3A_170, %ne3A_165 : i1
        %add3A_172 = arith.addi %rem3A_163, %select_n3A_162 : i32
        %select_n3A_173 = arith.select %and3A_171, %add3A_172, %rem3A_163 : i32
        %mul3A_174 = arith.constant 16 : i32
        %mul3A_175 = arith.muli %while3A_156, %mul3A_174 : i32
        %get3A = arith.index_cast %mul3A_175 : i32 to index
        %get3A_176 = tpu.vector_load %arg8[%get3A] {strides = array<i32>} : memref<16384xi32, #tpu.memory_space<vmem>>, vector<16xi32>,
        %iota3A = tpu.iota {dimensions = array<i32: 0>} : vector<16xi32>
        %mul3A_177 = arith.constant 16 : i32
        %mul3A_178 = arith.muli %while3A_156, %mul3A_177 : i32
        %sub3A_179 = arith.subi %while3A_116, %mul3A_178 : i32
        %lt3A_180 = vector.broadcast %sub3A_179 : i32 to vector<16xi32>
        %lt3A_181 = arith.cmpi slt, %iota3A, %lt3A_180 : vector<16xi32>
        %shift_right_arithmetic3A = arith.constant 14 : i32
        %shift_right_arithmetic3A_182 = vector.broadcast %shift_right_arithmetic3A : i32 to vector<16xi32>
        %shift_right_arithmetic3A_183 = arith.shrsi %get3A_176, %shift_right_arithmetic3A_182 : vector<16xi32>
        %add3A_184 = vector.broadcast %select_n3A_102 : i32 to vector<16xi32>
        %add3A_185 = arith.addi %shift_right_arithmetic3A_183, %add3A_184 : vector<16xi32>
        %jit3A_186 = arith.constant 0 : i32
        %broadcast_in_dim3A = vector.broadcast %jit3A_186 : i32 to vector<16xi32>
        %select_n3A_187 = arith.select %lt3A_181, %add3A_185, %broadcast_in_dim3A : vector<16xi1>, vector<16xi32>
        %and3A_188 = arith.constant 16383 : i32
        %and3A_189 = vector.broadcast %and3A_188 : i32 to vector<16xi32>
        %and3A_190 = arith.andi %get3A_176, %and3A_189 : vector<16xi32>
        %jit3A_191 = arith.constant 16384 : i32
        %broadcast_in_dim3A_192 = vector.broadcast %jit3A_191 : i32 to vector<16xi32>
        %select_n3A_193 = arith.select %lt3A_181, %and3A_190, %broadcast_in_dim3A_192 : vector<16xi1>, vector<16xi32>
        %eq3A_194 = arith.constant 0 : i32
        %eq3A_195 = arith.cmpi eq, %select_n3A_173, %eq3A_194 : i32
        %convert_element_type3A_196 = arith.extui %eq3A_195 : i1 to i32
        %cond3A_197 = arith.constant 0 : i32
        %cond3A_198 = arith.cmpi ne, %convert_element_type3A_196, %cond3A_197 : i32
        scf.if %cond3A_198 {
          %ge3A_216 = arith.constant 4 : i32
          %ge3A_217 = arith.cmpi sge, %while3A_157, %ge3A_216 : i32
          %convert_element_type3A_218 = arith.extui %ge3A_217 : i1 to i32
          %cond3A_219 = arith.constant 0 : i32
          %cond3A_220 = arith.cmpi ne, %convert_element_type3A_218, %cond3A_219 : i32
          scf.if %cond3A_220 {
            %dma_wait3A = arith.constant 0 : i32
            %dma_wait3A_229 = arith.constant 0 : i32
            %dma_wait3A_230 = tpu.memref_slice %arg5[%dma_wait3A, %dma_wait3A_229] : memref<16400x128xf32, #tpu.memory_space<hbm>> -> memref<16x128xf32, #tpu.memory_space<hbm>>
            %dma_wait3A_231 = arith.constant 0 : i32
            %dma_wait3A_232 = arith.constant 0 : i32
            %dma_wait3A_233 = tpu.memref_slice %arg5[%dma_wait3A_231, %dma_wait3A_232] : memref<16400x128xf32, #tpu.memory_space<hbm>> -> memref<16x128xf32, #tpu.memory_space<hbm>>
            tpu.wait_dma2 semaphore(%arg16 : memref<!tpu.dma_semaphore, #tpu.memory_space<semaphore_mem>>) src(%arg10 : memref<16x128xf32, #tpu.memory_space<vmem>>) dst(%dma_wait3A_233 : memref<16x128xf32, #tpu.memory_space<hbm>>)
          } else {
          }
          %scan3A_221 = arith.constant 0 : i32
          %scan3A_222 = arith.constant 0 : i32
          %scan3A_223 = arith.constant 32 : i32
          %scan3A_224 = arith.addi %scan3A_222, %scan3A_223 : i32
          %scan3A_225 = arith.constant 1 : i32
          scf.for %scan3A_229 = %scan3A_222 to %scan3A_224 step %scan3A_225  : i32 {
            %broadcast_in_dim3A_230 = arith.constant 1 : i32
            %broadcast_in_dim3A_231 = vector.broadcast %broadcast_in_dim3A_230 : i32 to vector<16xi32>
            %mul3A_232 = vector.broadcast %scan3A_229 : i32 to vector<16xi32>
            %mul3A_233 = arith.muli %broadcast_in_dim3A_231, %mul3A_232 : vector<16xi32>
            %gather3A = tpu.vector_load_idx %arg9[%mul3A_233, %select_n3A_187] : memref<32x2048xf32, #tpu.memory_space<vmem>>[vector<16xi32>, vector<16xi32>], vector<16xf32>,
            %iota3A_234 = tpu.iota {dimensions = array<i32: 0>} : vector<16xi32>
            tpu.vector_store_idx %arg10[%iota3A_234, %mul3A_233], %gather3A : memref<16x128xf32, #tpu.memory_space<vmem>>[vector<16xi32>, vector<16xi32>], vector<16xf32>,
          }
          %scan3A_226 = arith.constant 32 : i32
          %dma_start3A = arith.constant 0 : i32
          %dma_start3A_227 = arith.constant 0 : i32
          %dma_start3A_228 = tpu.memref_slice %arg5[%dma_start3A, %dma_start3A_227] : memref<16400x128xf32, #tpu.memory_space<hbm>> -> memref<16400x128xf32, #tpu.memory_space<hbm>>
          tpu.enqueue_indirect_dma source(%arg10 : memref<16x128xf32, #tpu.memory_space<vmem>>) target(%dma_start3A_228 : memref<16400x128xf32, #tpu.memory_space<hbm>>) offsets(%select_n3A_193 : vector<16xi32>) semaphore(%arg16 : memref<!tpu.dma_semaphore, #tpu.memory_space<semaphore_mem>>)
        } else {
        }
        %eq3A_199 = arith.constant 1 : i32
        %eq3A_200 = arith.cmpi eq, %select_n3A_173, %eq3A_199 : i32
        %convert_element_type3A_201 = arith.extui %eq3A_200 : i1 to i32
        %cond3A_202 = arith.constant 0 : i32
        %cond3A_203 = arith.cmpi ne, %convert_element_type3A_201, %cond3A_202 : i32
        scf.if %cond3A_203 {
          %ge3A_216 = arith.constant 4 : i32
          %ge3A_217 = arith.cmpi sge, %while3A_157, %ge3A_216 : i32
          %convert_element_type3A_218 = arith.extui %ge3A_217 : i1 to i32
          %cond3A_219 = arith.constant 0 : i32
          %cond3A_220 = arith.cmpi ne, %convert_element_type3A_218, %cond3A_219 : i32
          scf.if %cond3A_220 {
            %dma_wait3A = arith.constant 0 : i32
            %dma_wait3A_229 = arith.constant 0 : i32
            %dma_wait3A_230 = tpu.memref_slice %arg5[%dma_wait3A, %dma_wait3A_229] : memref<16400x128xf32, #tpu.memory_space<hbm>> -> memref<16x128xf32, #tpu.memory_space<hbm>>
            %dma_wait3A_231 = arith.constant 0 : i32
            %dma_wait3A_232 = arith.constant 0 : i32
            %dma_wait3A_233 = tpu.memref_slice %arg5[%dma_wait3A_231, %dma_wait3A_232] : memref<16400x128xf32, #tpu.memory_space<hbm>> -> memref<16x128xf32, #tpu.memory_space<hbm>>
            tpu.wait_dma2 semaphore(%arg17 : memref<!tpu.dma_semaphore, #tpu.memory_space<semaphore_mem>>) src(%arg11 : memref<16x128xf32, #tpu.memory_space<vmem>>) dst(%dma_wait3A_233 : memref<16x128xf32, #tpu.memory_space<hbm>>)
          } else {
          }
          %scan3A_221 = arith.constant 0 : i32
          %scan3A_222 = arith.constant 0 : i32
          %scan3A_223 = arith.constant 32 : i32
          %scan3A_224 = arith.addi %scan3A_222, %scan3A_223 : i32
          %scan3A_225 = arith.constant 1 : i32
          scf.for %scan3A_229 = %scan3A_222 to %scan3A_224 step %scan3A_225  : i32 {
            %broadcast_in_dim3A_230 = arith.constant 1 : i32
            %broadcast_in_dim3A_231 = vector.broadcast %broadcast_in_dim3A_230 : i32 to vector<16xi32>
            %mul3A_232 = vector.broadcast %scan3A_229 : i32 to vector<16xi32>
            %mul3A_233 = arith.muli %broadcast_in_dim3A_231, %mul3A_232 : vector<16xi32>
            %gather3A = tpu.vector_load_idx %arg9[%mul3A_233, %select_n3A_187] : memref<32x2048xf32, #tpu.memory_space<vmem>>[vector<16xi32>, vector<16xi32>], vector<16xf32>,
            %iota3A_234 = tpu.iota {dimensions = array<i32: 0>} : vector<16xi32>
            tpu.vector_store_idx %arg11[%iota3A_234, %mul3A_233], %gather3A : memref<16x128xf32, #tpu.memory_space<vmem>>[vector<16xi32>, vector<16xi32>], vector<16xf32>,
          }
          %scan3A_226 = arith.constant 32 : i32
          %dma_start3A = arith.constant 0 : i32
          %dma_start3A_227 = arith.constant 0 : i32
          %dma_start3A_228 = tpu.memref_slice %arg5[%dma_start3A, %dma_start3A_227] : memref<16400x128xf32, #tpu.memory_space<hbm>> -> memref<16400x128xf32, #tpu.memory_space<hbm>>
          tpu.enqueue_indirect_dma source(%arg11 : memref<16x128xf32, #tpu.memory_space<vmem>>) target(%dma_start3A_228 : memref<16400x128xf32, #tpu.memory_space<hbm>>) offsets(%select_n3A_193 : vector<16xi32>) semaphore(%arg17 : memref<!tpu.dma_semaphore, #tpu.memory_space<semaphore_mem>>)
        } else {
        }
        %eq3A_204 = arith.constant 2 : i32
        %eq3A_205 = arith.cmpi eq, %select_n3A_173, %eq3A_204 : i32
        %convert_element_type3A_206 = arith.extui %eq3A_205 : i1 to i32
        %cond3A_207 = arith.constant 0 : i32
        %cond3A_208 = arith.cmpi ne, %convert_element_type3A_206, %cond3A_207 : i32
        scf.if %cond3A_208 {
          %ge3A_216 = arith.constant 4 : i32
          %ge3A_217 = arith.cmpi sge, %while3A_157, %ge3A_216 : i32
          %convert_element_type3A_218 = arith.extui %ge3A_217 : i1 to i32
          %cond3A_219 = arith.constant 0 : i32
          %cond3A_220 = arith.cmpi ne, %convert_element_type3A_218, %cond3A_219 : i32
          scf.if %cond3A_220 {
            %dma_wait3A = arith.constant 0 : i32
            %dma_wait3A_229 = arith.constant 0 : i32
            %dma_wait3A_230 = tpu.memref_slice %arg5[%dma_wait3A, %dma_wait3A_229] : memref<16400x128xf32, #tpu.memory_space<hbm>> -> memref<16x128xf32, #tpu.memory_space<hbm>>
            %dma_wait3A_231 = arith.constant 0 : i32
            %dma_wait3A_232 = arith.constant 0 : i32
            %dma_wait3A_233 = tpu.memref_slice %arg5[%dma_wait3A_231, %dma_wait3A_232] : memref<16400x128xf32, #tpu.memory_space<hbm>> -> memref<16x128xf32, #tpu.memory_space<hbm>>
            tpu.wait_dma2 semaphore(%arg18 : memref<!tpu.dma_semaphore, #tpu.memory_space<semaphore_mem>>) src(%arg12 : memref<16x128xf32, #tpu.memory_space<vmem>>) dst(%dma_wait3A_233 : memref<16x128xf32, #tpu.memory_space<hbm>>)
          } else {
          }
          %scan3A_221 = arith.constant 0 : i32
          %scan3A_222 = arith.constant 0 : i32
          %scan3A_223 = arith.constant 32 : i32
          %scan3A_224 = arith.addi %scan3A_222, %scan3A_223 : i32
          %scan3A_225 = arith.constant 1 : i32
          scf.for %scan3A_229 = %scan3A_222 to %scan3A_224 step %scan3A_225  : i32 {
            %broadcast_in_dim3A_230 = arith.constant 1 : i32
            %broadcast_in_dim3A_231 = vector.broadcast %broadcast_in_dim3A_230 : i32 to vector<16xi32>
            %mul3A_232 = vector.broadcast %scan3A_229 : i32 to vector<16xi32>
            %mul3A_233 = arith.muli %broadcast_in_dim3A_231, %mul3A_232 : vector<16xi32>
            %gather3A = tpu.vector_load_idx %arg9[%mul3A_233, %select_n3A_187] : memref<32x2048xf32, #tpu.memory_space<vmem>>[vector<16xi32>, vector<16xi32>], vector<16xf32>,
            %iota3A_234 = tpu.iota {dimensions = array<i32: 0>} : vector<16xi32>
            tpu.vector_store_idx %arg12[%iota3A_234, %mul3A_233], %gather3A : memref<16x128xf32, #tpu.memory_space<vmem>>[vector<16xi32>, vector<16xi32>], vector<16xf32>,
          }
          %scan3A_226 = arith.constant 32 : i32
          %dma_start3A = arith.constant 0 : i32
          %dma_start3A_227 = arith.constant 0 : i32
          %dma_start3A_228 = tpu.memref_slice %arg5[%dma_start3A, %dma_start3A_227] : memref<16400x128xf32, #tpu.memory_space<hbm>> -> memref<16400x128xf32, #tpu.memory_space<hbm>>
          tpu.enqueue_indirect_dma source(%arg12 : memref<16x128xf32, #tpu.memory_space<vmem>>) target(%dma_start3A_228 : memref<16400x128xf32, #tpu.memory_space<hbm>>) offsets(%select_n3A_193 : vector<16xi32>) semaphore(%arg18 : memref<!tpu.dma_semaphore, #tpu.memory_space<semaphore_mem>>)
        } else {
        }
        %eq3A_209 = arith.constant 3 : i32
        %eq3A_210 = arith.cmpi eq, %select_n3A_173, %eq3A_209 : i32
        %convert_element_type3A_211 = arith.extui %eq3A_210 : i1 to i32
        %cond3A_212 = arith.constant 0 : i32
        %cond3A_213 = arith.cmpi ne, %convert_element_type3A_211, %cond3A_212 : i32
        scf.if %cond3A_213 {
          %ge3A_216 = arith.constant 4 : i32
          %ge3A_217 = arith.cmpi sge, %while3A_157, %ge3A_216 : i32
          %convert_element_type3A_218 = arith.extui %ge3A_217 : i1 to i32
          %cond3A_219 = arith.constant 0 : i32
          %cond3A_220 = arith.cmpi ne, %convert_element_type3A_218, %cond3A_219 : i32
          scf.if %cond3A_220 {
            %dma_wait3A = arith.constant 0 : i32
            %dma_wait3A_229 = arith.constant 0 : i32
            %dma_wait3A_230 = tpu.memref_slice %arg5[%dma_wait3A, %dma_wait3A_229] : memref<16400x128xf32, #tpu.memory_space<hbm>> -> memref<16x128xf32, #tpu.memory_space<hbm>>
            %dma_wait3A_231 = arith.constant 0 : i32
            %dma_wait3A_232 = arith.constant 0 : i32
            %dma_wait3A_233 = tpu.memref_slice %arg5[%dma_wait3A_231, %dma_wait3A_232] : memref<16400x128xf32, #tpu.memory_space<hbm>> -> memref<16x128xf32, #tpu.memory_space<hbm>>
            tpu.wait_dma2 semaphore(%arg19 : memref<!tpu.dma_semaphore, #tpu.memory_space<semaphore_mem>>) src(%arg13 : memref<16x128xf32, #tpu.memory_space<vmem>>) dst(%dma_wait3A_233 : memref<16x128xf32, #tpu.memory_space<hbm>>)
          } else {
          }
          %scan3A_221 = arith.constant 0 : i32
          %scan3A_222 = arith.constant 0 : i32
          %scan3A_223 = arith.constant 32 : i32
          %scan3A_224 = arith.addi %scan3A_222, %scan3A_223 : i32
          %scan3A_225 = arith.constant 1 : i32
          scf.for %scan3A_229 = %scan3A_222 to %scan3A_224 step %scan3A_225  : i32 {
            %broadcast_in_dim3A_230 = arith.constant 1 : i32
            %broadcast_in_dim3A_231 = vector.broadcast %broadcast_in_dim3A_230 : i32 to vector<16xi32>
            %mul3A_232 = vector.broadcast %scan3A_229 : i32 to vector<16xi32>
            %mul3A_233 = arith.muli %broadcast_in_dim3A_231, %mul3A_232 : vector<16xi32>
            %gather3A = tpu.vector_load_idx %arg9[%mul3A_233, %select_n3A_187] : memref<32x2048xf32, #tpu.memory_space<vmem>>[vector<16xi32>, vector<16xi32>], vector<16xf32>,
            %iota3A_234 = tpu.iota {dimensions = array<i32: 0>} : vector<16xi32>
            tpu.vector_store_idx %arg13[%iota3A_234, %mul3A_233], %gather3A : memref<16x128xf32, #tpu.memory_space<vmem>>[vector<16xi32>, vector<16xi32>], vector<16xf32>,
          }
          %scan3A_226 = arith.constant 32 : i32
          %dma_start3A = arith.constant 0 : i32
          %dma_start3A_227 = arith.constant 0 : i32
          %dma_start3A_228 = tpu.memref_slice %arg5[%dma_start3A, %dma_start3A_227] : memref<16400x128xf32, #tpu.memory_space<hbm>> -> memref<16400x128xf32, #tpu.memory_space<hbm>>
          tpu.enqueue_indirect_dma source(%arg13 : memref<16x128xf32, #tpu.memory_space<vmem>>) target(%dma_start3A_228 : memref<16400x128xf32, #tpu.memory_space<hbm>>) offsets(%select_n3A_193 : vector<16xi32>) semaphore(%arg19 : memref<!tpu.dma_semaphore, #tpu.memory_space<semaphore_mem>>)
        } else {
        }
        %add3A_214 = arith.constant 1 : i32
        %add3A_215 = arith.addi %while3A_157, %add3A_214 : i32
        scf.yield %add3A_215 : i32
      }
      %while3A_154 = arith.constant 1 : i32
      %while3A_155 = scf.for %while3A_156 = %while3A_151 to %while3A_147 step %while3A_154 iter_args(%while3A_157 = %while3A_153) -> (i32)  : i32 {
        %jit3A_158 = arith.constant 4 : i32
        %eq3A_159 = arith.constant 0 : i32
        %eq3A_160 = arith.cmpi eq, %jit3A_158, %eq3A_159 : i32
        %jit3A_161 = arith.constant 1 : i32
        %select_n3A_162 = arith.select %eq3A_160, %jit3A_161, %jit3A_158 : i32
        %rem3A_163 = arith.remsi %while3A_157, %select_n3A_162 : i32
        %ne3A_164 = arith.constant 0 : i32
        %ne3A_165 = arith.cmpi ne, %rem3A_163, %ne3A_164 : i32
        %lt3A_166 = arith.constant 0 : i32
        %lt3A_167 = arith.cmpi slt, %rem3A_163, %lt3A_166 : i32
        %lt3A_168 = arith.constant 0 : i32
        %lt3A_169 = arith.cmpi slt, %select_n3A_162, %lt3A_168 : i32
        %ne3A_170 = arith.xori %lt3A_167, %lt3A_169 : i1
        %and3A_171 = arith.andi %ne3A_170, %ne3A_165 : i1
        %add3A_172 = arith.addi %rem3A_163, %select_n3A_162 : i32
        %select_n3A_173 = arith.select %and3A_171, %add3A_172, %rem3A_163 : i32
        %mul3A_174 = arith.constant 16 : i32
        %mul3A_175 = arith.muli %while3A_156, %mul3A_174 : i32
        %get3A = arith.index_cast %mul3A_175 : i32 to index
        %get3A_176 = tpu.vector_load %arg8[%get3A] {strides = array<i32>} : memref<16384xi32, #tpu.memory_space<vmem>>, vector<16xi32>,
        %iota3A = tpu.iota {dimensions = array<i32: 0>} : vector<16xi32>
        %mul3A_177 = arith.constant 16 : i32
        %mul3A_178 = arith.muli %while3A_156, %mul3A_177 : i32
        %sub3A_179 = arith.subi %while3A_116, %mul3A_178 : i32
        %lt3A_180 = vector.broadcast %sub3A_179 : i32 to vector<16xi32>
        %lt3A_181 = arith.cmpi slt, %iota3A, %lt3A_180 : vector<16xi32>
        %shift_right_arithmetic3A = arith.constant 14 : i32
        %shift_right_arithmetic3A_182 = vector.broadcast %shift_right_arithmetic3A : i32 to vector<16xi32>
        %shift_right_arithmetic3A_183 = arith.shrsi %get3A_176, %shift_right_arithmetic3A_182 : vector<16xi32>
        %add3A_184 = vector.broadcast %select_n3A_102 : i32 to vector<16xi32>
        %add3A_185 = arith.addi %shift_right_arithmetic3A_183, %add3A_184 : vector<16xi32>
        %jit3A_186 = arith.constant 0 : i32
        %broadcast_in_dim3A = vector.broadcast %jit3A_186 : i32 to vector<16xi32>
        %select_n3A_187 = arith.select %lt3A_181, %add3A_185, %broadcast_in_dim3A : vector<16xi1>, vector<16xi32>
        %and3A_188 = arith.constant 16383 : i32
        %and3A_189 = vector.broadcast %and3A_188 : i32 to vector<16xi32>
        %and3A_190 = arith.andi %get3A_176, %and3A_189 : vector<16xi32>
        %jit3A_191 = arith.constant 16384 : i32
        %broadcast_in_dim3A_192 = vector.broadcast %jit3A_191 : i32 to vector<16xi32>
        %select_n3A_193 = arith.select %lt3A_181, %and3A_190, %broadcast_in_dim3A_192 : vector<16xi1>, vector<16xi32>
        %eq3A_194 = arith.constant 0 : i32
        %eq3A_195 = arith.cmpi eq, %select_n3A_173, %eq3A_194 : i32
        %convert_element_type3A_196 = arith.extui %eq3A_195 : i1 to i32
        %cond3A_197 = arith.constant 0 : i32
        %cond3A_198 = arith.cmpi ne, %convert_element_type3A_196, %cond3A_197 : i32
        scf.if %cond3A_198 {
          %ge3A_216 = arith.constant 4 : i32
          %ge3A_217 = arith.cmpi sge, %while3A_157, %ge3A_216 : i32
          %convert_element_type3A_218 = arith.extui %ge3A_217 : i1 to i32
          %cond3A_219 = arith.constant 0 : i32
          %cond3A_220 = arith.cmpi ne, %convert_element_type3A_218, %cond3A_219 : i32
          scf.if %cond3A_220 {
            %dma_wait3A = arith.constant 0 : i32
            %dma_wait3A_229 = arith.constant 0 : i32
            %dma_wait3A_230 = tpu.memref_slice %arg5[%dma_wait3A, %dma_wait3A_229] : memref<16400x128xf32, #tpu.memory_space<hbm>> -> memref<16x128xf32, #tpu.memory_space<hbm>>
            %dma_wait3A_231 = arith.constant 0 : i32
            %dma_wait3A_232 = arith.constant 0 : i32
            %dma_wait3A_233 = tpu.memref_slice %arg5[%dma_wait3A_231, %dma_wait3A_232] : memref<16400x128xf32, #tpu.memory_space<hbm>> -> memref<16x128xf32, #tpu.memory_space<hbm>>
            tpu.wait_dma2 semaphore(%arg16 : memref<!tpu.dma_semaphore, #tpu.memory_space<semaphore_mem>>) src(%arg10 : memref<16x128xf32, #tpu.memory_space<vmem>>) dst(%dma_wait3A_233 : memref<16x128xf32, #tpu.memory_space<hbm>>)
          } else {
          }
          %scan3A_221 = arith.constant 0 : i32
          %scan3A_222 = arith.constant 0 : i32
          %scan3A_223 = arith.constant 32 : i32
          %scan3A_224 = arith.addi %scan3A_222, %scan3A_223 : i32
          %scan3A_225 = arith.constant 1 : i32
          scf.for %scan3A_229 = %scan3A_222 to %scan3A_224 step %scan3A_225  : i32 {
            %broadcast_in_dim3A_230 = arith.constant 1 : i32
            %broadcast_in_dim3A_231 = vector.broadcast %broadcast_in_dim3A_230 : i32 to vector<16xi32>
            %mul3A_232 = vector.broadcast %scan3A_229 : i32 to vector<16xi32>
            %mul3A_233 = arith.muli %broadcast_in_dim3A_231, %mul3A_232 : vector<16xi32>
            %gather3A = tpu.vector_load_idx %arg9[%mul3A_233, %select_n3A_187] : memref<32x2048xf32, #tpu.memory_space<vmem>>[vector<16xi32>, vector<16xi32>], vector<16xf32>,
            %iota3A_234 = tpu.iota {dimensions = array<i32: 0>} : vector<16xi32>
            tpu.vector_store_idx %arg10[%iota3A_234, %mul3A_233], %gather3A : memref<16x128xf32, #tpu.memory_space<vmem>>[vector<16xi32>, vector<16xi32>], vector<16xf32>,
          }
          %scan3A_226 = arith.constant 32 : i32
          %dma_start3A = arith.constant 0 : i32
          %dma_start3A_227 = arith.constant 0 : i32
          %dma_start3A_228 = tpu.memref_slice %arg5[%dma_start3A, %dma_start3A_227] : memref<16400x128xf32, #tpu.memory_space<hbm>> -> memref<16400x128xf32, #tpu.memory_space<hbm>>
          tpu.enqueue_indirect_dma source(%arg10 : memref<16x128xf32, #tpu.memory_space<vmem>>) target(%dma_start3A_228 : memref<16400x128xf32, #tpu.memory_space<hbm>>) offsets(%select_n3A_193 : vector<16xi32>) semaphore(%arg16 : memref<!tpu.dma_semaphore, #tpu.memory_space<semaphore_mem>>)
        } else {
        }
        %eq3A_199 = arith.constant 1 : i32
        %eq3A_200 = arith.cmpi eq, %select_n3A_173, %eq3A_199 : i32
        %convert_element_type3A_201 = arith.extui %eq3A_200 : i1 to i32
        %cond3A_202 = arith.constant 0 : i32
        %cond3A_203 = arith.cmpi ne, %convert_element_type3A_201, %cond3A_202 : i32
        scf.if %cond3A_203 {
          %ge3A_216 = arith.constant 4 : i32
          %ge3A_217 = arith.cmpi sge, %while3A_157, %ge3A_216 : i32
          %convert_element_type3A_218 = arith.extui %ge3A_217 : i1 to i32
          %cond3A_219 = arith.constant 0 : i32
          %cond3A_220 = arith.cmpi ne, %convert_element_type3A_218, %cond3A_219 : i32
          scf.if %cond3A_220 {
            %dma_wait3A = arith.constant 0 : i32
            %dma_wait3A_229 = arith.constant 0 : i32
            %dma_wait3A_230 = tpu.memref_slice %arg5[%dma_wait3A, %dma_wait3A_229] : memref<16400x128xf32, #tpu.memory_space<hbm>> -> memref<16x128xf32, #tpu.memory_space<hbm>>
            %dma_wait3A_231 = arith.constant 0 : i32
            %dma_wait3A_232 = arith.constant 0 : i32
            %dma_wait3A_233 = tpu.memref_slice %arg5[%dma_wait3A_231, %dma_wait3A_232] : memref<16400x128xf32, #tpu.memory_space<hbm>> -> memref<16x128xf32, #tpu.memory_space<hbm>>
            tpu.wait_dma2 semaphore(%arg17 : memref<!tpu.dma_semaphore, #tpu.memory_space<semaphore_mem>>) src(%arg11 : memref<16x128xf32, #tpu.memory_space<vmem>>) dst(%dma_wait3A_233 : memref<16x128xf32, #tpu.memory_space<hbm>>)
          } else {
          }
          %scan3A_221 = arith.constant 0 : i32
          %scan3A_222 = arith.constant 0 : i32
          %scan3A_223 = arith.constant 32 : i32
          %scan3A_224 = arith.addi %scan3A_222, %scan3A_223 : i32
          %scan3A_225 = arith.constant 1 : i32
          scf.for %scan3A_229 = %scan3A_222 to %scan3A_224 step %scan3A_225  : i32 {
            %broadcast_in_dim3A_230 = arith.constant 1 : i32
            %broadcast_in_dim3A_231 = vector.broadcast %broadcast_in_dim3A_230 : i32 to vector<16xi32>
            %mul3A_232 = vector.broadcast %scan3A_229 : i32 to vector<16xi32>
            %mul3A_233 = arith.muli %broadcast_in_dim3A_231, %mul3A_232 : vector<16xi32>
            %gather3A = tpu.vector_load_idx %arg9[%mul3A_233, %select_n3A_187] : memref<32x2048xf32, #tpu.memory_space<vmem>>[vector<16xi32>, vector<16xi32>], vector<16xf32>,
            %iota3A_234 = tpu.iota {dimensions = array<i32: 0>} : vector<16xi32>
            tpu.vector_store_idx %arg11[%iota3A_234, %mul3A_233], %gather3A : memref<16x128xf32, #tpu.memory_space<vmem>>[vector<16xi32>, vector<16xi32>], vector<16xf32>,
          }
          %scan3A_226 = arith.constant 32 : i32
          %dma_start3A = arith.constant 0 : i32
          %dma_start3A_227 = arith.constant 0 : i32
          %dma_start3A_228 = tpu.memref_slice %arg5[%dma_start3A, %dma_start3A_227] : memref<16400x128xf32, #tpu.memory_space<hbm>> -> memref<16400x128xf32, #tpu.memory_space<hbm>>
          tpu.enqueue_indirect_dma source(%arg11 : memref<16x128xf32, #tpu.memory_space<vmem>>) target(%dma_start3A_228 : memref<16400x128xf32, #tpu.memory_space<hbm>>) offsets(%select_n3A_193 : vector<16xi32>) semaphore(%arg17 : memref<!tpu.dma_semaphore, #tpu.memory_space<semaphore_mem>>)
        } else {
        }
        %eq3A_204 = arith.constant 2 : i32
        %eq3A_205 = arith.cmpi eq, %select_n3A_173, %eq3A_204 : i32
        %convert_element_type3A_206 = arith.extui %eq3A_205 : i1 to i32
        %cond3A_207 = arith.constant 0 : i32
        %cond3A_208 = arith.cmpi ne, %convert_element_type3A_206, %cond3A_207 : i32
        scf.if %cond3A_208 {
          %ge3A_216 = arith.constant 4 : i32
          %ge3A_217 = arith.cmpi sge, %while3A_157, %ge3A_216 : i32
          %convert_element_type3A_218 = arith.extui %ge3A_217 : i1 to i32
          %cond3A_219 = arith.constant 0 : i32
          %cond3A_220 = arith.cmpi ne, %convert_element_type3A_218, %cond3A_219 : i32
          scf.if %cond3A_220 {
            %dma_wait3A = arith.constant 0 : i32
            %dma_wait3A_229 = arith.constant 0 : i32
            %dma_wait3A_230 = tpu.memref_slice %arg5[%dma_wait3A, %dma_wait3A_229] : memref<16400x128xf32, #tpu.memory_space<hbm>> -> memref<16x128xf32, #tpu.memory_space<hbm>>
            %dma_wait3A_231 = arith.constant 0 : i32
            %dma_wait3A_232 = arith.constant 0 : i32
            %dma_wait3A_233 = tpu.memref_slice %arg5[%dma_wait3A_231, %dma_wait3A_232] : memref<16400x128xf32, #tpu.memory_space<hbm>> -> memref<16x128xf32, #tpu.memory_space<hbm>>
            tpu.wait_dma2 semaphore(%arg18 : memref<!tpu.dma_semaphore, #tpu.memory_space<semaphore_mem>>) src(%arg12 : memref<16x128xf32, #tpu.memory_space<vmem>>) dst(%dma_wait3A_233 : memref<16x128xf32, #tpu.memory_space<hbm>>)
          } else {
          }
          %scan3A_221 = arith.constant 0 : i32
          %scan3A_222 = arith.constant 0 : i32
          %scan3A_223 = arith.constant 32 : i32
          %scan3A_224 = arith.addi %scan3A_222, %scan3A_223 : i32
          %scan3A_225 = arith.constant 1 : i32
          scf.for %scan3A_229 = %scan3A_222 to %scan3A_224 step %scan3A_225  : i32 {
            %broadcast_in_dim3A_230 = arith.constant 1 : i32
            %broadcast_in_dim3A_231 = vector.broadcast %broadcast_in_dim3A_230 : i32 to vector<16xi32>
            %mul3A_232 = vector.broadcast %scan3A_229 : i32 to vector<16xi32>
            %mul3A_233 = arith.muli %broadcast_in_dim3A_231, %mul3A_232 : vector<16xi32>
            %gather3A = tpu.vector_load_idx %arg9[%mul3A_233, %select_n3A_187] : memref<32x2048xf32, #tpu.memory_space<vmem>>[vector<16xi32>, vector<16xi32>], vector<16xf32>,
            %iota3A_234 = tpu.iota {dimensions = array<i32: 0>} : vector<16xi32>
            tpu.vector_store_idx %arg12[%iota3A_234, %mul3A_233], %gather3A : memref<16x128xf32, #tpu.memory_space<vmem>>[vector<16xi32>, vector<16xi32>], vector<16xf32>,
          }
          %scan3A_226 = arith.constant 32 : i32
          %dma_start3A = arith.constant 0 : i32
          %dma_start3A_227 = arith.constant 0 : i32
          %dma_start3A_228 = tpu.memref_slice %arg5[%dma_start3A, %dma_start3A_227] : memref<16400x128xf32, #tpu.memory_space<hbm>> -> memref<16400x128xf32, #tpu.memory_space<hbm>>
          tpu.enqueue_indirect_dma source(%arg12 : memref<16x128xf32, #tpu.memory_space<vmem>>) target(%dma_start3A_228 : memref<16400x128xf32, #tpu.memory_space<hbm>>) offsets(%select_n3A_193 : vector<16xi32>) semaphore(%arg18 : memref<!tpu.dma_semaphore, #tpu.memory_space<semaphore_mem>>)
        } else {
        }
        %eq3A_209 = arith.constant 3 : i32
        %eq3A_210 = arith.cmpi eq, %select_n3A_173, %eq3A_209 : i32
        %convert_element_type3A_211 = arith.extui %eq3A_210 : i1 to i32
        %cond3A_212 = arith.constant 0 : i32
        %cond3A_213 = arith.cmpi ne, %convert_element_type3A_211, %cond3A_212 : i32
        scf.if %cond3A_213 {
          %ge3A_216 = arith.constant 4 : i32
          %ge3A_217 = arith.cmpi sge, %while3A_157, %ge3A_216 : i32
          %convert_element_type3A_218 = arith.extui %ge3A_217 : i1 to i32
          %cond3A_219 = arith.constant 0 : i32
          %cond3A_220 = arith.cmpi ne, %convert_element_type3A_218, %cond3A_219 : i32
          scf.if %cond3A_220 {
            %dma_wait3A = arith.constant 0 : i32
            %dma_wait3A_229 = arith.constant 0 : i32
            %dma_wait3A_230 = tpu.memref_slice %arg5[%dma_wait3A, %dma_wait3A_229] : memref<16400x128xf32, #tpu.memory_space<hbm>> -> memref<16x128xf32, #tpu.memory_space<hbm>>
            %dma_wait3A_231 = arith.constant 0 : i32
            %dma_wait3A_232 = arith.constant 0 : i32
            %dma_wait3A_233 = tpu.memref_slice %arg5[%dma_wait3A_231, %dma_wait3A_232] : memref<16400x128xf32, #tpu.memory_space<hbm>> -> memref<16x128xf32, #tpu.memory_space<hbm>>
            tpu.wait_dma2 semaphore(%arg19 : memref<!tpu.dma_semaphore, #tpu.memory_space<semaphore_mem>>) src(%arg13 : memref<16x128xf32, #tpu.memory_space<vmem>>) dst(%dma_wait3A_233 : memref<16x128xf32, #tpu.memory_space<hbm>>)
          } else {
          }
          %scan3A_221 = arith.constant 0 : i32
          %scan3A_222 = arith.constant 0 : i32
          %scan3A_223 = arith.constant 32 : i32
          %scan3A_224 = arith.addi %scan3A_222, %scan3A_223 : i32
          %scan3A_225 = arith.constant 1 : i32
          scf.for %scan3A_229 = %scan3A_222 to %scan3A_224 step %scan3A_225  : i32 {
            %broadcast_in_dim3A_230 = arith.constant 1 : i32
            %broadcast_in_dim3A_231 = vector.broadcast %broadcast_in_dim3A_230 : i32 to vector<16xi32>
            %mul3A_232 = vector.broadcast %scan3A_229 : i32 to vector<16xi32>
            %mul3A_233 = arith.muli %broadcast_in_dim3A_231, %mul3A_232 : vector<16xi32>
            %gather3A = tpu.vector_load_idx %arg9[%mul3A_233, %select_n3A_187] : memref<32x2048xf32, #tpu.memory_space<vmem>>[vector<16xi32>, vector<16xi32>], vector<16xf32>,
            %iota3A_234 = tpu.iota {dimensions = array<i32: 0>} : vector<16xi32>
            tpu.vector_store_idx %arg13[%iota3A_234, %mul3A_233], %gather3A : memref<16x128xf32, #tpu.memory_space<vmem>>[vector<16xi32>, vector<16xi32>], vector<16xf32>,
          }
          %scan3A_226 = arith.constant 32 : i32
          %dma_start3A = arith.constant 0 : i32
          %dma_start3A_227 = arith.constant 0 : i32
          %dma_start3A_228 = tpu.memref_slice %arg5[%dma_start3A, %dma_start3A_227] : memref<16400x128xf32, #tpu.memory_space<hbm>> -> memref<16400x128xf32, #tpu.memory_space<hbm>>
          tpu.enqueue_indirect_dma source(%arg13 : memref<16x128xf32, #tpu.memory_space<vmem>>) target(%dma_start3A_228 : memref<16400x128xf32, #tpu.memory_space<hbm>>) offsets(%select_n3A_193 : vector<16xi32>) semaphore(%arg19 : memref<!tpu.dma_semaphore, #tpu.memory_space<semaphore_mem>>)
        } else {
        }
        %add3A_214 = arith.constant 1 : i32
        %add3A_215 = arith.addi %while3A_157, %add3A_214 : i32
        scf.yield %add3A_215 : i32
      }
      scf.yield %while3A_155 : i32
    }
    %while3A_57 = arith.constant 1 : i32
    %while3A_58 = scf.for %while3A_78 = %while3A_54 to %while3A_50 step %while3A_57 iter_args(%while3A_79 = %while3A_56) -> (i32)  : i32 {
      %lt3A = arith.cmpi slt, %while3A_78, %select_n3A : i32
      %convert_element_type3A_80 = arith.extui %lt3A : i1 to i32
      %cond3A_81 = arith.constant 0 : i32
      %cond3A_82 = arith.cmpi ne, %convert_element_type3A_80, %cond3A_81 : i32
      scf.if %cond3A_82 {
        %add3A_156 = arith.addi %add3A_7, %while3A_78 : i32
        %mul3A_157 = arith.constant 2048 : i32
        %mul3A_158 = arith.muli %add3A_156, %mul3A_157 : i32
        %dma_start3A = arith.constant 0 : i32
        %dma_start3A_159 = tpu.memref_slice %arg3[%dma_start3A, %mul3A_158] : memref<32x1000000xf32, #tpu.memory_space<hbm>> -> memref<32x2048xf32, #tpu.memory_space<hbm>>
        %dma_start3A_160 = arith.constant 0 : i32
        %dma_start3A_161 = tpu.memref_slice %arg3[%dma_start3A_160, %mul3A_158] : memref<32x1000000xf32, #tpu.memory_space<hbm>> -> memref<32x2048xf32, #tpu.memory_space<hbm>>
        tpu.enqueue_dma source(%dma_start3A_161 : memref<32x2048xf32, #tpu.memory_space<hbm>>) target(%arg9 : memref<32x2048xf32, #tpu.memory_space<vmem>>) target_semaphore(%arg14 : memref<!tpu.dma_semaphore, #tpu.memory_space<semaphore_mem>>)
      } else {
      }
      %ge3A_83 = arith.cmpi sge, %while3A_78, %select_n3A : i32
      %convert_element_type3A_84 = arith.extui %ge3A_83 : i1 to i32
      %cond3A_85 = arith.constant 0 : i32
      %cond3A_86 = arith.cmpi ne, %convert_element_type3A_84, %cond3A_85 : i32
      scf.if %cond3A_86 {
        %dma_start3A = arith.constant 0 : i32
        %dma_start3A_156 = arith.constant 0 : i32
        %dma_start3A_157 = tpu.memref_slice %arg9[%dma_start3A, %dma_start3A_156] : memref<32x2048xf32, #tpu.memory_space<vmem>> -> memref<32x640xf32, #tpu.memory_space<vmem>>
        %dma_start3A_158 = arith.constant 0 : i32
        %dma_start3A_159 = arith.constant 0 : i32
        %dma_start3A_160 = tpu.memref_slice %arg9[%dma_start3A_158, %dma_start3A_159] : memref<32x2048xf32, #tpu.memory_space<vmem>> -> memref<32x640xf32, #tpu.memory_space<vmem>>
        tpu.enqueue_dma source(%arg4 : memref<32x640xf32, #tpu.memory_space<hbm>>) target(%dma_start3A_160 : memref<32x640xf32, #tpu.memory_space<vmem>>) target_semaphore(%arg15 : memref<!tpu.dma_semaphore, #tpu.memory_space<semaphore_mem>>)
      } else {
      }
      %lt3A_87 = arith.cmpi slt, %while3A_78, %select_n3A : i32
      %convert_element_type3A_88 = arith.extui %lt3A_87 : i1 to i32
      %cond3A_89 = arith.constant 0 : i32
      %cond3A_90 = arith.cmpi ne, %convert_element_type3A_88, %cond3A_89 : i32
      scf.if %cond3A_90 {
        %add3A_156 = arith.addi %add3A_7, %while3A_78 : i32
        %mul3A_157 = arith.constant 2048 : i32
        %mul3A_158 = arith.muli %add3A_156, %mul3A_157 : i32
        %dma_wait3A = arith.constant 0 : i32
        %dma_wait3A_159 = tpu.memref_slice %arg3[%dma_wait3A, %mul3A_158] : memref<32x1000000xf32, #tpu.memory_space<hbm>> -> memref<32x2048xf32, #tpu.memory_space<hbm>>
        %dma_wait3A_160 = arith.constant 0 : i32
        %dma_wait3A_161 = tpu.memref_slice %arg3[%dma_wait3A_160, %mul3A_158] : memref<32x1000000xf32, #tpu.memory_space<hbm>> -> memref<32x2048xf32, #tpu.memory_space<hbm>>
        tpu.wait_dma2 semaphore(%arg14 : memref<!tpu.dma_semaphore, #tpu.memory_space<semaphore_mem>>) src(%dma_wait3A_161 : memref<32x2048xf32, #tpu.memory_space<hbm>>) dst(%arg9 : memref<32x2048xf32, #tpu.memory_space<vmem>>)
      } else {
      }
      %ge3A_91 = arith.cmpi sge, %while3A_78, %select_n3A : i32
      %convert_element_type3A_92 = arith.extui %ge3A_91 : i1 to i32
      %cond3A_93 = arith.constant 0 : i32
      %cond3A_94 = arith.cmpi ne, %convert_element_type3A_92, %cond3A_93 : i32
      scf.if %cond3A_94 {
        %dma_wait3A = arith.constant 0 : i32
        %dma_wait3A_156 = arith.constant 0 : i32
        %dma_wait3A_157 = tpu.memref_slice %arg9[%dma_wait3A, %dma_wait3A_156] : memref<32x2048xf32, #tpu.memory_space<vmem>> -> memref<32x640xf32, #tpu.memory_space<vmem>>
        %dma_wait3A_158 = arith.constant 0 : i32
        %dma_wait3A_159 = arith.constant 0 : i32
        %dma_wait3A_160 = tpu.memref_slice %arg9[%dma_wait3A_158, %dma_wait3A_159] : memref<32x2048xf32, #tpu.memory_space<vmem>> -> memref<32x640xf32, #tpu.memory_space<vmem>>
        tpu.wait_dma2 semaphore(%arg15 : memref<!tpu.dma_semaphore, #tpu.memory_space<semaphore_mem>>) src(%arg4 : memref<32x640xf32, #tpu.memory_space<hbm>>) dst(%dma_wait3A_160 : memref<32x640xf32, #tpu.memory_space<vmem>>)
      } else {
      }
      %lt3A_95 = arith.cmpi slt, %while3A_78, %select_n3A : i32
      %jit3A_96 = arith.constant 2048 : i32
      %jit3A_97 = arith.constant 576 : i32
      %select_n3A_98 = arith.select %lt3A_95, %jit3A_96, %jit3A_97 : i32
      %lt3A_99 = arith.cmpi slt, %while3A_78, %select_n3A : i32
      %jit3A_100 = arith.constant 0 : i32
      %jit3A_101 = arith.constant 64 : i32
      %select_n3A_102 = arith.select %lt3A_99, %jit3A_100, %jit3A_101 : i32
      %mul3A_103 = arith.constant 2048 : i32
      %mul3A_104 = arith.muli %while3A_78, %mul3A_103 : i32
      %while3A_105 = arith.constant 0 : i32
      %while3A_106 = arith.constant 0 : i32
      %while3A_107 = arith.subi %select_n3A_44, %while3A_105 : i32
      %while3A_108 = arith.addi %while3A_105, %while3A_107 : i32
      %while3A_109 = arith.constant 1 : i32
      %while3A_110 = arith.divsi %while3A_107, %while3A_109 : i32
      %while3A_111 = arith.muli %while3A_110, %while3A_109 : i32
      %while3A_112 = arith.addi %while3A_105, %while3A_111 : i32
      %while3A_113 = arith.constant 1 : i32
      %while3A_114 = scf.for %while3A_156 = %while3A_105 to %while3A_112 step %while3A_113 iter_args(%while3A_157 = %while3A_106) -> (i32)  : i32 {
        %mul3A_158 = arith.constant 16 : i32
        %mul3A_159 = arith.muli %while3A_156, %mul3A_158 : i32
        %get3A = arith.index_cast %mul3A_159 : i32 to index
        %get3A_160 = tpu.vector_load %arg7[%get3A] {strides = array<i32>} : memref<16384xi32, #tpu.memory_space<vmem>>, vector<16xi32>,
        %iota3A = tpu.iota {dimensions = array<i32: 0>} : vector<16xi32>
        %mul3A_161 = arith.constant 16 : i32
        %mul3A_162 = arith.muli %while3A_156, %mul3A_161 : i32
        %sub3A_163 = arith.subi %scan3A_20, %mul3A_162 : i32
        %lt3A_164 = vector.broadcast %sub3A_163 : i32 to vector<16xi32>
        %lt3A_165 = arith.cmpi slt, %iota3A, %lt3A_164 : vector<16xi32>
        %shift_right_arithmetic3A = arith.constant 14 : i32
        %shift_right_arithmetic3A_166 = vector.broadcast %shift_right_arithmetic3A : i32 to vector<16xi32>
        %shift_right_arithmetic3A_167 = arith.shrsi %get3A_160, %shift_right_arithmetic3A_166 : vector<16xi32>
        %ge3A_168 = vector.broadcast %mul3A_104 : i32 to vector<16xi32>
        %ge3A_169 = arith.cmpi sge, %shift_right_arithmetic3A_167, %ge3A_168 : vector<16xi32>
        %and3A_170 = arith.andi %lt3A_165, %ge3A_169 : vector<16xi1>
        %add3A_171 = arith.addi %mul3A_104, %select_n3A_98 : i32
        %lt3A_172 = vector.broadcast %add3A_171 : i32 to vector<16xi32>
        %lt3A_173 = arith.cmpi slt, %shift_right_arithmetic3A_167, %lt3A_172 : vector<16xi32>
        %and3A_174 = arith.andi %and3A_170, %lt3A_173 : vector<16xi1>
        %sub3A_175 = vector.broadcast %mul3A_104 : i32 to vector<16xi32>
        %sub3A_176 = arith.subi %shift_right_arithmetic3A_167, %sub3A_175 : vector<16xi32>
        %shift_left3A = arith.constant 14 : i32
        %shift_left3A_177 = vector.broadcast %shift_left3A : i32 to vector<16xi32>
        %shift_left3A_178 = arith.shli %sub3A_176, %shift_left3A_177 : vector<16xi32>
        %and3A_179 = arith.constant 16383 : i32
        %and3A_180 = vector.broadcast %and3A_179 : i32 to vector<16xi32>
        %and3A_181 = arith.andi %get3A_160, %and3A_180 : vector<16xi32>
        %or3A = arith.ori %shift_left3A_178, %and3A_181 : vector<16xi32>
        %convert_element_type3A_182 = arith.extui %and3A_174 : vector<16xi1> to vector<16xi32>
        %broadcast_in_dim3A = arith.constant true
        %broadcast_in_dim3A_183 = vector.broadcast %broadcast_in_dim3A : i1 to vector<16xi1>
        %masked_cumsum3A = tpu.scan <sum>, %convert_element_type3A_182 masked %broadcast_in_dim3A_183 : vector<16xi32>, vector<16xi1> -> vector<16xi32>
        %add3A_184 = vector.broadcast %while3A_157 : i32 to vector<16xi32>
        %add3A_185 = arith.addi %add3A_184, %masked_cumsum3A : vector<16xi32>
        %sub3A_186 = arith.constant 1 : i32
        %sub3A_187 = vector.broadcast %sub3A_186 : i32 to vector<16xi32>
        %sub3A_188 = arith.subi %add3A_185, %sub3A_187 : vector<16xi32>
        tpu.vector_store_idx %arg8[%sub3A_188], %or3A masked %and3A_174 : memref<16384xi32, #tpu.memory_space<vmem>>[vector<16xi32>], vector<16xi32>, vector<16xi1>
        %slice3A = vector.extract_strided_slice %masked_cumsum3A {offsets = [15], sizes = [1], strides = [1]} : vector<16xi32> to vector<1xi32>
        %squeeze3A = vector.extract %slice3A[0] : i32 from vector<1xi32>
        %add3A_189 = arith.addi %while3A_157, %squeeze3A : i32
        scf.yield %add3A_189 : i32
      }
      %while3A_115 = arith.constant 1 : i32
      %while3A_116 = scf.for %while3A_156 = %while3A_112 to %while3A_108 step %while3A_115 iter_args(%while3A_157 = %while3A_114) -> (i32)  : i32 {
        %mul3A_158 = arith.constant 16 : i32
        %mul3A_159 = arith.muli %while3A_156, %mul3A_158 : i32
        %get3A = arith.index_cast %mul3A_159 : i32 to index
        %get3A_160 = tpu.vector_load %arg7[%get3A] {strides = array<i32>} : memref<16384xi32, #tpu.memory_space<vmem>>, vector<16xi32>,
        %iota3A = tpu.iota {dimensions = array<i32: 0>} : vector<16xi32>
        %mul3A_161 = arith.constant 16 : i32
        %mul3A_162 = arith.muli %while3A_156, %mul3A_161 : i32
        %sub3A_163 = arith.subi %scan3A_20, %mul3A_162 : i32
        %lt3A_164 = vector.broadcast %sub3A_163 : i32 to vector<16xi32>
        %lt3A_165 = arith.cmpi slt, %iota3A, %lt3A_164 : vector<16xi32>
        %shift_right_arithmetic3A = arith.constant 14 : i32
        %shift_right_arithmetic3A_166 = vector.broadcast %shift_right_arithmetic3A : i32 to vector<16xi32>
        %shift_right_arithmetic3A_167 = arith.shrsi %get3A_160, %shift_right_arithmetic3A_166 : vector<16xi32>
        %ge3A_168 = vector.broadcast %mul3A_104 : i32 to vector<16xi32>
        %ge3A_169 = arith.cmpi sge, %shift_right_arithmetic3A_167, %ge3A_168 : vector<16xi32>
        %and3A_170 = arith.andi %lt3A_165, %ge3A_169 : vector<16xi1>
        %add3A_171 = arith.addi %mul3A_104, %select_n3A_98 : i32
        %lt3A_172 = vector.broadcast %add3A_171 : i32 to vector<16xi32>
        %lt3A_173 = arith.cmpi slt, %shift_right_arithmetic3A_167, %lt3A_172 : vector<16xi32>
        %and3A_174 = arith.andi %and3A_170, %lt3A_173 : vector<16xi1>
        %sub3A_175 = vector.broadcast %mul3A_104 : i32 to vector<16xi32>
        %sub3A_176 = arith.subi %shift_right_arithmetic3A_167, %sub3A_175 : vector<16xi32>
        %shift_left3A = arith.constant 14 : i32
        %shift_left3A_177 = vector.broadcast %shift_left3A : i32 to vector<16xi32>
        %shift_left3A_178 = arith.shli %sub3A_176, %shift_left3A_177 : vector<16xi32>
        %and3A_179 = arith.constant 16383 : i32
        %and3A_180 = vector.broadcast %and3A_179 : i32 to vector<16xi32>
        %and3A_181 = arith.andi %get3A_160, %and3A_180 : vector<16xi32>
        %or3A = arith.ori %shift_left3A_178, %and3A_181 : vector<16xi32>
        %convert_element_type3A_182 = arith.extui %and3A_174 : vector<16xi1> to vector<16xi32>
        %broadcast_in_dim3A = arith.constant true
        %broadcast_in_dim3A_183 = vector.broadcast %broadcast_in_dim3A : i1 to vector<16xi1>
        %masked_cumsum3A = tpu.scan <sum>, %convert_element_type3A_182 masked %broadcast_in_dim3A_183 : vector<16xi32>, vector<16xi1> -> vector<16xi32>
        %add3A_184 = vector.broadcast %while3A_157 : i32 to vector<16xi32>
        %add3A_185 = arith.addi %add3A_184, %masked_cumsum3A : vector<16xi32>
        %sub3A_186 = arith.constant 1 : i32
        %sub3A_187 = vector.broadcast %sub3A_186 : i32 to vector<16xi32>
        %sub3A_188 = arith.subi %add3A_185, %sub3A_187 : vector<16xi32>
        tpu.vector_store_idx %arg8[%sub3A_188], %or3A masked %and3A_174 : memref<16384xi32, #tpu.memory_space<vmem>>[vector<16xi32>], vector<16xi32>, vector<16xi1>
        %slice3A = vector.extract_strided_slice %masked_cumsum3A {offsets = [15], sizes = [1], strides = [1]} : vector<16xi32> to vector<1xi32>
        %squeeze3A = vector.extract %slice3A[0] : i32 from vector<1xi32>
        %add3A_189 = arith.addi %while3A_157, %squeeze3A : i32
        scf.yield %add3A_189 : i32
      }
      %add3A_117 = arith.constant 16 : i32
      %add3A_118 = arith.addi %while3A_116, %add3A_117 : i32
      %sub3A_119 = arith.constant 1 : i32
      %sub3A_120 = arith.subi %add3A_118, %sub3A_119 : i32
      %jit3A_121 = arith.constant 16 : i32
      %div3A_122 = arith.divsi %sub3A_120, %jit3A_121 : i32
      %sign3A_123 = arith.constant 0 : i32
      %sign3A_124 = arith.cmpi sgt, %sub3A_120, %sign3A_123 : i32
      %sign3A_125 = arith.extui %sign3A_124 : i1 to i32
      %sign3A_126 = arith.constant 0 : i32
      %sign3A_127 = arith.cmpi slt, %sub3A_120, %sign3A_126 : i32
      %sign3A_128 = arith.extui %sign3A_127 : i1 to i32
      %sign3A_129 = arith.subi %sign3A_125, %sign3A_128 : i32
      %sign3A_130 = arith.constant 0 : i32
      %sign3A_131 = arith.cmpi sgt, %jit3A_121, %sign3A_130 : i32
      %sign3A_132 = arith.extui %sign3A_131 : i1 to i32
      %sign3A_133 = arith.constant 0 : i32
      %sign3A_134 = arith.cmpi slt, %jit3A_121, %sign3A_133 : i32
      %sign3A_135 = arith.extui %sign3A_134 : i1 to i32
      %sign3A_136 = arith.subi %sign3A_132, %sign3A_135 : i32
      %ne3A_137 = arith.cmpi ne, %sign3A_129, %sign3A_136 : i32
      %rem3A_138 = arith.remsi %sub3A_120, %jit3A_121 : i32
      %ne3A_139 = arith.constant 0 : i32
      %ne3A_140 = arith.cmpi ne, %rem3A_138, %ne3A_139 : i32
      %and3A_141 = arith.andi %ne3A_137, %ne3A_140 : i1
      %sub3A_142 = arith.constant 1 : i32
      %sub3A_143 = arith.subi %div3A_122, %sub3A_142 : i32
      %select_n3A_144 = arith.select %and3A_141, %sub3A_143, %div3A_122 : i32
      %while3A_145 = arith.constant 0 : i32
      %while3A_146 = arith.subi %select_n3A_144, %while3A_145 : i32
      %while3A_147 = arith.addi %while3A_145, %while3A_146 : i32
      %while3A_148 = arith.constant 1 : i32
      %while3A_149 = arith.divsi %while3A_146, %while3A_148 : i32
      %while3A_150 = arith.muli %while3A_149, %while3A_148 : i32
      %while3A_151 = arith.addi %while3A_145, %while3A_150 : i32
      %while3A_152 = arith.constant 1 : i32
      %while3A_153 = scf.for %while3A_156 = %while3A_145 to %while3A_151 step %while3A_152 iter_args(%while3A_157 = %while3A_79) -> (i32)  : i32 {
        %jit3A_158 = arith.constant 4 : i32
        %eq3A_159 = arith.constant 0 : i32
        %eq3A_160 = arith.cmpi eq, %jit3A_158, %eq3A_159 : i32
        %jit3A_161 = arith.constant 1 : i32
        %select_n3A_162 = arith.select %eq3A_160, %jit3A_161, %jit3A_158 : i32
        %rem3A_163 = arith.remsi %while3A_157, %select_n3A_162 : i32
        %ne3A_164 = arith.constant 0 : i32
        %ne3A_165 = arith.cmpi ne, %rem3A_163, %ne3A_164 : i32
        %lt3A_166 = arith.constant 0 : i32
        %lt3A_167 = arith.cmpi slt, %rem3A_163, %lt3A_166 : i32
        %lt3A_168 = arith.constant 0 : i32
        %lt3A_169 = arith.cmpi slt, %select_n3A_162, %lt3A_168 : i32
        %ne3A_170 = arith.xori %lt3A_167, %lt3A_169 : i1
        %and3A_171 = arith.andi %ne3A_170, %ne3A_165 : i1
        %add3A_172 = arith.addi %rem3A_163, %select_n3A_162 : i32
        %select_n3A_173 = arith.select %and3A_171, %add3A_172, %rem3A_163 : i32
        %mul3A_174 = arith.constant 16 : i32
        %mul3A_175 = arith.muli %while3A_156, %mul3A_174 : i32
        %get3A = arith.index_cast %mul3A_175 : i32 to index
        %get3A_176 = tpu.vector_load %arg8[%get3A] {strides = array<i32>} : memref<16384xi32, #tpu.memory_space<vmem>>, vector<16xi32>,
        %iota3A = tpu.iota {dimensions = array<i32: 0>} : vector<16xi32>
        %mul3A_177 = arith.constant 16 : i32
        %mul3A_178 = arith.muli %while3A_156, %mul3A_177 : i32
        %sub3A_179 = arith.subi %while3A_116, %mul3A_178 : i32
        %lt3A_180 = vector.broadcast %sub3A_179 : i32 to vector<16xi32>
        %lt3A_181 = arith.cmpi slt, %iota3A, %lt3A_180 : vector<16xi32>
        %shift_right_arithmetic3A = arith.constant 14 : i32
        %shift_right_arithmetic3A_182 = vector.broadcast %shift_right_arithmetic3A : i32 to vector<16xi32>
        %shift_right_arithmetic3A_183 = arith.shrsi %get3A_176, %shift_right_arithmetic3A_182 : vector<16xi32>
        %add3A_184 = vector.broadcast %select_n3A_102 : i32 to vector<16xi32>
        %add3A_185 = arith.addi %shift_right_arithmetic3A_183, %add3A_184 : vector<16xi32>
        %jit3A_186 = arith.constant 0 : i32
        %broadcast_in_dim3A = vector.broadcast %jit3A_186 : i32 to vector<16xi32>
        %select_n3A_187 = arith.select %lt3A_181, %add3A_185, %broadcast_in_dim3A : vector<16xi1>, vector<16xi32>
        %and3A_188 = arith.constant 16383 : i32
        %and3A_189 = vector.broadcast %and3A_188 : i32 to vector<16xi32>
        %and3A_190 = arith.andi %get3A_176, %and3A_189 : vector<16xi32>
        %jit3A_191 = arith.constant 16384 : i32
        %broadcast_in_dim3A_192 = vector.broadcast %jit3A_191 : i32 to vector<16xi32>
        %select_n3A_193 = arith.select %lt3A_181, %and3A_190, %broadcast_in_dim3A_192 : vector<16xi1>, vector<16xi32>
        %eq3A_194 = arith.constant 0 : i32
        %eq3A_195 = arith.cmpi eq, %select_n3A_173, %eq3A_194 : i32
        %convert_element_type3A_196 = arith.extui %eq3A_195 : i1 to i32
        %cond3A_197 = arith.constant 0 : i32
        %cond3A_198 = arith.cmpi ne, %convert_element_type3A_196, %cond3A_197 : i32
        scf.if %cond3A_198 {
          %ge3A_216 = arith.constant 4 : i32
          %ge3A_217 = arith.cmpi sge, %while3A_157, %ge3A_216 : i32
          %convert_element_type3A_218 = arith.extui %ge3A_217 : i1 to i32
          %cond3A_219 = arith.constant 0 : i32
          %cond3A_220 = arith.cmpi ne, %convert_element_type3A_218, %cond3A_219 : i32
          scf.if %cond3A_220 {
            %dma_wait3A = arith.constant 0 : i32
            %dma_wait3A_229 = arith.constant 0 : i32
            %dma_wait3A_230 = tpu.memref_slice %arg5[%dma_wait3A, %dma_wait3A_229] : memref<16400x128xf32, #tpu.memory_space<hbm>> -> memref<16x128xf32, #tpu.memory_space<hbm>>
            %dma_wait3A_231 = arith.constant 0 : i32
            %dma_wait3A_232 = arith.constant 0 : i32
            %dma_wait3A_233 = tpu.memref_slice %arg5[%dma_wait3A_231, %dma_wait3A_232] : memref<16400x128xf32, #tpu.memory_space<hbm>> -> memref<16x128xf32, #tpu.memory_space<hbm>>
            tpu.wait_dma2 semaphore(%arg16 : memref<!tpu.dma_semaphore, #tpu.memory_space<semaphore_mem>>) src(%arg10 : memref<16x128xf32, #tpu.memory_space<vmem>>) dst(%dma_wait3A_233 : memref<16x128xf32, #tpu.memory_space<hbm>>)
          } else {
          }
          %scan3A_221 = arith.constant 0 : i32
          %scan3A_222 = arith.constant 0 : i32
          %scan3A_223 = arith.constant 32 : i32
          %scan3A_224 = arith.addi %scan3A_222, %scan3A_223 : i32
          %scan3A_225 = arith.constant 1 : i32
          scf.for %scan3A_229 = %scan3A_222 to %scan3A_224 step %scan3A_225  : i32 {
            %broadcast_in_dim3A_230 = arith.constant 1 : i32
            %broadcast_in_dim3A_231 = vector.broadcast %broadcast_in_dim3A_230 : i32 to vector<16xi32>
            %mul3A_232 = vector.broadcast %scan3A_229 : i32 to vector<16xi32>
            %mul3A_233 = arith.muli %broadcast_in_dim3A_231, %mul3A_232 : vector<16xi32>
            %gather3A = tpu.vector_load_idx %arg9[%mul3A_233, %select_n3A_187] : memref<32x2048xf32, #tpu.memory_space<vmem>>[vector<16xi32>, vector<16xi32>], vector<16xf32>,
            %iota3A_234 = tpu.iota {dimensions = array<i32: 0>} : vector<16xi32>
            tpu.vector_store_idx %arg10[%iota3A_234, %mul3A_233], %gather3A : memref<16x128xf32, #tpu.memory_space<vmem>>[vector<16xi32>, vector<16xi32>], vector<16xf32>,
          }
          %scan3A_226 = arith.constant 32 : i32
          %dma_start3A = arith.constant 0 : i32
          %dma_start3A_227 = arith.constant 0 : i32
          %dma_start3A_228 = tpu.memref_slice %arg5[%dma_start3A, %dma_start3A_227] : memref<16400x128xf32, #tpu.memory_space<hbm>> -> memref<16400x128xf32, #tpu.memory_space<hbm>>
          tpu.enqueue_indirect_dma source(%arg10 : memref<16x128xf32, #tpu.memory_space<vmem>>) target(%dma_start3A_228 : memref<16400x128xf32, #tpu.memory_space<hbm>>) offsets(%select_n3A_193 : vector<16xi32>) semaphore(%arg16 : memref<!tpu.dma_semaphore, #tpu.memory_space<semaphore_mem>>)
        } else {
        }
        %eq3A_199 = arith.constant 1 : i32
        %eq3A_200 = arith.cmpi eq, %select_n3A_173, %eq3A_199 : i32
        %convert_element_type3A_201 = arith.extui %eq3A_200 : i1 to i32
        %cond3A_202 = arith.constant 0 : i32
        %cond3A_203 = arith.cmpi ne, %convert_element_type3A_201, %cond3A_202 : i32
        scf.if %cond3A_203 {
          %ge3A_216 = arith.constant 4 : i32
          %ge3A_217 = arith.cmpi sge, %while3A_157, %ge3A_216 : i32
          %convert_element_type3A_218 = arith.extui %ge3A_217 : i1 to i32
          %cond3A_219 = arith.constant 0 : i32
          %cond3A_220 = arith.cmpi ne, %convert_element_type3A_218, %cond3A_219 : i32
          scf.if %cond3A_220 {
            %dma_wait3A = arith.constant 0 : i32
            %dma_wait3A_229 = arith.constant 0 : i32
            %dma_wait3A_230 = tpu.memref_slice %arg5[%dma_wait3A, %dma_wait3A_229] : memref<16400x128xf32, #tpu.memory_space<hbm>> -> memref<16x128xf32, #tpu.memory_space<hbm>>
            %dma_wait3A_231 = arith.constant 0 : i32
            %dma_wait3A_232 = arith.constant 0 : i32
            %dma_wait3A_233 = tpu.memref_slice %arg5[%dma_wait3A_231, %dma_wait3A_232] : memref<16400x128xf32, #tpu.memory_space<hbm>> -> memref<16x128xf32, #tpu.memory_space<hbm>>
            tpu.wait_dma2 semaphore(%arg17 : memref<!tpu.dma_semaphore, #tpu.memory_space<semaphore_mem>>) src(%arg11 : memref<16x128xf32, #tpu.memory_space<vmem>>) dst(%dma_wait3A_233 : memref<16x128xf32, #tpu.memory_space<hbm>>)
          } else {
          }
          %scan3A_221 = arith.constant 0 : i32
          %scan3A_222 = arith.constant 0 : i32
          %scan3A_223 = arith.constant 32 : i32
          %scan3A_224 = arith.addi %scan3A_222, %scan3A_223 : i32
          %scan3A_225 = arith.constant 1 : i32
          scf.for %scan3A_229 = %scan3A_222 to %scan3A_224 step %scan3A_225  : i32 {
            %broadcast_in_dim3A_230 = arith.constant 1 : i32
            %broadcast_in_dim3A_231 = vector.broadcast %broadcast_in_dim3A_230 : i32 to vector<16xi32>
            %mul3A_232 = vector.broadcast %scan3A_229 : i32 to vector<16xi32>
            %mul3A_233 = arith.muli %broadcast_in_dim3A_231, %mul3A_232 : vector<16xi32>
            %gather3A = tpu.vector_load_idx %arg9[%mul3A_233, %select_n3A_187] : memref<32x2048xf32, #tpu.memory_space<vmem>>[vector<16xi32>, vector<16xi32>], vector<16xf32>,
            %iota3A_234 = tpu.iota {dimensions = array<i32: 0>} : vector<16xi32>
            tpu.vector_store_idx %arg11[%iota3A_234, %mul3A_233], %gather3A : memref<16x128xf32, #tpu.memory_space<vmem>>[vector<16xi32>, vector<16xi32>], vector<16xf32>,
          }
          %scan3A_226 = arith.constant 32 : i32
          %dma_start3A = arith.constant 0 : i32
          %dma_start3A_227 = arith.constant 0 : i32
          %dma_start3A_228 = tpu.memref_slice %arg5[%dma_start3A, %dma_start3A_227] : memref<16400x128xf32, #tpu.memory_space<hbm>> -> memref<16400x128xf32, #tpu.memory_space<hbm>>
          tpu.enqueue_indirect_dma source(%arg11 : memref<16x128xf32, #tpu.memory_space<vmem>>) target(%dma_start3A_228 : memref<16400x128xf32, #tpu.memory_space<hbm>>) offsets(%select_n3A_193 : vector<16xi32>) semaphore(%arg17 : memref<!tpu.dma_semaphore, #tpu.memory_space<semaphore_mem>>)
        } else {
        }
        %eq3A_204 = arith.constant 2 : i32
        %eq3A_205 = arith.cmpi eq, %select_n3A_173, %eq3A_204 : i32
        %convert_element_type3A_206 = arith.extui %eq3A_205 : i1 to i32
        %cond3A_207 = arith.constant 0 : i32
        %cond3A_208 = arith.cmpi ne, %convert_element_type3A_206, %cond3A_207 : i32
        scf.if %cond3A_208 {
          %ge3A_216 = arith.constant 4 : i32
          %ge3A_217 = arith.cmpi sge, %while3A_157, %ge3A_216 : i32
          %convert_element_type3A_218 = arith.extui %ge3A_217 : i1 to i32
          %cond3A_219 = arith.constant 0 : i32
          %cond3A_220 = arith.cmpi ne, %convert_element_type3A_218, %cond3A_219 : i32
          scf.if %cond3A_220 {
            %dma_wait3A = arith.constant 0 : i32
            %dma_wait3A_229 = arith.constant 0 : i32
            %dma_wait3A_230 = tpu.memref_slice %arg5[%dma_wait3A, %dma_wait3A_229] : memref<16400x128xf32, #tpu.memory_space<hbm>> -> memref<16x128xf32, #tpu.memory_space<hbm>>
            %dma_wait3A_231 = arith.constant 0 : i32
            %dma_wait3A_232 = arith.constant 0 : i32
            %dma_wait3A_233 = tpu.memref_slice %arg5[%dma_wait3A_231, %dma_wait3A_232] : memref<16400x128xf32, #tpu.memory_space<hbm>> -> memref<16x128xf32, #tpu.memory_space<hbm>>
            tpu.wait_dma2 semaphore(%arg18 : memref<!tpu.dma_semaphore, #tpu.memory_space<semaphore_mem>>) src(%arg12 : memref<16x128xf32, #tpu.memory_space<vmem>>) dst(%dma_wait3A_233 : memref<16x128xf32, #tpu.memory_space<hbm>>)
          } else {
          }
          %scan3A_221 = arith.constant 0 : i32
          %scan3A_222 = arith.constant 0 : i32
          %scan3A_223 = arith.constant 32 : i32
          %scan3A_224 = arith.addi %scan3A_222, %scan3A_223 : i32
          %scan3A_225 = arith.constant 1 : i32
          scf.for %scan3A_229 = %scan3A_222 to %scan3A_224 step %scan3A_225  : i32 {
            %broadcast_in_dim3A_230 = arith.constant 1 : i32
            %broadcast_in_dim3A_231 = vector.broadcast %broadcast_in_dim3A_230 : i32 to vector<16xi32>
            %mul3A_232 = vector.broadcast %scan3A_229 : i32 to vector<16xi32>
            %mul3A_233 = arith.muli %broadcast_in_dim3A_231, %mul3A_232 : vector<16xi32>
            %gather3A = tpu.vector_load_idx %arg9[%mul3A_233, %select_n3A_187] : memref<32x2048xf32, #tpu.memory_space<vmem>>[vector<16xi32>, vector<16xi32>], vector<16xf32>,
            %iota3A_234 = tpu.iota {dimensions = array<i32: 0>} : vector<16xi32>
            tpu.vector_store_idx %arg12[%iota3A_234, %mul3A_233], %gather3A : memref<16x128xf32, #tpu.memory_space<vmem>>[vector<16xi32>, vector<16xi32>], vector<16xf32>,
          }
          %scan3A_226 = arith.constant 32 : i32
          %dma_start3A = arith.constant 0 : i32
          %dma_start3A_227 = arith.constant 0 : i32
          %dma_start3A_228 = tpu.memref_slice %arg5[%dma_start3A, %dma_start3A_227] : memref<16400x128xf32, #tpu.memory_space<hbm>> -> memref<16400x128xf32, #tpu.memory_space<hbm>>
          tpu.enqueue_indirect_dma source(%arg12 : memref<16x128xf32, #tpu.memory_space<vmem>>) target(%dma_start3A_228 : memref<16400x128xf32, #tpu.memory_space<hbm>>) offsets(%select_n3A_193 : vector<16xi32>) semaphore(%arg18 : memref<!tpu.dma_semaphore, #tpu.memory_space<semaphore_mem>>)
        } else {
        }
        %eq3A_209 = arith.constant 3 : i32
        %eq3A_210 = arith.cmpi eq, %select_n3A_173, %eq3A_209 : i32
        %convert_element_type3A_211 = arith.extui %eq3A_210 : i1 to i32
        %cond3A_212 = arith.constant 0 : i32
        %cond3A_213 = arith.cmpi ne, %convert_element_type3A_211, %cond3A_212 : i32
        scf.if %cond3A_213 {
          %ge3A_216 = arith.constant 4 : i32
          %ge3A_217 = arith.cmpi sge, %while3A_157, %ge3A_216 : i32
          %convert_element_type3A_218 = arith.extui %ge3A_217 : i1 to i32
          %cond3A_219 = arith.constant 0 : i32
          %cond3A_220 = arith.cmpi ne, %convert_element_type3A_218, %cond3A_219 : i32
          scf.if %cond3A_220 {
            %dma_wait3A = arith.constant 0 : i32
            %dma_wait3A_229 = arith.constant 0 : i32
            %dma_wait3A_230 = tpu.memref_slice %arg5[%dma_wait3A, %dma_wait3A_229] : memref<16400x128xf32, #tpu.memory_space<hbm>> -> memref<16x128xf32, #tpu.memory_space<hbm>>
            %dma_wait3A_231 = arith.constant 0 : i32
            %dma_wait3A_232 = arith.constant 0 : i32
            %dma_wait3A_233 = tpu.memref_slice %arg5[%dma_wait3A_231, %dma_wait3A_232] : memref<16400x128xf32, #tpu.memory_space<hbm>> -> memref<16x128xf32, #tpu.memory_space<hbm>>
            tpu.wait_dma2 semaphore(%arg19 : memref<!tpu.dma_semaphore, #tpu.memory_space<semaphore_mem>>) src(%arg13 : memref<16x128xf32, #tpu.memory_space<vmem>>) dst(%dma_wait3A_233 : memref<16x128xf32, #tpu.memory_space<hbm>>)
          } else {
          }
          %scan3A_221 = arith.constant 0 : i32
          %scan3A_222 = arith.constant 0 : i32
          %scan3A_223 = arith.constant 32 : i32
          %scan3A_224 = arith.addi %scan3A_222, %scan3A_223 : i32
          %scan3A_225 = arith.constant 1 : i32
          scf.for %scan3A_229 = %scan3A_222 to %scan3A_224 step %scan3A_225  : i32 {
            %broadcast_in_dim3A_230 = arith.constant 1 : i32
            %broadcast_in_dim3A_231 = vector.broadcast %broadcast_in_dim3A_230 : i32 to vector<16xi32>
            %mul3A_232 = vector.broadcast %scan3A_229 : i32 to vector<16xi32>
            %mul3A_233 = arith.muli %broadcast_in_dim3A_231, %mul3A_232 : vector<16xi32>
            %gather3A = tpu.vector_load_idx %arg9[%mul3A_233, %select_n3A_187] : memref<32x2048xf32, #tpu.memory_space<vmem>>[vector<16xi32>, vector<16xi32>], vector<16xf32>,
            %iota3A_234 = tpu.iota {dimensions = array<i32: 0>} : vector<16xi32>
            tpu.vector_store_idx %arg13[%iota3A_234, %mul3A_233], %gather3A : memref<16x128xf32, #tpu.memory_space<vmem>>[vector<16xi32>, vector<16xi32>], vector<16xf32>,
          }
          %scan3A_226 = arith.constant 32 : i32
          %dma_start3A = arith.constant 0 : i32
          %dma_start3A_227 = arith.constant 0 : i32
          %dma_start3A_228 = tpu.memref_slice %arg5[%dma_start3A, %dma_start3A_227] : memref<16400x128xf32, #tpu.memory_space<hbm>> -> memref<16400x128xf32, #tpu.memory_space<hbm>>
          tpu.enqueue_indirect_dma source(%arg13 : memref<16x128xf32, #tpu.memory_space<vmem>>) target(%dma_start3A_228 : memref<16400x128xf32, #tpu.memory_space<hbm>>) offsets(%select_n3A_193 : vector<16xi32>) semaphore(%arg19 : memref<!tpu.dma_semaphore, #tpu.memory_space<semaphore_mem>>)
        } else {
        }
        %add3A_214 = arith.constant 1 : i32
        %add3A_215 = arith.addi %while3A_157, %add3A_214 : i32
        scf.yield %add3A_215 : i32
      }
      %while3A_154 = arith.constant 1 : i32
      %while3A_155 = scf.for %while3A_156 = %while3A_151 to %while3A_147 step %while3A_154 iter_args(%while3A_157 = %while3A_153) -> (i32)  : i32 {
        %jit3A_158 = arith.constant 4 : i32
        %eq3A_159 = arith.constant 0 : i32
        %eq3A_160 = arith.cmpi eq, %jit3A_158, %eq3A_159 : i32
        %jit3A_161 = arith.constant 1 : i32
        %select_n3A_162 = arith.select %eq3A_160, %jit3A_161, %jit3A_158 : i32
        %rem3A_163 = arith.remsi %while3A_157, %select_n3A_162 : i32
        %ne3A_164 = arith.constant 0 : i32
        %ne3A_165 = arith.cmpi ne, %rem3A_163, %ne3A_164 : i32
        %lt3A_166 = arith.constant 0 : i32
        %lt3A_167 = arith.cmpi slt, %rem3A_163, %lt3A_166 : i32
        %lt3A_168 = arith.constant 0 : i32
        %lt3A_169 = arith.cmpi slt, %select_n3A_162, %lt3A_168 : i32
        %ne3A_170 = arith.xori %lt3A_167, %lt3A_169 : i1
        %and3A_171 = arith.andi %ne3A_170, %ne3A_165 : i1
        %add3A_172 = arith.addi %rem3A_163, %select_n3A_162 : i32
        %select_n3A_173 = arith.select %and3A_171, %add3A_172, %rem3A_163 : i32
        %mul3A_174 = arith.constant 16 : i32
        %mul3A_175 = arith.muli %while3A_156, %mul3A_174 : i32
        %get3A = arith.index_cast %mul3A_175 : i32 to index
        %get3A_176 = tpu.vector_load %arg8[%get3A] {strides = array<i32>} : memref<16384xi32, #tpu.memory_space<vmem>>, vector<16xi32>,
        %iota3A = tpu.iota {dimensions = array<i32: 0>} : vector<16xi32>
        %mul3A_177 = arith.constant 16 : i32
        %mul3A_178 = arith.muli %while3A_156, %mul3A_177 : i32
        %sub3A_179 = arith.subi %while3A_116, %mul3A_178 : i32
        %lt3A_180 = vector.broadcast %sub3A_179 : i32 to vector<16xi32>
        %lt3A_181 = arith.cmpi slt, %iota3A, %lt3A_180 : vector<16xi32>
        %shift_right_arithmetic3A = arith.constant 14 : i32
        %shift_right_arithmetic3A_182 = vector.broadcast %shift_right_arithmetic3A : i32 to vector<16xi32>
        %shift_right_arithmetic3A_183 = arith.shrsi %get3A_176, %shift_right_arithmetic3A_182 : vector<16xi32>
        %add3A_184 = vector.broadcast %select_n3A_102 : i32 to vector<16xi32>
        %add3A_185 = arith.addi %shift_right_arithmetic3A_183, %add3A_184 : vector<16xi32>
        %jit3A_186 = arith.constant 0 : i32
        %broadcast_in_dim3A = vector.broadcast %jit3A_186 : i32 to vector<16xi32>
        %select_n3A_187 = arith.select %lt3A_181, %add3A_185, %broadcast_in_dim3A : vector<16xi1>, vector<16xi32>
        %and3A_188 = arith.constant 16383 : i32
        %and3A_189 = vector.broadcast %and3A_188 : i32 to vector<16xi32>
        %and3A_190 = arith.andi %get3A_176, %and3A_189 : vector<16xi32>
        %jit3A_191 = arith.constant 16384 : i32
        %broadcast_in_dim3A_192 = vector.broadcast %jit3A_191 : i32 to vector<16xi32>
        %select_n3A_193 = arith.select %lt3A_181, %and3A_190, %broadcast_in_dim3A_192 : vector<16xi1>, vector<16xi32>
        %eq3A_194 = arith.constant 0 : i32
        %eq3A_195 = arith.cmpi eq, %select_n3A_173, %eq3A_194 : i32
        %convert_element_type3A_196 = arith.extui %eq3A_195 : i1 to i32
        %cond3A_197 = arith.constant 0 : i32
        %cond3A_198 = arith.cmpi ne, %convert_element_type3A_196, %cond3A_197 : i32
        scf.if %cond3A_198 {
          %ge3A_216 = arith.constant 4 : i32
          %ge3A_217 = arith.cmpi sge, %while3A_157, %ge3A_216 : i32
          %convert_element_type3A_218 = arith.extui %ge3A_217 : i1 to i32
          %cond3A_219 = arith.constant 0 : i32
          %cond3A_220 = arith.cmpi ne, %convert_element_type3A_218, %cond3A_219 : i32
          scf.if %cond3A_220 {
            %dma_wait3A = arith.constant 0 : i32
            %dma_wait3A_229 = arith.constant 0 : i32
            %dma_wait3A_230 = tpu.memref_slice %arg5[%dma_wait3A, %dma_wait3A_229] : memref<16400x128xf32, #tpu.memory_space<hbm>> -> memref<16x128xf32, #tpu.memory_space<hbm>>
            %dma_wait3A_231 = arith.constant 0 : i32
            %dma_wait3A_232 = arith.constant 0 : i32
            %dma_wait3A_233 = tpu.memref_slice %arg5[%dma_wait3A_231, %dma_wait3A_232] : memref<16400x128xf32, #tpu.memory_space<hbm>> -> memref<16x128xf32, #tpu.memory_space<hbm>>
            tpu.wait_dma2 semaphore(%arg16 : memref<!tpu.dma_semaphore, #tpu.memory_space<semaphore_mem>>) src(%arg10 : memref<16x128xf32, #tpu.memory_space<vmem>>) dst(%dma_wait3A_233 : memref<16x128xf32, #tpu.memory_space<hbm>>)
          } else {
          }
          %scan3A_221 = arith.constant 0 : i32
          %scan3A_222 = arith.constant 0 : i32
          %scan3A_223 = arith.constant 32 : i32
          %scan3A_224 = arith.addi %scan3A_222, %scan3A_223 : i32
          %scan3A_225 = arith.constant 1 : i32
          scf.for %scan3A_229 = %scan3A_222 to %scan3A_224 step %scan3A_225  : i32 {
            %broadcast_in_dim3A_230 = arith.constant 1 : i32
            %broadcast_in_dim3A_231 = vector.broadcast %broadcast_in_dim3A_230 : i32 to vector<16xi32>
            %mul3A_232 = vector.broadcast %scan3A_229 : i32 to vector<16xi32>
            %mul3A_233 = arith.muli %broadcast_in_dim3A_231, %mul3A_232 : vector<16xi32>
            %gather3A = tpu.vector_load_idx %arg9[%mul3A_233, %select_n3A_187] : memref<32x2048xf32, #tpu.memory_space<vmem>>[vector<16xi32>, vector<16xi32>], vector<16xf32>,
            %iota3A_234 = tpu.iota {dimensions = array<i32: 0>} : vector<16xi32>
            tpu.vector_store_idx %arg10[%iota3A_234, %mul3A_233], %gather3A : memref<16x128xf32, #tpu.memory_space<vmem>>[vector<16xi32>, vector<16xi32>], vector<16xf32>,
          }
          %scan3A_226 = arith.constant 32 : i32
          %dma_start3A = arith.constant 0 : i32
          %dma_start3A_227 = arith.constant 0 : i32
          %dma_start3A_228 = tpu.memref_slice %arg5[%dma_start3A, %dma_start3A_227] : memref<16400x128xf32, #tpu.memory_space<hbm>> -> memref<16400x128xf32, #tpu.memory_space<hbm>>
          tpu.enqueue_indirect_dma source(%arg10 : memref<16x128xf32, #tpu.memory_space<vmem>>) target(%dma_start3A_228 : memref<16400x128xf32, #tpu.memory_space<hbm>>) offsets(%select_n3A_193 : vector<16xi32>) semaphore(%arg16 : memref<!tpu.dma_semaphore, #tpu.memory_space<semaphore_mem>>)
        } else {
        }
        %eq3A_199 = arith.constant 1 : i32
        %eq3A_200 = arith.cmpi eq, %select_n3A_173, %eq3A_199 : i32
        %convert_element_type3A_201 = arith.extui %eq3A_200 : i1 to i32
        %cond3A_202 = arith.constant 0 : i32
        %cond3A_203 = arith.cmpi ne, %convert_element_type3A_201, %cond3A_202 : i32
        scf.if %cond3A_203 {
          %ge3A_216 = arith.constant 4 : i32
          %ge3A_217 = arith.cmpi sge, %while3A_157, %ge3A_216 : i32
          %convert_element_type3A_218 = arith.extui %ge3A_217 : i1 to i32
          %cond3A_219 = arith.constant 0 : i32
          %cond3A_220 = arith.cmpi ne, %convert_element_type3A_218, %cond3A_219 : i32
          scf.if %cond3A_220 {
            %dma_wait3A = arith.constant 0 : i32
            %dma_wait3A_229 = arith.constant 0 : i32
            %dma_wait3A_230 = tpu.memref_slice %arg5[%dma_wait3A, %dma_wait3A_229] : memref<16400x128xf32, #tpu.memory_space<hbm>> -> memref<16x128xf32, #tpu.memory_space<hbm>>
            %dma_wait3A_231 = arith.constant 0 : i32
            %dma_wait3A_232 = arith.constant 0 : i32
            %dma_wait3A_233 = tpu.memref_slice %arg5[%dma_wait3A_231, %dma_wait3A_232] : memref<16400x128xf32, #tpu.memory_space<hbm>> -> memref<16x128xf32, #tpu.memory_space<hbm>>
            tpu.wait_dma2 semaphore(%arg17 : memref<!tpu.dma_semaphore, #tpu.memory_space<semaphore_mem>>) src(%arg11 : memref<16x128xf32, #tpu.memory_space<vmem>>) dst(%dma_wait3A_233 : memref<16x128xf32, #tpu.memory_space<hbm>>)
          } else {
          }
          %scan3A_221 = arith.constant 0 : i32
          %scan3A_222 = arith.constant 0 : i32
          %scan3A_223 = arith.constant 32 : i32
          %scan3A_224 = arith.addi %scan3A_222, %scan3A_223 : i32
          %scan3A_225 = arith.constant 1 : i32
          scf.for %scan3A_229 = %scan3A_222 to %scan3A_224 step %scan3A_225  : i32 {
            %broadcast_in_dim3A_230 = arith.constant 1 : i32
            %broadcast_in_dim3A_231 = vector.broadcast %broadcast_in_dim3A_230 : i32 to vector<16xi32>
            %mul3A_232 = vector.broadcast %scan3A_229 : i32 to vector<16xi32>
            %mul3A_233 = arith.muli %broadcast_in_dim3A_231, %mul3A_232 : vector<16xi32>
            %gather3A = tpu.vector_load_idx %arg9[%mul3A_233, %select_n3A_187] : memref<32x2048xf32, #tpu.memory_space<vmem>>[vector<16xi32>, vector<16xi32>], vector<16xf32>,
            %iota3A_234 = tpu.iota {dimensions = array<i32: 0>} : vector<16xi32>
            tpu.vector_store_idx %arg11[%iota3A_234, %mul3A_233], %gather3A : memref<16x128xf32, #tpu.memory_space<vmem>>[vector<16xi32>, vector<16xi32>], vector<16xf32>,
          }
          %scan3A_226 = arith.constant 32 : i32
          %dma_start3A = arith.constant 0 : i32
          %dma_start3A_227 = arith.constant 0 : i32
          %dma_start3A_228 = tpu.memref_slice %arg5[%dma_start3A, %dma_start3A_227] : memref<16400x128xf32, #tpu.memory_space<hbm>> -> memref<16400x128xf32, #tpu.memory_space<hbm>>
          tpu.enqueue_indirect_dma source(%arg11 : memref<16x128xf32, #tpu.memory_space<vmem>>) target(%dma_start3A_228 : memref<16400x128xf32, #tpu.memory_space<hbm>>) offsets(%select_n3A_193 : vector<16xi32>) semaphore(%arg17 : memref<!tpu.dma_semaphore, #tpu.memory_space<semaphore_mem>>)
        } else {
        }
        %eq3A_204 = arith.constant 2 : i32
        %eq3A_205 = arith.cmpi eq, %select_n3A_173, %eq3A_204 : i32
        %convert_element_type3A_206 = arith.extui %eq3A_205 : i1 to i32
        %cond3A_207 = arith.constant 0 : i32
        %cond3A_208 = arith.cmpi ne, %convert_element_type3A_206, %cond3A_207 : i32
        scf.if %cond3A_208 {
          %ge3A_216 = arith.constant 4 : i32
          %ge3A_217 = arith.cmpi sge, %while3A_157, %ge3A_216 : i32
          %convert_element_type3A_218 = arith.extui %ge3A_217 : i1 to i32
          %cond3A_219 = arith.constant 0 : i32
          %cond3A_220 = arith.cmpi ne, %convert_element_type3A_218, %cond3A_219 : i32
          scf.if %cond3A_220 {
            %dma_wait3A = arith.constant 0 : i32
            %dma_wait3A_229 = arith.constant 0 : i32
            %dma_wait3A_230 = tpu.memref_slice %arg5[%dma_wait3A, %dma_wait3A_229] : memref<16400x128xf32, #tpu.memory_space<hbm>> -> memref<16x128xf32, #tpu.memory_space<hbm>>
            %dma_wait3A_231 = arith.constant 0 : i32
            %dma_wait3A_232 = arith.constant 0 : i32
            %dma_wait3A_233 = tpu.memref_slice %arg5[%dma_wait3A_231, %dma_wait3A_232] : memref<16400x128xf32, #tpu.memory_space<hbm>> -> memref<16x128xf32, #tpu.memory_space<hbm>>
            tpu.wait_dma2 semaphore(%arg18 : memref<!tpu.dma_semaphore, #tpu.memory_space<semaphore_mem>>) src(%arg12 : memref<16x128xf32, #tpu.memory_space<vmem>>) dst(%dma_wait3A_233 : memref<16x128xf32, #tpu.memory_space<hbm>>)
          } else {
          }
          %scan3A_221 = arith.constant 0 : i32
          %scan3A_222 = arith.constant 0 : i32
          %scan3A_223 = arith.constant 32 : i32
          %scan3A_224 = arith.addi %scan3A_222, %scan3A_223 : i32
          %scan3A_225 = arith.constant 1 : i32
          scf.for %scan3A_229 = %scan3A_222 to %scan3A_224 step %scan3A_225  : i32 {
            %broadcast_in_dim3A_230 = arith.constant 1 : i32
            %broadcast_in_dim3A_231 = vector.broadcast %broadcast_in_dim3A_230 : i32 to vector<16xi32>
            %mul3A_232 = vector.broadcast %scan3A_229 : i32 to vector<16xi32>
            %mul3A_233 = arith.muli %broadcast_in_dim3A_231, %mul3A_232 : vector<16xi32>
            %gather3A = tpu.vector_load_idx %arg9[%mul3A_233, %select_n3A_187] : memref<32x2048xf32, #tpu.memory_space<vmem>>[vector<16xi32>, vector<16xi32>], vector<16xf32>,
            %iota3A_234 = tpu.iota {dimensions = array<i32: 0>} : vector<16xi32>
            tpu.vector_store_idx %arg12[%iota3A_234, %mul3A_233], %gather3A : memref<16x128xf32, #tpu.memory_space<vmem>>[vector<16xi32>, vector<16xi32>], vector<16xf32>,
          }
          %scan3A_226 = arith.constant 32 : i32
          %dma_start3A = arith.constant 0 : i32
          %dma_start3A_227 = arith.constant 0 : i32
          %dma_start3A_228 = tpu.memref_slice %arg5[%dma_start3A, %dma_start3A_227] : memref<16400x128xf32, #tpu.memory_space<hbm>> -> memref<16400x128xf32, #tpu.memory_space<hbm>>
          tpu.enqueue_indirect_dma source(%arg12 : memref<16x128xf32, #tpu.memory_space<vmem>>) target(%dma_start3A_228 : memref<16400x128xf32, #tpu.memory_space<hbm>>) offsets(%select_n3A_193 : vector<16xi32>) semaphore(%arg18 : memref<!tpu.dma_semaphore, #tpu.memory_space<semaphore_mem>>)
        } else {
        }
        %eq3A_209 = arith.constant 3 : i32
        %eq3A_210 = arith.cmpi eq, %select_n3A_173, %eq3A_209 : i32
        %convert_element_type3A_211 = arith.extui %eq3A_210 : i1 to i32
        %cond3A_212 = arith.constant 0 : i32
        %cond3A_213 = arith.cmpi ne, %convert_element_type3A_211, %cond3A_212 : i32
        scf.if %cond3A_213 {
          %ge3A_216 = arith.constant 4 : i32
          %ge3A_217 = arith.cmpi sge, %while3A_157, %ge3A_216 : i32
          %convert_element_type3A_218 = arith.extui %ge3A_217 : i1 to i32
          %cond3A_219 = arith.constant 0 : i32
          %cond3A_220 = arith.cmpi ne, %convert_element_type3A_218, %cond3A_219 : i32
          scf.if %cond3A_220 {
            %dma_wait3A = arith.constant 0 : i32
            %dma_wait3A_229 = arith.constant 0 : i32
            %dma_wait3A_230 = tpu.memref_slice %arg5[%dma_wait3A, %dma_wait3A_229] : memref<16400x128xf32, #tpu.memory_space<hbm>> -> memref<16x128xf32, #tpu.memory_space<hbm>>
            %dma_wait3A_231 = arith.constant 0 : i32
            %dma_wait3A_232 = arith.constant 0 : i32
            %dma_wait3A_233 = tpu.memref_slice %arg5[%dma_wait3A_231, %dma_wait3A_232] : memref<16400x128xf32, #tpu.memory_space<hbm>> -> memref<16x128xf32, #tpu.memory_space<hbm>>
            tpu.wait_dma2 semaphore(%arg19 : memref<!tpu.dma_semaphore, #tpu.memory_space<semaphore_mem>>) src(%arg13 : memref<16x128xf32, #tpu.memory_space<vmem>>) dst(%dma_wait3A_233 : memref<16x128xf32, #tpu.memory_space<hbm>>)
          } else {
          }
          %scan3A_221 = arith.constant 0 : i32
          %scan3A_222 = arith.constant 0 : i32
          %scan3A_223 = arith.constant 32 : i32
          %scan3A_224 = arith.addi %scan3A_222, %scan3A_223 : i32
          %scan3A_225 = arith.constant 1 : i32
          scf.for %scan3A_229 = %scan3A_222 to %scan3A_224 step %scan3A_225  : i32 {
            %broadcast_in_dim3A_230 = arith.constant 1 : i32
            %broadcast_in_dim3A_231 = vector.broadcast %broadcast_in_dim3A_230 : i32 to vector<16xi32>
            %mul3A_232 = vector.broadcast %scan3A_229 : i32 to vector<16xi32>
            %mul3A_233 = arith.muli %broadcast_in_dim3A_231, %mul3A_232 : vector<16xi32>
            %gather3A = tpu.vector_load_idx %arg9[%mul3A_233, %select_n3A_187] : memref<32x2048xf32, #tpu.memory_space<vmem>>[vector<16xi32>, vector<16xi32>], vector<16xf32>,
            %iota3A_234 = tpu.iota {dimensions = array<i32: 0>} : vector<16xi32>
            tpu.vector_store_idx %arg13[%iota3A_234, %mul3A_233], %gather3A : memref<16x128xf32, #tpu.memory_space<vmem>>[vector<16xi32>, vector<16xi32>], vector<16xf32>,
          }
          %scan3A_226 = arith.constant 32 : i32
          %dma_start3A = arith.constant 0 : i32
          %dma_start3A_227 = arith.constant 0 : i32
          %dma_start3A_228 = tpu.memref_slice %arg5[%dma_start3A, %dma_start3A_227] : memref<16400x128xf32, #tpu.memory_space<hbm>> -> memref<16400x128xf32, #tpu.memory_space<hbm>>
          tpu.enqueue_indirect_dma source(%arg13 : memref<16x128xf32, #tpu.memory_space<vmem>>) target(%dma_start3A_228 : memref<16400x128xf32, #tpu.memory_space<hbm>>) offsets(%select_n3A_193 : vector<16xi32>) semaphore(%arg19 : memref<!tpu.dma_semaphore, #tpu.memory_space<semaphore_mem>>)
        } else {
        }
        %add3A_214 = arith.constant 1 : i32
        %add3A_215 = arith.addi %while3A_157, %add3A_214 : i32
        scf.yield %add3A_215 : i32
      }
      scf.yield %while3A_155 : i32
    }
    %ge3A_59 = arith.constant 1 : i32
    %ge3A_60 = arith.cmpi sge, %while3A_58, %ge3A_59 : i32
    %convert_element_type3A_61 = arith.extui %ge3A_60 : i1 to i32
    %cond3A = arith.constant 0 : i32
    %cond3A_62 = arith.cmpi ne, %convert_element_type3A_61, %cond3A : i32
    scf.if %cond3A_62 {
      %dma_wait3A = arith.constant 0 : i32
      %dma_wait3A_78 = arith.constant 0 : i32
      %dma_wait3A_79 = tpu.memref_slice %arg5[%dma_wait3A, %dma_wait3A_78] : memref<16400x128xf32, #tpu.memory_space<hbm>> -> memref<16x128xf32, #tpu.memory_space<hbm>>
      %dma_wait3A_80 = arith.constant 0 : i32
      %dma_wait3A_81 = arith.constant 0 : i32
      %dma_wait3A_82 = tpu.memref_slice %arg5[%dma_wait3A_80, %dma_wait3A_81] : memref<16400x128xf32, #tpu.memory_space<hbm>> -> memref<16x128xf32, #tpu.memory_space<hbm>>
      tpu.wait_dma2 semaphore(%arg16 : memref<!tpu.dma_semaphore, #tpu.memory_space<semaphore_mem>>) src(%arg10 : memref<16x128xf32, #tpu.memory_space<vmem>>) dst(%dma_wait3A_82 : memref<16x128xf32, #tpu.memory_space<hbm>>)
    } else {
    }
    %ge3A_63 = arith.constant 2 : i32
    %ge3A_64 = arith.cmpi sge, %while3A_58, %ge3A_63 : i32
    %convert_element_type3A_65 = arith.extui %ge3A_64 : i1 to i32
    %cond3A_66 = arith.constant 0 : i32
    %cond3A_67 = arith.cmpi ne, %convert_element_type3A_65, %cond3A_66 : i32
    scf.if %cond3A_67 {
      %dma_wait3A = arith.constant 0 : i32
      %dma_wait3A_78 = arith.constant 0 : i32
      %dma_wait3A_79 = tpu.memref_slice %arg5[%dma_wait3A, %dma_wait3A_78] : memref<16400x128xf32, #tpu.memory_space<hbm>> -> memref<16x128xf32, #tpu.memory_space<hbm>>
      %dma_wait3A_80 = arith.constant 0 : i32
      %dma_wait3A_81 = arith.constant 0 : i32
      %dma_wait3A_82 = tpu.memref_slice %arg5[%dma_wait3A_80, %dma_wait3A_81] : memref<16400x128xf32, #tpu.memory_space<hbm>> -> memref<16x128xf32, #tpu.memory_space<hbm>>
      tpu.wait_dma2 semaphore(%arg17 : memref<!tpu.dma_semaphore, #tpu.memory_space<semaphore_mem>>) src(%arg11 : memref<16x128xf32, #tpu.memory_space<vmem>>) dst(%dma_wait3A_82 : memref<16x128xf32, #tpu.memory_space<hbm>>)
    } else {
    }
    %ge3A_68 = arith.constant 3 : i32
    %ge3A_69 = arith.cmpi sge, %while3A_58, %ge3A_68 : i32
    %convert_element_type3A_70 = arith.extui %ge3A_69 : i1 to i32
    %cond3A_71 = arith.constant 0 : i32
    %cond3A_72 = arith.cmpi ne, %convert_element_type3A_70, %cond3A_71 : i32
    scf.if %cond3A_72 {
      %dma_wait3A = arith.constant 0 : i32
      %dma_wait3A_78 = arith.constant 0 : i32
      %dma_wait3A_79 = tpu.memref_slice %arg5[%dma_wait3A, %dma_wait3A_78] : memref<16400x128xf32, #tpu.memory_space<hbm>> -> memref<16x128xf32, #tpu.memory_space<hbm>>
      %dma_wait3A_80 = arith.constant 0 : i32
      %dma_wait3A_81 = arith.constant 0 : i32
      %dma_wait3A_82 = tpu.memref_slice %arg5[%dma_wait3A_80, %dma_wait3A_81] : memref<16400x128xf32, #tpu.memory_space<hbm>> -> memref<16x128xf32, #tpu.memory_space<hbm>>
      tpu.wait_dma2 semaphore(%arg18 : memref<!tpu.dma_semaphore, #tpu.memory_space<semaphore_mem>>) src(%arg12 : memref<16x128xf32, #tpu.memory_space<vmem>>) dst(%dma_wait3A_82 : memref<16x128xf32, #tpu.memory_space<hbm>>)
    } else {
    }
    %ge3A_73 = arith.constant 4 : i32
    %ge3A_74 = arith.cmpi sge, %while3A_58, %ge3A_73 : i32
    %convert_element_type3A_75 = arith.extui %ge3A_74 : i1 to i32
    %cond3A_76 = arith.constant 0 : i32
    %cond3A_77 = arith.cmpi ne, %convert_element_type3A_75, %cond3A_76 : i32
    scf.if %cond3A_77 {
      %dma_wait3A = arith.constant 0 : i32
      %dma_wait3A_78 = arith.constant 0 : i32
      %dma_wait3A_79 = tpu.memref_slice %arg5[%dma_wait3A, %dma_wait3A_78] : memref<16400x128xf32, #tpu.memory_space<hbm>> -> memref<16x128xf32, #tpu.memory_space<hbm>>
      %dma_wait3A_80 = arith.constant 0 : i32
      %dma_wait3A_81 = arith.constant 0 : i32
      %dma_wait3A_82 = tpu.memref_slice %arg5[%dma_wait3A_80, %dma_wait3A_81] : memref<16400x128xf32, #tpu.memory_space<hbm>> -> memref<16x128xf32, #tpu.memory_space<hbm>>
      tpu.wait_dma2 semaphore(%arg19 : memref<!tpu.dma_semaphore, #tpu.memory_space<semaphore_mem>>) src(%arg13 : memref<16x128xf32, #tpu.memory_space<vmem>>) dst(%dma_wait3A_82 : memref<16x128xf32, #tpu.memory_space<hbm>>)
    } else {
    }
    return
  }
}

#map = affine_map<(d0, d1) -> (0)>
#map1 = affine_map<(d0, d1) -> (0, 0)>
module attributes {stable_mosaic.version = 14 : i64} {
  func.func @_extract(%arg0: i32, %arg1: i32, %arg2: memref<16384xi32, #tpu.memory_space<hbm>>, %arg3: memref<32x1000000xf32, #tpu.memory_space<hbm>>, %arg4: memref<32x640xf32, #tpu.memory_space<hbm>>, %arg5: memref<16400x128xf32, #tpu.memory_space<hbm>>, %arg6: memref<16384xi32, #tpu.memory_space<vmem>>, %arg7: memref<16384xi32, #tpu.memory_space<vmem>>, %arg8: memref<16384xi32, #tpu.memory_space<vmem>>, %arg9: memref<32x2048xf32, #tpu.memory_space<vmem>>, %arg10: memref<16x128xf32, #tpu.memory_space<vmem>>, %arg11: memref<16x128xf32, #tpu.memory_space<vmem>>, %arg12: memref<16x128xf32, #tpu.memory_space<vmem>>, %arg13: memref<16x128xf32, #tpu.memory_space<vmem>>, %arg14: memref<!tpu.dma_semaphore, #tpu.memory_space<semaphore_mem>>, %arg15: memref<!tpu.dma_semaphore, #tpu.memory_space<semaphore_mem>>, %arg16: memref<!tpu.dma_semaphore, #tpu.memory_space<semaphore_mem>>, %arg17: memref<!tpu.dma_semaphore, #tpu.memory_space<semaphore_mem>>, %arg18: memref<!tpu.dma_semaphore, #tpu.memory_space<semaphore_mem>>, %arg19: memref<!tpu.dma_semaphore, #tpu.memory_space<semaphore_mem>>) attributes {dimension_semantics = [#tpu.dimension_semantics<core_parallel>, #tpu.dimension_semantics<subcore_parallel>], iteration_bounds = array<i64: 2, 16>, scalar_prefetch = 0 : i64, scratch_operands = 14 : i64, tpu.core_type = #tpu.core_type<sc_vector_subcore>, window_params = [{transform_indices = #map}, {transform_indices = #map1}, {transform_indices = #map1}, {transform_indices = #map1}]} {
    %mul3A = arith.constant 2 : i32
    %mul3A_0 = arith.muli %arg1, %mul3A : i32
    %add3A = arith.addi %mul3A_0, %arg0 : i32
    %ge3A = arith.constant 24 : i32
    %ge3A_1 = arith.cmpi sge, %add3A, %ge3A : i32
    %jit3A = arith.constant 16 : i32
    %jit3A_2 = arith.constant 15 : i32
    %select_n3A = arith.select %ge3A_1, %jit3A, %jit3A_2 : i32
    %mul3A_3 = arith.constant 15 : i32
    %mul3A_4 = arith.muli %add3A, %mul3A_3 : i32
    %sub3A = arith.constant 24 : i32
    %sub3A_5 = arith.subi %add3A, %sub3A : i32
    %max3A = arith.constant 0 : i32
    %max3A_6 = arith.maxsi %sub3A_5, %max3A : i32
    %add3A_7 = arith.addi %mul3A_4, %max3A_6 : i32
    %mul3A_8 = arith.constant 2048 : i32
    %mul3A_9 = arith.muli %add3A_7, %mul3A_8 : i32
    %eq3A = arith.constant 31 : i32
    %eq3A_10 = arith.cmpi eq, %add3A, %eq3A : i32
    %add3A_11 = arith.addi %add3A_7, %select_n3A : i32
    %mul3A_12 = arith.constant 2048 : i32
    %mul3A_13 = arith.muli %add3A_11, %mul3A_12 : i32
    %jit3A_14 = arith.constant 1000000 : i32
    %select_n3A_15 = arith.select %eq3A_10, %jit3A_14, %mul3A_13 : i32
    "tpu.region"() ({
      %run_scoped3A = tpu.sem_alloc : memref<!tpu.dma_semaphore, #tpu.memory_space<semaphore_mem>>
      tpu.enqueue_dma source(%arg2 : memref<16384xi32, #tpu.memory_space<hbm>>) target(%arg6 : memref<16384xi32, #tpu.memory_space<vmem>>) target_semaphore(%run_scoped3A : memref<!tpu.dma_semaphore, #tpu.memory_space<semaphore_mem>>)
      tpu.wait_dma2 semaphore(%run_scoped3A : memref<!tpu.dma_semaphore, #tpu.memory_space<semaphore_mem>>) src(%arg2 : memref<16384xi32, #tpu.memory_space<hbm>>) dst(%arg6 : memref<16384xi32, #tpu.memory_space<vmem>>)
      tpu.yield
    }) : () -> ()
    %scan3A = arith.constant 0 : i32
    %scan3A_16 = arith.constant 0 : i32
    %scan3A_17 = arith.constant 1024 : i32
    %scan3A_18 = arith.addi %scan3A_16, %scan3A_17 : i32
    %scan3A_19 = arith.constant 1 : i32
    %scan3A_20 = scf.for %scan3A_78 = %scan3A_16 to %scan3A_18 step %scan3A_19 iter_args(%scan3A_79 = %scan3A) -> (i32)  : i32 {
      %mul3A_80 = arith.constant 16 : i32
      %mul3A_81 = arith.muli %scan3A_78, %mul3A_80 : i32
      %get3A = arith.index_cast %mul3A_81 : i32 to index
      %get3A_82 = tpu.vector_load %arg6[%get3A] {strides = array<i32>} : memref<16384xi32, #tpu.memory_space<vmem>>, vector<16xi32>,
      %ge3A_83 = vector.broadcast %mul3A_9 : i32 to vector<16xi32>
      %ge3A_84 = arith.cmpi sge, %get3A_82, %ge3A_83 : vector<16xi32>
      %lt3A = vector.broadcast %select_n3A_15 : i32 to vector<16xi32>
      %lt3A_85 = arith.cmpi slt, %get3A_82, %lt3A : vector<16xi32>
      %and3A_86 = arith.andi %ge3A_84, %lt3A_85 : vector<16xi1>
      %sub3A_87 = vector.broadcast %mul3A_9 : i32 to vector<16xi32>
      %sub3A_88 = arith.subi %get3A_82, %sub3A_87 : vector<16xi32>
      %shift_left3A = arith.constant 14 : i32
      %shift_left3A_89 = vector.broadcast %shift_left3A : i32 to vector<16xi32>
      %shift_left3A_90 = arith.shli %sub3A_88, %shift_left3A_89 : vector<16xi32>
      %mul3A_91 = arith.constant 16 : i32
      %mul3A_92 = arith.muli %scan3A_78, %mul3A_91 : i32
      %iota3A = tpu.iota {dimensions = array<i32: 0>} : vector<16xi32>
      %add3A_93 = vector.broadcast %mul3A_92 : i32 to vector<16xi32>
      %add3A_94 = arith.addi %add3A_93, %iota3A : vector<16xi32>
      %or3A = arith.ori %shift_left3A_90, %add3A_94 : vector<16xi32>
      %convert_element_type3A_95 = arith.extui %and3A_86 : vector<16xi1> to vector<16xi32>
      %broadcast_in_dim3A = arith.constant true
      %broadcast_in_dim3A_96 = vector.broadcast %broadcast_in_dim3A : i1 to vector<16xi1>
      %masked_cumsum3A = tpu.scan <sum>, %convert_element_type3A_95 masked %broadcast_in_dim3A_96 : vector<16xi32>, vector<16xi1> -> vector<16xi32>
      %add3A_97 = vector.broadcast %scan3A_79 : i32 to vector<16xi32>
      %add3A_98 = arith.addi %add3A_97, %masked_cumsum3A : vector<16xi32>
      %sub3A_99 = arith.constant 1 : i32
      %sub3A_100 = vector.broadcast %sub3A_99 : i32 to vector<16xi32>
      %sub3A_101 = arith.subi %add3A_98, %sub3A_100 : vector<16xi32>
      tpu.vector_store_idx %arg7[%sub3A_101], %or3A masked %and3A_86 : memref<16384xi32, #tpu.memory_space<vmem>>[vector<16xi32>], vector<16xi32>, vector<16xi1>
      %slice3A = vector.extract_strided_slice %masked_cumsum3A {offsets = [15], sizes = [1], strides = [1]} : vector<16xi32> to vector<1xi32>
      %squeeze3A = vector.extract %slice3A[0] : i32 from vector<1xi32>
      %add3A_102 = arith.addi %scan3A_79, %squeeze3A : i32
      scf.yield %add3A_102 : i32
    }
    %scan3A_21 = arith.constant 1024 : i32
    %add3A_22 = arith.constant 16 : i32
    %add3A_23 = arith.addi %scan3A_20, %add3A_22 : i32
    %sub3A_24 = arith.constant 1 : i32
    %sub3A_25 = arith.subi %add3A_23, %sub3A_24 : i32
    %jit3A_26 = arith.constant 16 : i32
    %div3A = arith.divsi %sub3A_25, %jit3A_26 : i32
    %sign3A = arith.constant 0 : i32
    %sign3A_27 = arith.cmpi sgt, %sub3A_25, %sign3A : i32
    %sign3A_28 = arith.extui %sign3A_27 : i1 to i32
    %sign3A_29 = arith.constant 0 : i32
    %sign3A_30 = arith.cmpi slt, %sub3A_25, %sign3A_29 : i32
    %sign3A_31 = arith.extui %sign3A_30 : i1 to i32
    %sign3A_32 = arith.subi %sign3A_28, %sign3A_31 : i32
    %sign3A_33 = arith.constant 0 : i32
    %sign3A_34 = arith.cmpi sgt, %jit3A_26, %sign3A_33 : i32
    %sign3A_35 = arith.extui %sign3A_34 : i1 to i32
    %sign3A_36 = arith.constant 0 : i32
    %sign3A_37 = arith.cmpi slt, %jit3A_26, %sign3A_36 : i32
    %sign3A_38 = arith.extui %sign3A_37 : i1 to i32
    %sign3A_39 = arith.subi %sign3A_35, %sign3A_38 : i32
    %ne3A = arith.cmpi ne, %sign3A_32, %sign3A_39 : i32
    %rem3A = arith.remsi %sub3A_25, %jit3A_26 : i32
    %ne3A_40 = arith.constant 0 : i32
    %ne3A_41 = arith.cmpi ne, %rem3A, %ne3A_40 : i32
    %and3A = arith.andi %ne3A, %ne3A_41 : i1
    %sub3A_42 = arith.constant 1 : i32
    %sub3A_43 = arith.subi %div3A, %sub3A_42 : i32
    %select_n3A_44 = arith.select %and3A, %sub3A_43, %div3A : i32
    %eq3A_45 = arith.constant 31 : i32
    %eq3A_46 = arith.cmpi eq, %add3A, %eq3A_45 : i32
    %convert_element_type3A = arith.extui %eq3A_46 : i1 to i32
    %add3A_47 = arith.addi %select_n3A, %convert_element_type3A : i32
    %while3A = arith.constant 0 : i32
    %while3A_48 = arith.constant 0 : i32
    %while3A_49 = arith.subi %add3A_47, %while3A : i32
    %while3A_50 = arith.addi %while3A, %while3A_49 : i32
    %while3A_51 = arith.constant 1 : i32
    %while3A_52 = arith.divsi %while3A_49, %while3A_51 : i32
    %while3A_53 = arith.muli %while3A_52, %while3A_51 : i32
    %while3A_54 = arith.addi %while3A, %while3A_53 : i32
    %while3A_55 = arith.constant 1 : i32
    %while3A_56 = scf.for %while3A_78 = %while3A to %while3A_54 step %while3A_55 iter_args(%while3A_79 = %while3A_48) -> (i32)  : i32 {
      %lt3A = arith.cmpi slt, %while3A_78, %select_n3A : i32
      %convert_element_type3A_80 = arith.extui %lt3A : i1 to i32
      %cond3A_81 = arith.constant 0 : i32
      %cond3A_82 = arith.cmpi ne, %convert_element_type3A_80, %cond3A_81 : i32
      scf.if %cond3A_82 {
        %add3A_156 = arith.addi %add3A_7, %while3A_78 : i32
        %mul3A_157 = arith.constant 2048 : i32
        %mul3A_158 = arith.muli %add3A_156, %mul3A_157 : i32
        %dma_start3A = arith.constant 0 : i32
        %dma_start3A_159 = tpu.memref_slice %arg3[%dma_start3A, %mul3A_158] : memref<32x1000000xf32, #tpu.memory_space<hbm>> -> memref<32x2048xf32, #tpu.memory_space<hbm>>
        %dma_start3A_160 = arith.constant 0 : i32
        %dma_start3A_161 = tpu.memref_slice %arg3[%dma_start3A_160, %mul3A_158] : memref<32x1000000xf32, #tpu.memory_space<hbm>> -> memref<32x2048xf32, #tpu.memory_space<hbm>>
        tpu.enqueue_dma source(%dma_start3A_161 : memref<32x2048xf32, #tpu.memory_space<hbm>>) target(%arg9 : memref<32x2048xf32, #tpu.memory_space<vmem>>) target_semaphore(%arg14 : memref<!tpu.dma_semaphore, #tpu.memory_space<semaphore_mem>>)
      } else {
      }
      %ge3A_83 = arith.cmpi sge, %while3A_78, %select_n3A : i32
      %convert_element_type3A_84 = arith.extui %ge3A_83 : i1 to i32
      %cond3A_85 = arith.constant 0 : i32
      %cond3A_86 = arith.cmpi ne, %convert_element_type3A_84, %cond3A_85 : i32
      scf.if %cond3A_86 {
        %dma_start3A = arith.constant 0 : i32
        %dma_start3A_156 = arith.constant 0 : i32
        %dma_start3A_157 = tpu.memref_slice %arg9[%dma_start3A, %dma_start3A_156] : memref<32x2048xf32, #tpu.memory_space<vmem>> -> memref<32x640xf32, #tpu.memory_space<vmem>>
        %dma_start3A_158 = arith.constant 0 : i32
        %dma_start3A_159 = arith.constant 0 : i32
        %dma_start3A_160 = tpu.memref_slice %arg9[%dma_start3A_158, %dma_start3A_159] : memref<32x2048xf32, #tpu.memory_space<vmem>> -> memref<32x640xf32, #tpu.memory_space<vmem>>
        tpu.enqueue_dma source(%arg4 : memref<32x640xf32, #tpu.memory_space<hbm>>) target(%dma_start3A_160 : memref<32x640xf32, #tpu.memory_space<vmem>>) target_semaphore(%arg15 : memref<!tpu.dma_semaphore, #tpu.memory_space<semaphore_mem>>)
      } else {
      }
      %lt3A_87 = arith.cmpi slt, %while3A_78, %select_n3A : i32
      %convert_element_type3A_88 = arith.extui %lt3A_87 : i1 to i32
      %cond3A_89 = arith.constant 0 : i32
      %cond3A_90 = arith.cmpi ne, %convert_element_type3A_88, %cond3A_89 : i32
      scf.if %cond3A_90 {
        %add3A_156 = arith.addi %add3A_7, %while3A_78 : i32
        %mul3A_157 = arith.constant 2048 : i32
        %mul3A_158 = arith.muli %add3A_156, %mul3A_157 : i32
        %dma_wait3A = arith.constant 0 : i32
        %dma_wait3A_159 = tpu.memref_slice %arg3[%dma_wait3A, %mul3A_158] : memref<32x1000000xf32, #tpu.memory_space<hbm>> -> memref<32x2048xf32, #tpu.memory_space<hbm>>
        %dma_wait3A_160 = arith.constant 0 : i32
        %dma_wait3A_161 = tpu.memref_slice %arg3[%dma_wait3A_160, %mul3A_158] : memref<32x1000000xf32, #tpu.memory_space<hbm>> -> memref<32x2048xf32, #tpu.memory_space<hbm>>
        tpu.wait_dma2 semaphore(%arg14 : memref<!tpu.dma_semaphore, #tpu.memory_space<semaphore_mem>>) src(%dma_wait3A_161 : memref<32x2048xf32, #tpu.memory_space<hbm>>) dst(%arg9 : memref<32x2048xf32, #tpu.memory_space<vmem>>)
      } else {
      }
      %ge3A_91 = arith.cmpi sge, %while3A_78, %select_n3A : i32
      %convert_element_type3A_92 = arith.extui %ge3A_91 : i1 to i32
      %cond3A_93 = arith.constant 0 : i32
      %cond3A_94 = arith.cmpi ne, %convert_element_type3A_92, %cond3A_93 : i32
      scf.if %cond3A_94 {
        %dma_wait3A = arith.constant 0 : i32
        %dma_wait3A_156 = arith.constant 0 : i32
        %dma_wait3A_157 = tpu.memref_slice %arg9[%dma_wait3A, %dma_wait3A_156] : memref<32x2048xf32, #tpu.memory_space<vmem>> -> memref<32x640xf32, #tpu.memory_space<vmem>>
        %dma_wait3A_158 = arith.constant 0 : i32
        %dma_wait3A_159 = arith.constant 0 : i32
        %dma_wait3A_160 = tpu.memref_slice %arg9[%dma_wait3A_158, %dma_wait3A_159] : memref<32x2048xf32, #tpu.memory_space<vmem>> -> memref<32x640xf32, #tpu.memory_space<vmem>>
        tpu.wait_dma2 semaphore(%arg15 : memref<!tpu.dma_semaphore, #tpu.memory_space<semaphore_mem>>) src(%arg4 : memref<32x640xf32, #tpu.memory_space<hbm>>) dst(%dma_wait3A_160 : memref<32x640xf32, #tpu.memory_space<vmem>>)
      } else {
      }
      %lt3A_95 = arith.cmpi slt, %while3A_78, %select_n3A : i32
      %jit3A_96 = arith.constant 2048 : i32
      %jit3A_97 = arith.constant 576 : i32
      %select_n3A_98 = arith.select %lt3A_95, %jit3A_96, %jit3A_97 : i32
      %lt3A_99 = arith.cmpi slt, %while3A_78, %select_n3A : i32
      %jit3A_100 = arith.constant 0 : i32
      %jit3A_101 = arith.constant 64 : i32
      %select_n3A_102 = arith.select %lt3A_99, %jit3A_100, %jit3A_101 : i32
      %mul3A_103 = arith.constant 2048 : i32
      %mul3A_104 = arith.muli %while3A_78, %mul3A_103 : i32
      %while3A_105 = arith.constant 0 : i32
      %while3A_106 = arith.constant 0 : i32
      %while3A_107 = arith.subi %select_n3A_44, %while3A_105 : i32
      %while3A_108 = arith.addi %while3A_105, %while3A_107 : i32
      %while3A_109 = arith.constant 1 : i32
      %while3A_110 = arith.divsi %while3A_107, %while3A_109 : i32
      %while3A_111 = arith.muli %while3A_110, %while3A_109 : i32
      %while3A_112 = arith.addi %while3A_105, %while3A_111 : i32
      %while3A_113 = arith.constant 1 : i32
      %while3A_114 = scf.for %while3A_156 = %while3A_105 to %while3A_112 step %while3A_113 iter_args(%while3A_157 = %while3A_106) -> (i32)  : i32 {
        %mul3A_158 = arith.constant 16 : i32
        %mul3A_159 = arith.muli %while3A_156, %mul3A_158 : i32
        %get3A = arith.index_cast %mul3A_159 : i32 to index
        %get3A_160 = tpu.vector_load %arg7[%get3A] {strides = array<i32>} : memref<16384xi32, #tpu.memory_space<vmem>>, vector<16xi32>,
        %iota3A = tpu.iota {dimensions = array<i32: 0>} : vector<16xi32>
        %mul3A_161 = arith.constant 16 : i32
        %mul3A_162 = arith.muli %while3A_156, %mul3A_161 : i32
        %sub3A_163 = arith.subi %scan3A_20, %mul3A_162 : i32
        %lt3A_164 = vector.broadcast %sub3A_163 : i32 to vector<16xi32>
        %lt3A_165 = arith.cmpi slt, %iota3A, %lt3A_164 : vector<16xi32>
        %shift_right_arithmetic3A = arith.constant 14 : i32
        %shift_right_arithmetic3A_166 = vector.broadcast %shift_right_arithmetic3A : i32 to vector<16xi32>
        %shift_right_arithmetic3A_167 = arith.shrsi %get3A_160, %shift_right_arithmetic3A_166 : vector<16xi32>
        %ge3A_168 = vector.broadcast %mul3A_104 : i32 to vector<16xi32>
        %ge3A_169 = arith.cmpi sge, %shift_right_arithmetic3A_167, %ge3A_168 : vector<16xi32>
        %and3A_170 = arith.andi %lt3A_165, %ge3A_169 : vector<16xi1>
        %add3A_171 = arith.addi %mul3A_104, %select_n3A_98 : i32
        %lt3A_172 = vector.broadcast %add3A_171 : i32 to vector<16xi32>
        %lt3A_173 = arith.cmpi slt, %shift_right_arithmetic3A_167, %lt3A_172 : vector<16xi32>
        %and3A_174 = arith.andi %and3A_170, %lt3A_173 : vector<16xi1>
        %sub3A_175 = vector.broadcast %mul3A_104 : i32 to vector<16xi32>
        %sub3A_176 = arith.subi %shift_right_arithmetic3A_167, %sub3A_175 : vector<16xi32>
        %shift_left3A = arith.constant 14 : i32
        %shift_left3A_177 = vector.broadcast %shift_left3A : i32 to vector<16xi32>
        %shift_left3A_178 = arith.shli %sub3A_176, %shift_left3A_177 : vector<16xi32>
        %and3A_179 = arith.constant 16383 : i32
        %and3A_180 = vector.broadcast %and3A_179 : i32 to vector<16xi32>
        %and3A_181 = arith.andi %get3A_160, %and3A_180 : vector<16xi32>
        %or3A = arith.ori %shift_left3A_178, %and3A_181 : vector<16xi32>
        %convert_element_type3A_182 = arith.extui %and3A_174 : vector<16xi1> to vector<16xi32>
        %broadcast_in_dim3A = arith.constant true
        %broadcast_in_dim3A_183 = vector.broadcast %broadcast_in_dim3A : i1 to vector<16xi1>
        %masked_cumsum3A = tpu.scan <sum>, %convert_element_type3A_182 masked %broadcast_in_dim3A_183 : vector<16xi32>, vector<16xi1> -> vector<16xi32>
        %add3A_184 = vector.broadcast %while3A_157 : i32 to vector<16xi32>
        %add3A_185 = arith.addi %add3A_184, %masked_cumsum3A : vector<16xi32>
        %sub3A_186 = arith.constant 1 : i32
        %sub3A_187 = vector.broadcast %sub3A_186 : i32 to vector<16xi32>
        %sub3A_188 = arith.subi %add3A_185, %sub3A_187 : vector<16xi32>
        tpu.vector_store_idx %arg8[%sub3A_188], %or3A masked %and3A_174 : memref<16384xi32, #tpu.memory_space<vmem>>[vector<16xi32>], vector<16xi32>, vector<16xi1>
        %slice3A = vector.extract_strided_slice %masked_cumsum3A {offsets = [15], sizes = [1], strides = [1]} : vector<16xi32> to vector<1xi32>
        %squeeze3A = vector.extract %slice3A[0] : i32 from vector<1xi32>
        %add3A_189 = arith.addi %while3A_157, %squeeze3A : i32
        scf.yield %add3A_189 : i32
      }
      %while3A_115 = arith.constant 1 : i32
      %while3A_116 = scf.for %while3A_156 = %while3A_112 to %while3A_108 step %while3A_115 iter_args(%while3A_157 = %while3A_114) -> (i32)  : i32 {
        %mul3A_158 = arith.constant 16 : i32
        %mul3A_159 = arith.muli %while3A_156, %mul3A_158 : i32
        %get3A = arith.index_cast %mul3A_159 : i32 to index
        %get3A_160 = tpu.vector_load %arg7[%get3A] {strides = array<i32>} : memref<16384xi32, #tpu.memory_space<vmem>>, vector<16xi32>,
        %iota3A = tpu.iota {dimensions = array<i32: 0>} : vector<16xi32>
        %mul3A_161 = arith.constant 16 : i32
        %mul3A_162 = arith.muli %while3A_156, %mul3A_161 : i32
        %sub3A_163 = arith.subi %scan3A_20, %mul3A_162 : i32
        %lt3A_164 = vector.broadcast %sub3A_163 : i32 to vector<16xi32>
        %lt3A_165 = arith.cmpi slt, %iota3A, %lt3A_164 : vector<16xi32>
        %shift_right_arithmetic3A = arith.constant 14 : i32
        %shift_right_arithmetic3A_166 = vector.broadcast %shift_right_arithmetic3A : i32 to vector<16xi32>
        %shift_right_arithmetic3A_167 = arith.shrsi %get3A_160, %shift_right_arithmetic3A_166 : vector<16xi32>
        %ge3A_168 = vector.broadcast %mul3A_104 : i32 to vector<16xi32>
        %ge3A_169 = arith.cmpi sge, %shift_right_arithmetic3A_167, %ge3A_168 : vector<16xi32>
        %and3A_170 = arith.andi %lt3A_165, %ge3A_169 : vector<16xi1>
        %add3A_171 = arith.addi %mul3A_104, %select_n3A_98 : i32
        %lt3A_172 = vector.broadcast %add3A_171 : i32 to vector<16xi32>
        %lt3A_173 = arith.cmpi slt, %shift_right_arithmetic3A_167, %lt3A_172 : vector<16xi32>
        %and3A_174 = arith.andi %and3A_170, %lt3A_173 : vector<16xi1>
        %sub3A_175 = vector.broadcast %mul3A_104 : i32 to vector<16xi32>
        %sub3A_176 = arith.subi %shift_right_arithmetic3A_167, %sub3A_175 : vector<16xi32>
        %shift_left3A = arith.constant 14 : i32
        %shift_left3A_177 = vector.broadcast %shift_left3A : i32 to vector<16xi32>
        %shift_left3A_178 = arith.shli %sub3A_176, %shift_left3A_177 : vector<16xi32>
        %and3A_179 = arith.constant 16383 : i32
        %and3A_180 = vector.broadcast %and3A_179 : i32 to vector<16xi32>
        %and3A_181 = arith.andi %get3A_160, %and3A_180 : vector<16xi32>
        %or3A = arith.ori %shift_left3A_178, %and3A_181 : vector<16xi32>
        %convert_element_type3A_182 = arith.extui %and3A_174 : vector<16xi1> to vector<16xi32>
        %broadcast_in_dim3A = arith.constant true
        %broadcast_in_dim3A_183 = vector.broadcast %broadcast_in_dim3A : i1 to vector<16xi1>
        %masked_cumsum3A = tpu.scan <sum>, %convert_element_type3A_182 masked %broadcast_in_dim3A_183 : vector<16xi32>, vector<16xi1> -> vector<16xi32>
        %add3A_184 = vector.broadcast %while3A_157 : i32 to vector<16xi32>
        %add3A_185 = arith.addi %add3A_184, %masked_cumsum3A : vector<16xi32>
        %sub3A_186 = arith.constant 1 : i32
        %sub3A_187 = vector.broadcast %sub3A_186 : i32 to vector<16xi32>
        %sub3A_188 = arith.subi %add3A_185, %sub3A_187 : vector<16xi32>
        tpu.vector_store_idx %arg8[%sub3A_188], %or3A masked %and3A_174 : memref<16384xi32, #tpu.memory_space<vmem>>[vector<16xi32>], vector<16xi32>, vector<16xi1>
        %slice3A = vector.extract_strided_slice %masked_cumsum3A {offsets = [15], sizes = [1], strides = [1]} : vector<16xi32> to vector<1xi32>
        %squeeze3A = vector.extract %slice3A[0] : i32 from vector<1xi32>
        %add3A_189 = arith.addi %while3A_157, %squeeze3A : i32
        scf.yield %add3A_189 : i32
      }
      %add3A_117 = arith.constant 16 : i32
      %add3A_118 = arith.addi %while3A_116, %add3A_117 : i32
      %sub3A_119 = arith.constant 1 : i32
      %sub3A_120 = arith.subi %add3A_118, %sub3A_119 : i32
      %jit3A_121 = arith.constant 16 : i32
      %div3A_122 = arith.divsi %sub3A_120, %jit3A_121 : i32
      %sign3A_123 = arith.constant 0 : i32
      %sign3A_124 = arith.cmpi sgt, %sub3A_120, %sign3A_123 : i32
      %sign3A_125 = arith.extui %sign3A_124 : i1 to i32
      %sign3A_126 = arith.constant 0 : i32
      %sign3A_127 = arith.cmpi slt, %sub3A_120, %sign3A_126 : i32
      %sign3A_128 = arith.extui %sign3A_127 : i1 to i32
      %sign3A_129 = arith.subi %sign3A_125, %sign3A_128 : i32
      %sign3A_130 = arith.constant 0 : i32
      %sign3A_131 = arith.cmpi sgt, %jit3A_121, %sign3A_130 : i32
      %sign3A_132 = arith.extui %sign3A_131 : i1 to i32
      %sign3A_133 = arith.constant 0 : i32
      %sign3A_134 = arith.cmpi slt, %jit3A_121, %sign3A_133 : i32
      %sign3A_135 = arith.extui %sign3A_134 : i1 to i32
      %sign3A_136 = arith.subi %sign3A_132, %sign3A_135 : i32
      %ne3A_137 = arith.cmpi ne, %sign3A_129, %sign3A_136 : i32
      %rem3A_138 = arith.remsi %sub3A_120, %jit3A_121 : i32
      %ne3A_139 = arith.constant 0 : i32
      %ne3A_140 = arith.cmpi ne, %rem3A_138, %ne3A_139 : i32
      %and3A_141 = arith.andi %ne3A_137, %ne3A_140 : i1
      %sub3A_142 = arith.constant 1 : i32
      %sub3A_143 = arith.subi %div3A_122, %sub3A_142 : i32
      %select_n3A_144 = arith.select %and3A_141, %sub3A_143, %div3A_122 : i32
      %while3A_145 = arith.constant 0 : i32
      %while3A_146 = arith.subi %select_n3A_144, %while3A_145 : i32
      %while3A_147 = arith.addi %while3A_145, %while3A_146 : i32
      %while3A_148 = arith.constant 1 : i32
      %while3A_149 = arith.divsi %while3A_146, %while3A_148 : i32
      %while3A_150 = arith.muli %while3A_149, %while3A_148 : i32
      %while3A_151 = arith.addi %while3A_145, %while3A_150 : i32
      %while3A_152 = arith.constant 1 : i32
      %while3A_153 = scf.for %while3A_156 = %while3A_145 to %while3A_151 step %while3A_152 iter_args(%while3A_157 = %while3A_79) -> (i32)  : i32 {
        %jit3A_158 = arith.constant 4 : i32
        %eq3A_159 = arith.constant 0 : i32
        %eq3A_160 = arith.cmpi eq, %jit3A_158, %eq3A_159 : i32
        %jit3A_161 = arith.constant 1 : i32
        %select_n3A_162 = arith.select %eq3A_160, %jit3A_161, %jit3A_158 : i32
        %rem3A_163 = arith.remsi %while3A_157, %select_n3A_162 : i32
        %ne3A_164 = arith.constant 0 : i32
        %ne3A_165 = arith.cmpi ne, %rem3A_163, %ne3A_164 : i32
        %lt3A_166 = arith.constant 0 : i32
        %lt3A_167 = arith.cmpi slt, %rem3A_163, %lt3A_166 : i32
        %lt3A_168 = arith.constant 0 : i32
        %lt3A_169 = arith.cmpi slt, %select_n3A_162, %lt3A_168 : i32
        %ne3A_170 = arith.xori %lt3A_167, %lt3A_169 : i1
        %and3A_171 = arith.andi %ne3A_170, %ne3A_165 : i1
        %add3A_172 = arith.addi %rem3A_163, %select_n3A_162 : i32
        %select_n3A_173 = arith.select %and3A_171, %add3A_172, %rem3A_163 : i32
        %mul3A_174 = arith.constant 16 : i32
        %mul3A_175 = arith.muli %while3A_156, %mul3A_174 : i32
        %get3A = arith.index_cast %mul3A_175 : i32 to index
        %get3A_176 = tpu.vector_load %arg8[%get3A] {strides = array<i32>} : memref<16384xi32, #tpu.memory_space<vmem>>, vector<16xi32>,
        %iota3A = tpu.iota {dimensions = array<i32: 0>} : vector<16xi32>
        %mul3A_177 = arith.constant 16 : i32
        %mul3A_178 = arith.muli %while3A_156, %mul3A_177 : i32
        %sub3A_179 = arith.subi %while3A_116, %mul3A_178 : i32
        %lt3A_180 = vector.broadcast %sub3A_179 : i32 to vector<16xi32>
        %lt3A_181 = arith.cmpi slt, %iota3A, %lt3A_180 : vector<16xi32>
        %shift_right_arithmetic3A = arith.constant 14 : i32
        %shift_right_arithmetic3A_182 = vector.broadcast %shift_right_arithmetic3A : i32 to vector<16xi32>
        %shift_right_arithmetic3A_183 = arith.shrsi %get3A_176, %shift_right_arithmetic3A_182 : vector<16xi32>
        %add3A_184 = vector.broadcast %select_n3A_102 : i32 to vector<16xi32>
        %add3A_185 = arith.addi %shift_right_arithmetic3A_183, %add3A_184 : vector<16xi32>
        %jit3A_186 = arith.constant 0 : i32
        %broadcast_in_dim3A = vector.broadcast %jit3A_186 : i32 to vector<16xi32>
        %select_n3A_187 = arith.select %lt3A_181, %add3A_185, %broadcast_in_dim3A : vector<16xi1>, vector<16xi32>
        %and3A_188 = arith.constant 16383 : i32
        %and3A_189 = vector.broadcast %and3A_188 : i32 to vector<16xi32>
        %and3A_190 = arith.andi %get3A_176, %and3A_189 : vector<16xi32>
        %jit3A_191 = arith.constant 16384 : i32
        %broadcast_in_dim3A_192 = vector.broadcast %jit3A_191 : i32 to vector<16xi32>
        %select_n3A_193 = arith.select %lt3A_181, %and3A_190, %broadcast_in_dim3A_192 : vector<16xi1>, vector<16xi32>
        %eq3A_194 = arith.constant 0 : i32
        %eq3A_195 = arith.cmpi eq, %select_n3A_173, %eq3A_194 : i32
        %convert_element_type3A_196 = arith.extui %eq3A_195 : i1 to i32
        %cond3A_197 = arith.constant 0 : i32
        %cond3A_198 = arith.cmpi ne, %convert_element_type3A_196, %cond3A_197 : i32
        scf.if %cond3A_198 {
          %ge3A_216 = arith.constant 4 : i32
          %ge3A_217 = arith.cmpi sge, %while3A_157, %ge3A_216 : i32
          %convert_element_type3A_218 = arith.extui %ge3A_217 : i1 to i32
          %cond3A_219 = arith.constant 0 : i32
          %cond3A_220 = arith.cmpi ne, %convert_element_type3A_218, %cond3A_219 : i32
          scf.if %cond3A_220 {
            %dma_wait3A = arith.constant 0 : i32
            %dma_wait3A_229 = arith.constant 0 : i32
            %dma_wait3A_230 = tpu.memref_slice %arg5[%dma_wait3A, %dma_wait3A_229] : memref<16400x128xf32, #tpu.memory_space<hbm>> -> memref<16x128xf32, #tpu.memory_space<hbm>>
            %dma_wait3A_231 = arith.constant 0 : i32
            %dma_wait3A_232 = arith.constant 0 : i32
            %dma_wait3A_233 = tpu.memref_slice %arg5[%dma_wait3A_231, %dma_wait3A_232] : memref<16400x128xf32, #tpu.memory_space<hbm>> -> memref<16x128xf32, #tpu.memory_space<hbm>>
            tpu.wait_dma2 semaphore(%arg16 : memref<!tpu.dma_semaphore, #tpu.memory_space<semaphore_mem>>) src(%arg10 : memref<16x128xf32, #tpu.memory_space<vmem>>) dst(%dma_wait3A_233 : memref<16x128xf32, #tpu.memory_space<hbm>>)
          } else {
          }
          %scan3A_221 = arith.constant 0 : i32
          %scan3A_222 = arith.constant 0 : i32
          %scan3A_223 = arith.constant 32 : i32
          %scan3A_224 = arith.addi %scan3A_222, %scan3A_223 : i32
          %scan3A_225 = arith.constant 1 : i32
          scf.for %scan3A_229 = %scan3A_222 to %scan3A_224 step %scan3A_225  : i32 {
            %broadcast_in_dim3A_230 = arith.constant 1 : i32
            %broadcast_in_dim3A_231 = vector.broadcast %broadcast_in_dim3A_230 : i32 to vector<16xi32>
            %mul3A_232 = vector.broadcast %scan3A_229 : i32 to vector<16xi32>
            %mul3A_233 = arith.muli %broadcast_in_dim3A_231, %mul3A_232 : vector<16xi32>
            %gather3A = tpu.vector_load_idx %arg9[%mul3A_233, %select_n3A_187] : memref<32x2048xf32, #tpu.memory_space<vmem>>[vector<16xi32>, vector<16xi32>], vector<16xf32>,
            %iota3A_234 = tpu.iota {dimensions = array<i32: 0>} : vector<16xi32>
            tpu.vector_store_idx %arg10[%iota3A_234, %mul3A_233], %gather3A : memref<16x128xf32, #tpu.memory_space<vmem>>[vector<16xi32>, vector<16xi32>], vector<16xf32>,
          }
          %scan3A_226 = arith.constant 32 : i32
          %dma_start3A = arith.constant 0 : i32
          %dma_start3A_227 = arith.constant 0 : i32
          %dma_start3A_228 = tpu.memref_slice %arg5[%dma_start3A, %dma_start3A_227] : memref<16400x128xf32, #tpu.memory_space<hbm>> -> memref<16400x128xf32, #tpu.memory_space<hbm>>
          tpu.enqueue_indirect_dma source(%arg10 : memref<16x128xf32, #tpu.memory_space<vmem>>) target(%dma_start3A_228 : memref<16400x128xf32, #tpu.memory_space<hbm>>) offsets(%select_n3A_193 : vector<16xi32>) semaphore(%arg16 : memref<!tpu.dma_semaphore, #tpu.memory_space<semaphore_mem>>)
        } else {
        }
        %eq3A_199 = arith.constant 1 : i32
        %eq3A_200 = arith.cmpi eq, %select_n3A_173, %eq3A_199 : i32
        %convert_element_type3A_201 = arith.extui %eq3A_200 : i1 to i32
        %cond3A_202 = arith.constant 0 : i32
        %cond3A_203 = arith.cmpi ne, %convert_element_type3A_201, %cond3A_202 : i32
        scf.if %cond3A_203 {
          %ge3A_216 = arith.constant 4 : i32
          %ge3A_217 = arith.cmpi sge, %while3A_157, %ge3A_216 : i32
          %convert_element_type3A_218 = arith.extui %ge3A_217 : i1 to i32
          %cond3A_219 = arith.constant 0 : i32
          %cond3A_220 = arith.cmpi ne, %convert_element_type3A_218, %cond3A_219 : i32
          scf.if %cond3A_220 {
            %dma_wait3A = arith.constant 0 : i32
            %dma_wait3A_229 = arith.constant 0 : i32
            %dma_wait3A_230 = tpu.memref_slice %arg5[%dma_wait3A, %dma_wait3A_229] : memref<16400x128xf32, #tpu.memory_space<hbm>> -> memref<16x128xf32, #tpu.memory_space<hbm>>
            %dma_wait3A_231 = arith.constant 0 : i32
            %dma_wait3A_232 = arith.constant 0 : i32
            %dma_wait3A_233 = tpu.memref_slice %arg5[%dma_wait3A_231, %dma_wait3A_232] : memref<16400x128xf32, #tpu.memory_space<hbm>> -> memref<16x128xf32, #tpu.memory_space<hbm>>
            tpu.wait_dma2 semaphore(%arg17 : memref<!tpu.dma_semaphore, #tpu.memory_space<semaphore_mem>>) src(%arg11 : memref<16x128xf32, #tpu.memory_space<vmem>>) dst(%dma_wait3A_233 : memref<16x128xf32, #tpu.memory_space<hbm>>)
          } else {
          }
          %scan3A_221 = arith.constant 0 : i32
          %scan3A_222 = arith.constant 0 : i32
          %scan3A_223 = arith.constant 32 : i32
          %scan3A_224 = arith.addi %scan3A_222, %scan3A_223 : i32
          %scan3A_225 = arith.constant 1 : i32
          scf.for %scan3A_229 = %scan3A_222 to %scan3A_224 step %scan3A_225  : i32 {
            %broadcast_in_dim3A_230 = arith.constant 1 : i32
            %broadcast_in_dim3A_231 = vector.broadcast %broadcast_in_dim3A_230 : i32 to vector<16xi32>
            %mul3A_232 = vector.broadcast %scan3A_229 : i32 to vector<16xi32>
            %mul3A_233 = arith.muli %broadcast_in_dim3A_231, %mul3A_232 : vector<16xi32>
            %gather3A = tpu.vector_load_idx %arg9[%mul3A_233, %select_n3A_187] : memref<32x2048xf32, #tpu.memory_space<vmem>>[vector<16xi32>, vector<16xi32>], vector<16xf32>,
            %iota3A_234 = tpu.iota {dimensions = array<i32: 0>} : vector<16xi32>
            tpu.vector_store_idx %arg11[%iota3A_234, %mul3A_233], %gather3A : memref<16x128xf32, #tpu.memory_space<vmem>>[vector<16xi32>, vector<16xi32>], vector<16xf32>,
          }
          %scan3A_226 = arith.constant 32 : i32
          %dma_start3A = arith.constant 0 : i32
          %dma_start3A_227 = arith.constant 0 : i32
          %dma_start3A_228 = tpu.memref_slice %arg5[%dma_start3A, %dma_start3A_227] : memref<16400x128xf32, #tpu.memory_space<hbm>> -> memref<16400x128xf32, #tpu.memory_space<hbm>>
          tpu.enqueue_indirect_dma source(%arg11 : memref<16x128xf32, #tpu.memory_space<vmem>>) target(%dma_start3A_228 : memref<16400x128xf32, #tpu.memory_space<hbm>>) offsets(%select_n3A_193 : vector<16xi32>) semaphore(%arg17 : memref<!tpu.dma_semaphore, #tpu.memory_space<semaphore_mem>>)
        } else {
        }
        %eq3A_204 = arith.constant 2 : i32
        %eq3A_205 = arith.cmpi eq, %select_n3A_173, %eq3A_204 : i32
        %convert_element_type3A_206 = arith.extui %eq3A_205 : i1 to i32
        %cond3A_207 = arith.constant 0 : i32
        %cond3A_208 = arith.cmpi ne, %convert_element_type3A_206, %cond3A_207 : i32
        scf.if %cond3A_208 {
          %ge3A_216 = arith.constant 4 : i32
          %ge3A_217 = arith.cmpi sge, %while3A_157, %ge3A_216 : i32
          %convert_element_type3A_218 = arith.extui %ge3A_217 : i1 to i32
          %cond3A_219 = arith.constant 0 : i32
          %cond3A_220 = arith.cmpi ne, %convert_element_type3A_218, %cond3A_219 : i32
          scf.if %cond3A_220 {
            %dma_wait3A = arith.constant 0 : i32
            %dma_wait3A_229 = arith.constant 0 : i32
            %dma_wait3A_230 = tpu.memref_slice %arg5[%dma_wait3A, %dma_wait3A_229] : memref<16400x128xf32, #tpu.memory_space<hbm>> -> memref<16x128xf32, #tpu.memory_space<hbm>>
            %dma_wait3A_231 = arith.constant 0 : i32
            %dma_wait3A_232 = arith.constant 0 : i32
            %dma_wait3A_233 = tpu.memref_slice %arg5[%dma_wait3A_231, %dma_wait3A_232] : memref<16400x128xf32, #tpu.memory_space<hbm>> -> memref<16x128xf32, #tpu.memory_space<hbm>>
            tpu.wait_dma2 semaphore(%arg18 : memref<!tpu.dma_semaphore, #tpu.memory_space<semaphore_mem>>) src(%arg12 : memref<16x128xf32, #tpu.memory_space<vmem>>) dst(%dma_wait3A_233 : memref<16x128xf32, #tpu.memory_space<hbm>>)
          } else {
          }
          %scan3A_221 = arith.constant 0 : i32
          %scan3A_222 = arith.constant 0 : i32
          %scan3A_223 = arith.constant 32 : i32
          %scan3A_224 = arith.addi %scan3A_222, %scan3A_223 : i32
          %scan3A_225 = arith.constant 1 : i32
          scf.for %scan3A_229 = %scan3A_222 to %scan3A_224 step %scan3A_225  : i32 {
            %broadcast_in_dim3A_230 = arith.constant 1 : i32
            %broadcast_in_dim3A_231 = vector.broadcast %broadcast_in_dim3A_230 : i32 to vector<16xi32>
            %mul3A_232 = vector.broadcast %scan3A_229 : i32 to vector<16xi32>
            %mul3A_233 = arith.muli %broadcast_in_dim3A_231, %mul3A_232 : vector<16xi32>
            %gather3A = tpu.vector_load_idx %arg9[%mul3A_233, %select_n3A_187] : memref<32x2048xf32, #tpu.memory_space<vmem>>[vector<16xi32>, vector<16xi32>], vector<16xf32>,
            %iota3A_234 = tpu.iota {dimensions = array<i32: 0>} : vector<16xi32>
            tpu.vector_store_idx %arg12[%iota3A_234, %mul3A_233], %gather3A : memref<16x128xf32, #tpu.memory_space<vmem>>[vector<16xi32>, vector<16xi32>], vector<16xf32>,
          }
          %scan3A_226 = arith.constant 32 : i32
          %dma_start3A = arith.constant 0 : i32
          %dma_start3A_227 = arith.constant 0 : i32
          %dma_start3A_228 = tpu.memref_slice %arg5[%dma_start3A, %dma_start3A_227] : memref<16400x128xf32, #tpu.memory_space<hbm>> -> memref<16400x128xf32, #tpu.memory_space<hbm>>
          tpu.enqueue_indirect_dma source(%arg12 : memref<16x128xf32, #tpu.memory_space<vmem>>) target(%dma_start3A_228 : memref<16400x128xf32, #tpu.memory_space<hbm>>) offsets(%select_n3A_193 : vector<16xi32>) semaphore(%arg18 : memref<!tpu.dma_semaphore, #tpu.memory_space<semaphore_mem>>)
        } else {
        }
        %eq3A_209 = arith.constant 3 : i32
        %eq3A_210 = arith.cmpi eq, %select_n3A_173, %eq3A_209 : i32
        %convert_element_type3A_211 = arith.extui %eq3A_210 : i1 to i32
        %cond3A_212 = arith.constant 0 : i32
        %cond3A_213 = arith.cmpi ne, %convert_element_type3A_211, %cond3A_212 : i32
        scf.if %cond3A_213 {
          %ge3A_216 = arith.constant 4 : i32
          %ge3A_217 = arith.cmpi sge, %while3A_157, %ge3A_216 : i32
          %convert_element_type3A_218 = arith.extui %ge3A_217 : i1 to i32
          %cond3A_219 = arith.constant 0 : i32
          %cond3A_220 = arith.cmpi ne, %convert_element_type3A_218, %cond3A_219 : i32
          scf.if %cond3A_220 {
            %dma_wait3A = arith.constant 0 : i32
            %dma_wait3A_229 = arith.constant 0 : i32
            %dma_wait3A_230 = tpu.memref_slice %arg5[%dma_wait3A, %dma_wait3A_229] : memref<16400x128xf32, #tpu.memory_space<hbm>> -> memref<16x128xf32, #tpu.memory_space<hbm>>
            %dma_wait3A_231 = arith.constant 0 : i32
            %dma_wait3A_232 = arith.constant 0 : i32
            %dma_wait3A_233 = tpu.memref_slice %arg5[%dma_wait3A_231, %dma_wait3A_232] : memref<16400x128xf32, #tpu.memory_space<hbm>> -> memref<16x128xf32, #tpu.memory_space<hbm>>
            tpu.wait_dma2 semaphore(%arg19 : memref<!tpu.dma_semaphore, #tpu.memory_space<semaphore_mem>>) src(%arg13 : memref<16x128xf32, #tpu.memory_space<vmem>>) dst(%dma_wait3A_233 : memref<16x128xf32, #tpu.memory_space<hbm>>)
          } else {
          }
          %scan3A_221 = arith.constant 0 : i32
          %scan3A_222 = arith.constant 0 : i32
          %scan3A_223 = arith.constant 32 : i32
          %scan3A_224 = arith.addi %scan3A_222, %scan3A_223 : i32
          %scan3A_225 = arith.constant 1 : i32
          scf.for %scan3A_229 = %scan3A_222 to %scan3A_224 step %scan3A_225  : i32 {
            %broadcast_in_dim3A_230 = arith.constant 1 : i32
            %broadcast_in_dim3A_231 = vector.broadcast %broadcast_in_dim3A_230 : i32 to vector<16xi32>
            %mul3A_232 = vector.broadcast %scan3A_229 : i32 to vector<16xi32>
            %mul3A_233 = arith.muli %broadcast_in_dim3A_231, %mul3A_232 : vector<16xi32>
            %gather3A = tpu.vector_load_idx %arg9[%mul3A_233, %select_n3A_187] : memref<32x2048xf32, #tpu.memory_space<vmem>>[vector<16xi32>, vector<16xi32>], vector<16xf32>,
            %iota3A_234 = tpu.iota {dimensions = array<i32: 0>} : vector<16xi32>
            tpu.vector_store_idx %arg13[%iota3A_234, %mul3A_233], %gather3A : memref<16x128xf32, #tpu.memory_space<vmem>>[vector<16xi32>, vector<16xi32>], vector<16xf32>,
          }
          %scan3A_226 = arith.constant 32 : i32
          %dma_start3A = arith.constant 0 : i32
          %dma_start3A_227 = arith.constant 0 : i32
          %dma_start3A_228 = tpu.memref_slice %arg5[%dma_start3A, %dma_start3A_227] : memref<16400x128xf32, #tpu.memory_space<hbm>> -> memref<16400x128xf32, #tpu.memory_space<hbm>>
          tpu.enqueue_indirect_dma source(%arg13 : memref<16x128xf32, #tpu.memory_space<vmem>>) target(%dma_start3A_228 : memref<16400x128xf32, #tpu.memory_space<hbm>>) offsets(%select_n3A_193 : vector<16xi32>) semaphore(%arg19 : memref<!tpu.dma_semaphore, #tpu.memory_space<semaphore_mem>>)
        } else {
        }
        %add3A_214 = arith.constant 1 : i32
        %add3A_215 = arith.addi %while3A_157, %add3A_214 : i32
        scf.yield %add3A_215 : i32
      }
      %while3A_154 = arith.constant 1 : i32
      %while3A_155 = scf.for %while3A_156 = %while3A_151 to %while3A_147 step %while3A_154 iter_args(%while3A_157 = %while3A_153) -> (i32)  : i32 {
        %jit3A_158 = arith.constant 4 : i32
        %eq3A_159 = arith.constant 0 : i32
        %eq3A_160 = arith.cmpi eq, %jit3A_158, %eq3A_159 : i32
        %jit3A_161 = arith.constant 1 : i32
        %select_n3A_162 = arith.select %eq3A_160, %jit3A_161, %jit3A_158 : i32
        %rem3A_163 = arith.remsi %while3A_157, %select_n3A_162 : i32
        %ne3A_164 = arith.constant 0 : i32
        %ne3A_165 = arith.cmpi ne, %rem3A_163, %ne3A_164 : i32
        %lt3A_166 = arith.constant 0 : i32
        %lt3A_167 = arith.cmpi slt, %rem3A_163, %lt3A_166 : i32
        %lt3A_168 = arith.constant 0 : i32
        %lt3A_169 = arith.cmpi slt, %select_n3A_162, %lt3A_168 : i32
        %ne3A_170 = arith.xori %lt3A_167, %lt3A_169 : i1
        %and3A_171 = arith.andi %ne3A_170, %ne3A_165 : i1
        %add3A_172 = arith.addi %rem3A_163, %select_n3A_162 : i32
        %select_n3A_173 = arith.select %and3A_171, %add3A_172, %rem3A_163 : i32
        %mul3A_174 = arith.constant 16 : i32
        %mul3A_175 = arith.muli %while3A_156, %mul3A_174 : i32
        %get3A = arith.index_cast %mul3A_175 : i32 to index
        %get3A_176 = tpu.vector_load %arg8[%get3A] {strides = array<i32>} : memref<16384xi32, #tpu.memory_space<vmem>>, vector<16xi32>,
        %iota3A = tpu.iota {dimensions = array<i32: 0>} : vector<16xi32>
        %mul3A_177 = arith.constant 16 : i32
        %mul3A_178 = arith.muli %while3A_156, %mul3A_177 : i32
        %sub3A_179 = arith.subi %while3A_116, %mul3A_178 : i32
        %lt3A_180 = vector.broadcast %sub3A_179 : i32 to vector<16xi32>
        %lt3A_181 = arith.cmpi slt, %iota3A, %lt3A_180 : vector<16xi32>
        %shift_right_arithmetic3A = arith.constant 14 : i32
        %shift_right_arithmetic3A_182 = vector.broadcast %shift_right_arithmetic3A : i32 to vector<16xi32>
        %shift_right_arithmetic3A_183 = arith.shrsi %get3A_176, %shift_right_arithmetic3A_182 : vector<16xi32>
        %add3A_184 = vector.broadcast %select_n3A_102 : i32 to vector<16xi32>
        %add3A_185 = arith.addi %shift_right_arithmetic3A_183, %add3A_184 : vector<16xi32>
        %jit3A_186 = arith.constant 0 : i32
        %broadcast_in_dim3A = vector.broadcast %jit3A_186 : i32 to vector<16xi32>
        %select_n3A_187 = arith.select %lt3A_181, %add3A_185, %broadcast_in_dim3A : vector<16xi1>, vector<16xi32>
        %and3A_188 = arith.constant 16383 : i32
        %and3A_189 = vector.broadcast %and3A_188 : i32 to vector<16xi32>
        %and3A_190 = arith.andi %get3A_176, %and3A_189 : vector<16xi32>
        %jit3A_191 = arith.constant 16384 : i32
        %broadcast_in_dim3A_192 = vector.broadcast %jit3A_191 : i32 to vector<16xi32>
        %select_n3A_193 = arith.select %lt3A_181, %and3A_190, %broadcast_in_dim3A_192 : vector<16xi1>, vector<16xi32>
        %eq3A_194 = arith.constant 0 : i32
        %eq3A_195 = arith.cmpi eq, %select_n3A_173, %eq3A_194 : i32
        %convert_element_type3A_196 = arith.extui %eq3A_195 : i1 to i32
        %cond3A_197 = arith.constant 0 : i32
        %cond3A_198 = arith.cmpi ne, %convert_element_type3A_196, %cond3A_197 : i32
        scf.if %cond3A_198 {
          %ge3A_216 = arith.constant 4 : i32
          %ge3A_217 = arith.cmpi sge, %while3A_157, %ge3A_216 : i32
          %convert_element_type3A_218 = arith.extui %ge3A_217 : i1 to i32
          %cond3A_219 = arith.constant 0 : i32
          %cond3A_220 = arith.cmpi ne, %convert_element_type3A_218, %cond3A_219 : i32
          scf.if %cond3A_220 {
            %dma_wait3A = arith.constant 0 : i32
            %dma_wait3A_229 = arith.constant 0 : i32
            %dma_wait3A_230 = tpu.memref_slice %arg5[%dma_wait3A, %dma_wait3A_229] : memref<16400x128xf32, #tpu.memory_space<hbm>> -> memref<16x128xf32, #tpu.memory_space<hbm>>
            %dma_wait3A_231 = arith.constant 0 : i32
            %dma_wait3A_232 = arith.constant 0 : i32
            %dma_wait3A_233 = tpu.memref_slice %arg5[%dma_wait3A_231, %dma_wait3A_232] : memref<16400x128xf32, #tpu.memory_space<hbm>> -> memref<16x128xf32, #tpu.memory_space<hbm>>
            tpu.wait_dma2 semaphore(%arg16 : memref<!tpu.dma_semaphore, #tpu.memory_space<semaphore_mem>>) src(%arg10 : memref<16x128xf32, #tpu.memory_space<vmem>>) dst(%dma_wait3A_233 : memref<16x128xf32, #tpu.memory_space<hbm>>)
          } else {
          }
          %scan3A_221 = arith.constant 0 : i32
          %scan3A_222 = arith.constant 0 : i32
          %scan3A_223 = arith.constant 32 : i32
          %scan3A_224 = arith.addi %scan3A_222, %scan3A_223 : i32
          %scan3A_225 = arith.constant 1 : i32
          scf.for %scan3A_229 = %scan3A_222 to %scan3A_224 step %scan3A_225  : i32 {
            %broadcast_in_dim3A_230 = arith.constant 1 : i32
            %broadcast_in_dim3A_231 = vector.broadcast %broadcast_in_dim3A_230 : i32 to vector<16xi32>
            %mul3A_232 = vector.broadcast %scan3A_229 : i32 to vector<16xi32>
            %mul3A_233 = arith.muli %broadcast_in_dim3A_231, %mul3A_232 : vector<16xi32>
            %gather3A = tpu.vector_load_idx %arg9[%mul3A_233, %select_n3A_187] : memref<32x2048xf32, #tpu.memory_space<vmem>>[vector<16xi32>, vector<16xi32>], vector<16xf32>,
            %iota3A_234 = tpu.iota {dimensions = array<i32: 0>} : vector<16xi32>
            tpu.vector_store_idx %arg10[%iota3A_234, %mul3A_233], %gather3A : memref<16x128xf32, #tpu.memory_space<vmem>>[vector<16xi32>, vector<16xi32>], vector<16xf32>,
          }
          %scan3A_226 = arith.constant 32 : i32
          %dma_start3A = arith.constant 0 : i32
          %dma_start3A_227 = arith.constant 0 : i32
          %dma_start3A_228 = tpu.memref_slice %arg5[%dma_start3A, %dma_start3A_227] : memref<16400x128xf32, #tpu.memory_space<hbm>> -> memref<16400x128xf32, #tpu.memory_space<hbm>>
          tpu.enqueue_indirect_dma source(%arg10 : memref<16x128xf32, #tpu.memory_space<vmem>>) target(%dma_start3A_228 : memref<16400x128xf32, #tpu.memory_space<hbm>>) offsets(%select_n3A_193 : vector<16xi32>) semaphore(%arg16 : memref<!tpu.dma_semaphore, #tpu.memory_space<semaphore_mem>>)
        } else {
        }
        %eq3A_199 = arith.constant 1 : i32
        %eq3A_200 = arith.cmpi eq, %select_n3A_173, %eq3A_199 : i32
        %convert_element_type3A_201 = arith.extui %eq3A_200 : i1 to i32
        %cond3A_202 = arith.constant 0 : i32
        %cond3A_203 = arith.cmpi ne, %convert_element_type3A_201, %cond3A_202 : i32
        scf.if %cond3A_203 {
          %ge3A_216 = arith.constant 4 : i32
          %ge3A_217 = arith.cmpi sge, %while3A_157, %ge3A_216 : i32
          %convert_element_type3A_218 = arith.extui %ge3A_217 : i1 to i32
          %cond3A_219 = arith.constant 0 : i32
          %cond3A_220 = arith.cmpi ne, %convert_element_type3A_218, %cond3A_219 : i32
          scf.if %cond3A_220 {
            %dma_wait3A = arith.constant 0 : i32
            %dma_wait3A_229 = arith.constant 0 : i32
            %dma_wait3A_230 = tpu.memref_slice %arg5[%dma_wait3A, %dma_wait3A_229] : memref<16400x128xf32, #tpu.memory_space<hbm>> -> memref<16x128xf32, #tpu.memory_space<hbm>>
            %dma_wait3A_231 = arith.constant 0 : i32
            %dma_wait3A_232 = arith.constant 0 : i32
            %dma_wait3A_233 = tpu.memref_slice %arg5[%dma_wait3A_231, %dma_wait3A_232] : memref<16400x128xf32, #tpu.memory_space<hbm>> -> memref<16x128xf32, #tpu.memory_space<hbm>>
            tpu.wait_dma2 semaphore(%arg17 : memref<!tpu.dma_semaphore, #tpu.memory_space<semaphore_mem>>) src(%arg11 : memref<16x128xf32, #tpu.memory_space<vmem>>) dst(%dma_wait3A_233 : memref<16x128xf32, #tpu.memory_space<hbm>>)
          } else {
          }
          %scan3A_221 = arith.constant 0 : i32
          %scan3A_222 = arith.constant 0 : i32
          %scan3A_223 = arith.constant 32 : i32
          %scan3A_224 = arith.addi %scan3A_222, %scan3A_223 : i32
          %scan3A_225 = arith.constant 1 : i32
          scf.for %scan3A_229 = %scan3A_222 to %scan3A_224 step %scan3A_225  : i32 {
            %broadcast_in_dim3A_230 = arith.constant 1 : i32
            %broadcast_in_dim3A_231 = vector.broadcast %broadcast_in_dim3A_230 : i32 to vector<16xi32>
            %mul3A_232 = vector.broadcast %scan3A_229 : i32 to vector<16xi32>
            %mul3A_233 = arith.muli %broadcast_in_dim3A_231, %mul3A_232 : vector<16xi32>
            %gather3A = tpu.vector_load_idx %arg9[%mul3A_233, %select_n3A_187] : memref<32x2048xf32, #tpu.memory_space<vmem>>[vector<16xi32>, vector<16xi32>], vector<16xf32>,
            %iota3A_234 = tpu.iota {dimensions = array<i32: 0>} : vector<16xi32>
            tpu.vector_store_idx %arg11[%iota3A_234, %mul3A_233], %gather3A : memref<16x128xf32, #tpu.memory_space<vmem>>[vector<16xi32>, vector<16xi32>], vector<16xf32>,
          }
          %scan3A_226 = arith.constant 32 : i32
          %dma_start3A = arith.constant 0 : i32
          %dma_start3A_227 = arith.constant 0 : i32
          %dma_start3A_228 = tpu.memref_slice %arg5[%dma_start3A, %dma_start3A_227] : memref<16400x128xf32, #tpu.memory_space<hbm>> -> memref<16400x128xf32, #tpu.memory_space<hbm>>
          tpu.enqueue_indirect_dma source(%arg11 : memref<16x128xf32, #tpu.memory_space<vmem>>) target(%dma_start3A_228 : memref<16400x128xf32, #tpu.memory_space<hbm>>) offsets(%select_n3A_193 : vector<16xi32>) semaphore(%arg17 : memref<!tpu.dma_semaphore, #tpu.memory_space<semaphore_mem>>)
        } else {
        }
        %eq3A_204 = arith.constant 2 : i32
        %eq3A_205 = arith.cmpi eq, %select_n3A_173, %eq3A_204 : i32
        %convert_element_type3A_206 = arith.extui %eq3A_205 : i1 to i32
        %cond3A_207 = arith.constant 0 : i32
        %cond3A_208 = arith.cmpi ne, %convert_element_type3A_206, %cond3A_207 : i32
        scf.if %cond3A_208 {
          %ge3A_216 = arith.constant 4 : i32
          %ge3A_217 = arith.cmpi sge, %while3A_157, %ge3A_216 : i32
          %convert_element_type3A_218 = arith.extui %ge3A_217 : i1 to i32
          %cond3A_219 = arith.constant 0 : i32
          %cond3A_220 = arith.cmpi ne, %convert_element_type3A_218, %cond3A_219 : i32
          scf.if %cond3A_220 {
            %dma_wait3A = arith.constant 0 : i32
            %dma_wait3A_229 = arith.constant 0 : i32
            %dma_wait3A_230 = tpu.memref_slice %arg5[%dma_wait3A, %dma_wait3A_229] : memref<16400x128xf32, #tpu.memory_space<hbm>> -> memref<16x128xf32, #tpu.memory_space<hbm>>
            %dma_wait3A_231 = arith.constant 0 : i32
            %dma_wait3A_232 = arith.constant 0 : i32
            %dma_wait3A_233 = tpu.memref_slice %arg5[%dma_wait3A_231, %dma_wait3A_232] : memref<16400x128xf32, #tpu.memory_space<hbm>> -> memref<16x128xf32, #tpu.memory_space<hbm>>
            tpu.wait_dma2 semaphore(%arg18 : memref<!tpu.dma_semaphore, #tpu.memory_space<semaphore_mem>>) src(%arg12 : memref<16x128xf32, #tpu.memory_space<vmem>>) dst(%dma_wait3A_233 : memref<16x128xf32, #tpu.memory_space<hbm>>)
          } else {
          }
          %scan3A_221 = arith.constant 0 : i32
          %scan3A_222 = arith.constant 0 : i32
          %scan3A_223 = arith.constant 32 : i32
          %scan3A_224 = arith.addi %scan3A_222, %scan3A_223 : i32
          %scan3A_225 = arith.constant 1 : i32
          scf.for %scan3A_229 = %scan3A_222 to %scan3A_224 step %scan3A_225  : i32 {
            %broadcast_in_dim3A_230 = arith.constant 1 : i32
            %broadcast_in_dim3A_231 = vector.broadcast %broadcast_in_dim3A_230 : i32 to vector<16xi32>
            %mul3A_232 = vector.broadcast %scan3A_229 : i32 to vector<16xi32>
            %mul3A_233 = arith.muli %broadcast_in_dim3A_231, %mul3A_232 : vector<16xi32>
            %gather3A = tpu.vector_load_idx %arg9[%mul3A_233, %select_n3A_187] : memref<32x2048xf32, #tpu.memory_space<vmem>>[vector<16xi32>, vector<16xi32>], vector<16xf32>,
            %iota3A_234 = tpu.iota {dimensions = array<i32: 0>} : vector<16xi32>
            tpu.vector_store_idx %arg12[%iota3A_234, %mul3A_233], %gather3A : memref<16x128xf32, #tpu.memory_space<vmem>>[vector<16xi32>, vector<16xi32>], vector<16xf32>,
          }
          %scan3A_226 = arith.constant 32 : i32
          %dma_start3A = arith.constant 0 : i32
          %dma_start3A_227 = arith.constant 0 : i32
          %dma_start3A_228 = tpu.memref_slice %arg5[%dma_start3A, %dma_start3A_227] : memref<16400x128xf32, #tpu.memory_space<hbm>> -> memref<16400x128xf32, #tpu.memory_space<hbm>>
          tpu.enqueue_indirect_dma source(%arg12 : memref<16x128xf32, #tpu.memory_space<vmem>>) target(%dma_start3A_228 : memref<16400x128xf32, #tpu.memory_space<hbm>>) offsets(%select_n3A_193 : vector<16xi32>) semaphore(%arg18 : memref<!tpu.dma_semaphore, #tpu.memory_space<semaphore_mem>>)
        } else {
        }
        %eq3A_209 = arith.constant 3 : i32
        %eq3A_210 = arith.cmpi eq, %select_n3A_173, %eq3A_209 : i32
        %convert_element_type3A_211 = arith.extui %eq3A_210 : i1 to i32
        %cond3A_212 = arith.constant 0 : i32
        %cond3A_213 = arith.cmpi ne, %convert_element_type3A_211, %cond3A_212 : i32
        scf.if %cond3A_213 {
          %ge3A_216 = arith.constant 4 : i32
          %ge3A_217 = arith.cmpi sge, %while3A_157, %ge3A_216 : i32
          %convert_element_type3A_218 = arith.extui %ge3A_217 : i1 to i32
          %cond3A_219 = arith.constant 0 : i32
          %cond3A_220 = arith.cmpi ne, %convert_element_type3A_218, %cond3A_219 : i32
          scf.if %cond3A_220 {
            %dma_wait3A = arith.constant 0 : i32
            %dma_wait3A_229 = arith.constant 0 : i32
            %dma_wait3A_230 = tpu.memref_slice %arg5[%dma_wait3A, %dma_wait3A_229] : memref<16400x128xf32, #tpu.memory_space<hbm>> -> memref<16x128xf32, #tpu.memory_space<hbm>>
            %dma_wait3A_231 = arith.constant 0 : i32
            %dma_wait3A_232 = arith.constant 0 : i32
            %dma_wait3A_233 = tpu.memref_slice %arg5[%dma_wait3A_231, %dma_wait3A_232] : memref<16400x128xf32, #tpu.memory_space<hbm>> -> memref<16x128xf32, #tpu.memory_space<hbm>>
            tpu.wait_dma2 semaphore(%arg19 : memref<!tpu.dma_semaphore, #tpu.memory_space<semaphore_mem>>) src(%arg13 : memref<16x128xf32, #tpu.memory_space<vmem>>) dst(%dma_wait3A_233 : memref<16x128xf32, #tpu.memory_space<hbm>>)
          } else {
          }
          %scan3A_221 = arith.constant 0 : i32
          %scan3A_222 = arith.constant 0 : i32
          %scan3A_223 = arith.constant 32 : i32
          %scan3A_224 = arith.addi %scan3A_222, %scan3A_223 : i32
          %scan3A_225 = arith.constant 1 : i32
          scf.for %scan3A_229 = %scan3A_222 to %scan3A_224 step %scan3A_225  : i32 {
            %broadcast_in_dim3A_230 = arith.constant 1 : i32
            %broadcast_in_dim3A_231 = vector.broadcast %broadcast_in_dim3A_230 : i32 to vector<16xi32>
            %mul3A_232 = vector.broadcast %scan3A_229 : i32 to vector<16xi32>
            %mul3A_233 = arith.muli %broadcast_in_dim3A_231, %mul3A_232 : vector<16xi32>
            %gather3A = tpu.vector_load_idx %arg9[%mul3A_233, %select_n3A_187] : memref<32x2048xf32, #tpu.memory_space<vmem>>[vector<16xi32>, vector<16xi32>], vector<16xf32>,
            %iota3A_234 = tpu.iota {dimensions = array<i32: 0>} : vector<16xi32>
            tpu.vector_store_idx %arg13[%iota3A_234, %mul3A_233], %gather3A : memref<16x128xf32, #tpu.memory_space<vmem>>[vector<16xi32>, vector<16xi32>], vector<16xf32>,
          }
          %scan3A_226 = arith.constant 32 : i32
          %dma_start3A = arith.constant 0 : i32
          %dma_start3A_227 = arith.constant 0 : i32
          %dma_start3A_228 = tpu.memref_slice %arg5[%dma_start3A, %dma_start3A_227] : memref<16400x128xf32, #tpu.memory_space<hbm>> -> memref<16400x128xf32, #tpu.memory_space<hbm>>
          tpu.enqueue_indirect_dma source(%arg13 : memref<16x128xf32, #tpu.memory_space<vmem>>) target(%dma_start3A_228 : memref<16400x128xf32, #tpu.memory_space<hbm>>) offsets(%select_n3A_193 : vector<16xi32>) semaphore(%arg19 : memref<!tpu.dma_semaphore, #tpu.memory_space<semaphore_mem>>)
        } else {
        }
        %add3A_214 = arith.constant 1 : i32
        %add3A_215 = arith.addi %while3A_157, %add3A_214 : i32
        scf.yield %add3A_215 : i32
      }
      scf.yield %while3A_155 : i32
    }
    %while3A_57 = arith.constant 1 : i32
    %while3A_58 = scf.for %while3A_78 = %while3A_54 to %while3A_50 step %while3A_57 iter_args(%while3A_79 = %while3A_56) -> (i32)  : i32 {
      %lt3A = arith.cmpi slt, %while3A_78, %select_n3A : i32
      %convert_element_type3A_80 = arith.extui %lt3A : i1 to i32
      %cond3A_81 = arith.constant 0 : i32
      %cond3A_82 = arith.cmpi ne, %convert_element_type3A_80, %cond3A_81 : i32
      scf.if %cond3A_82 {
        %add3A_156 = arith.addi %add3A_7, %while3A_78 : i32
        %mul3A_157 = arith.constant 2048 : i32
        %mul3A_158 = arith.muli %add3A_156, %mul3A_157 : i32
        %dma_start3A = arith.constant 0 : i32
        %dma_start3A_159 = tpu.memref_slice %arg3[%dma_start3A, %mul3A_158] : memref<32x1000000xf32, #tpu.memory_space<hbm>> -> memref<32x2048xf32, #tpu.memory_space<hbm>>
        %dma_start3A_160 = arith.constant 0 : i32
        %dma_start3A_161 = tpu.memref_slice %arg3[%dma_start3A_160, %mul3A_158] : memref<32x1000000xf32, #tpu.memory_space<hbm>> -> memref<32x2048xf32, #tpu.memory_space<hbm>>
        tpu.enqueue_dma source(%dma_start3A_161 : memref<32x2048xf32, #tpu.memory_space<hbm>>) target(%arg9 : memref<32x2048xf32, #tpu.memory_space<vmem>>) target_semaphore(%arg14 : memref<!tpu.dma_semaphore, #tpu.memory_space<semaphore_mem>>)
      } else {
      }
      %ge3A_83 = arith.cmpi sge, %while3A_78, %select_n3A : i32
      %convert_element_type3A_84 = arith.extui %ge3A_83 : i1 to i32
      %cond3A_85 = arith.constant 0 : i32
      %cond3A_86 = arith.cmpi ne, %convert_element_type3A_84, %cond3A_85 : i32
      scf.if %cond3A_86 {
        %dma_start3A = arith.constant 0 : i32
        %dma_start3A_156 = arith.constant 0 : i32
        %dma_start3A_157 = tpu.memref_slice %arg9[%dma_start3A, %dma_start3A_156] : memref<32x2048xf32, #tpu.memory_space<vmem>> -> memref<32x640xf32, #tpu.memory_space<vmem>>
        %dma_start3A_158 = arith.constant 0 : i32
        %dma_start3A_159 = arith.constant 0 : i32
        %dma_start3A_160 = tpu.memref_slice %arg9[%dma_start3A_158, %dma_start3A_159] : memref<32x2048xf32, #tpu.memory_space<vmem>> -> memref<32x640xf32, #tpu.memory_space<vmem>>
        tpu.enqueue_dma source(%arg4 : memref<32x640xf32, #tpu.memory_space<hbm>>) target(%dma_start3A_160 : memref<32x640xf32, #tpu.memory_space<vmem>>) target_semaphore(%arg15 : memref<!tpu.dma_semaphore, #tpu.memory_space<semaphore_mem>>)
      } else {
      }
      %lt3A_87 = arith.cmpi slt, %while3A_78, %select_n3A : i32
      %convert_element_type3A_88 = arith.extui %lt3A_87 : i1 to i32
      %cond3A_89 = arith.constant 0 : i32
      %cond3A_90 = arith.cmpi ne, %convert_element_type3A_88, %cond3A_89 : i32
      scf.if %cond3A_90 {
        %add3A_156 = arith.addi %add3A_7, %while3A_78 : i32
        %mul3A_157 = arith.constant 2048 : i32
        %mul3A_158 = arith.muli %add3A_156, %mul3A_157 : i32
        %dma_wait3A = arith.constant 0 : i32
        %dma_wait3A_159 = tpu.memref_slice %arg3[%dma_wait3A, %mul3A_158] : memref<32x1000000xf32, #tpu.memory_space<hbm>> -> memref<32x2048xf32, #tpu.memory_space<hbm>>
        %dma_wait3A_160 = arith.constant 0 : i32
        %dma_wait3A_161 = tpu.memref_slice %arg3[%dma_wait3A_160, %mul3A_158] : memref<32x1000000xf32, #tpu.memory_space<hbm>> -> memref<32x2048xf32, #tpu.memory_space<hbm>>
        tpu.wait_dma2 semaphore(%arg14 : memref<!tpu.dma_semaphore, #tpu.memory_space<semaphore_mem>>) src(%dma_wait3A_161 : memref<32x2048xf32, #tpu.memory_space<hbm>>) dst(%arg9 : memref<32x2048xf32, #tpu.memory_space<vmem>>)
      } else {
      }
      %ge3A_91 = arith.cmpi sge, %while3A_78, %select_n3A : i32
      %convert_element_type3A_92 = arith.extui %ge3A_91 : i1 to i32
      %cond3A_93 = arith.constant 0 : i32
      %cond3A_94 = arith.cmpi ne, %convert_element_type3A_92, %cond3A_93 : i32
      scf.if %cond3A_94 {
        %dma_wait3A = arith.constant 0 : i32
        %dma_wait3A_156 = arith.constant 0 : i32
        %dma_wait3A_157 = tpu.memref_slice %arg9[%dma_wait3A, %dma_wait3A_156] : memref<32x2048xf32, #tpu.memory_space<vmem>> -> memref<32x640xf32, #tpu.memory_space<vmem>>
        %dma_wait3A_158 = arith.constant 0 : i32
        %dma_wait3A_159 = arith.constant 0 : i32
        %dma_wait3A_160 = tpu.memref_slice %arg9[%dma_wait3A_158, %dma_wait3A_159] : memref<32x2048xf32, #tpu.memory_space<vmem>> -> memref<32x640xf32, #tpu.memory_space<vmem>>
        tpu.wait_dma2 semaphore(%arg15 : memref<!tpu.dma_semaphore, #tpu.memory_space<semaphore_mem>>) src(%arg4 : memref<32x640xf32, #tpu.memory_space<hbm>>) dst(%dma_wait3A_160 : memref<32x640xf32, #tpu.memory_space<vmem>>)
      } else {
      }
      %lt3A_95 = arith.cmpi slt, %while3A_78, %select_n3A : i32
      %jit3A_96 = arith.constant 2048 : i32
      %jit3A_97 = arith.constant 576 : i32
      %select_n3A_98 = arith.select %lt3A_95, %jit3A_96, %jit3A_97 : i32
      %lt3A_99 = arith.cmpi slt, %while3A_78, %select_n3A : i32
      %jit3A_100 = arith.constant 0 : i32
      %jit3A_101 = arith.constant 64 : i32
      %select_n3A_102 = arith.select %lt3A_99, %jit3A_100, %jit3A_101 : i32
      %mul3A_103 = arith.constant 2048 : i32
      %mul3A_104 = arith.muli %while3A_78, %mul3A_103 : i32
      %while3A_105 = arith.constant 0 : i32
      %while3A_106 = arith.constant 0 : i32
      %while3A_107 = arith.subi %select_n3A_44, %while3A_105 : i32
      %while3A_108 = arith.addi %while3A_105, %while3A_107 : i32
      %while3A_109 = arith.constant 1 : i32
      %while3A_110 = arith.divsi %while3A_107, %while3A_109 : i32
      %while3A_111 = arith.muli %while3A_110, %while3A_109 : i32
      %while3A_112 = arith.addi %while3A_105, %while3A_111 : i32
      %while3A_113 = arith.constant 1 : i32
      %while3A_114 = scf.for %while3A_156 = %while3A_105 to %while3A_112 step %while3A_113 iter_args(%while3A_157 = %while3A_106) -> (i32)  : i32 {
        %mul3A_158 = arith.constant 16 : i32
        %mul3A_159 = arith.muli %while3A_156, %mul3A_158 : i32
        %get3A = arith.index_cast %mul3A_159 : i32 to index
        %get3A_160 = tpu.vector_load %arg7[%get3A] {strides = array<i32>} : memref<16384xi32, #tpu.memory_space<vmem>>, vector<16xi32>,
        %iota3A = tpu.iota {dimensions = array<i32: 0>} : vector<16xi32>
        %mul3A_161 = arith.constant 16 : i32
        %mul3A_162 = arith.muli %while3A_156, %mul3A_161 : i32
        %sub3A_163 = arith.subi %scan3A_20, %mul3A_162 : i32
        %lt3A_164 = vector.broadcast %sub3A_163 : i32 to vector<16xi32>
        %lt3A_165 = arith.cmpi slt, %iota3A, %lt3A_164 : vector<16xi32>
        %shift_right_arithmetic3A = arith.constant 14 : i32
        %shift_right_arithmetic3A_166 = vector.broadcast %shift_right_arithmetic3A : i32 to vector<16xi32>
        %shift_right_arithmetic3A_167 = arith.shrsi %get3A_160, %shift_right_arithmetic3A_166 : vector<16xi32>
        %ge3A_168 = vector.broadcast %mul3A_104 : i32 to vector<16xi32>
        %ge3A_169 = arith.cmpi sge, %shift_right_arithmetic3A_167, %ge3A_168 : vector<16xi32>
        %and3A_170 = arith.andi %lt3A_165, %ge3A_169 : vector<16xi1>
        %add3A_171 = arith.addi %mul3A_104, %select_n3A_98 : i32
        %lt3A_172 = vector.broadcast %add3A_171 : i32 to vector<16xi32>
        %lt3A_173 = arith.cmpi slt, %shift_right_arithmetic3A_167, %lt3A_172 : vector<16xi32>
        %and3A_174 = arith.andi %and3A_170, %lt3A_173 : vector<16xi1>
        %sub3A_175 = vector.broadcast %mul3A_104 : i32 to vector<16xi32>
        %sub3A_176 = arith.subi %shift_right_arithmetic3A_167, %sub3A_175 : vector<16xi32>
        %shift_left3A = arith.constant 14 : i32
        %shift_left3A_177 = vector.broadcast %shift_left3A : i32 to vector<16xi32>
        %shift_left3A_178 = arith.shli %sub3A_176, %shift_left3A_177 : vector<16xi32>
        %and3A_179 = arith.constant 16383 : i32
        %and3A_180 = vector.broadcast %and3A_179 : i32 to vector<16xi32>
        %and3A_181 = arith.andi %get3A_160, %and3A_180 : vector<16xi32>
        %or3A = arith.ori %shift_left3A_178, %and3A_181 : vector<16xi32>
        %convert_element_type3A_182 = arith.extui %and3A_174 : vector<16xi1> to vector<16xi32>
        %broadcast_in_dim3A = arith.constant true
        %broadcast_in_dim3A_183 = vector.broadcast %broadcast_in_dim3A : i1 to vector<16xi1>
        %masked_cumsum3A = tpu.scan <sum>, %convert_element_type3A_182 masked %broadcast_in_dim3A_183 : vector<16xi32>, vector<16xi1> -> vector<16xi32>
        %add3A_184 = vector.broadcast %while3A_157 : i32 to vector<16xi32>
        %add3A_185 = arith.addi %add3A_184, %masked_cumsum3A : vector<16xi32>
        %sub3A_186 = arith.constant 1 : i32
        %sub3A_187 = vector.broadcast %sub3A_186 : i32 to vector<16xi32>
        %sub3A_188 = arith.subi %add3A_185, %sub3A_187 : vector<16xi32>
        tpu.vector_store_idx %arg8[%sub3A_188], %or3A masked %and3A_174 : memref<16384xi32, #tpu.memory_space<vmem>>[vector<16xi32>], vector<16xi32>, vector<16xi1>
        %slice3A = vector.extract_strided_slice %masked_cumsum3A {offsets = [15], sizes = [1], strides = [1]} : vector<16xi32> to vector<1xi32>
        %squeeze3A = vector.extract %slice3A[0] : i32 from vector<1xi32>
        %add3A_189 = arith.addi %while3A_157, %squeeze3A : i32
        scf.yield %add3A_189 : i32
      }
      %while3A_115 = arith.constant 1 : i32
      %while3A_116 = scf.for %while3A_156 = %while3A_112 to %while3A_108 step %while3A_115 iter_args(%while3A_157 = %while3A_114) -> (i32)  : i32 {
        %mul3A_158 = arith.constant 16 : i32
        %mul3A_159 = arith.muli %while3A_156, %mul3A_158 : i32
        %get3A = arith.index_cast %mul3A_159 : i32 to index
        %get3A_160 = tpu.vector_load %arg7[%get3A] {strides = array<i32>} : memref<16384xi32, #tpu.memory_space<vmem>>, vector<16xi32>,
        %iota3A = tpu.iota {dimensions = array<i32: 0>} : vector<16xi32>
        %mul3A_161 = arith.constant 16 : i32
        %mul3A_162 = arith.muli %while3A_156, %mul3A_161 : i32
        %sub3A_163 = arith.subi %scan3A_20, %mul3A_162 : i32
        %lt3A_164 = vector.broadcast %sub3A_163 : i32 to vector<16xi32>
        %lt3A_165 = arith.cmpi slt, %iota3A, %lt3A_164 : vector<16xi32>
        %shift_right_arithmetic3A = arith.constant 14 : i32
        %shift_right_arithmetic3A_166 = vector.broadcast %shift_right_arithmetic3A : i32 to vector<16xi32>
        %shift_right_arithmetic3A_167 = arith.shrsi %get3A_160, %shift_right_arithmetic3A_166 : vector<16xi32>
        %ge3A_168 = vector.broadcast %mul3A_104 : i32 to vector<16xi32>
        %ge3A_169 = arith.cmpi sge, %shift_right_arithmetic3A_167, %ge3A_168 : vector<16xi32>
        %and3A_170 = arith.andi %lt3A_165, %ge3A_169 : vector<16xi1>
        %add3A_171 = arith.addi %mul3A_104, %select_n3A_98 : i32
        %lt3A_172 = vector.broadcast %add3A_171 : i32 to vector<16xi32>
        %lt3A_173 = arith.cmpi slt, %shift_right_arithmetic3A_167, %lt3A_172 : vector<16xi32>
        %and3A_174 = arith.andi %and3A_170, %lt3A_173 : vector<16xi1>
        %sub3A_175 = vector.broadcast %mul3A_104 : i32 to vector<16xi32>
        %sub3A_176 = arith.subi %shift_right_arithmetic3A_167, %sub3A_175 : vector<16xi32>
        %shift_left3A = arith.constant 14 : i32
        %shift_left3A_177 = vector.broadcast %shift_left3A : i32 to vector<16xi32>
        %shift_left3A_178 = arith.shli %sub3A_176, %shift_left3A_177 : vector<16xi32>
        %and3A_179 = arith.constant 16383 : i32
        %and3A_180 = vector.broadcast %and3A_179 : i32 to vector<16xi32>
        %and3A_181 = arith.andi %get3A_160, %and3A_180 : vector<16xi32>
        %or3A = arith.ori %shift_left3A_178, %and3A_181 : vector<16xi32>
        %convert_element_type3A_182 = arith.extui %and3A_174 : vector<16xi1> to vector<16xi32>
        %broadcast_in_dim3A = arith.constant true
        %broadcast_in_dim3A_183 = vector.broadcast %broadcast_in_dim3A : i1 to vector<16xi1>
        %masked_cumsum3A = tpu.scan <sum>, %convert_element_type3A_182 masked %broadcast_in_dim3A_183 : vector<16xi32>, vector<16xi1> -> vector<16xi32>
        %add3A_184 = vector.broadcast %while3A_157 : i32 to vector<16xi32>
        %add3A_185 = arith.addi %add3A_184, %masked_cumsum3A : vector<16xi32>
        %sub3A_186 = arith.constant 1 : i32
        %sub3A_187 = vector.broadcast %sub3A_186 : i32 to vector<16xi32>
        %sub3A_188 = arith.subi %add3A_185, %sub3A_187 : vector<16xi32>
        tpu.vector_store_idx %arg8[%sub3A_188], %or3A masked %and3A_174 : memref<16384xi32, #tpu.memory_space<vmem>>[vector<16xi32>], vector<16xi32>, vector<16xi1>
        %slice3A = vector.extract_strided_slice %masked_cumsum3A {offsets = [15], sizes = [1], strides = [1]} : vector<16xi32> to vector<1xi32>
        %squeeze3A = vector.extract %slice3A[0] : i32 from vector<1xi32>
        %add3A_189 = arith.addi %while3A_157, %squeeze3A : i32
        scf.yield %add3A_189 : i32
      }
      %add3A_117 = arith.constant 16 : i32
      %add3A_118 = arith.addi %while3A_116, %add3A_117 : i32
      %sub3A_119 = arith.constant 1 : i32
      %sub3A_120 = arith.subi %add3A_118, %sub3A_119 : i32
      %jit3A_121 = arith.constant 16 : i32
      %div3A_122 = arith.divsi %sub3A_120, %jit3A_121 : i32
      %sign3A_123 = arith.constant 0 : i32
      %sign3A_124 = arith.cmpi sgt, %sub3A_120, %sign3A_123 : i32
      %sign3A_125 = arith.extui %sign3A_124 : i1 to i32
      %sign3A_126 = arith.constant 0 : i32
      %sign3A_127 = arith.cmpi slt, %sub3A_120, %sign3A_126 : i32
      %sign3A_128 = arith.extui %sign3A_127 : i1 to i32
      %sign3A_129 = arith.subi %sign3A_125, %sign3A_128 : i32
      %sign3A_130 = arith.constant 0 : i32
      %sign3A_131 = arith.cmpi sgt, %jit3A_121, %sign3A_130 : i32
      %sign3A_132 = arith.extui %sign3A_131 : i1 to i32
      %sign3A_133 = arith.constant 0 : i32
      %sign3A_134 = arith.cmpi slt, %jit3A_121, %sign3A_133 : i32
      %sign3A_135 = arith.extui %sign3A_134 : i1 to i32
      %sign3A_136 = arith.subi %sign3A_132, %sign3A_135 : i32
      %ne3A_137 = arith.cmpi ne, %sign3A_129, %sign3A_136 : i32
      %rem3A_138 = arith.remsi %sub3A_120, %jit3A_121 : i32
      %ne3A_139 = arith.constant 0 : i32
      %ne3A_140 = arith.cmpi ne, %rem3A_138, %ne3A_139 : i32
      %and3A_141 = arith.andi %ne3A_137, %ne3A_140 : i1
      %sub3A_142 = arith.constant 1 : i32
      %sub3A_143 = arith.subi %div3A_122, %sub3A_142 : i32
      %select_n3A_144 = arith.select %and3A_141, %sub3A_143, %div3A_122 : i32
      %while3A_145 = arith.constant 0 : i32
      %while3A_146 = arith.subi %select_n3A_144, %while3A_145 : i32
      %while3A_147 = arith.addi %while3A_145, %while3A_146 : i32
      %while3A_148 = arith.constant 1 : i32
      %while3A_149 = arith.divsi %while3A_146, %while3A_148 : i32
      %while3A_150 = arith.muli %while3A_149, %while3A_148 : i32
      %while3A_151 = arith.addi %while3A_145, %while3A_150 : i32
      %while3A_152 = arith.constant 1 : i32
      %while3A_153 = scf.for %while3A_156 = %while3A_145 to %while3A_151 step %while3A_152 iter_args(%while3A_157 = %while3A_79) -> (i32)  : i32 {
        %jit3A_158 = arith.constant 4 : i32
        %eq3A_159 = arith.constant 0 : i32
        %eq3A_160 = arith.cmpi eq, %jit3A_158, %eq3A_159 : i32
        %jit3A_161 = arith.constant 1 : i32
        %select_n3A_162 = arith.select %eq3A_160, %jit3A_161, %jit3A_158 : i32
        %rem3A_163 = arith.remsi %while3A_157, %select_n3A_162 : i32
        %ne3A_164 = arith.constant 0 : i32
        %ne3A_165 = arith.cmpi ne, %rem3A_163, %ne3A_164 : i32
        %lt3A_166 = arith.constant 0 : i32
        %lt3A_167 = arith.cmpi slt, %rem3A_163, %lt3A_166 : i32
        %lt3A_168 = arith.constant 0 : i32
        %lt3A_169 = arith.cmpi slt, %select_n3A_162, %lt3A_168 : i32
        %ne3A_170 = arith.xori %lt3A_167, %lt3A_169 : i1
        %and3A_171 = arith.andi %ne3A_170, %ne3A_165 : i1
        %add3A_172 = arith.addi %rem3A_163, %select_n3A_162 : i32
        %select_n3A_173 = arith.select %and3A_171, %add3A_172, %rem3A_163 : i32
        %mul3A_174 = arith.constant 16 : i32
        %mul3A_175 = arith.muli %while3A_156, %mul3A_174 : i32
        %get3A = arith.index_cast %mul3A_175 : i32 to index
        %get3A_176 = tpu.vector_load %arg8[%get3A] {strides = array<i32>} : memref<16384xi32, #tpu.memory_space<vmem>>, vector<16xi32>,
        %iota3A = tpu.iota {dimensions = array<i32: 0>} : vector<16xi32>
        %mul3A_177 = arith.constant 16 : i32
        %mul3A_178 = arith.muli %while3A_156, %mul3A_177 : i32
        %sub3A_179 = arith.subi %while3A_116, %mul3A_178 : i32
        %lt3A_180 = vector.broadcast %sub3A_179 : i32 to vector<16xi32>
        %lt3A_181 = arith.cmpi slt, %iota3A, %lt3A_180 : vector<16xi32>
        %shift_right_arithmetic3A = arith.constant 14 : i32
        %shift_right_arithmetic3A_182 = vector.broadcast %shift_right_arithmetic3A : i32 to vector<16xi32>
        %shift_right_arithmetic3A_183 = arith.shrsi %get3A_176, %shift_right_arithmetic3A_182 : vector<16xi32>
        %add3A_184 = vector.broadcast %select_n3A_102 : i32 to vector<16xi32>
        %add3A_185 = arith.addi %shift_right_arithmetic3A_183, %add3A_184 : vector<16xi32>
        %jit3A_186 = arith.constant 0 : i32
        %broadcast_in_dim3A = vector.broadcast %jit3A_186 : i32 to vector<16xi32>
        %select_n3A_187 = arith.select %lt3A_181, %add3A_185, %broadcast_in_dim3A : vector<16xi1>, vector<16xi32>
        %and3A_188 = arith.constant 16383 : i32
        %and3A_189 = vector.broadcast %and3A_188 : i32 to vector<16xi32>
        %and3A_190 = arith.andi %get3A_176, %and3A_189 : vector<16xi32>
        %jit3A_191 = arith.constant 16384 : i32
        %broadcast_in_dim3A_192 = vector.broadcast %jit3A_191 : i32 to vector<16xi32>
        %select_n3A_193 = arith.select %lt3A_181, %and3A_190, %broadcast_in_dim3A_192 : vector<16xi1>, vector<16xi32>
        %eq3A_194 = arith.constant 0 : i32
        %eq3A_195 = arith.cmpi eq, %select_n3A_173, %eq3A_194 : i32
        %convert_element_type3A_196 = arith.extui %eq3A_195 : i1 to i32
        %cond3A_197 = arith.constant 0 : i32
        %cond3A_198 = arith.cmpi ne, %convert_element_type3A_196, %cond3A_197 : i32
        scf.if %cond3A_198 {
          %ge3A_216 = arith.constant 4 : i32
          %ge3A_217 = arith.cmpi sge, %while3A_157, %ge3A_216 : i32
          %convert_element_type3A_218 = arith.extui %ge3A_217 : i1 to i32
          %cond3A_219 = arith.constant 0 : i32
          %cond3A_220 = arith.cmpi ne, %convert_element_type3A_218, %cond3A_219 : i32
          scf.if %cond3A_220 {
            %dma_wait3A = arith.constant 0 : i32
            %dma_wait3A_229 = arith.constant 0 : i32
            %dma_wait3A_230 = tpu.memref_slice %arg5[%dma_wait3A, %dma_wait3A_229] : memref<16400x128xf32, #tpu.memory_space<hbm>> -> memref<16x128xf32, #tpu.memory_space<hbm>>
            %dma_wait3A_231 = arith.constant 0 : i32
            %dma_wait3A_232 = arith.constant 0 : i32
            %dma_wait3A_233 = tpu.memref_slice %arg5[%dma_wait3A_231, %dma_wait3A_232] : memref<16400x128xf32, #tpu.memory_space<hbm>> -> memref<16x128xf32, #tpu.memory_space<hbm>>
            tpu.wait_dma2 semaphore(%arg16 : memref<!tpu.dma_semaphore, #tpu.memory_space<semaphore_mem>>) src(%arg10 : memref<16x128xf32, #tpu.memory_space<vmem>>) dst(%dma_wait3A_233 : memref<16x128xf32, #tpu.memory_space<hbm>>)
          } else {
          }
          %scan3A_221 = arith.constant 0 : i32
          %scan3A_222 = arith.constant 0 : i32
          %scan3A_223 = arith.constant 32 : i32
          %scan3A_224 = arith.addi %scan3A_222, %scan3A_223 : i32
          %scan3A_225 = arith.constant 1 : i32
          scf.for %scan3A_229 = %scan3A_222 to %scan3A_224 step %scan3A_225  : i32 {
            %broadcast_in_dim3A_230 = arith.constant 1 : i32
            %broadcast_in_dim3A_231 = vector.broadcast %broadcast_in_dim3A_230 : i32 to vector<16xi32>
            %mul3A_232 = vector.broadcast %scan3A_229 : i32 to vector<16xi32>
            %mul3A_233 = arith.muli %broadcast_in_dim3A_231, %mul3A_232 : vector<16xi32>
            %gather3A = tpu.vector_load_idx %arg9[%mul3A_233, %select_n3A_187] : memref<32x2048xf32, #tpu.memory_space<vmem>>[vector<16xi32>, vector<16xi32>], vector<16xf32>,
            %iota3A_234 = tpu.iota {dimensions = array<i32: 0>} : vector<16xi32>
            tpu.vector_store_idx %arg10[%iota3A_234, %mul3A_233], %gather3A : memref<16x128xf32, #tpu.memory_space<vmem>>[vector<16xi32>, vector<16xi32>], vector<16xf32>,
          }
          %scan3A_226 = arith.constant 32 : i32
          %dma_start3A = arith.constant 0 : i32
          %dma_start3A_227 = arith.constant 0 : i32
          %dma_start3A_228 = tpu.memref_slice %arg5[%dma_start3A, %dma_start3A_227] : memref<16400x128xf32, #tpu.memory_space<hbm>> -> memref<16400x128xf32, #tpu.memory_space<hbm>>
          tpu.enqueue_indirect_dma source(%arg10 : memref<16x128xf32, #tpu.memory_space<vmem>>) target(%dma_start3A_228 : memref<16400x128xf32, #tpu.memory_space<hbm>>) offsets(%select_n3A_193 : vector<16xi32>) semaphore(%arg16 : memref<!tpu.dma_semaphore, #tpu.memory_space<semaphore_mem>>)
        } else {
        }
        %eq3A_199 = arith.constant 1 : i32
        %eq3A_200 = arith.cmpi eq, %select_n3A_173, %eq3A_199 : i32
        %convert_element_type3A_201 = arith.extui %eq3A_200 : i1 to i32
        %cond3A_202 = arith.constant 0 : i32
        %cond3A_203 = arith.cmpi ne, %convert_element_type3A_201, %cond3A_202 : i32
        scf.if %cond3A_203 {
          %ge3A_216 = arith.constant 4 : i32
          %ge3A_217 = arith.cmpi sge, %while3A_157, %ge3A_216 : i32
          %convert_element_type3A_218 = arith.extui %ge3A_217 : i1 to i32
          %cond3A_219 = arith.constant 0 : i32
          %cond3A_220 = arith.cmpi ne, %convert_element_type3A_218, %cond3A_219 : i32
          scf.if %cond3A_220 {
            %dma_wait3A = arith.constant 0 : i32
            %dma_wait3A_229 = arith.constant 0 : i32
            %dma_wait3A_230 = tpu.memref_slice %arg5[%dma_wait3A, %dma_wait3A_229] : memref<16400x128xf32, #tpu.memory_space<hbm>> -> memref<16x128xf32, #tpu.memory_space<hbm>>
            %dma_wait3A_231 = arith.constant 0 : i32
            %dma_wait3A_232 = arith.constant 0 : i32
            %dma_wait3A_233 = tpu.memref_slice %arg5[%dma_wait3A_231, %dma_wait3A_232] : memref<16400x128xf32, #tpu.memory_space<hbm>> -> memref<16x128xf32, #tpu.memory_space<hbm>>
            tpu.wait_dma2 semaphore(%arg17 : memref<!tpu.dma_semaphore, #tpu.memory_space<semaphore_mem>>) src(%arg11 : memref<16x128xf32, #tpu.memory_space<vmem>>) dst(%dma_wait3A_233 : memref<16x128xf32, #tpu.memory_space<hbm>>)
          } else {
          }
          %scan3A_221 = arith.constant 0 : i32
          %scan3A_222 = arith.constant 0 : i32
          %scan3A_223 = arith.constant 32 : i32
          %scan3A_224 = arith.addi %scan3A_222, %scan3A_223 : i32
          %scan3A_225 = arith.constant 1 : i32
          scf.for %scan3A_229 = %scan3A_222 to %scan3A_224 step %scan3A_225  : i32 {
            %broadcast_in_dim3A_230 = arith.constant 1 : i32
            %broadcast_in_dim3A_231 = vector.broadcast %broadcast_in_dim3A_230 : i32 to vector<16xi32>
            %mul3A_232 = vector.broadcast %scan3A_229 : i32 to vector<16xi32>
            %mul3A_233 = arith.muli %broadcast_in_dim3A_231, %mul3A_232 : vector<16xi32>
            %gather3A = tpu.vector_load_idx %arg9[%mul3A_233, %select_n3A_187] : memref<32x2048xf32, #tpu.memory_space<vmem>>[vector<16xi32>, vector<16xi32>], vector<16xf32>,
            %iota3A_234 = tpu.iota {dimensions = array<i32: 0>} : vector<16xi32>
            tpu.vector_store_idx %arg11[%iota3A_234, %mul3A_233], %gather3A : memref<16x128xf32, #tpu.memory_space<vmem>>[vector<16xi32>, vector<16xi32>], vector<16xf32>,
          }
          %scan3A_226 = arith.constant 32 : i32
          %dma_start3A = arith.constant 0 : i32
          %dma_start3A_227 = arith.constant 0 : i32
          %dma_start3A_228 = tpu.memref_slice %arg5[%dma_start3A, %dma_start3A_227] : memref<16400x128xf32, #tpu.memory_space<hbm>> -> memref<16400x128xf32, #tpu.memory_space<hbm>>
          tpu.enqueue_indirect_dma source(%arg11 : memref<16x128xf32, #tpu.memory_space<vmem>>) target(%dma_start3A_228 : memref<16400x128xf32, #tpu.memory_space<hbm>>) offsets(%select_n3A_193 : vector<16xi32>) semaphore(%arg17 : memref<!tpu.dma_semaphore, #tpu.memory_space<semaphore_mem>>)
        } else {
        }
        %eq3A_204 = arith.constant 2 : i32
        %eq3A_205 = arith.cmpi eq, %select_n3A_173, %eq3A_204 : i32
        %convert_element_type3A_206 = arith.extui %eq3A_205 : i1 to i32
        %cond3A_207 = arith.constant 0 : i32
        %cond3A_208 = arith.cmpi ne, %convert_element_type3A_206, %cond3A_207 : i32
        scf.if %cond3A_208 {
          %ge3A_216 = arith.constant 4 : i32
          %ge3A_217 = arith.cmpi sge, %while3A_157, %ge3A_216 : i32
          %convert_element_type3A_218 = arith.extui %ge3A_217 : i1 to i32
          %cond3A_219 = arith.constant 0 : i32
          %cond3A_220 = arith.cmpi ne, %convert_element_type3A_218, %cond3A_219 : i32
          scf.if %cond3A_220 {
            %dma_wait3A = arith.constant 0 : i32
            %dma_wait3A_229 = arith.constant 0 : i32
            %dma_wait3A_230 = tpu.memref_slice %arg5[%dma_wait3A, %dma_wait3A_229] : memref<16400x128xf32, #tpu.memory_space<hbm>> -> memref<16x128xf32, #tpu.memory_space<hbm>>
            %dma_wait3A_231 = arith.constant 0 : i32
            %dma_wait3A_232 = arith.constant 0 : i32
            %dma_wait3A_233 = tpu.memref_slice %arg5[%dma_wait3A_231, %dma_wait3A_232] : memref<16400x128xf32, #tpu.memory_space<hbm>> -> memref<16x128xf32, #tpu.memory_space<hbm>>
            tpu.wait_dma2 semaphore(%arg18 : memref<!tpu.dma_semaphore, #tpu.memory_space<semaphore_mem>>) src(%arg12 : memref<16x128xf32, #tpu.memory_space<vmem>>) dst(%dma_wait3A_233 : memref<16x128xf32, #tpu.memory_space<hbm>>)
          } else {
          }
          %scan3A_221 = arith.constant 0 : i32
          %scan3A_222 = arith.constant 0 : i32
          %scan3A_223 = arith.constant 32 : i32
          %scan3A_224 = arith.addi %scan3A_222, %scan3A_223 : i32
          %scan3A_225 = arith.constant 1 : i32
          scf.for %scan3A_229 = %scan3A_222 to %scan3A_224 step %scan3A_225  : i32 {
            %broadcast_in_dim3A_230 = arith.constant 1 : i32
            %broadcast_in_dim3A_231 = vector.broadcast %broadcast_in_dim3A_230 : i32 to vector<16xi32>
            %mul3A_232 = vector.broadcast %scan3A_229 : i32 to vector<16xi32>
            %mul3A_233 = arith.muli %broadcast_in_dim3A_231, %mul3A_232 : vector<16xi32>
            %gather3A = tpu.vector_load_idx %arg9[%mul3A_233, %select_n3A_187] : memref<32x2048xf32, #tpu.memory_space<vmem>>[vector<16xi32>, vector<16xi32>], vector<16xf32>,
            %iota3A_234 = tpu.iota {dimensions = array<i32: 0>} : vector<16xi32>
            tpu.vector_store_idx %arg12[%iota3A_234, %mul3A_233], %gather3A : memref<16x128xf32, #tpu.memory_space<vmem>>[vector<16xi32>, vector<16xi32>], vector<16xf32>,
          }
          %scan3A_226 = arith.constant 32 : i32
          %dma_start3A = arith.constant 0 : i32
          %dma_start3A_227 = arith.constant 0 : i32
          %dma_start3A_228 = tpu.memref_slice %arg5[%dma_start3A, %dma_start3A_227] : memref<16400x128xf32, #tpu.memory_space<hbm>> -> memref<16400x128xf32, #tpu.memory_space<hbm>>
          tpu.enqueue_indirect_dma source(%arg12 : memref<16x128xf32, #tpu.memory_space<vmem>>) target(%dma_start3A_228 : memref<16400x128xf32, #tpu.memory_space<hbm>>) offsets(%select_n3A_193 : vector<16xi32>) semaphore(%arg18 : memref<!tpu.dma_semaphore, #tpu.memory_space<semaphore_mem>>)
        } else {
        }
        %eq3A_209 = arith.constant 3 : i32
        %eq3A_210 = arith.cmpi eq, %select_n3A_173, %eq3A_209 : i32
        %convert_element_type3A_211 = arith.extui %eq3A_210 : i1 to i32
        %cond3A_212 = arith.constant 0 : i32
        %cond3A_213 = arith.cmpi ne, %convert_element_type3A_211, %cond3A_212 : i32
        scf.if %cond3A_213 {
          %ge3A_216 = arith.constant 4 : i32
          %ge3A_217 = arith.cmpi sge, %while3A_157, %ge3A_216 : i32
          %convert_element_type3A_218 = arith.extui %ge3A_217 : i1 to i32
          %cond3A_219 = arith.constant 0 : i32
          %cond3A_220 = arith.cmpi ne, %convert_element_type3A_218, %cond3A_219 : i32
          scf.if %cond3A_220 {
            %dma_wait3A = arith.constant 0 : i32
            %dma_wait3A_229 = arith.constant 0 : i32
            %dma_wait3A_230 = tpu.memref_slice %arg5[%dma_wait3A, %dma_wait3A_229] : memref<16400x128xf32, #tpu.memory_space<hbm>> -> memref<16x128xf32, #tpu.memory_space<hbm>>
            %dma_wait3A_231 = arith.constant 0 : i32
            %dma_wait3A_232 = arith.constant 0 : i32
            %dma_wait3A_233 = tpu.memref_slice %arg5[%dma_wait3A_231, %dma_wait3A_232] : memref<16400x128xf32, #tpu.memory_space<hbm>> -> memref<16x128xf32, #tpu.memory_space<hbm>>
            tpu.wait_dma2 semaphore(%arg19 : memref<!tpu.dma_semaphore, #tpu.memory_space<semaphore_mem>>) src(%arg13 : memref<16x128xf32, #tpu.memory_space<vmem>>) dst(%dma_wait3A_233 : memref<16x128xf32, #tpu.memory_space<hbm>>)
          } else {
          }
          %scan3A_221 = arith.constant 0 : i32
          %scan3A_222 = arith.constant 0 : i32
          %scan3A_223 = arith.constant 32 : i32
          %scan3A_224 = arith.addi %scan3A_222, %scan3A_223 : i32
          %scan3A_225 = arith.constant 1 : i32
          scf.for %scan3A_229 = %scan3A_222 to %scan3A_224 step %scan3A_225  : i32 {
            %broadcast_in_dim3A_230 = arith.constant 1 : i32
            %broadcast_in_dim3A_231 = vector.broadcast %broadcast_in_dim3A_230 : i32 to vector<16xi32>
            %mul3A_232 = vector.broadcast %scan3A_229 : i32 to vector<16xi32>
            %mul3A_233 = arith.muli %broadcast_in_dim3A_231, %mul3A_232 : vector<16xi32>
            %gather3A = tpu.vector_load_idx %arg9[%mul3A_233, %select_n3A_187] : memref<32x2048xf32, #tpu.memory_space<vmem>>[vector<16xi32>, vector<16xi32>], vector<16xf32>,
            %iota3A_234 = tpu.iota {dimensions = array<i32: 0>} : vector<16xi32>
            tpu.vector_store_idx %arg13[%iota3A_234, %mul3A_233], %gather3A : memref<16x128xf32, #tpu.memory_space<vmem>>[vector<16xi32>, vector<16xi32>], vector<16xf32>,
          }
          %scan3A_226 = arith.constant 32 : i32
          %dma_start3A = arith.constant 0 : i32
          %dma_start3A_227 = arith.constant 0 : i32
          %dma_start3A_228 = tpu.memref_slice %arg5[%dma_start3A, %dma_start3A_227] : memref<16400x128xf32, #tpu.memory_space<hbm>> -> memref<16400x128xf32, #tpu.memory_space<hbm>>
          tpu.enqueue_indirect_dma source(%arg13 : memref<16x128xf32, #tpu.memory_space<vmem>>) target(%dma_start3A_228 : memref<16400x128xf32, #tpu.memory_space<hbm>>) offsets(%select_n3A_193 : vector<16xi32>) semaphore(%arg19 : memref<!tpu.dma_semaphore, #tpu.memory_space<semaphore_mem>>)
        } else {
        }
        %add3A_214 = arith.constant 1 : i32
        %add3A_215 = arith.addi %while3A_157, %add3A_214 : i32
        scf.yield %add3A_215 : i32
      }
      %while3A_154 = arith.constant 1 : i32
      %while3A_155 = scf.for %while3A_156 = %while3A_151 to %while3A_147 step %while3A_154 iter_args(%while3A_157 = %while3A_153) -> (i32)  : i32 {
        %jit3A_158 = arith.constant 4 : i32
        %eq3A_159 = arith.constant 0 : i32
        %eq3A_160 = arith.cmpi eq, %jit3A_158, %eq3A_159 : i32
        %jit3A_161 = arith.constant 1 : i32
        %select_n3A_162 = arith.select %eq3A_160, %jit3A_161, %jit3A_158 : i32
        %rem3A_163 = arith.remsi %while3A_157, %select_n3A_162 : i32
        %ne3A_164 = arith.constant 0 : i32
        %ne3A_165 = arith.cmpi ne, %rem3A_163, %ne3A_164 : i32
        %lt3A_166 = arith.constant 0 : i32
        %lt3A_167 = arith.cmpi slt, %rem3A_163, %lt3A_166 : i32
        %lt3A_168 = arith.constant 0 : i32
        %lt3A_169 = arith.cmpi slt, %select_n3A_162, %lt3A_168 : i32
        %ne3A_170 = arith.xori %lt3A_167, %lt3A_169 : i1
        %and3A_171 = arith.andi %ne3A_170, %ne3A_165 : i1
        %add3A_172 = arith.addi %rem3A_163, %select_n3A_162 : i32
        %select_n3A_173 = arith.select %and3A_171, %add3A_172, %rem3A_163 : i32
        %mul3A_174 = arith.constant 16 : i32
        %mul3A_175 = arith.muli %while3A_156, %mul3A_174 : i32
        %get3A = arith.index_cast %mul3A_175 : i32 to index
        %get3A_176 = tpu.vector_load %arg8[%get3A] {strides = array<i32>} : memref<16384xi32, #tpu.memory_space<vmem>>, vector<16xi32>,
        %iota3A = tpu.iota {dimensions = array<i32: 0>} : vector<16xi32>
        %mul3A_177 = arith.constant 16 : i32
        %mul3A_178 = arith.muli %while3A_156, %mul3A_177 : i32
        %sub3A_179 = arith.subi %while3A_116, %mul3A_178 : i32
        %lt3A_180 = vector.broadcast %sub3A_179 : i32 to vector<16xi32>
        %lt3A_181 = arith.cmpi slt, %iota3A, %lt3A_180 : vector<16xi32>
        %shift_right_arithmetic3A = arith.constant 14 : i32
        %shift_right_arithmetic3A_182 = vector.broadcast %shift_right_arithmetic3A : i32 to vector<16xi32>
        %shift_right_arithmetic3A_183 = arith.shrsi %get3A_176, %shift_right_arithmetic3A_182 : vector<16xi32>
        %add3A_184 = vector.broadcast %select_n3A_102 : i32 to vector<16xi32>
        %add3A_185 = arith.addi %shift_right_arithmetic3A_183, %add3A_184 : vector<16xi32>
        %jit3A_186 = arith.constant 0 : i32
        %broadcast_in_dim3A = vector.broadcast %jit3A_186 : i32 to vector<16xi32>
        %select_n3A_187 = arith.select %lt3A_181, %add3A_185, %broadcast_in_dim3A : vector<16xi1>, vector<16xi32>
        %and3A_188 = arith.constant 16383 : i32
        %and3A_189 = vector.broadcast %and3A_188 : i32 to vector<16xi32>
        %and3A_190 = arith.andi %get3A_176, %and3A_189 : vector<16xi32>
        %jit3A_191 = arith.constant 16384 : i32
        %broadcast_in_dim3A_192 = vector.broadcast %jit3A_191 : i32 to vector<16xi32>
        %select_n3A_193 = arith.select %lt3A_181, %and3A_190, %broadcast_in_dim3A_192 : vector<16xi1>, vector<16xi32>
        %eq3A_194 = arith.constant 0 : i32
        %eq3A_195 = arith.cmpi eq, %select_n3A_173, %eq3A_194 : i32
        %convert_element_type3A_196 = arith.extui %eq3A_195 : i1 to i32
        %cond3A_197 = arith.constant 0 : i32
        %cond3A_198 = arith.cmpi ne, %convert_element_type3A_196, %cond3A_197 : i32
        scf.if %cond3A_198 {
          %ge3A_216 = arith.constant 4 : i32
          %ge3A_217 = arith.cmpi sge, %while3A_157, %ge3A_216 : i32
          %convert_element_type3A_218 = arith.extui %ge3A_217 : i1 to i32
          %cond3A_219 = arith.constant 0 : i32
          %cond3A_220 = arith.cmpi ne, %convert_element_type3A_218, %cond3A_219 : i32
          scf.if %cond3A_220 {
            %dma_wait3A = arith.constant 0 : i32
            %dma_wait3A_229 = arith.constant 0 : i32
            %dma_wait3A_230 = tpu.memref_slice %arg5[%dma_wait3A, %dma_wait3A_229] : memref<16400x128xf32, #tpu.memory_space<hbm>> -> memref<16x128xf32, #tpu.memory_space<hbm>>
            %dma_wait3A_231 = arith.constant 0 : i32
            %dma_wait3A_232 = arith.constant 0 : i32
            %dma_wait3A_233 = tpu.memref_slice %arg5[%dma_wait3A_231, %dma_wait3A_232] : memref<16400x128xf32, #tpu.memory_space<hbm>> -> memref<16x128xf32, #tpu.memory_space<hbm>>
            tpu.wait_dma2 semaphore(%arg16 : memref<!tpu.dma_semaphore, #tpu.memory_space<semaphore_mem>>) src(%arg10 : memref<16x128xf32, #tpu.memory_space<vmem>>) dst(%dma_wait3A_233 : memref<16x128xf32, #tpu.memory_space<hbm>>)
          } else {
          }
          %scan3A_221 = arith.constant 0 : i32
          %scan3A_222 = arith.constant 0 : i32
          %scan3A_223 = arith.constant 32 : i32
          %scan3A_224 = arith.addi %scan3A_222, %scan3A_223 : i32
          %scan3A_225 = arith.constant 1 : i32
          scf.for %scan3A_229 = %scan3A_222 to %scan3A_224 step %scan3A_225  : i32 {
            %broadcast_in_dim3A_230 = arith.constant 1 : i32
            %broadcast_in_dim3A_231 = vector.broadcast %broadcast_in_dim3A_230 : i32 to vector<16xi32>
            %mul3A_232 = vector.broadcast %scan3A_229 : i32 to vector<16xi32>
            %mul3A_233 = arith.muli %broadcast_in_dim3A_231, %mul3A_232 : vector<16xi32>
            %gather3A = tpu.vector_load_idx %arg9[%mul3A_233, %select_n3A_187] : memref<32x2048xf32, #tpu.memory_space<vmem>>[vector<16xi32>, vector<16xi32>], vector<16xf32>,
            %iota3A_234 = tpu.iota {dimensions = array<i32: 0>} : vector<16xi32>
            tpu.vector_store_idx %arg10[%iota3A_234, %mul3A_233], %gather3A : memref<16x128xf32, #tpu.memory_space<vmem>>[vector<16xi32>, vector<16xi32>], vector<16xf32>,
          }
          %scan3A_226 = arith.constant 32 : i32
          %dma_start3A = arith.constant 0 : i32
          %dma_start3A_227 = arith.constant 0 : i32
          %dma_start3A_228 = tpu.memref_slice %arg5[%dma_start3A, %dma_start3A_227] : memref<16400x128xf32, #tpu.memory_space<hbm>> -> memref<16400x128xf32, #tpu.memory_space<hbm>>
          tpu.enqueue_indirect_dma source(%arg10 : memref<16x128xf32, #tpu.memory_space<vmem>>) target(%dma_start3A_228 : memref<16400x128xf32, #tpu.memory_space<hbm>>) offsets(%select_n3A_193 : vector<16xi32>) semaphore(%arg16 : memref<!tpu.dma_semaphore, #tpu.memory_space<semaphore_mem>>)
        } else {
        }
        %eq3A_199 = arith.constant 1 : i32
        %eq3A_200 = arith.cmpi eq, %select_n3A_173, %eq3A_199 : i32
        %convert_element_type3A_201 = arith.extui %eq3A_200 : i1 to i32
        %cond3A_202 = arith.constant 0 : i32
        %cond3A_203 = arith.cmpi ne, %convert_element_type3A_201, %cond3A_202 : i32
        scf.if %cond3A_203 {
          %ge3A_216 = arith.constant 4 : i32
          %ge3A_217 = arith.cmpi sge, %while3A_157, %ge3A_216 : i32
          %convert_element_type3A_218 = arith.extui %ge3A_217 : i1 to i32
          %cond3A_219 = arith.constant 0 : i32
          %cond3A_220 = arith.cmpi ne, %convert_element_type3A_218, %cond3A_219 : i32
          scf.if %cond3A_220 {
            %dma_wait3A = arith.constant 0 : i32
            %dma_wait3A_229 = arith.constant 0 : i32
            %dma_wait3A_230 = tpu.memref_slice %arg5[%dma_wait3A, %dma_wait3A_229] : memref<16400x128xf32, #tpu.memory_space<hbm>> -> memref<16x128xf32, #tpu.memory_space<hbm>>
            %dma_wait3A_231 = arith.constant 0 : i32
            %dma_wait3A_232 = arith.constant 0 : i32
            %dma_wait3A_233 = tpu.memref_slice %arg5[%dma_wait3A_231, %dma_wait3A_232] : memref<16400x128xf32, #tpu.memory_space<hbm>> -> memref<16x128xf32, #tpu.memory_space<hbm>>
            tpu.wait_dma2 semaphore(%arg17 : memref<!tpu.dma_semaphore, #tpu.memory_space<semaphore_mem>>) src(%arg11 : memref<16x128xf32, #tpu.memory_space<vmem>>) dst(%dma_wait3A_233 : memref<16x128xf32, #tpu.memory_space<hbm>>)
          } else {
          }
          %scan3A_221 = arith.constant 0 : i32
          %scan3A_222 = arith.constant 0 : i32
          %scan3A_223 = arith.constant 32 : i32
          %scan3A_224 = arith.addi %scan3A_222, %scan3A_223 : i32
          %scan3A_225 = arith.constant 1 : i32
          scf.for %scan3A_229 = %scan3A_222 to %scan3A_224 step %scan3A_225  : i32 {
            %broadcast_in_dim3A_230 = arith.constant 1 : i32
            %broadcast_in_dim3A_231 = vector.broadcast %broadcast_in_dim3A_230 : i32 to vector<16xi32>
            %mul3A_232 = vector.broadcast %scan3A_229 : i32 to vector<16xi32>
            %mul3A_233 = arith.muli %broadcast_in_dim3A_231, %mul3A_232 : vector<16xi32>
            %gather3A = tpu.vector_load_idx %arg9[%mul3A_233, %select_n3A_187] : memref<32x2048xf32, #tpu.memory_space<vmem>>[vector<16xi32>, vector<16xi32>], vector<16xf32>,
            %iota3A_234 = tpu.iota {dimensions = array<i32: 0>} : vector<16xi32>
            tpu.vector_store_idx %arg11[%iota3A_234, %mul3A_233], %gather3A : memref<16x128xf32, #tpu.memory_space<vmem>>[vector<16xi32>, vector<16xi32>], vector<16xf32>,
          }
          %scan3A_226 = arith.constant 32 : i32
          %dma_start3A = arith.constant 0 : i32
          %dma_start3A_227 = arith.constant 0 : i32
          %dma_start3A_228 = tpu.memref_slice %arg5[%dma_start3A, %dma_start3A_227] : memref<16400x128xf32, #tpu.memory_space<hbm>> -> memref<16400x128xf32, #tpu.memory_space<hbm>>
          tpu.enqueue_indirect_dma source(%arg11 : memref<16x128xf32, #tpu.memory_space<vmem>>) target(%dma_start3A_228 : memref<16400x128xf32, #tpu.memory_space<hbm>>) offsets(%select_n3A_193 : vector<16xi32>) semaphore(%arg17 : memref<!tpu.dma_semaphore, #tpu.memory_space<semaphore_mem>>)
        } else {
        }
        %eq3A_204 = arith.constant 2 : i32
        %eq3A_205 = arith.cmpi eq, %select_n3A_173, %eq3A_204 : i32
        %convert_element_type3A_206 = arith.extui %eq3A_205 : i1 to i32
        %cond3A_207 = arith.constant 0 : i32
        %cond3A_208 = arith.cmpi ne, %convert_element_type3A_206, %cond3A_207 : i32
        scf.if %cond3A_208 {
          %ge3A_216 = arith.constant 4 : i32
          %ge3A_217 = arith.cmpi sge, %while3A_157, %ge3A_216 : i32
          %convert_element_type3A_218 = arith.extui %ge3A_217 : i1 to i32
          %cond3A_219 = arith.constant 0 : i32
          %cond3A_220 = arith.cmpi ne, %convert_element_type3A_218, %cond3A_219 : i32
          scf.if %cond3A_220 {
            %dma_wait3A = arith.constant 0 : i32
            %dma_wait3A_229 = arith.constant 0 : i32
            %dma_wait3A_230 = tpu.memref_slice %arg5[%dma_wait3A, %dma_wait3A_229] : memref<16400x128xf32, #tpu.memory_space<hbm>> -> memref<16x128xf32, #tpu.memory_space<hbm>>
            %dma_wait3A_231 = arith.constant 0 : i32
            %dma_wait3A_232 = arith.constant 0 : i32
            %dma_wait3A_233 = tpu.memref_slice %arg5[%dma_wait3A_231, %dma_wait3A_232] : memref<16400x128xf32, #tpu.memory_space<hbm>> -> memref<16x128xf32, #tpu.memory_space<hbm>>
            tpu.wait_dma2 semaphore(%arg18 : memref<!tpu.dma_semaphore, #tpu.memory_space<semaphore_mem>>) src(%arg12 : memref<16x128xf32, #tpu.memory_space<vmem>>) dst(%dma_wait3A_233 : memref<16x128xf32, #tpu.memory_space<hbm>>)
          } else {
          }
          %scan3A_221 = arith.constant 0 : i32
          %scan3A_222 = arith.constant 0 : i32
          %scan3A_223 = arith.constant 32 : i32
          %scan3A_224 = arith.addi %scan3A_222, %scan3A_223 : i32
          %scan3A_225 = arith.constant 1 : i32
          scf.for %scan3A_229 = %scan3A_222 to %scan3A_224 step %scan3A_225  : i32 {
            %broadcast_in_dim3A_230 = arith.constant 1 : i32
            %broadcast_in_dim3A_231 = vector.broadcast %broadcast_in_dim3A_230 : i32 to vector<16xi32>
            %mul3A_232 = vector.broadcast %scan3A_229 : i32 to vector<16xi32>
            %mul3A_233 = arith.muli %broadcast_in_dim3A_231, %mul3A_232 : vector<16xi32>
            %gather3A = tpu.vector_load_idx %arg9[%mul3A_233, %select_n3A_187] : memref<32x2048xf32, #tpu.memory_space<vmem>>[vector<16xi32>, vector<16xi32>], vector<16xf32>,
            %iota3A_234 = tpu.iota {dimensions = array<i32: 0>} : vector<16xi32>
            tpu.vector_store_idx %arg12[%iota3A_234, %mul3A_233], %gather3A : memref<16x128xf32, #tpu.memory_space<vmem>>[vector<16xi32>, vector<16xi32>], vector<16xf32>,
          }
          %scan3A_226 = arith.constant 32 : i32
          %dma_start3A = arith.constant 0 : i32
          %dma_start3A_227 = arith.constant 0 : i32
          %dma_start3A_228 = tpu.memref_slice %arg5[%dma_start3A, %dma_start3A_227] : memref<16400x128xf32, #tpu.memory_space<hbm>> -> memref<16400x128xf32, #tpu.memory_space<hbm>>
          tpu.enqueue_indirect_dma source(%arg12 : memref<16x128xf32, #tpu.memory_space<vmem>>) target(%dma_start3A_228 : memref<16400x128xf32, #tpu.memory_space<hbm>>) offsets(%select_n3A_193 : vector<16xi32>) semaphore(%arg18 : memref<!tpu.dma_semaphore, #tpu.memory_space<semaphore_mem>>)
        } else {
        }
        %eq3A_209 = arith.constant 3 : i32
        %eq3A_210 = arith.cmpi eq, %select_n3A_173, %eq3A_209 : i32
        %convert_element_type3A_211 = arith.extui %eq3A_210 : i1 to i32
        %cond3A_212 = arith.constant 0 : i32
        %cond3A_213 = arith.cmpi ne, %convert_element_type3A_211, %cond3A_212 : i32
        scf.if %cond3A_213 {
          %ge3A_216 = arith.constant 4 : i32
          %ge3A_217 = arith.cmpi sge, %while3A_157, %ge3A_216 : i32
          %convert_element_type3A_218 = arith.extui %ge3A_217 : i1 to i32
          %cond3A_219 = arith.constant 0 : i32
          %cond3A_220 = arith.cmpi ne, %convert_element_type3A_218, %cond3A_219 : i32
          scf.if %cond3A_220 {
            %dma_wait3A = arith.constant 0 : i32
            %dma_wait3A_229 = arith.constant 0 : i32
            %dma_wait3A_230 = tpu.memref_slice %arg5[%dma_wait3A, %dma_wait3A_229] : memref<16400x128xf32, #tpu.memory_space<hbm>> -> memref<16x128xf32, #tpu.memory_space<hbm>>
            %dma_wait3A_231 = arith.constant 0 : i32
            %dma_wait3A_232 = arith.constant 0 : i32
            %dma_wait3A_233 = tpu.memref_slice %arg5[%dma_wait3A_231, %dma_wait3A_232] : memref<16400x128xf32, #tpu.memory_space<hbm>> -> memref<16x128xf32, #tpu.memory_space<hbm>>
            tpu.wait_dma2 semaphore(%arg19 : memref<!tpu.dma_semaphore, #tpu.memory_space<semaphore_mem>>) src(%arg13 : memref<16x128xf32, #tpu.memory_space<vmem>>) dst(%dma_wait3A_233 : memref<16x128xf32, #tpu.memory_space<hbm>>)
          } else {
          }
          %scan3A_221 = arith.constant 0 : i32
          %scan3A_222 = arith.constant 0 : i32
          %scan3A_223 = arith.constant 32 : i32
          %scan3A_224 = arith.addi %scan3A_222, %scan3A_223 : i32
          %scan3A_225 = arith.constant 1 : i32
          scf.for %scan3A_229 = %scan3A_222 to %scan3A_224 step %scan3A_225  : i32 {
            %broadcast_in_dim3A_230 = arith.constant 1 : i32
            %broadcast_in_dim3A_231 = vector.broadcast %broadcast_in_dim3A_230 : i32 to vector<16xi32>
            %mul3A_232 = vector.broadcast %scan3A_229 : i32 to vector<16xi32>
            %mul3A_233 = arith.muli %broadcast_in_dim3A_231, %mul3A_232 : vector<16xi32>
            %gather3A = tpu.vector_load_idx %arg9[%mul3A_233, %select_n3A_187] : memref<32x2048xf32, #tpu.memory_space<vmem>>[vector<16xi32>, vector<16xi32>], vector<16xf32>,
            %iota3A_234 = tpu.iota {dimensions = array<i32: 0>} : vector<16xi32>
            tpu.vector_store_idx %arg13[%iota3A_234, %mul3A_233], %gather3A : memref<16x128xf32, #tpu.memory_space<vmem>>[vector<16xi32>, vector<16xi32>], vector<16xf32>,
          }
          %scan3A_226 = arith.constant 32 : i32
          %dma_start3A = arith.constant 0 : i32
          %dma_start3A_227 = arith.constant 0 : i32
          %dma_start3A_228 = tpu.memref_slice %arg5[%dma_start3A, %dma_start3A_227] : memref<16400x128xf32, #tpu.memory_space<hbm>> -> memref<16400x128xf32, #tpu.memory_space<hbm>>
          tpu.enqueue_indirect_dma source(%arg13 : memref<16x128xf32, #tpu.memory_space<vmem>>) target(%dma_start3A_228 : memref<16400x128xf32, #tpu.memory_space<hbm>>) offsets(%select_n3A_193 : vector<16xi32>) semaphore(%arg19 : memref<!tpu.dma_semaphore, #tpu.memory_space<semaphore_mem>>)
        } else {
        }
        %add3A_214 = arith.constant 1 : i32
        %add3A_215 = arith.addi %while3A_157, %add3A_214 : i32
        scf.yield %add3A_215 : i32
      }
      scf.yield %while3A_155 : i32
    }
    %ge3A_59 = arith.constant 1 : i32
    %ge3A_60 = arith.cmpi sge, %while3A_58, %ge3A_59 : i32
    %convert_element_type3A_61 = arith.extui %ge3A_60 : i1 to i32
    %cond3A = arith.constant 0 : i32
    %cond3A_62 = arith.cmpi ne, %convert_element_type3A_61, %cond3A : i32
    scf.if %cond3A_62 {
      %dma_wait3A = arith.constant 0 : i32
      %dma_wait3A_78 = arith.constant 0 : i32
      %dma_wait3A_79 = tpu.memref_slice %arg5[%dma_wait3A, %dma_wait3A_78] : memref<16400x128xf32, #tpu.memory_space<hbm>> -> memref<16x128xf32, #tpu.memory_space<hbm>>
      %dma_wait3A_80 = arith.constant 0 : i32
      %dma_wait3A_81 = arith.constant 0 : i32
      %dma_wait3A_82 = tpu.memref_slice %arg5[%dma_wait3A_80, %dma_wait3A_81] : memref<16400x128xf32, #tpu.memory_space<hbm>> -> memref<16x128xf32, #tpu.memory_space<hbm>>
      tpu.wait_dma2 semaphore(%arg16 : memref<!tpu.dma_semaphore, #tpu.memory_space<semaphore_mem>>) src(%arg10 : memref<16x128xf32, #tpu.memory_space<vmem>>) dst(%dma_wait3A_82 : memref<16x128xf32, #tpu.memory_space<hbm>>)
    } else {
    }
    %ge3A_63 = arith.constant 2 : i32
    %ge3A_64 = arith.cmpi sge, %while3A_58, %ge3A_63 : i32
    %convert_element_type3A_65 = arith.extui %ge3A_64 : i1 to i32
    %cond3A_66 = arith.constant 0 : i32
    %cond3A_67 = arith.cmpi ne, %convert_element_type3A_65, %cond3A_66 : i32
    scf.if %cond3A_67 {
      %dma_wait3A = arith.constant 0 : i32
      %dma_wait3A_78 = arith.constant 0 : i32
      %dma_wait3A_79 = tpu.memref_slice %arg5[%dma_wait3A, %dma_wait3A_78] : memref<16400x128xf32, #tpu.memory_space<hbm>> -> memref<16x128xf32, #tpu.memory_space<hbm>>
      %dma_wait3A_80 = arith.constant 0 : i32
      %dma_wait3A_81 = arith.constant 0 : i32
      %dma_wait3A_82 = tpu.memref_slice %arg5[%dma_wait3A_80, %dma_wait3A_81] : memref<16400x128xf32, #tpu.memory_space<hbm>> -> memref<16x128xf32, #tpu.memory_space<hbm>>
      tpu.wait_dma2 semaphore(%arg17 : memref<!tpu.dma_semaphore, #tpu.memory_space<semaphore_mem>>) src(%arg11 : memref<16x128xf32, #tpu.memory_space<vmem>>) dst(%dma_wait3A_82 : memref<16x128xf32, #tpu.memory_space<hbm>>)
    } else {
    }
    %ge3A_68 = arith.constant 3 : i32
    %ge3A_69 = arith.cmpi sge, %while3A_58, %ge3A_68 : i32
    %convert_element_type3A_70 = arith.extui %ge3A_69 : i1 to i32
    %cond3A_71 = arith.constant 0 : i32
    %cond3A_72 = arith.cmpi ne, %convert_element_type3A_70, %cond3A_71 : i32
    scf.if %cond3A_72 {
      %dma_wait3A = arith.constant 0 : i32
      %dma_wait3A_78 = arith.constant 0 : i32
      %dma_wait3A_79 = tpu.memref_slice %arg5[%dma_wait3A, %dma_wait3A_78] : memref<16400x128xf32, #tpu.memory_space<hbm>> -> memref<16x128xf32, #tpu.memory_space<hbm>>
      %dma_wait3A_80 = arith.constant 0 : i32
      %dma_wait3A_81 = arith.constant 0 : i32
      %dma_wait3A_82 = tpu.memref_slice %arg5[%dma_wait3A_80, %dma_wait3A_81] : memref<16400x128xf32, #tpu.memory_space<hbm>> -> memref<16x128xf32, #tpu.memory_space<hbm>>
      tpu.wait_dma2 semaphore(%arg18 : memref<!tpu.dma_semaphore, #tpu.memory_space<semaphore_mem>>) src(%arg12 : memref<16x128xf32, #tpu.memory_space<vmem>>) dst(%dma_wait3A_82 : memref<16x128xf32, #tpu.memory_space<hbm>>)
    } else {
    }
    %ge3A_73 = arith.constant 4 : i32
    %ge3A_74 = arith.cmpi sge, %while3A_58, %ge3A_73 : i32
    %convert_element_type3A_75 = arith.extui %ge3A_74 : i1 to i32
    %cond3A_76 = arith.constant 0 : i32
    %cond3A_77 = arith.cmpi ne, %convert_element_type3A_75, %cond3A_76 : i32
    scf.if %cond3A_77 {
      %dma_wait3A = arith.constant 0 : i32
      %dma_wait3A_78 = arith.constant 0 : i32
      %dma_wait3A_79 = tpu.memref_slice %arg5[%dma_wait3A, %dma_wait3A_78] : memref<16400x128xf32, #tpu.memory_space<hbm>> -> memref<16x128xf32, #tpu.memory_space<hbm>>
      %dma_wait3A_80 = arith.constant 0 : i32
      %dma_wait3A_81 = arith.constant 0 : i32
      %dma_wait3A_82 = tpu.memref_slice %arg5[%dma_wait3A_80, %dma_wait3A_81] : memref<16400x128xf32, #tpu.memory_space<hbm>> -> memref<16x128xf32, #tpu.memory_space<hbm>>
      tpu.wait_dma2 semaphore(%arg19 : memref<!tpu.dma_semaphore, #tpu.memory_space<semaphore_mem>>) src(%arg13 : memref<16x128xf32, #tpu.memory_space<vmem>>) dst(%dma_wait3A_82 : memref<16x128xf32, #tpu.memory_space<hbm>>)
    } else {
    }
    return
  }
}

#map = affine_map<(d0, d1) -> (0, 0)>
#map1 = affine_map<(d0, d1) -> (0, 0, 0)>
module attributes {stable_mosaic.version = 14 : i64} {
  func.func @_rowdot(%arg0: i32, %arg1: i32, %arg2: memref<16400x128xf32, #tpu.memory_space<hbm>>, %arg3: memref<16400x128xf32, #tpu.memory_space<hbm>>, %arg4: memref<32x1x512xf32, #tpu.memory_space<hbm>>, %arg5: memref<128x128xf32, #tpu.memory_space<vmem>>, %arg6: memref<128x128xf32, #tpu.memory_space<vmem>>, %arg7: memref<1x512xf32, #tpu.memory_space<vmem>>, %arg8: memref<!tpu.dma_semaphore, #tpu.memory_space<semaphore_mem>>, %arg9: memref<!tpu.dma_semaphore, #tpu.memory_space<semaphore_mem>>) attributes {dimension_semantics = [#tpu.dimension_semantics<core_parallel>, #tpu.dimension_semantics<subcore_parallel>], iteration_bounds = array<i64: 2, 16>, scalar_prefetch = 0 : i64, scratch_operands = 5 : i64, tpu.core_type = #tpu.core_type<sc_vector_subcore>, window_params = [{transform_indices = #map}, {transform_indices = #map}, {transform_indices = #map1}]} {
    %mul3A = arith.constant 2 : i32
    %mul3A_0 = arith.muli %arg1, %mul3A : i32
    %add3A = arith.addi %mul3A_0, %arg0 : i32
    %mul3A_1 = arith.constant 512 : i32
    %mul3A_2 = arith.muli %add3A, %mul3A_1 : i32
    %add3A_3 = arith.constant 0 : i32
    %add3A_4 = arith.addi %mul3A_2, %add3A_3 : i32
    %dma_start3A = arith.constant 0 : i32
    %dma_start3A_5 = tpu.memref_slice %arg2[%add3A_4, %dma_start3A] : memref<16400x128xf32, #tpu.memory_space<hbm>> -> memref<128x128xf32, #tpu.memory_space<hbm>>
    %dma_start3A_6 = arith.constant 0 : i32
    %dma_start3A_7 = tpu.memref_slice %arg2[%add3A_4, %dma_start3A_6] : memref<16400x128xf32, #tpu.memory_space<hbm>> -> memref<128x128xf32, #tpu.memory_space<hbm>>
    tpu.enqueue_dma source(%dma_start3A_7 : memref<128x128xf32, #tpu.memory_space<hbm>>) target(%arg5 : memref<128x128xf32, #tpu.memory_space<vmem>>) target_semaphore(%arg8 : memref<!tpu.dma_semaphore, #tpu.memory_space<semaphore_mem>>)
    %add3A_8 = arith.constant 0 : i32
    %add3A_9 = arith.addi %mul3A_2, %add3A_8 : i32
    %dma_start3A_10 = arith.constant 0 : i32
    %dma_start3A_11 = tpu.memref_slice %arg3[%add3A_9, %dma_start3A_10] : memref<16400x128xf32, #tpu.memory_space<hbm>> -> memref<128x128xf32, #tpu.memory_space<hbm>>
    %dma_start3A_12 = arith.constant 0 : i32
    %dma_start3A_13 = tpu.memref_slice %arg3[%add3A_9, %dma_start3A_12] : memref<16400x128xf32, #tpu.memory_space<hbm>> -> memref<128x128xf32, #tpu.memory_space<hbm>>
    tpu.enqueue_dma source(%dma_start3A_13 : memref<128x128xf32, #tpu.memory_space<hbm>>) target(%arg6 : memref<128x128xf32, #tpu.memory_space<vmem>>) target_semaphore(%arg9 : memref<!tpu.dma_semaphore, #tpu.memory_space<semaphore_mem>>)
    %dma_wait3A = arith.constant 0 : i32
    %dma_wait3A_14 = tpu.memref_slice %arg2[%add3A_4, %dma_wait3A] : memref<16400x128xf32, #tpu.memory_space<hbm>> -> memref<128x128xf32, #tpu.memory_space<hbm>>
    %dma_wait3A_15 = arith.constant 0 : i32
    %dma_wait3A_16 = tpu.memref_slice %arg2[%add3A_4, %dma_wait3A_15] : memref<16400x128xf32, #tpu.memory_space<hbm>> -> memref<128x128xf32, #tpu.memory_space<hbm>>
    tpu.wait_dma2 semaphore(%arg8 : memref<!tpu.dma_semaphore, #tpu.memory_space<semaphore_mem>>) src(%dma_wait3A_16 : memref<128x128xf32, #tpu.memory_space<hbm>>) dst(%arg5 : memref<128x128xf32, #tpu.memory_space<vmem>>)
    %dma_wait3A_17 = arith.constant 0 : i32
    %dma_wait3A_18 = tpu.memref_slice %arg3[%add3A_9, %dma_wait3A_17] : memref<16400x128xf32, #tpu.memory_space<hbm>> -> memref<128x128xf32, #tpu.memory_space<hbm>>
    %dma_wait3A_19 = arith.constant 0 : i32
    %dma_wait3A_20 = tpu.memref_slice %arg3[%add3A_9, %dma_wait3A_19] : memref<16400x128xf32, #tpu.memory_space<hbm>> -> memref<128x128xf32, #tpu.memory_space<hbm>>
    tpu.wait_dma2 semaphore(%arg9 : memref<!tpu.dma_semaphore, #tpu.memory_space<semaphore_mem>>) src(%dma_wait3A_20 : memref<128x128xf32, #tpu.memory_space<hbm>>) dst(%arg6 : memref<128x128xf32, #tpu.memory_space<vmem>>)
    %scan3A = arith.constant 0 : i32
    %scan3A_21 = arith.constant 0 : i32
    %scan3A_22 = arith.constant 8 : i32
    %scan3A_23 = arith.addi %scan3A_21, %scan3A_22 : i32
    %scan3A_24 = arith.constant 1 : i32
    scf.for %scan3A_104 = %scan3A_21 to %scan3A_23 step %scan3A_24  : i32 {
      %mul3A_105 = arith.constant 16 : i32
      %mul3A_106 = arith.muli %scan3A_104, %mul3A_105 : i32
      %iota3A = tpu.iota {dimensions = array<i32: 0>} : vector<16xi32>
      %add3A_107 = vector.broadcast %mul3A_106 : i32 to vector<16xi32>
      %add3A_108 = arith.addi %add3A_107, %iota3A : vector<16xi32>
      %broadcast_in_dim3A = arith.constant 0.000000e+00 : f32
      %broadcast_in_dim3A_109 = vector.broadcast %broadcast_in_dim3A : f32 to vector<16xf32>
      %broadcast_in_dim3A_110 = arith.constant 0 : i32
      %broadcast_in_dim3A_111 = vector.broadcast %broadcast_in_dim3A_110 : i32 to vector<16xi32>
      %gather3A = tpu.vector_load_idx %arg5[%add3A_108, %broadcast_in_dim3A_111] : memref<128x128xf32, #tpu.memory_space<vmem>>[vector<16xi32>, vector<16xi32>], vector<16xf32>,
      %gather3A_112 = tpu.vector_load_idx %arg6[%add3A_108, %broadcast_in_dim3A_111] : memref<128x128xf32, #tpu.memory_space<vmem>>[vector<16xi32>, vector<16xi32>], vector<16xf32>,
      %mul3A_113 = arith.mulf %gather3A, %gather3A_112 : vector<16xf32>
      %add3A_114 = arith.addf %broadcast_in_dim3A_109, %mul3A_113 : vector<16xf32>
      %broadcast_in_dim3A_115 = arith.constant 1 : i32
      %broadcast_in_dim3A_116 = vector.broadcast %broadcast_in_dim3A_115 : i32 to vector<16xi32>
      %gather3A_117 = tpu.vector_load_idx %arg5[%add3A_108, %broadcast_in_dim3A_116] : memref<128x128xf32, #tpu.memory_space<vmem>>[vector<16xi32>, vector<16xi32>], vector<16xf32>,
      %gather3A_118 = tpu.vector_load_idx %arg6[%add3A_108, %broadcast_in_dim3A_116] : memref<128x128xf32, #tpu.memory_space<vmem>>[vector<16xi32>, vector<16xi32>], vector<16xf32>,
      %mul3A_119 = arith.mulf %gather3A_117, %gather3A_118 : vector<16xf32>
      %add3A_120 = arith.addf %add3A_114, %mul3A_119 : vector<16xf32>
      %broadcast_in_dim3A_121 = arith.constant 2 : i32
      %broadcast_in_dim3A_122 = vector.broadcast %broadcast_in_dim3A_121 : i32 to vector<16xi32>
      %gather3A_123 = tpu.vector_load_idx %arg5[%add3A_108, %broadcast_in_dim3A_122] : memref<128x128xf32, #tpu.memory_space<vmem>>[vector<16xi32>, vector<16xi32>], vector<16xf32>,
      %gather3A_124 = tpu.vector_load_idx %arg6[%add3A_108, %broadcast_in_dim3A_122] : memref<128x128xf32, #tpu.memory_space<vmem>>[vector<16xi32>, vector<16xi32>], vector<16xf32>,
      %mul3A_125 = arith.mulf %gather3A_123, %gather3A_124 : vector<16xf32>
      %add3A_126 = arith.addf %add3A_120, %mul3A_125 : vector<16xf32>
      %broadcast_in_dim3A_127 = arith.constant 3 : i32
      %broadcast_in_dim3A_128 = vector.broadcast %broadcast_in_dim3A_127 : i32 to vector<16xi32>
      %gather3A_129 = tpu.vector_load_idx %arg5[%add3A_108, %broadcast_in_dim3A_128] : memref<128x128xf32, #tpu.memory_space<vmem>>[vector<16xi32>, vector<16xi32>], vector<16xf32>,
      %gather3A_130 = tpu.vector_load_idx %arg6[%add3A_108, %broadcast_in_dim3A_128] : memref<128x128xf32, #tpu.memory_space<vmem>>[vector<16xi32>, vector<16xi32>], vector<16xf32>,
      %mul3A_131 = arith.mulf %gather3A_129, %gather3A_130 : vector<16xf32>
      %add3A_132 = arith.addf %add3A_126, %mul3A_131 : vector<16xf32>
      %broadcast_in_dim3A_133 = arith.constant 4 : i32
      %broadcast_in_dim3A_134 = vector.broadcast %broadcast_in_dim3A_133 : i32 to vector<16xi32>
      %gather3A_135 = tpu.vector_load_idx %arg5[%add3A_108, %broadcast_in_dim3A_134] : memref<128x128xf32, #tpu.memory_space<vmem>>[vector<16xi32>, vector<16xi32>], vector<16xf32>,
      %gather3A_136 = tpu.vector_load_idx %arg6[%add3A_108, %broadcast_in_dim3A_134] : memref<128x128xf32, #tpu.memory_space<vmem>>[vector<16xi32>, vector<16xi32>], vector<16xf32>,
      %mul3A_137 = arith.mulf %gather3A_135, %gather3A_136 : vector<16xf32>
      %add3A_138 = arith.addf %add3A_132, %mul3A_137 : vector<16xf32>
      %broadcast_in_dim3A_139 = arith.constant 5 : i32
      %broadcast_in_dim3A_140 = vector.broadcast %broadcast_in_dim3A_139 : i32 to vector<16xi32>
      %gather3A_141 = tpu.vector_load_idx %arg5[%add3A_108, %broadcast_in_dim3A_140] : memref<128x128xf32, #tpu.memory_space<vmem>>[vector<16xi32>, vector<16xi32>], vector<16xf32>,
      %gather3A_142 = tpu.vector_load_idx %arg6[%add3A_108, %broadcast_in_dim3A_140] : memref<128x128xf32, #tpu.memory_space<vmem>>[vector<16xi32>, vector<16xi32>], vector<16xf32>,
      %mul3A_143 = arith.mulf %gather3A_141, %gather3A_142 : vector<16xf32>
      %add3A_144 = arith.addf %add3A_138, %mul3A_143 : vector<16xf32>
      %broadcast_in_dim3A_145 = arith.constant 6 : i32
      %broadcast_in_dim3A_146 = vector.broadcast %broadcast_in_dim3A_145 : i32 to vector<16xi32>
      %gather3A_147 = tpu.vector_load_idx %arg5[%add3A_108, %broadcast_in_dim3A_146] : memref<128x128xf32, #tpu.memory_space<vmem>>[vector<16xi32>, vector<16xi32>], vector<16xf32>,
      %gather3A_148 = tpu.vector_load_idx %arg6[%add3A_108, %broadcast_in_dim3A_146] : memref<128x128xf32, #tpu.memory_space<vmem>>[vector<16xi32>, vector<16xi32>], vector<16xf32>,
      %mul3A_149 = arith.mulf %gather3A_147, %gather3A_148 : vector<16xf32>
      %add3A_150 = arith.addf %add3A_144, %mul3A_149 : vector<16xf32>
      %broadcast_in_dim3A_151 = arith.constant 7 : i32
      %broadcast_in_dim3A_152 = vector.broadcast %broadcast_in_dim3A_151 : i32 to vector<16xi32>
      %gather3A_153 = tpu.vector_load_idx %arg5[%add3A_108, %broadcast_in_dim3A_152] : memref<128x128xf32, #tpu.memory_space<vmem>>[vector<16xi32>, vector<16xi32>], vector<16xf32>,
      %gather3A_154 = tpu.vector_load_idx %arg6[%add3A_108, %broadcast_in_dim3A_152] : memref<128x128xf32, #tpu.memory_space<vmem>>[vector<16xi32>, vector<16xi32>], vector<16xf32>,
      %mul3A_155 = arith.mulf %gather3A_153, %gather3A_154 : vector<16xf32>
      %add3A_156 = arith.addf %add3A_150, %mul3A_155 : vector<16xf32>
      %broadcast_in_dim3A_157 = arith.constant 8 : i32
      %broadcast_in_dim3A_158 = vector.broadcast %broadcast_in_dim3A_157 : i32 to vector<16xi32>
      %gather3A_159 = tpu.vector_load_idx %arg5[%add3A_108, %broadcast_in_dim3A_158] : memref<128x128xf32, #tpu.memory_space<vmem>>[vector<16xi32>, vector<16xi32>], vector<16xf32>,
      %gather3A_160 = tpu.vector_load_idx %arg6[%add3A_108, %broadcast_in_dim3A_158] : memref<128x128xf32, #tpu.memory_space<vmem>>[vector<16xi32>, vector<16xi32>], vector<16xf32>,
      %mul3A_161 = arith.mulf %gather3A_159, %gather3A_160 : vector<16xf32>
      %add3A_162 = arith.addf %add3A_156, %mul3A_161 : vector<16xf32>
      %broadcast_in_dim3A_163 = arith.constant 9 : i32
      %broadcast_in_dim3A_164 = vector.broadcast %broadcast_in_dim3A_163 : i32 to vector<16xi32>
      %gather3A_165 = tpu.vector_load_idx %arg5[%add3A_108, %broadcast_in_dim3A_164] : memref<128x128xf32, #tpu.memory_space<vmem>>[vector<16xi32>, vector<16xi32>], vector<16xf32>,
      %gather3A_166 = tpu.vector_load_idx %arg6[%add3A_108, %broadcast_in_dim3A_164] : memref<128x128xf32, #tpu.memory_space<vmem>>[vector<16xi32>, vector<16xi32>], vector<16xf32>,
      %mul3A_167 = arith.mulf %gather3A_165, %gather3A_166 : vector<16xf32>
      %add3A_168 = arith.addf %add3A_162, %mul3A_167 : vector<16xf32>
      %broadcast_in_dim3A_169 = arith.constant 10 : i32
      %broadcast_in_dim3A_170 = vector.broadcast %broadcast_in_dim3A_169 : i32 to vector<16xi32>
      %gather3A_171 = tpu.vector_load_idx %arg5[%add3A_108, %broadcast_in_dim3A_170] : memref<128x128xf32, #tpu.memory_space<vmem>>[vector<16xi32>, vector<16xi32>], vector<16xf32>,
      %gather3A_172 = tpu.vector_load_idx %arg6[%add3A_108, %broadcast_in_dim3A_170] : memref<128x128xf32, #tpu.memory_space<vmem>>[vector<16xi32>, vector<16xi32>], vector<16xf32>,
      %mul3A_173 = arith.mulf %gather3A_171, %gather3A_172 : vector<16xf32>
      %add3A_174 = arith.addf %add3A_168, %mul3A_173 : vector<16xf32>
      %broadcast_in_dim3A_175 = arith.constant 11 : i32
      %broadcast_in_dim3A_176 = vector.broadcast %broadcast_in_dim3A_175 : i32 to vector<16xi32>
      %gather3A_177 = tpu.vector_load_idx %arg5[%add3A_108, %broadcast_in_dim3A_176] : memref<128x128xf32, #tpu.memory_space<vmem>>[vector<16xi32>, vector<16xi32>], vector<16xf32>,
      %gather3A_178 = tpu.vector_load_idx %arg6[%add3A_108, %broadcast_in_dim3A_176] : memref<128x128xf32, #tpu.memory_space<vmem>>[vector<16xi32>, vector<16xi32>], vector<16xf32>,
      %mul3A_179 = arith.mulf %gather3A_177, %gather3A_178 : vector<16xf32>
      %add3A_180 = arith.addf %add3A_174, %mul3A_179 : vector<16xf32>
      %broadcast_in_dim3A_181 = arith.constant 12 : i32
      %broadcast_in_dim3A_182 = vector.broadcast %broadcast_in_dim3A_181 : i32 to vector<16xi32>
      %gather3A_183 = tpu.vector_load_idx %arg5[%add3A_108, %broadcast_in_dim3A_182] : memref<128x128xf32, #tpu.memory_space<vmem>>[vector<16xi32>, vector<16xi32>], vector<16xf32>,
      %gather3A_184 = tpu.vector_load_idx %arg6[%add3A_108, %broadcast_in_dim3A_182] : memref<128x128xf32, #tpu.memory_space<vmem>>[vector<16xi32>, vector<16xi32>], vector<16xf32>,
      %mul3A_185 = arith.mulf %gather3A_183, %gather3A_184 : vector<16xf32>
      %add3A_186 = arith.addf %add3A_180, %mul3A_185 : vector<16xf32>
      %broadcast_in_dim3A_187 = arith.constant 13 : i32
      %broadcast_in_dim3A_188 = vector.broadcast %broadcast_in_dim3A_187 : i32 to vector<16xi32>
      %gather3A_189 = tpu.vector_load_idx %arg5[%add3A_108, %broadcast_in_dim3A_188] : memref<128x128xf32, #tpu.memory_space<vmem>>[vector<16xi32>, vector<16xi32>], vector<16xf32>,
      %gather3A_190 = tpu.vector_load_idx %arg6[%add3A_108, %broadcast_in_dim3A_188] : memref<128x128xf32, #tpu.memory_space<vmem>>[vector<16xi32>, vector<16xi32>], vector<16xf32>,
      %mul3A_191 = arith.mulf %gather3A_189, %gather3A_190 : vector<16xf32>
      %add3A_192 = arith.addf %add3A_186, %mul3A_191 : vector<16xf32>
      %broadcast_in_dim3A_193 = arith.constant 14 : i32
      %broadcast_in_dim3A_194 = vector.broadcast %broadcast_in_dim3A_193 : i32 to vector<16xi32>
      %gather3A_195 = tpu.vector_load_idx %arg5[%add3A_108, %broadcast_in_dim3A_194] : memref<128x128xf32, #tpu.memory_space<vmem>>[vector<16xi32>, vector<16xi32>], vector<16xf32>,
      %gather3A_196 = tpu.vector_load_idx %arg6[%add3A_108, %broadcast_in_dim3A_194] : memref<128x128xf32, #tpu.memory_space<vmem>>[vector<16xi32>, vector<16xi32>], vector<16xf32>,
      %mul3A_197 = arith.mulf %gather3A_195, %gather3A_196 : vector<16xf32>
      %add3A_198 = arith.addf %add3A_192, %mul3A_197 : vector<16xf32>
      %broadcast_in_dim3A_199 = arith.constant 15 : i32
      %broadcast_in_dim3A_200 = vector.broadcast %broadcast_in_dim3A_199 : i32 to vector<16xi32>
      %gather3A_201 = tpu.vector_load_idx %arg5[%add3A_108, %broadcast_in_dim3A_200] : memref<128x128xf32, #tpu.memory_space<vmem>>[vector<16xi32>, vector<16xi32>], vector<16xf32>,
      %gather3A_202 = tpu.vector_load_idx %arg6[%add3A_108, %broadcast_in_dim3A_200] : memref<128x128xf32, #tpu.memory_space<vmem>>[vector<16xi32>, vector<16xi32>], vector<16xf32>,
      %mul3A_203 = arith.mulf %gather3A_201, %gather3A_202 : vector<16xf32>
      %add3A_204 = arith.addf %add3A_198, %mul3A_203 : vector<16xf32>
      %broadcast_in_dim3A_205 = arith.constant 16 : i32
      %broadcast_in_dim3A_206 = vector.broadcast %broadcast_in_dim3A_205 : i32 to vector<16xi32>
      %gather3A_207 = tpu.vector_load_idx %arg5[%add3A_108, %broadcast_in_dim3A_206] : memref<128x128xf32, #tpu.memory_space<vmem>>[vector<16xi32>, vector<16xi32>], vector<16xf32>,
      %gather3A_208 = tpu.vector_load_idx %arg6[%add3A_108, %broadcast_in_dim3A_206] : memref<128x128xf32, #tpu.memory_space<vmem>>[vector<16xi32>, vector<16xi32>], vector<16xf32>,
      %mul3A_209 = arith.mulf %gather3A_207, %gather3A_208 : vector<16xf32>
      %add3A_210 = arith.addf %add3A_204, %mul3A_209 : vector<16xf32>
      %broadcast_in_dim3A_211 = arith.constant 17 : i32
      %broadcast_in_dim3A_212 = vector.broadcast %broadcast_in_dim3A_211 : i32 to vector<16xi32>
      %gather3A_213 = tpu.vector_load_idx %arg5[%add3A_108, %broadcast_in_dim3A_212] : memref<128x128xf32, #tpu.memory_space<vmem>>[vector<16xi32>, vector<16xi32>], vector<16xf32>,
      %gather3A_214 = tpu.vector_load_idx %arg6[%add3A_108, %broadcast_in_dim3A_212] : memref<128x128xf32, #tpu.memory_space<vmem>>[vector<16xi32>, vector<16xi32>], vector<16xf32>,
      %mul3A_215 = arith.mulf %gather3A_213, %gather3A_214 : vector<16xf32>
      %add3A_216 = arith.addf %add3A_210, %mul3A_215 : vector<16xf32>
      %broadcast_in_dim3A_217 = arith.constant 18 : i32
      %broadcast_in_dim3A_218 = vector.broadcast %broadcast_in_dim3A_217 : i32 to vector<16xi32>
      %gather3A_219 = tpu.vector_load_idx %arg5[%add3A_108, %broadcast_in_dim3A_218] : memref<128x128xf32, #tpu.memory_space<vmem>>[vector<16xi32>, vector<16xi32>], vector<16xf32>,
      %gather3A_220 = tpu.vector_load_idx %arg6[%add3A_108, %broadcast_in_dim3A_218] : memref<128x128xf32, #tpu.memory_space<vmem>>[vector<16xi32>, vector<16xi32>], vector<16xf32>,
      %mul3A_221 = arith.mulf %gather3A_219, %gather3A_220 : vector<16xf32>
      %add3A_222 = arith.addf %add3A_216, %mul3A_221 : vector<16xf32>
      %broadcast_in_dim3A_223 = arith.constant 19 : i32
      %broadcast_in_dim3A_224 = vector.broadcast %broadcast_in_dim3A_223 : i32 to vector<16xi32>
      %gather3A_225 = tpu.vector_load_idx %arg5[%add3A_108, %broadcast_in_dim3A_224] : memref<128x128xf32, #tpu.memory_space<vmem>>[vector<16xi32>, vector<16xi32>], vector<16xf32>,
      %gather3A_226 = tpu.vector_load_idx %arg6[%add3A_108, %broadcast_in_dim3A_224] : memref<128x128xf32, #tpu.memory_space<vmem>>[vector<16xi32>, vector<16xi32>], vector<16xf32>,
      %mul3A_227 = arith.mulf %gather3A_225, %gather3A_226 : vector<16xf32>
      %add3A_228 = arith.addf %add3A_222, %mul3A_227 : vector<16xf32>
      %broadcast_in_dim3A_229 = arith.constant 20 : i32
      %broadcast_in_dim3A_230 = vector.broadcast %broadcast_in_dim3A_229 : i32 to vector<16xi32>
      %gather3A_231 = tpu.vector_load_idx %arg5[%add3A_108, %broadcast_in_dim3A_230] : memref<128x128xf32, #tpu.memory_space<vmem>>[vector<16xi32>, vector<16xi32>], vector<16xf32>,
      %gather3A_232 = tpu.vector_load_idx %arg6[%add3A_108, %broadcast_in_dim3A_230] : memref<128x128xf32, #tpu.memory_space<vmem>>[vector<16xi32>, vector<16xi32>], vector<16xf32>,
      %mul3A_233 = arith.mulf %gather3A_231, %gather3A_232 : vector<16xf32>
      %add3A_234 = arith.addf %add3A_228, %mul3A_233 : vector<16xf32>
      %broadcast_in_dim3A_235 = arith.constant 21 : i32
      %broadcast_in_dim3A_236 = vector.broadcast %broadcast_in_dim3A_235 : i32 to vector<16xi32>
      %gather3A_237 = tpu.vector_load_idx %arg5[%add3A_108, %broadcast_in_dim3A_236] : memref<128x128xf32, #tpu.memory_space<vmem>>[vector<16xi32>, vector<16xi32>], vector<16xf32>,
      %gather3A_238 = tpu.vector_load_idx %arg6[%add3A_108, %broadcast_in_dim3A_236] : memref<128x128xf32, #tpu.memory_space<vmem>>[vector<16xi32>, vector<16xi32>], vector<16xf32>,
      %mul3A_239 = arith.mulf %gather3A_237, %gather3A_238 : vector<16xf32>
      %add3A_240 = arith.addf %add3A_234, %mul3A_239 : vector<16xf32>
      %broadcast_in_dim3A_241 = arith.constant 22 : i32
      %broadcast_in_dim3A_242 = vector.broadcast %broadcast_in_dim3A_241 : i32 to vector<16xi32>
      %gather3A_243 = tpu.vector_load_idx %arg5[%add3A_108, %broadcast_in_dim3A_242] : memref<128x128xf32, #tpu.memory_space<vmem>>[vector<16xi32>, vector<16xi32>], vector<16xf32>,
      %gather3A_244 = tpu.vector_load_idx %arg6[%add3A_108, %broadcast_in_dim3A_242] : memref<128x128xf32, #tpu.memory_space<vmem>>[vector<16xi32>, vector<16xi32>], vector<16xf32>,
      %mul3A_245 = arith.mulf %gather3A_243, %gather3A_244 : vector<16xf32>
      %add3A_246 = arith.addf %add3A_240, %mul3A_245 : vector<16xf32>
      %broadcast_in_dim3A_247 = arith.constant 23 : i32
      %broadcast_in_dim3A_248 = vector.broadcast %broadcast_in_dim3A_247 : i32 to vector<16xi32>
      %gather3A_249 = tpu.vector_load_idx %arg5[%add3A_108, %broadcast_in_dim3A_248] : memref<128x128xf32, #tpu.memory_space<vmem>>[vector<16xi32>, vector<16xi32>], vector<16xf32>,
      %gather3A_250 = tpu.vector_load_idx %arg6[%add3A_108, %broadcast_in_dim3A_248] : memref<128x128xf32, #tpu.memory_space<vmem>>[vector<16xi32>, vector<16xi32>], vector<16xf32>,
      %mul3A_251 = arith.mulf %gather3A_249, %gather3A_250 : vector<16xf32>
      %add3A_252 = arith.addf %add3A_246, %mul3A_251 : vector<16xf32>
      %broadcast_in_dim3A_253 = arith.constant 24 : i32
      %broadcast_in_dim3A_254 = vector.broadcast %broadcast_in_dim3A_253 : i32 to vector<16xi32>
      %gather3A_255 = tpu.vector_load_idx %arg5[%add3A_108, %broadcast_in_dim3A_254] : memref<128x128xf32, #tpu.memory_space<vmem>>[vector<16xi32>, vector<16xi32>], vector<16xf32>,
      %gather3A_256 = tpu.vector_load_idx %arg6[%add3A_108, %broadcast_in_dim3A_254] : memref<128x128xf32, #tpu.memory_space<vmem>>[vector<16xi32>, vector<16xi32>], vector<16xf32>,
      %mul3A_257 = arith.mulf %gather3A_255, %gather3A_256 : vector<16xf32>
      %add3A_258 = arith.addf %add3A_252, %mul3A_257 : vector<16xf32>
      %broadcast_in_dim3A_259 = arith.constant 25 : i32
      %broadcast_in_dim3A_260 = vector.broadcast %broadcast_in_dim3A_259 : i32 to vector<16xi32>
      %gather3A_261 = tpu.vector_load_idx %arg5[%add3A_108, %broadcast_in_dim3A_260] : memref<128x128xf32, #tpu.memory_space<vmem>>[vector<16xi32>, vector<16xi32>], vector<16xf32>,
      %gather3A_262 = tpu.vector_load_idx %arg6[%add3A_108, %broadcast_in_dim3A_260] : memref<128x128xf32, #tpu.memory_space<vmem>>[vector<16xi32>, vector<16xi32>], vector<16xf32>,
      %mul3A_263 = arith.mulf %gather3A_261, %gather3A_262 : vector<16xf32>
      %add3A_264 = arith.addf %add3A_258, %mul3A_263 : vector<16xf32>
      %broadcast_in_dim3A_265 = arith.constant 26 : i32
      %broadcast_in_dim3A_266 = vector.broadcast %broadcast_in_dim3A_265 : i32 to vector<16xi32>
      %gather3A_267 = tpu.vector_load_idx %arg5[%add3A_108, %broadcast_in_dim3A_266] : memref<128x128xf32, #tpu.memory_space<vmem>>[vector<16xi32>, vector<16xi32>], vector<16xf32>,
      %gather3A_268 = tpu.vector_load_idx %arg6[%add3A_108, %broadcast_in_dim3A_266] : memref<128x128xf32, #tpu.memory_space<vmem>>[vector<16xi32>, vector<16xi32>], vector<16xf32>,
      %mul3A_269 = arith.mulf %gather3A_267, %gather3A_268 : vector<16xf32>
      %add3A_270 = arith.addf %add3A_264, %mul3A_269 : vector<16xf32>
      %broadcast_in_dim3A_271 = arith.constant 27 : i32
      %broadcast_in_dim3A_272 = vector.broadcast %broadcast_in_dim3A_271 : i32 to vector<16xi32>
      %gather3A_273 = tpu.vector_load_idx %arg5[%add3A_108, %broadcast_in_dim3A_272] : memref<128x128xf32, #tpu.memory_space<vmem>>[vector<16xi32>, vector<16xi32>], vector<16xf32>,
      %gather3A_274 = tpu.vector_load_idx %arg6[%add3A_108, %broadcast_in_dim3A_272] : memref<128x128xf32, #tpu.memory_space<vmem>>[vector<16xi32>, vector<16xi32>], vector<16xf32>,
      %mul3A_275 = arith.mulf %gather3A_273, %gather3A_274 : vector<16xf32>
      %add3A_276 = arith.addf %add3A_270, %mul3A_275 : vector<16xf32>
      %broadcast_in_dim3A_277 = arith.constant 28 : i32
      %broadcast_in_dim3A_278 = vector.broadcast %broadcast_in_dim3A_277 : i32 to vector<16xi32>
      %gather3A_279 = tpu.vector_load_idx %arg5[%add3A_108, %broadcast_in_dim3A_278] : memref<128x128xf32, #tpu.memory_space<vmem>>[vector<16xi32>, vector<16xi32>], vector<16xf32>,
      %gather3A_280 = tpu.vector_load_idx %arg6[%add3A_108, %broadcast_in_dim3A_278] : memref<128x128xf32, #tpu.memory_space<vmem>>[vector<16xi32>, vector<16xi32>], vector<16xf32>,
      %mul3A_281 = arith.mulf %gather3A_279, %gather3A_280 : vector<16xf32>
      %add3A_282 = arith.addf %add3A_276, %mul3A_281 : vector<16xf32>
      %broadcast_in_dim3A_283 = arith.constant 29 : i32
      %broadcast_in_dim3A_284 = vector.broadcast %broadcast_in_dim3A_283 : i32 to vector<16xi32>
      %gather3A_285 = tpu.vector_load_idx %arg5[%add3A_108, %broadcast_in_dim3A_284] : memref<128x128xf32, #tpu.memory_space<vmem>>[vector<16xi32>, vector<16xi32>], vector<16xf32>,
      %gather3A_286 = tpu.vector_load_idx %arg6[%add3A_108, %broadcast_in_dim3A_284] : memref<128x128xf32, #tpu.memory_space<vmem>>[vector<16xi32>, vector<16xi32>], vector<16xf32>,
      %mul3A_287 = arith.mulf %gather3A_285, %gather3A_286 : vector<16xf32>
      %add3A_288 = arith.addf %add3A_282, %mul3A_287 : vector<16xf32>
      %broadcast_in_dim3A_289 = arith.constant 30 : i32
      %broadcast_in_dim3A_290 = vector.broadcast %broadcast_in_dim3A_289 : i32 to vector<16xi32>
      %gather3A_291 = tpu.vector_load_idx %arg5[%add3A_108, %broadcast_in_dim3A_290] : memref<128x128xf32, #tpu.memory_space<vmem>>[vector<16xi32>, vector<16xi32>], vector<16xf32>,
      %gather3A_292 = tpu.vector_load_idx %arg6[%add3A_108, %broadcast_in_dim3A_290] : memref<128x128xf32, #tpu.memory_space<vmem>>[vector<16xi32>, vector<16xi32>], vector<16xf32>,
      %mul3A_293 = arith.mulf %gather3A_291, %gather3A_292 : vector<16xf32>
      %add3A_294 = arith.addf %add3A_288, %mul3A_293 : vector<16xf32>
      %broadcast_in_dim3A_295 = arith.constant 31 : i32
      %broadcast_in_dim3A_296 = vector.broadcast %broadcast_in_dim3A_295 : i32 to vector<16xi32>
      %gather3A_297 = tpu.vector_load_idx %arg5[%add3A_108, %broadcast_in_dim3A_296] : memref<128x128xf32, #tpu.memory_space<vmem>>[vector<16xi32>, vector<16xi32>], vector<16xf32>,
      %gather3A_298 = tpu.vector_load_idx %arg6[%add3A_108, %broadcast_in_dim3A_296] : memref<128x128xf32, #tpu.memory_space<vmem>>[vector<16xi32>, vector<16xi32>], vector<16xf32>,
      %mul3A_299 = arith.mulf %gather3A_297, %gather3A_298 : vector<16xf32>
      %add3A_300 = arith.addf %add3A_294, %mul3A_299 : vector<16xf32>
      %broadcast_in_dim3A_301 = arith.constant 0 : i32
      %broadcast_in_dim3A_302 = vector.broadcast %broadcast_in_dim3A_301 : i32 to vector<16xi32>
      %add3A_303 = arith.constant 0 : i32
      %add3A_304 = vector.broadcast %add3A_303 : i32 to vector<16xi32>
      %add3A_305 = arith.addi %add3A_304, %add3A_108 : vector<16xi32>
      tpu.vector_store_idx %arg7[%broadcast_in_dim3A_302, %add3A_305], %add3A_300 : memref<1x512xf32, #tpu.memory_space<vmem>>[vector<16xi32>, vector<16xi32>], vector<16xf32>,
    }
    %scan3A_25 = arith.constant 8 : i32
    %add3A_26 = arith.constant 128 : i32
    %add3A_27 = arith.addi %mul3A_2, %add3A_26 : i32
    %dma_start3A_28 = arith.constant 0 : i32
    %dma_start3A_29 = tpu.memref_slice %arg2[%add3A_27, %dma_start3A_28] : memref<16400x128xf32, #tpu.memory_space<hbm>> -> memref<128x128xf32, #tpu.memory_space<hbm>>
    %dma_start3A_30 = arith.constant 0 : i32
    %dma_start3A_31 = tpu.memref_slice %arg2[%add3A_27, %dma_start3A_30] : memref<16400x128xf32, #tpu.memory_space<hbm>> -> memref<128x128xf32, #tpu.memory_space<hbm>>
    tpu.enqueue_dma source(%dma_start3A_31 : memref<128x128xf32, #tpu.memory_space<hbm>>) target(%arg5 : memref<128x128xf32, #tpu.memory_space<vmem>>) target_semaphore(%arg8 : memref<!tpu.dma_semaphore, #tpu.memory_space<semaphore_mem>>)
    %add3A_32 = arith.constant 128 : i32
    %add3A_33 = arith.addi %mul3A_2, %add3A_32 : i32
    %dma_start3A_34 = arith.constant 0 : i32
    %dma_start3A_35 = tpu.memref_slice %arg3[%add3A_33, %dma_start3A_34] : memref<16400x128xf32, #tpu.memory_space<hbm>> -> memref<128x128xf32, #tpu.memory_space<hbm>>
    %dma_start3A_36 = arith.constant 0 : i32
    %dma_start3A_37 = tpu.memref_slice %arg3[%add3A_33, %dma_start3A_36] : memref<16400x128xf32, #tpu.memory_space<hbm>> -> memref<128x128xf32, #tpu.memory_space<hbm>>
    tpu.enqueue_dma source(%dma_start3A_37 : memref<128x128xf32, #tpu.memory_space<hbm>>) target(%arg6 : memref<128x128xf32, #tpu.memory_space<vmem>>) target_semaphore(%arg9 : memref<!tpu.dma_semaphore, #tpu.memory_space<semaphore_mem>>)
    %dma_wait3A_38 = arith.constant 0 : i32
    %dma_wait3A_39 = tpu.memref_slice %arg2[%add3A_27, %dma_wait3A_38] : memref<16400x128xf32, #tpu.memory_space<hbm>> -> memref<128x128xf32, #tpu.memory_space<hbm>>
    %dma_wait3A_40 = arith.constant 0 : i32
    %dma_wait3A_41 = tpu.memref_slice %arg2[%add3A_27, %dma_wait3A_40] : memref<16400x128xf32, #tpu.memory_space<hbm>> -> memref<128x128xf32, #tpu.memory_space<hbm>>
    tpu.wait_dma2 semaphore(%arg8 : memref<!tpu.dma_semaphore, #tpu.memory_space<semaphore_mem>>) src(%dma_wait3A_41 : memref<128x128xf32, #tpu.memory_space<hbm>>) dst(%arg5 : memref<128x128xf32, #tpu.memory_space<vmem>>)
    %dma_wait3A_42 = arith.constant 0 : i32
    %dma_wait3A_43 = tpu.memref_slice %arg3[%add3A_33, %dma_wait3A_42] : memref<16400x128xf32, #tpu.memory_space<hbm>> -> memref<128x128xf32, #tpu.memory_space<hbm>>
    %dma_wait3A_44 = arith.constant 0 : i32
    %dma_wait3A_45 = tpu.memref_slice %arg3[%add3A_33, %dma_wait3A_44] : memref<16400x128xf32, #tpu.memory_space<hbm>> -> memref<128x128xf32, #tpu.memory_space<hbm>>
    tpu.wait_dma2 semaphore(%arg9 : memref<!tpu.dma_semaphore, #tpu.memory_space<semaphore_mem>>) src(%dma_wait3A_45 : memref<128x128xf32, #tpu.memory_space<hbm>>) dst(%arg6 : memref<128x128xf32, #tpu.memory_space<vmem>>)
    %scan3A_46 = arith.constant 0 : i32
    %scan3A_47 = arith.constant 0 : i32
    %scan3A_48 = arith.constant 8 : i32
    %scan3A_49 = arith.addi %scan3A_47, %scan3A_48 : i32
    %scan3A_50 = arith.constant 1 : i32
    scf.for %scan3A_104 = %scan3A_47 to %scan3A_49 step %scan3A_50  : i32 {
      %mul3A_105 = arith.constant 16 : i32
      %mul3A_106 = arith.muli %scan3A_104, %mul3A_105 : i32
      %iota3A = tpu.iota {dimensions = array<i32: 0>} : vector<16xi32>
      %add3A_107 = vector.broadcast %mul3A_106 : i32 to vector<16xi32>
      %add3A_108 = arith.addi %add3A_107, %iota3A : vector<16xi32>
      %broadcast_in_dim3A = arith.constant 0.000000e+00 : f32
      %broadcast_in_dim3A_109 = vector.broadcast %broadcast_in_dim3A : f32 to vector<16xf32>
      %broadcast_in_dim3A_110 = arith.constant 0 : i32
      %broadcast_in_dim3A_111 = vector.broadcast %broadcast_in_dim3A_110 : i32 to vector<16xi32>
      %gather3A = tpu.vector_load_idx %arg5[%add3A_108, %broadcast_in_dim3A_111] : memref<128x128xf32, #tpu.memory_space<vmem>>[vector<16xi32>, vector<16xi32>], vector<16xf32>,
      %gather3A_112 = tpu.vector_load_idx %arg6[%add3A_108, %broadcast_in_dim3A_111] : memref<128x128xf32, #tpu.memory_space<vmem>>[vector<16xi32>, vector<16xi32>], vector<16xf32>,
      %mul3A_113 = arith.mulf %gather3A, %gather3A_112 : vector<16xf32>
      %add3A_114 = arith.addf %broadcast_in_dim3A_109, %mul3A_113 : vector<16xf32>
      %broadcast_in_dim3A_115 = arith.constant 1 : i32
      %broadcast_in_dim3A_116 = vector.broadcast %broadcast_in_dim3A_115 : i32 to vector<16xi32>
      %gather3A_117 = tpu.vector_load_idx %arg5[%add3A_108, %broadcast_in_dim3A_116] : memref<128x128xf32, #tpu.memory_space<vmem>>[vector<16xi32>, vector<16xi32>], vector<16xf32>,
      %gather3A_118 = tpu.vector_load_idx %arg6[%add3A_108, %broadcast_in_dim3A_116] : memref<128x128xf32, #tpu.memory_space<vmem>>[vector<16xi32>, vector<16xi32>], vector<16xf32>,
      %mul3A_119 = arith.mulf %gather3A_117, %gather3A_118 : vector<16xf32>
      %add3A_120 = arith.addf %add3A_114, %mul3A_119 : vector<16xf32>
      %broadcast_in_dim3A_121 = arith.constant 2 : i32
      %broadcast_in_dim3A_122 = vector.broadcast %broadcast_in_dim3A_121 : i32 to vector<16xi32>
      %gather3A_123 = tpu.vector_load_idx %arg5[%add3A_108, %broadcast_in_dim3A_122] : memref<128x128xf32, #tpu.memory_space<vmem>>[vector<16xi32>, vector<16xi32>], vector<16xf32>,
      %gather3A_124 = tpu.vector_load_idx %arg6[%add3A_108, %broadcast_in_dim3A_122] : memref<128x128xf32, #tpu.memory_space<vmem>>[vector<16xi32>, vector<16xi32>], vector<16xf32>,
      %mul3A_125 = arith.mulf %gather3A_123, %gather3A_124 : vector<16xf32>
      %add3A_126 = arith.addf %add3A_120, %mul3A_125 : vector<16xf32>
      %broadcast_in_dim3A_127 = arith.constant 3 : i32
      %broadcast_in_dim3A_128 = vector.broadcast %broadcast_in_dim3A_127 : i32 to vector<16xi32>
      %gather3A_129 = tpu.vector_load_idx %arg5[%add3A_108, %broadcast_in_dim3A_128] : memref<128x128xf32, #tpu.memory_space<vmem>>[vector<16xi32>, vector<16xi32>], vector<16xf32>,
      %gather3A_130 = tpu.vector_load_idx %arg6[%add3A_108, %broadcast_in_dim3A_128] : memref<128x128xf32, #tpu.memory_space<vmem>>[vector<16xi32>, vector<16xi32>], vector<16xf32>,
      %mul3A_131 = arith.mulf %gather3A_129, %gather3A_130 : vector<16xf32>
      %add3A_132 = arith.addf %add3A_126, %mul3A_131 : vector<16xf32>
      %broadcast_in_dim3A_133 = arith.constant 4 : i32
      %broadcast_in_dim3A_134 = vector.broadcast %broadcast_in_dim3A_133 : i32 to vector<16xi32>
      %gather3A_135 = tpu.vector_load_idx %arg5[%add3A_108, %broadcast_in_dim3A_134] : memref<128x128xf32, #tpu.memory_space<vmem>>[vector<16xi32>, vector<16xi32>], vector<16xf32>,
      %gather3A_136 = tpu.vector_load_idx %arg6[%add3A_108, %broadcast_in_dim3A_134] : memref<128x128xf32, #tpu.memory_space<vmem>>[vector<16xi32>, vector<16xi32>], vector<16xf32>,
      %mul3A_137 = arith.mulf %gather3A_135, %gather3A_136 : vector<16xf32>
      %add3A_138 = arith.addf %add3A_132, %mul3A_137 : vector<16xf32>
      %broadcast_in_dim3A_139 = arith.constant 5 : i32
      %broadcast_in_dim3A_140 = vector.broadcast %broadcast_in_dim3A_139 : i32 to vector<16xi32>
      %gather3A_141 = tpu.vector_load_idx %arg5[%add3A_108, %broadcast_in_dim3A_140] : memref<128x128xf32, #tpu.memory_space<vmem>>[vector<16xi32>, vector<16xi32>], vector<16xf32>,
      %gather3A_142 = tpu.vector_load_idx %arg6[%add3A_108, %broadcast_in_dim3A_140] : memref<128x128xf32, #tpu.memory_space<vmem>>[vector<16xi32>, vector<16xi32>], vector<16xf32>,
      %mul3A_143 = arith.mulf %gather3A_141, %gather3A_142 : vector<16xf32>
      %add3A_144 = arith.addf %add3A_138, %mul3A_143 : vector<16xf32>
      %broadcast_in_dim3A_145 = arith.constant 6 : i32
      %broadcast_in_dim3A_146 = vector.broadcast %broadcast_in_dim3A_145 : i32 to vector<16xi32>
      %gather3A_147 = tpu.vector_load_idx %arg5[%add3A_108, %broadcast_in_dim3A_146] : memref<128x128xf32, #tpu.memory_space<vmem>>[vector<16xi32>, vector<16xi32>], vector<16xf32>,
      %gather3A_148 = tpu.vector_load_idx %arg6[%add3A_108, %broadcast_in_dim3A_146] : memref<128x128xf32, #tpu.memory_space<vmem>>[vector<16xi32>, vector<16xi32>], vector<16xf32>,
      %mul3A_149 = arith.mulf %gather3A_147, %gather3A_148 : vector<16xf32>
      %add3A_150 = arith.addf %add3A_144, %mul3A_149 : vector<16xf32>
      %broadcast_in_dim3A_151 = arith.constant 7 : i32
      %broadcast_in_dim3A_152 = vector.broadcast %broadcast_in_dim3A_151 : i32 to vector<16xi32>
      %gather3A_153 = tpu.vector_load_idx %arg5[%add3A_108, %broadcast_in_dim3A_152] : memref<128x128xf32, #tpu.memory_space<vmem>>[vector<16xi32>, vector<16xi32>], vector<16xf32>,
      %gather3A_154 = tpu.vector_load_idx %arg6[%add3A_108, %broadcast_in_dim3A_152] : memref<128x128xf32, #tpu.memory_space<vmem>>[vector<16xi32>, vector<16xi32>], vector<16xf32>,
      %mul3A_155 = arith.mulf %gather3A_153, %gather3A_154 : vector<16xf32>
      %add3A_156 = arith.addf %add3A_150, %mul3A_155 : vector<16xf32>
      %broadcast_in_dim3A_157 = arith.constant 8 : i32
      %broadcast_in_dim3A_158 = vector.broadcast %broadcast_in_dim3A_157 : i32 to vector<16xi32>
      %gather3A_159 = tpu.vector_load_idx %arg5[%add3A_108, %broadcast_in_dim3A_158] : memref<128x128xf32, #tpu.memory_space<vmem>>[vector<16xi32>, vector<16xi32>], vector<16xf32>,
      %gather3A_160 = tpu.vector_load_idx %arg6[%add3A_108, %broadcast_in_dim3A_158] : memref<128x128xf32, #tpu.memory_space<vmem>>[vector<16xi32>, vector<16xi32>], vector<16xf32>,
      %mul3A_161 = arith.mulf %gather3A_159, %gather3A_160 : vector<16xf32>
      %add3A_162 = arith.addf %add3A_156, %mul3A_161 : vector<16xf32>
      %broadcast_in_dim3A_163 = arith.constant 9 : i32
      %broadcast_in_dim3A_164 = vector.broadcast %broadcast_in_dim3A_163 : i32 to vector<16xi32>
      %gather3A_165 = tpu.vector_load_idx %arg5[%add3A_108, %broadcast_in_dim3A_164] : memref<128x128xf32, #tpu.memory_space<vmem>>[vector<16xi32>, vector<16xi32>], vector<16xf32>,
      %gather3A_166 = tpu.vector_load_idx %arg6[%add3A_108, %broadcast_in_dim3A_164] : memref<128x128xf32, #tpu.memory_space<vmem>>[vector<16xi32>, vector<16xi32>], vector<16xf32>,
      %mul3A_167 = arith.mulf %gather3A_165, %gather3A_166 : vector<16xf32>
      %add3A_168 = arith.addf %add3A_162, %mul3A_167 : vector<16xf32>
      %broadcast_in_dim3A_169 = arith.constant 10 : i32
      %broadcast_in_dim3A_170 = vector.broadcast %broadcast_in_dim3A_169 : i32 to vector<16xi32>
      %gather3A_171 = tpu.vector_load_idx %arg5[%add3A_108, %broadcast_in_dim3A_170] : memref<128x128xf32, #tpu.memory_space<vmem>>[vector<16xi32>, vector<16xi32>], vector<16xf32>,
      %gather3A_172 = tpu.vector_load_idx %arg6[%add3A_108, %broadcast_in_dim3A_170] : memref<128x128xf32, #tpu.memory_space<vmem>>[vector<16xi32>, vector<16xi32>], vector<16xf32>,
      %mul3A_173 = arith.mulf %gather3A_171, %gather3A_172 : vector<16xf32>
      %add3A_174 = arith.addf %add3A_168, %mul3A_173 : vector<16xf32>
      %broadcast_in_dim3A_175 = arith.constant 11 : i32
      %broadcast_in_dim3A_176 = vector.broadcast %broadcast_in_dim3A_175 : i32 to vector<16xi32>
      %gather3A_177 = tpu.vector_load_idx %arg5[%add3A_108, %broadcast_in_dim3A_176] : memref<128x128xf32, #tpu.memory_space<vmem>>[vector<16xi32>, vector<16xi32>], vector<16xf32>,
      %gather3A_178 = tpu.vector_load_idx %arg6[%add3A_108, %broadcast_in_dim3A_176] : memref<128x128xf32, #tpu.memory_space<vmem>>[vector<16xi32>, vector<16xi32>], vector<16xf32>,
      %mul3A_179 = arith.mulf %gather3A_177, %gather3A_178 : vector<16xf32>
      %add3A_180 = arith.addf %add3A_174, %mul3A_179 : vector<16xf32>
      %broadcast_in_dim3A_181 = arith.constant 12 : i32
      %broadcast_in_dim3A_182 = vector.broadcast %broadcast_in_dim3A_181 : i32 to vector<16xi32>
      %gather3A_183 = tpu.vector_load_idx %arg5[%add3A_108, %broadcast_in_dim3A_182] : memref<128x128xf32, #tpu.memory_space<vmem>>[vector<16xi32>, vector<16xi32>], vector<16xf32>,
      %gather3A_184 = tpu.vector_load_idx %arg6[%add3A_108, %broadcast_in_dim3A_182] : memref<128x128xf32, #tpu.memory_space<vmem>>[vector<16xi32>, vector<16xi32>], vector<16xf32>,
      %mul3A_185 = arith.mulf %gather3A_183, %gather3A_184 : vector<16xf32>
      %add3A_186 = arith.addf %add3A_180, %mul3A_185 : vector<16xf32>
      %broadcast_in_dim3A_187 = arith.constant 13 : i32
      %broadcast_in_dim3A_188 = vector.broadcast %broadcast_in_dim3A_187 : i32 to vector<16xi32>
      %gather3A_189 = tpu.vector_load_idx %arg5[%add3A_108, %broadcast_in_dim3A_188] : memref<128x128xf32, #tpu.memory_space<vmem>>[vector<16xi32>, vector<16xi32>], vector<16xf32>,
      %gather3A_190 = tpu.vector_load_idx %arg6[%add3A_108, %broadcast_in_dim3A_188] : memref<128x128xf32, #tpu.memory_space<vmem>>[vector<16xi32>, vector<16xi32>], vector<16xf32>,
      %mul3A_191 = arith.mulf %gather3A_189, %gather3A_190 : vector<16xf32>
      %add3A_192 = arith.addf %add3A_186, %mul3A_191 : vector<16xf32>
      %broadcast_in_dim3A_193 = arith.constant 14 : i32
      %broadcast_in_dim3A_194 = vector.broadcast %broadcast_in_dim3A_193 : i32 to vector<16xi32>
      %gather3A_195 = tpu.vector_load_idx %arg5[%add3A_108, %broadcast_in_dim3A_194] : memref<128x128xf32, #tpu.memory_space<vmem>>[vector<16xi32>, vector<16xi32>], vector<16xf32>,
      %gather3A_196 = tpu.vector_load_idx %arg6[%add3A_108, %broadcast_in_dim3A_194] : memref<128x128xf32, #tpu.memory_space<vmem>>[vector<16xi32>, vector<16xi32>], vector<16xf32>,
      %mul3A_197 = arith.mulf %gather3A_195, %gather3A_196 : vector<16xf32>
      %add3A_198 = arith.addf %add3A_192, %mul3A_197 : vector<16xf32>
      %broadcast_in_dim3A_199 = arith.constant 15 : i32
      %broadcast_in_dim3A_200 = vector.broadcast %broadcast_in_dim3A_199 : i32 to vector<16xi32>
      %gather3A_201 = tpu.vector_load_idx %arg5[%add3A_108, %broadcast_in_dim3A_200] : memref<128x128xf32, #tpu.memory_space<vmem>>[vector<16xi32>, vector<16xi32>], vector<16xf32>,
      %gather3A_202 = tpu.vector_load_idx %arg6[%add3A_108, %broadcast_in_dim3A_200] : memref<128x128xf32, #tpu.memory_space<vmem>>[vector<16xi32>, vector<16xi32>], vector<16xf32>,
      %mul3A_203 = arith.mulf %gather3A_201, %gather3A_202 : vector<16xf32>
      %add3A_204 = arith.addf %add3A_198, %mul3A_203 : vector<16xf32>
      %broadcast_in_dim3A_205 = arith.constant 16 : i32
      %broadcast_in_dim3A_206 = vector.broadcast %broadcast_in_dim3A_205 : i32 to vector<16xi32>
      %gather3A_207 = tpu.vector_load_idx %arg5[%add3A_108, %broadcast_in_dim3A_206] : memref<128x128xf32, #tpu.memory_space<vmem>>[vector<16xi32>, vector<16xi32>], vector<16xf32>,
      %gather3A_208 = tpu.vector_load_idx %arg6[%add3A_108, %broadcast_in_dim3A_206] : memref<128x128xf32, #tpu.memory_space<vmem>>[vector<16xi32>, vector<16xi32>], vector<16xf32>,
      %mul3A_209 = arith.mulf %gather3A_207, %gather3A_208 : vector<16xf32>
      %add3A_210 = arith.addf %add3A_204, %mul3A_209 : vector<16xf32>
      %broadcast_in_dim3A_211 = arith.constant 17 : i32
      %broadcast_in_dim3A_212 = vector.broadcast %broadcast_in_dim3A_211 : i32 to vector<16xi32>
      %gather3A_213 = tpu.vector_load_idx %arg5[%add3A_108, %broadcast_in_dim3A_212] : memref<128x128xf32, #tpu.memory_space<vmem>>[vector<16xi32>, vector<16xi32>], vector<16xf32>,
      %gather3A_214 = tpu.vector_load_idx %arg6[%add3A_108, %broadcast_in_dim3A_212] : memref<128x128xf32, #tpu.memory_space<vmem>>[vector<16xi32>, vector<16xi32>], vector<16xf32>,
      %mul3A_215 = arith.mulf %gather3A_213, %gather3A_214 : vector<16xf32>
      %add3A_216 = arith.addf %add3A_210, %mul3A_215 : vector<16xf32>
      %broadcast_in_dim3A_217 = arith.constant 18 : i32
      %broadcast_in_dim3A_218 = vector.broadcast %broadcast_in_dim3A_217 : i32 to vector<16xi32>
      %gather3A_219 = tpu.vector_load_idx %arg5[%add3A_108, %broadcast_in_dim3A_218] : memref<128x128xf32, #tpu.memory_space<vmem>>[vector<16xi32>, vector<16xi32>], vector<16xf32>,
      %gather3A_220 = tpu.vector_load_idx %arg6[%add3A_108, %broadcast_in_dim3A_218] : memref<128x128xf32, #tpu.memory_space<vmem>>[vector<16xi32>, vector<16xi32>], vector<16xf32>,
      %mul3A_221 = arith.mulf %gather3A_219, %gather3A_220 : vector<16xf32>
      %add3A_222 = arith.addf %add3A_216, %mul3A_221 : vector<16xf32>
      %broadcast_in_dim3A_223 = arith.constant 19 : i32
      %broadcast_in_dim3A_224 = vector.broadcast %broadcast_in_dim3A_223 : i32 to vector<16xi32>
      %gather3A_225 = tpu.vector_load_idx %arg5[%add3A_108, %broadcast_in_dim3A_224] : memref<128x128xf32, #tpu.memory_space<vmem>>[vector<16xi32>, vector<16xi32>], vector<16xf32>,
      %gather3A_226 = tpu.vector_load_idx %arg6[%add3A_108, %broadcast_in_dim3A_224] : memref<128x128xf32, #tpu.memory_space<vmem>>[vector<16xi32>, vector<16xi32>], vector<16xf32>,
      %mul3A_227 = arith.mulf %gather3A_225, %gather3A_226 : vector<16xf32>
      %add3A_228 = arith.addf %add3A_222, %mul3A_227 : vector<16xf32>
      %broadcast_in_dim3A_229 = arith.constant 20 : i32
      %broadcast_in_dim3A_230 = vector.broadcast %broadcast_in_dim3A_229 : i32 to vector<16xi32>
      %gather3A_231 = tpu.vector_load_idx %arg5[%add3A_108, %broadcast_in_dim3A_230] : memref<128x128xf32, #tpu.memory_space<vmem>>[vector<16xi32>, vector<16xi32>], vector<16xf32>,
      %gather3A_232 = tpu.vector_load_idx %arg6[%add3A_108, %broadcast_in_dim3A_230] : memref<128x128xf32, #tpu.memory_space<vmem>>[vector<16xi32>, vector<16xi32>], vector<16xf32>,
      %mul3A_233 = arith.mulf %gather3A_231, %gather3A_232 : vector<16xf32>
      %add3A_234 = arith.addf %add3A_228, %mul3A_233 : vector<16xf32>
      %broadcast_in_dim3A_235 = arith.constant 21 : i32
      %broadcast_in_dim3A_236 = vector.broadcast %broadcast_in_dim3A_235 : i32 to vector<16xi32>
      %gather3A_237 = tpu.vector_load_idx %arg5[%add3A_108, %broadcast_in_dim3A_236] : memref<128x128xf32, #tpu.memory_space<vmem>>[vector<16xi32>, vector<16xi32>], vector<16xf32>,
      %gather3A_238 = tpu.vector_load_idx %arg6[%add3A_108, %broadcast_in_dim3A_236] : memref<128x128xf32, #tpu.memory_space<vmem>>[vector<16xi32>, vector<16xi32>], vector<16xf32>,
      %mul3A_239 = arith.mulf %gather3A_237, %gather3A_238 : vector<16xf32>
      %add3A_240 = arith.addf %add3A_234, %mul3A_239 : vector<16xf32>
      %broadcast_in_dim3A_241 = arith.constant 22 : i32
      %broadcast_in_dim3A_242 = vector.broadcast %broadcast_in_dim3A_241 : i32 to vector<16xi32>
      %gather3A_243 = tpu.vector_load_idx %arg5[%add3A_108, %broadcast_in_dim3A_242] : memref<128x128xf32, #tpu.memory_space<vmem>>[vector<16xi32>, vector<16xi32>], vector<16xf32>,
      %gather3A_244 = tpu.vector_load_idx %arg6[%add3A_108, %broadcast_in_dim3A_242] : memref<128x128xf32, #tpu.memory_space<vmem>>[vector<16xi32>, vector<16xi32>], vector<16xf32>,
      %mul3A_245 = arith.mulf %gather3A_243, %gather3A_244 : vector<16xf32>
      %add3A_246 = arith.addf %add3A_240, %mul3A_245 : vector<16xf32>
      %broadcast_in_dim3A_247 = arith.constant 23 : i32
      %broadcast_in_dim3A_248 = vector.broadcast %broadcast_in_dim3A_247 : i32 to vector<16xi32>
      %gather3A_249 = tpu.vector_load_idx %arg5[%add3A_108, %broadcast_in_dim3A_248] : memref<128x128xf32, #tpu.memory_space<vmem>>[vector<16xi32>, vector<16xi32>], vector<16xf32>,
      %gather3A_250 = tpu.vector_load_idx %arg6[%add3A_108, %broadcast_in_dim3A_248] : memref<128x128xf32, #tpu.memory_space<vmem>>[vector<16xi32>, vector<16xi32>], vector<16xf32>,
      %mul3A_251 = arith.mulf %gather3A_249, %gather3A_250 : vector<16xf32>
      %add3A_252 = arith.addf %add3A_246, %mul3A_251 : vector<16xf32>
      %broadcast_in_dim3A_253 = arith.constant 24 : i32
      %broadcast_in_dim3A_254 = vector.broadcast %broadcast_in_dim3A_253 : i32 to vector<16xi32>
      %gather3A_255 = tpu.vector_load_idx %arg5[%add3A_108, %broadcast_in_dim3A_254] : memref<128x128xf32, #tpu.memory_space<vmem>>[vector<16xi32>, vector<16xi32>], vector<16xf32>,
      %gather3A_256 = tpu.vector_load_idx %arg6[%add3A_108, %broadcast_in_dim3A_254] : memref<128x128xf32, #tpu.memory_space<vmem>>[vector<16xi32>, vector<16xi32>], vector<16xf32>,
      %mul3A_257 = arith.mulf %gather3A_255, %gather3A_256 : vector<16xf32>
      %add3A_258 = arith.addf %add3A_252, %mul3A_257 : vector<16xf32>
      %broadcast_in_dim3A_259 = arith.constant 25 : i32
      %broadcast_in_dim3A_260 = vector.broadcast %broadcast_in_dim3A_259 : i32 to vector<16xi32>
      %gather3A_261 = tpu.vector_load_idx %arg5[%add3A_108, %broadcast_in_dim3A_260] : memref<128x128xf32, #tpu.memory_space<vmem>>[vector<16xi32>, vector<16xi32>], vector<16xf32>,
      %gather3A_262 = tpu.vector_load_idx %arg6[%add3A_108, %broadcast_in_dim3A_260] : memref<128x128xf32, #tpu.memory_space<vmem>>[vector<16xi32>, vector<16xi32>], vector<16xf32>,
      %mul3A_263 = arith.mulf %gather3A_261, %gather3A_262 : vector<16xf32>
      %add3A_264 = arith.addf %add3A_258, %mul3A_263 : vector<16xf32>
      %broadcast_in_dim3A_265 = arith.constant 26 : i32
      %broadcast_in_dim3A_266 = vector.broadcast %broadcast_in_dim3A_265 : i32 to vector<16xi32>
      %gather3A_267 = tpu.vector_load_idx %arg5[%add3A_108, %broadcast_in_dim3A_266] : memref<128x128xf32, #tpu.memory_space<vmem>>[vector<16xi32>, vector<16xi32>], vector<16xf32>,
      %gather3A_268 = tpu.vector_load_idx %arg6[%add3A_108, %broadcast_in_dim3A_266] : memref<128x128xf32, #tpu.memory_space<vmem>>[vector<16xi32>, vector<16xi32>], vector<16xf32>,
      %mul3A_269 = arith.mulf %gather3A_267, %gather3A_268 : vector<16xf32>
      %add3A_270 = arith.addf %add3A_264, %mul3A_269 : vector<16xf32>
      %broadcast_in_dim3A_271 = arith.constant 27 : i32
      %broadcast_in_dim3A_272 = vector.broadcast %broadcast_in_dim3A_271 : i32 to vector<16xi32>
      %gather3A_273 = tpu.vector_load_idx %arg5[%add3A_108, %broadcast_in_dim3A_272] : memref<128x128xf32, #tpu.memory_space<vmem>>[vector<16xi32>, vector<16xi32>], vector<16xf32>,
      %gather3A_274 = tpu.vector_load_idx %arg6[%add3A_108, %broadcast_in_dim3A_272] : memref<128x128xf32, #tpu.memory_space<vmem>>[vector<16xi32>, vector<16xi32>], vector<16xf32>,
      %mul3A_275 = arith.mulf %gather3A_273, %gather3A_274 : vector<16xf32>
      %add3A_276 = arith.addf %add3A_270, %mul3A_275 : vector<16xf32>
      %broadcast_in_dim3A_277 = arith.constant 28 : i32
      %broadcast_in_dim3A_278 = vector.broadcast %broadcast_in_dim3A_277 : i32 to vector<16xi32>
      %gather3A_279 = tpu.vector_load_idx %arg5[%add3A_108, %broadcast_in_dim3A_278] : memref<128x128xf32, #tpu.memory_space<vmem>>[vector<16xi32>, vector<16xi32>], vector<16xf32>,
      %gather3A_280 = tpu.vector_load_idx %arg6[%add3A_108, %broadcast_in_dim3A_278] : memref<128x128xf32, #tpu.memory_space<vmem>>[vector<16xi32>, vector<16xi32>], vector<16xf32>,
      %mul3A_281 = arith.mulf %gather3A_279, %gather3A_280 : vector<16xf32>
      %add3A_282 = arith.addf %add3A_276, %mul3A_281 : vector<16xf32>
      %broadcast_in_dim3A_283 = arith.constant 29 : i32
      %broadcast_in_dim3A_284 = vector.broadcast %broadcast_in_dim3A_283 : i32 to vector<16xi32>
      %gather3A_285 = tpu.vector_load_idx %arg5[%add3A_108, %broadcast_in_dim3A_284] : memref<128x128xf32, #tpu.memory_space<vmem>>[vector<16xi32>, vector<16xi32>], vector<16xf32>,
      %gather3A_286 = tpu.vector_load_idx %arg6[%add3A_108, %broadcast_in_dim3A_284] : memref<128x128xf32, #tpu.memory_space<vmem>>[vector<16xi32>, vector<16xi32>], vector<16xf32>,
      %mul3A_287 = arith.mulf %gather3A_285, %gather3A_286 : vector<16xf32>
      %add3A_288 = arith.addf %add3A_282, %mul3A_287 : vector<16xf32>
      %broadcast_in_dim3A_289 = arith.constant 30 : i32
      %broadcast_in_dim3A_290 = vector.broadcast %broadcast_in_dim3A_289 : i32 to vector<16xi32>
      %gather3A_291 = tpu.vector_load_idx %arg5[%add3A_108, %broadcast_in_dim3A_290] : memref<128x128xf32, #tpu.memory_space<vmem>>[vector<16xi32>, vector<16xi32>], vector<16xf32>,
      %gather3A_292 = tpu.vector_load_idx %arg6[%add3A_108, %broadcast_in_dim3A_290] : memref<128x128xf32, #tpu.memory_space<vmem>>[vector<16xi32>, vector<16xi32>], vector<16xf32>,
      %mul3A_293 = arith.mulf %gather3A_291, %gather3A_292 : vector<16xf32>
      %add3A_294 = arith.addf %add3A_288, %mul3A_293 : vector<16xf32>
      %broadcast_in_dim3A_295 = arith.constant 31 : i32
      %broadcast_in_dim3A_296 = vector.broadcast %broadcast_in_dim3A_295 : i32 to vector<16xi32>
      %gather3A_297 = tpu.vector_load_idx %arg5[%add3A_108, %broadcast_in_dim3A_296] : memref<128x128xf32, #tpu.memory_space<vmem>>[vector<16xi32>, vector<16xi32>], vector<16xf32>,
      %gather3A_298 = tpu.vector_load_idx %arg6[%add3A_108, %broadcast_in_dim3A_296] : memref<128x128xf32, #tpu.memory_space<vmem>>[vector<16xi32>, vector<16xi32>], vector<16xf32>,
      %mul3A_299 = arith.mulf %gather3A_297, %gather3A_298 : vector<16xf32>
      %add3A_300 = arith.addf %add3A_294, %mul3A_299 : vector<16xf32>
      %broadcast_in_dim3A_301 = arith.constant 0 : i32
      %broadcast_in_dim3A_302 = vector.broadcast %broadcast_in_dim3A_301 : i32 to vector<16xi32>
      %add3A_303 = arith.constant 128 : i32
      %add3A_304 = vector.broadcast %add3A_303 : i32 to vector<16xi32>
      %add3A_305 = arith.addi %add3A_304, %add3A_108 : vector<16xi32>
      tpu.vector_store_idx %arg7[%broadcast_in_dim3A_302, %add3A_305], %add3A_300 : memref<1x512xf32, #tpu.memory_space<vmem>>[vector<16xi32>, vector<16xi32>], vector<16xf32>,
    }
    %scan3A_51 = arith.constant 8 : i32
    %add3A_52 = arith.constant 256 : i32
    %add3A_53 = arith.addi %mul3A_2, %add3A_52 : i32
    %dma_start3A_54 = arith.constant 0 : i32
    %dma_start3A_55 = tpu.memref_slice %arg2[%add3A_53, %dma_start3A_54] : memref<16400x128xf32, #tpu.memory_space<hbm>> -> memref<128x128xf32, #tpu.memory_space<hbm>>
    %dma_start3A_56 = arith.constant 0 : i32
    %dma_start3A_57 = tpu.memref_slice %arg2[%add3A_53, %dma_start3A_56] : memref<16400x128xf32, #tpu.memory_space<hbm>> -> memref<128x128xf32, #tpu.memory_space<hbm>>
    tpu.enqueue_dma source(%dma_start3A_57 : memref<128x128xf32, #tpu.memory_space<hbm>>) target(%arg5 : memref<128x128xf32, #tpu.memory_space<vmem>>) target_semaphore(%arg8 : memref<!tpu.dma_semaphore, #tpu.memory_space<semaphore_mem>>)
    %add3A_58 = arith.constant 256 : i32
    %add3A_59 = arith.addi %mul3A_2, %add3A_58 : i32
    %dma_start3A_60 = arith.constant 0 : i32
    %dma_start3A_61 = tpu.memref_slice %arg3[%add3A_59, %dma_start3A_60] : memref<16400x128xf32, #tpu.memory_space<hbm>> -> memref<128x128xf32, #tpu.memory_space<hbm>>
    %dma_start3A_62 = arith.constant 0 : i32
    %dma_start3A_63 = tpu.memref_slice %arg3[%add3A_59, %dma_start3A_62] : memref<16400x128xf32, #tpu.memory_space<hbm>> -> memref<128x128xf32, #tpu.memory_space<hbm>>
    tpu.enqueue_dma source(%dma_start3A_63 : memref<128x128xf32, #tpu.memory_space<hbm>>) target(%arg6 : memref<128x128xf32, #tpu.memory_space<vmem>>) target_semaphore(%arg9 : memref<!tpu.dma_semaphore, #tpu.memory_space<semaphore_mem>>)
    %dma_wait3A_64 = arith.constant 0 : i32
    %dma_wait3A_65 = tpu.memref_slice %arg2[%add3A_53, %dma_wait3A_64] : memref<16400x128xf32, #tpu.memory_space<hbm>> -> memref<128x128xf32, #tpu.memory_space<hbm>>
    %dma_wait3A_66 = arith.constant 0 : i32
    %dma_wait3A_67 = tpu.memref_slice %arg2[%add3A_53, %dma_wait3A_66] : memref<16400x128xf32, #tpu.memory_space<hbm>> -> memref<128x128xf32, #tpu.memory_space<hbm>>
    tpu.wait_dma2 semaphore(%arg8 : memref<!tpu.dma_semaphore, #tpu.memory_space<semaphore_mem>>) src(%dma_wait3A_67 : memref<128x128xf32, #tpu.memory_space<hbm>>) dst(%arg5 : memref<128x128xf32, #tpu.memory_space<vmem>>)
    %dma_wait3A_68 = arith.constant 0 : i32
    %dma_wait3A_69 = tpu.memref_slice %arg3[%add3A_59, %dma_wait3A_68] : memref<16400x128xf32, #tpu.memory_space<hbm>> -> memref<128x128xf32, #tpu.memory_space<hbm>>
    %dma_wait3A_70 = arith.constant 0 : i32
    %dma_wait3A_71 = tpu.memref_slice %arg3[%add3A_59, %dma_wait3A_70] : memref<16400x128xf32, #tpu.memory_space<hbm>> -> memref<128x128xf32, #tpu.memory_space<hbm>>
    tpu.wait_dma2 semaphore(%arg9 : memref<!tpu.dma_semaphore, #tpu.memory_space<semaphore_mem>>) src(%dma_wait3A_71 : memref<128x128xf32, #tpu.memory_space<hbm>>) dst(%arg6 : memref<128x128xf32, #tpu.memory_space<vmem>>)
    %scan3A_72 = arith.constant 0 : i32
    %scan3A_73 = arith.constant 0 : i32
    %scan3A_74 = arith.constant 8 : i32
    %scan3A_75 = arith.addi %scan3A_73, %scan3A_74 : i32
    %scan3A_76 = arith.constant 1 : i32
    scf.for %scan3A_104 = %scan3A_73 to %scan3A_75 step %scan3A_76  : i32 {
      %mul3A_105 = arith.constant 16 : i32
      %mul3A_106 = arith.muli %scan3A_104, %mul3A_105 : i32
      %iota3A = tpu.iota {dimensions = array<i32: 0>} : vector<16xi32>
      %add3A_107 = vector.broadcast %mul3A_106 : i32 to vector<16xi32>
      %add3A_108 = arith.addi %add3A_107, %iota3A : vector<16xi32>
      %broadcast_in_dim3A = arith.constant 0.000000e+00 : f32
      %broadcast_in_dim3A_109 = vector.broadcast %broadcast_in_dim3A : f32 to vector<16xf32>
      %broadcast_in_dim3A_110 = arith.constant 0 : i32
      %broadcast_in_dim3A_111 = vector.broadcast %broadcast_in_dim3A_110 : i32 to vector<16xi32>
      %gather3A = tpu.vector_load_idx %arg5[%add3A_108, %broadcast_in_dim3A_111] : memref<128x128xf32, #tpu.memory_space<vmem>>[vector<16xi32>, vector<16xi32>], vector<16xf32>,
      %gather3A_112 = tpu.vector_load_idx %arg6[%add3A_108, %broadcast_in_dim3A_111] : memref<128x128xf32, #tpu.memory_space<vmem>>[vector<16xi32>, vector<16xi32>], vector<16xf32>,
      %mul3A_113 = arith.mulf %gather3A, %gather3A_112 : vector<16xf32>
      %add3A_114 = arith.addf %broadcast_in_dim3A_109, %mul3A_113 : vector<16xf32>
      %broadcast_in_dim3A_115 = arith.constant 1 : i32
      %broadcast_in_dim3A_116 = vector.broadcast %broadcast_in_dim3A_115 : i32 to vector<16xi32>
      %gather3A_117 = tpu.vector_load_idx %arg5[%add3A_108, %broadcast_in_dim3A_116] : memref<128x128xf32, #tpu.memory_space<vmem>>[vector<16xi32>, vector<16xi32>], vector<16xf32>,
      %gather3A_118 = tpu.vector_load_idx %arg6[%add3A_108, %broadcast_in_dim3A_116] : memref<128x128xf32, #tpu.memory_space<vmem>>[vector<16xi32>, vector<16xi32>], vector<16xf32>,
      %mul3A_119 = arith.mulf %gather3A_117, %gather3A_118 : vector<16xf32>
      %add3A_120 = arith.addf %add3A_114, %mul3A_119 : vector<16xf32>
      %broadcast_in_dim3A_121 = arith.constant 2 : i32
      %broadcast_in_dim3A_122 = vector.broadcast %broadcast_in_dim3A_121 : i32 to vector<16xi32>
      %gather3A_123 = tpu.vector_load_idx %arg5[%add3A_108, %broadcast_in_dim3A_122] : memref<128x128xf32, #tpu.memory_space<vmem>>[vector<16xi32>, vector<16xi32>], vector<16xf32>,
      %gather3A_124 = tpu.vector_load_idx %arg6[%add3A_108, %broadcast_in_dim3A_122] : memref<128x128xf32, #tpu.memory_space<vmem>>[vector<16xi32>, vector<16xi32>], vector<16xf32>,
      %mul3A_125 = arith.mulf %gather3A_123, %gather3A_124 : vector<16xf32>
      %add3A_126 = arith.addf %add3A_120, %mul3A_125 : vector<16xf32>
      %broadcast_in_dim3A_127 = arith.constant 3 : i32
      %broadcast_in_dim3A_128 = vector.broadcast %broadcast_in_dim3A_127 : i32 to vector<16xi32>
      %gather3A_129 = tpu.vector_load_idx %arg5[%add3A_108, %broadcast_in_dim3A_128] : memref<128x128xf32, #tpu.memory_space<vmem>>[vector<16xi32>, vector<16xi32>], vector<16xf32>,
      %gather3A_130 = tpu.vector_load_idx %arg6[%add3A_108, %broadcast_in_dim3A_128] : memref<128x128xf32, #tpu.memory_space<vmem>>[vector<16xi32>, vector<16xi32>], vector<16xf32>,
      %mul3A_131 = arith.mulf %gather3A_129, %gather3A_130 : vector<16xf32>
      %add3A_132 = arith.addf %add3A_126, %mul3A_131 : vector<16xf32>
      %broadcast_in_dim3A_133 = arith.constant 4 : i32
      %broadcast_in_dim3A_134 = vector.broadcast %broadcast_in_dim3A_133 : i32 to vector<16xi32>
      %gather3A_135 = tpu.vector_load_idx %arg5[%add3A_108, %broadcast_in_dim3A_134] : memref<128x128xf32, #tpu.memory_space<vmem>>[vector<16xi32>, vector<16xi32>], vector<16xf32>,
      %gather3A_136 = tpu.vector_load_idx %arg6[%add3A_108, %broadcast_in_dim3A_134] : memref<128x128xf32, #tpu.memory_space<vmem>>[vector<16xi32>, vector<16xi32>], vector<16xf32>,
      %mul3A_137 = arith.mulf %gather3A_135, %gather3A_136 : vector<16xf32>
      %add3A_138 = arith.addf %add3A_132, %mul3A_137 : vector<16xf32>
      %broadcast_in_dim3A_139 = arith.constant 5 : i32
      %broadcast_in_dim3A_140 = vector.broadcast %broadcast_in_dim3A_139 : i32 to vector<16xi32>
      %gather3A_141 = tpu.vector_load_idx %arg5[%add3A_108, %broadcast_in_dim3A_140] : memref<128x128xf32, #tpu.memory_space<vmem>>[vector<16xi32>, vector<16xi32>], vector<16xf32>,
      %gather3A_142 = tpu.vector_load_idx %arg6[%add3A_108, %broadcast_in_dim3A_140] : memref<128x128xf32, #tpu.memory_space<vmem>>[vector<16xi32>, vector<16xi32>], vector<16xf32>,
      %mul3A_143 = arith.mulf %gather3A_141, %gather3A_142 : vector<16xf32>
      %add3A_144 = arith.addf %add3A_138, %mul3A_143 : vector<16xf32>
      %broadcast_in_dim3A_145 = arith.constant 6 : i32
      %broadcast_in_dim3A_146 = vector.broadcast %broadcast_in_dim3A_145 : i32 to vector<16xi32>
      %gather3A_147 = tpu.vector_load_idx %arg5[%add3A_108, %broadcast_in_dim3A_146] : memref<128x128xf32, #tpu.memory_space<vmem>>[vector<16xi32>, vector<16xi32>], vector<16xf32>,
      %gather3A_148 = tpu.vector_load_idx %arg6[%add3A_108, %broadcast_in_dim3A_146] : memref<128x128xf32, #tpu.memory_space<vmem>>[vector<16xi32>, vector<16xi32>], vector<16xf32>,
      %mul3A_149 = arith.mulf %gather3A_147, %gather3A_148 : vector<16xf32>
      %add3A_150 = arith.addf %add3A_144, %mul3A_149 : vector<16xf32>
      %broadcast_in_dim3A_151 = arith.constant 7 : i32
      %broadcast_in_dim3A_152 = vector.broadcast %broadcast_in_dim3A_151 : i32 to vector<16xi32>
      %gather3A_153 = tpu.vector_load_idx %arg5[%add3A_108, %broadcast_in_dim3A_152] : memref<128x128xf32, #tpu.memory_space<vmem>>[vector<16xi32>, vector<16xi32>], vector<16xf32>,
      %gather3A_154 = tpu.vector_load_idx %arg6[%add3A_108, %broadcast_in_dim3A_152] : memref<128x128xf32, #tpu.memory_space<vmem>>[vector<16xi32>, vector<16xi32>], vector<16xf32>,
      %mul3A_155 = arith.mulf %gather3A_153, %gather3A_154 : vector<16xf32>
      %add3A_156 = arith.addf %add3A_150, %mul3A_155 : vector<16xf32>
      %broadcast_in_dim3A_157 = arith.constant 8 : i32
      %broadcast_in_dim3A_158 = vector.broadcast %broadcast_in_dim3A_157 : i32 to vector<16xi32>
      %gather3A_159 = tpu.vector_load_idx %arg5[%add3A_108, %broadcast_in_dim3A_158] : memref<128x128xf32, #tpu.memory_space<vmem>>[vector<16xi32>, vector<16xi32>], vector<16xf32>,
      %gather3A_160 = tpu.vector_load_idx %arg6[%add3A_108, %broadcast_in_dim3A_158] : memref<128x128xf32, #tpu.memory_space<vmem>>[vector<16xi32>, vector<16xi32>], vector<16xf32>,
      %mul3A_161 = arith.mulf %gather3A_159, %gather3A_160 : vector<16xf32>
      %add3A_162 = arith.addf %add3A_156, %mul3A_161 : vector<16xf32>
      %broadcast_in_dim3A_163 = arith.constant 9 : i32
      %broadcast_in_dim3A_164 = vector.broadcast %broadcast_in_dim3A_163 : i32 to vector<16xi32>
      %gather3A_165 = tpu.vector_load_idx %arg5[%add3A_108, %broadcast_in_dim3A_164] : memref<128x128xf32, #tpu.memory_space<vmem>>[vector<16xi32>, vector<16xi32>], vector<16xf32>,
      %gather3A_166 = tpu.vector_load_idx %arg6[%add3A_108, %broadcast_in_dim3A_164] : memref<128x128xf32, #tpu.memory_space<vmem>>[vector<16xi32>, vector<16xi32>], vector<16xf32>,
      %mul3A_167 = arith.mulf %gather3A_165, %gather3A_166 : vector<16xf32>
      %add3A_168 = arith.addf %add3A_162, %mul3A_167 : vector<16xf32>
      %broadcast_in_dim3A_169 = arith.constant 10 : i32
      %broadcast_in_dim3A_170 = vector.broadcast %broadcast_in_dim3A_169 : i32 to vector<16xi32>
      %gather3A_171 = tpu.vector_load_idx %arg5[%add3A_108, %broadcast_in_dim3A_170] : memref<128x128xf32, #tpu.memory_space<vmem>>[vector<16xi32>, vector<16xi32>], vector<16xf32>,
      %gather3A_172 = tpu.vector_load_idx %arg6[%add3A_108, %broadcast_in_dim3A_170] : memref<128x128xf32, #tpu.memory_space<vmem>>[vector<16xi32>, vector<16xi32>], vector<16xf32>,
      %mul3A_173 = arith.mulf %gather3A_171, %gather3A_172 : vector<16xf32>
      %add3A_174 = arith.addf %add3A_168, %mul3A_173 : vector<16xf32>
      %broadcast_in_dim3A_175 = arith.constant 11 : i32
      %broadcast_in_dim3A_176 = vector.broadcast %broadcast_in_dim3A_175 : i32 to vector<16xi32>
      %gather3A_177 = tpu.vector_load_idx %arg5[%add3A_108, %broadcast_in_dim3A_176] : memref<128x128xf32, #tpu.memory_space<vmem>>[vector<16xi32>, vector<16xi32>], vector<16xf32>,
      %gather3A_178 = tpu.vector_load_idx %arg6[%add3A_108, %broadcast_in_dim3A_176] : memref<128x128xf32, #tpu.memory_space<vmem>>[vector<16xi32>, vector<16xi32>], vector<16xf32>,
      %mul3A_179 = arith.mulf %gather3A_177, %gather3A_178 : vector<16xf32>
      %add3A_180 = arith.addf %add3A_174, %mul3A_179 : vector<16xf32>
      %broadcast_in_dim3A_181 = arith.constant 12 : i32
      %broadcast_in_dim3A_182 = vector.broadcast %broadcast_in_dim3A_181 : i32 to vector<16xi32>
      %gather3A_183 = tpu.vector_load_idx %arg5[%add3A_108, %broadcast_in_dim3A_182] : memref<128x128xf32, #tpu.memory_space<vmem>>[vector<16xi32>, vector<16xi32>], vector<16xf32>,
      %gather3A_184 = tpu.vector_load_idx %arg6[%add3A_108, %broadcast_in_dim3A_182] : memref<128x128xf32, #tpu.memory_space<vmem>>[vector<16xi32>, vector<16xi32>], vector<16xf32>,
      %mul3A_185 = arith.mulf %gather3A_183, %gather3A_184 : vector<16xf32>
      %add3A_186 = arith.addf %add3A_180, %mul3A_185 : vector<16xf32>
      %broadcast_in_dim3A_187 = arith.constant 13 : i32
      %broadcast_in_dim3A_188 = vector.broadcast %broadcast_in_dim3A_187 : i32 to vector<16xi32>
      %gather3A_189 = tpu.vector_load_idx %arg5[%add3A_108, %broadcast_in_dim3A_188] : memref<128x128xf32, #tpu.memory_space<vmem>>[vector<16xi32>, vector<16xi32>], vector<16xf32>,
      %gather3A_190 = tpu.vector_load_idx %arg6[%add3A_108, %broadcast_in_dim3A_188] : memref<128x128xf32, #tpu.memory_space<vmem>>[vector<16xi32>, vector<16xi32>], vector<16xf32>,
      %mul3A_191 = arith.mulf %gather3A_189, %gather3A_190 : vector<16xf32>
      %add3A_192 = arith.addf %add3A_186, %mul3A_191 : vector<16xf32>
      %broadcast_in_dim3A_193 = arith.constant 14 : i32
      %broadcast_in_dim3A_194 = vector.broadcast %broadcast_in_dim3A_193 : i32 to vector<16xi32>
      %gather3A_195 = tpu.vector_load_idx %arg5[%add3A_108, %broadcast_in_dim3A_194] : memref<128x128xf32, #tpu.memory_space<vmem>>[vector<16xi32>, vector<16xi32>], vector<16xf32>,
      %gather3A_196 = tpu.vector_load_idx %arg6[%add3A_108, %broadcast_in_dim3A_194] : memref<128x128xf32, #tpu.memory_space<vmem>>[vector<16xi32>, vector<16xi32>], vector<16xf32>,
      %mul3A_197 = arith.mulf %gather3A_195, %gather3A_196 : vector<16xf32>
      %add3A_198 = arith.addf %add3A_192, %mul3A_197 : vector<16xf32>
      %broadcast_in_dim3A_199 = arith.constant 15 : i32
      %broadcast_in_dim3A_200 = vector.broadcast %broadcast_in_dim3A_199 : i32 to vector<16xi32>
      %gather3A_201 = tpu.vector_load_idx %arg5[%add3A_108, %broadcast_in_dim3A_200] : memref<128x128xf32, #tpu.memory_space<vmem>>[vector<16xi32>, vector<16xi32>], vector<16xf32>,
      %gather3A_202 = tpu.vector_load_idx %arg6[%add3A_108, %broadcast_in_dim3A_200] : memref<128x128xf32, #tpu.memory_space<vmem>>[vector<16xi32>, vector<16xi32>], vector<16xf32>,
      %mul3A_203 = arith.mulf %gather3A_201, %gather3A_202 : vector<16xf32>
      %add3A_204 = arith.addf %add3A_198, %mul3A_203 : vector<16xf32>
      %broadcast_in_dim3A_205 = arith.constant 16 : i32
      %broadcast_in_dim3A_206 = vector.broadcast %broadcast_in_dim3A_205 : i32 to vector<16xi32>
      %gather3A_207 = tpu.vector_load_idx %arg5[%add3A_108, %broadcast_in_dim3A_206] : memref<128x128xf32, #tpu.memory_space<vmem>>[vector<16xi32>, vector<16xi32>], vector<16xf32>,
      %gather3A_208 = tpu.vector_load_idx %arg6[%add3A_108, %broadcast_in_dim3A_206] : memref<128x128xf32, #tpu.memory_space<vmem>>[vector<16xi32>, vector<16xi32>], vector<16xf32>,
      %mul3A_209 = arith.mulf %gather3A_207, %gather3A_208 : vector<16xf32>
      %add3A_210 = arith.addf %add3A_204, %mul3A_209 : vector<16xf32>
      %broadcast_in_dim3A_211 = arith.constant 17 : i32
      %broadcast_in_dim3A_212 = vector.broadcast %broadcast_in_dim3A_211 : i32 to vector<16xi32>
      %gather3A_213 = tpu.vector_load_idx %arg5[%add3A_108, %broadcast_in_dim3A_212] : memref<128x128xf32, #tpu.memory_space<vmem>>[vector<16xi32>, vector<16xi32>], vector<16xf32>,
      %gather3A_214 = tpu.vector_load_idx %arg6[%add3A_108, %broadcast_in_dim3A_212] : memref<128x128xf32, #tpu.memory_space<vmem>>[vector<16xi32>, vector<16xi32>], vector<16xf32>,
      %mul3A_215 = arith.mulf %gather3A_213, %gather3A_214 : vector<16xf32>
      %add3A_216 = arith.addf %add3A_210, %mul3A_215 : vector<16xf32>
      %broadcast_in_dim3A_217 = arith.constant 18 : i32
      %broadcast_in_dim3A_218 = vector.broadcast %broadcast_in_dim3A_217 : i32 to vector<16xi32>
      %gather3A_219 = tpu.vector_load_idx %arg5[%add3A_108, %broadcast_in_dim3A_218] : memref<128x128xf32, #tpu.memory_space<vmem>>[vector<16xi32>, vector<16xi32>], vector<16xf32>,
      %gather3A_220 = tpu.vector_load_idx %arg6[%add3A_108, %broadcast_in_dim3A_218] : memref<128x128xf32, #tpu.memory_space<vmem>>[vector<16xi32>, vector<16xi32>], vector<16xf32>,
      %mul3A_221 = arith.mulf %gather3A_219, %gather3A_220 : vector<16xf32>
      %add3A_222 = arith.addf %add3A_216, %mul3A_221 : vector<16xf32>
      %broadcast_in_dim3A_223 = arith.constant 19 : i32
      %broadcast_in_dim3A_224 = vector.broadcast %broadcast_in_dim3A_223 : i32 to vector<16xi32>
      %gather3A_225 = tpu.vector_load_idx %arg5[%add3A_108, %broadcast_in_dim3A_224] : memref<128x128xf32, #tpu.memory_space<vmem>>[vector<16xi32>, vector<16xi32>], vector<16xf32>,
      %gather3A_226 = tpu.vector_load_idx %arg6[%add3A_108, %broadcast_in_dim3A_224] : memref<128x128xf32, #tpu.memory_space<vmem>>[vector<16xi32>, vector<16xi32>], vector<16xf32>,
      %mul3A_227 = arith.mulf %gather3A_225, %gather3A_226 : vector<16xf32>
      %add3A_228 = arith.addf %add3A_222, %mul3A_227 : vector<16xf32>
      %broadcast_in_dim3A_229 = arith.constant 20 : i32
      %broadcast_in_dim3A_230 = vector.broadcast %broadcast_in_dim3A_229 : i32 to vector<16xi32>
      %gather3A_231 = tpu.vector_load_idx %arg5[%add3A_108, %broadcast_in_dim3A_230] : memref<128x128xf32, #tpu.memory_space<vmem>>[vector<16xi32>, vector<16xi32>], vector<16xf32>,
      %gather3A_232 = tpu.vector_load_idx %arg6[%add3A_108, %broadcast_in_dim3A_230] : memref<128x128xf32, #tpu.memory_space<vmem>>[vector<16xi32>, vector<16xi32>], vector<16xf32>,
      %mul3A_233 = arith.mulf %gather3A_231, %gather3A_232 : vector<16xf32>
      %add3A_234 = arith.addf %add3A_228, %mul3A_233 : vector<16xf32>
      %broadcast_in_dim3A_235 = arith.constant 21 : i32
      %broadcast_in_dim3A_236 = vector.broadcast %broadcast_in_dim3A_235 : i32 to vector<16xi32>
      %gather3A_237 = tpu.vector_load_idx %arg5[%add3A_108, %broadcast_in_dim3A_236] : memref<128x128xf32, #tpu.memory_space<vmem>>[vector<16xi32>, vector<16xi32>], vector<16xf32>,
      %gather3A_238 = tpu.vector_load_idx %arg6[%add3A_108, %broadcast_in_dim3A_236] : memref<128x128xf32, #tpu.memory_space<vmem>>[vector<16xi32>, vector<16xi32>], vector<16xf32>,
      %mul3A_239 = arith.mulf %gather3A_237, %gather3A_238 : vector<16xf32>
      %add3A_240 = arith.addf %add3A_234, %mul3A_239 : vector<16xf32>
      %broadcast_in_dim3A_241 = arith.constant 22 : i32
      %broadcast_in_dim3A_242 = vector.broadcast %broadcast_in_dim3A_241 : i32 to vector<16xi32>
      %gather3A_243 = tpu.vector_load_idx %arg5[%add3A_108, %broadcast_in_dim3A_242] : memref<128x128xf32, #tpu.memory_space<vmem>>[vector<16xi32>, vector<16xi32>], vector<16xf32>,
      %gather3A_244 = tpu.vector_load_idx %arg6[%add3A_108, %broadcast_in_dim3A_242] : memref<128x128xf32, #tpu.memory_space<vmem>>[vector<16xi32>, vector<16xi32>], vector<16xf32>,
      %mul3A_245 = arith.mulf %gather3A_243, %gather3A_244 : vector<16xf32>
      %add3A_246 = arith.addf %add3A_240, %mul3A_245 : vector<16xf32>
      %broadcast_in_dim3A_247 = arith.constant 23 : i32
      %broadcast_in_dim3A_248 = vector.broadcast %broadcast_in_dim3A_247 : i32 to vector<16xi32>
      %gather3A_249 = tpu.vector_load_idx %arg5[%add3A_108, %broadcast_in_dim3A_248] : memref<128x128xf32, #tpu.memory_space<vmem>>[vector<16xi32>, vector<16xi32>], vector<16xf32>,
      %gather3A_250 = tpu.vector_load_idx %arg6[%add3A_108, %broadcast_in_dim3A_248] : memref<128x128xf32, #tpu.memory_space<vmem>>[vector<16xi32>, vector<16xi32>], vector<16xf32>,
      %mul3A_251 = arith.mulf %gather3A_249, %gather3A_250 : vector<16xf32>
      %add3A_252 = arith.addf %add3A_246, %mul3A_251 : vector<16xf32>
      %broadcast_in_dim3A_253 = arith.constant 24 : i32
      %broadcast_in_dim3A_254 = vector.broadcast %broadcast_in_dim3A_253 : i32 to vector<16xi32>
      %gather3A_255 = tpu.vector_load_idx %arg5[%add3A_108, %broadcast_in_dim3A_254] : memref<128x128xf32, #tpu.memory_space<vmem>>[vector<16xi32>, vector<16xi32>], vector<16xf32>,
      %gather3A_256 = tpu.vector_load_idx %arg6[%add3A_108, %broadcast_in_dim3A_254] : memref<128x128xf32, #tpu.memory_space<vmem>>[vector<16xi32>, vector<16xi32>], vector<16xf32>,
      %mul3A_257 = arith.mulf %gather3A_255, %gather3A_256 : vector<16xf32>
      %add3A_258 = arith.addf %add3A_252, %mul3A_257 : vector<16xf32>
      %broadcast_in_dim3A_259 = arith.constant 25 : i32
      %broadcast_in_dim3A_260 = vector.broadcast %broadcast_in_dim3A_259 : i32 to vector<16xi32>
      %gather3A_261 = tpu.vector_load_idx %arg5[%add3A_108, %broadcast_in_dim3A_260] : memref<128x128xf32, #tpu.memory_space<vmem>>[vector<16xi32>, vector<16xi32>], vector<16xf32>,
      %gather3A_262 = tpu.vector_load_idx %arg6[%add3A_108, %broadcast_in_dim3A_260] : memref<128x128xf32, #tpu.memory_space<vmem>>[vector<16xi32>, vector<16xi32>], vector<16xf32>,
      %mul3A_263 = arith.mulf %gather3A_261, %gather3A_262 : vector<16xf32>
      %add3A_264 = arith.addf %add3A_258, %mul3A_263 : vector<16xf32>
      %broadcast_in_dim3A_265 = arith.constant 26 : i32
      %broadcast_in_dim3A_266 = vector.broadcast %broadcast_in_dim3A_265 : i32 to vector<16xi32>
      %gather3A_267 = tpu.vector_load_idx %arg5[%add3A_108, %broadcast_in_dim3A_266] : memref<128x128xf32, #tpu.memory_space<vmem>>[vector<16xi32>, vector<16xi32>], vector<16xf32>,
      %gather3A_268 = tpu.vector_load_idx %arg6[%add3A_108, %broadcast_in_dim3A_266] : memref<128x128xf32, #tpu.memory_space<vmem>>[vector<16xi32>, vector<16xi32>], vector<16xf32>,
      %mul3A_269 = arith.mulf %gather3A_267, %gather3A_268 : vector<16xf32>
      %add3A_270 = arith.addf %add3A_264, %mul3A_269 : vector<16xf32>
      %broadcast_in_dim3A_271 = arith.constant 27 : i32
      %broadcast_in_dim3A_272 = vector.broadcast %broadcast_in_dim3A_271 : i32 to vector<16xi32>
      %gather3A_273 = tpu.vector_load_idx %arg5[%add3A_108, %broadcast_in_dim3A_272] : memref<128x128xf32, #tpu.memory_space<vmem>>[vector<16xi32>, vector<16xi32>], vector<16xf32>,
      %gather3A_274 = tpu.vector_load_idx %arg6[%add3A_108, %broadcast_in_dim3A_272] : memref<128x128xf32, #tpu.memory_space<vmem>>[vector<16xi32>, vector<16xi32>], vector<16xf32>,
      %mul3A_275 = arith.mulf %gather3A_273, %gather3A_274 : vector<16xf32>
      %add3A_276 = arith.addf %add3A_270, %mul3A_275 : vector<16xf32>
      %broadcast_in_dim3A_277 = arith.constant 28 : i32
      %broadcast_in_dim3A_278 = vector.broadcast %broadcast_in_dim3A_277 : i32 to vector<16xi32>
      %gather3A_279 = tpu.vector_load_idx %arg5[%add3A_108, %broadcast_in_dim3A_278] : memref<128x128xf32, #tpu.memory_space<vmem>>[vector<16xi32>, vector<16xi32>], vector<16xf32>,
      %gather3A_280 = tpu.vector_load_idx %arg6[%add3A_108, %broadcast_in_dim3A_278] : memref<128x128xf32, #tpu.memory_space<vmem>>[vector<16xi32>, vector<16xi32>], vector<16xf32>,
      %mul3A_281 = arith.mulf %gather3A_279, %gather3A_280 : vector<16xf32>
      %add3A_282 = arith.addf %add3A_276, %mul3A_281 : vector<16xf32>
      %broadcast_in_dim3A_283 = arith.constant 29 : i32
      %broadcast_in_dim3A_284 = vector.broadcast %broadcast_in_dim3A_283 : i32 to vector<16xi32>
      %gather3A_285 = tpu.vector_load_idx %arg5[%add3A_108, %broadcast_in_dim3A_284] : memref<128x128xf32, #tpu.memory_space<vmem>>[vector<16xi32>, vector<16xi32>], vector<16xf32>,
      %gather3A_286 = tpu.vector_load_idx %arg6[%add3A_108, %broadcast_in_dim3A_284] : memref<128x128xf32, #tpu.memory_space<vmem>>[vector<16xi32>, vector<16xi32>], vector<16xf32>,
      %mul3A_287 = arith.mulf %gather3A_285, %gather3A_286 : vector<16xf32>
      %add3A_288 = arith.addf %add3A_282, %mul3A_287 : vector<16xf32>
      %broadcast_in_dim3A_289 = arith.constant 30 : i32
      %broadcast_in_dim3A_290 = vector.broadcast %broadcast_in_dim3A_289 : i32 to vector<16xi32>
      %gather3A_291 = tpu.vector_load_idx %arg5[%add3A_108, %broadcast_in_dim3A_290] : memref<128x128xf32, #tpu.memory_space<vmem>>[vector<16xi32>, vector<16xi32>], vector<16xf32>,
      %gather3A_292 = tpu.vector_load_idx %arg6[%add3A_108, %broadcast_in_dim3A_290] : memref<128x128xf32, #tpu.memory_space<vmem>>[vector<16xi32>, vector<16xi32>], vector<16xf32>,
      %mul3A_293 = arith.mulf %gather3A_291, %gather3A_292 : vector<16xf32>
      %add3A_294 = arith.addf %add3A_288, %mul3A_293 : vector<16xf32>
      %broadcast_in_dim3A_295 = arith.constant 31 : i32
      %broadcast_in_dim3A_296 = vector.broadcast %broadcast_in_dim3A_295 : i32 to vector<16xi32>
      %gather3A_297 = tpu.vector_load_idx %arg5[%add3A_108, %broadcast_in_dim3A_296] : memref<128x128xf32, #tpu.memory_space<vmem>>[vector<16xi32>, vector<16xi32>], vector<16xf32>,
      %gather3A_298 = tpu.vector_load_idx %arg6[%add3A_108, %broadcast_in_dim3A_296] : memref<128x128xf32, #tpu.memory_space<vmem>>[vector<16xi32>, vector<16xi32>], vector<16xf32>,
      %mul3A_299 = arith.mulf %gather3A_297, %gather3A_298 : vector<16xf32>
      %add3A_300 = arith.addf %add3A_294, %mul3A_299 : vector<16xf32>
      %broadcast_in_dim3A_301 = arith.constant 0 : i32
      %broadcast_in_dim3A_302 = vector.broadcast %broadcast_in_dim3A_301 : i32 to vector<16xi32>
      %add3A_303 = arith.constant 256 : i32
      %add3A_304 = vector.broadcast %add3A_303 : i32 to vector<16xi32>
      %add3A_305 = arith.addi %add3A_304, %add3A_108 : vector<16xi32>
      tpu.vector_store_idx %arg7[%broadcast_in_dim3A_302, %add3A_305], %add3A_300 : memref<1x512xf32, #tpu.memory_space<vmem>>[vector<16xi32>, vector<16xi32>], vector<16xf32>,
    }
    %scan3A_77 = arith.constant 8 : i32
    %add3A_78 = arith.constant 384 : i32
    %add3A_79 = arith.addi %mul3A_2, %add3A_78 : i32
    %dma_start3A_80 = arith.constant 0 : i32
    %dma_start3A_81 = tpu.memref_slice %arg2[%add3A_79, %dma_start3A_80] : memref<16400x128xf32, #tpu.memory_space<hbm>> -> memref<128x128xf32, #tpu.memory_space<hbm>>
    %dma_start3A_82 = arith.constant 0 : i32
    %dma_start3A_83 = tpu.memref_slice %arg2[%add3A_79, %dma_start3A_82] : memref<16400x128xf32, #tpu.memory_space<hbm>> -> memref<128x128xf32, #tpu.memory_space<hbm>>
    tpu.enqueue_dma source(%dma_start3A_83 : memref<128x128xf32, #tpu.memory_space<hbm>>) target(%arg5 : memref<128x128xf32, #tpu.memory_space<vmem>>) target_semaphore(%arg8 : memref<!tpu.dma_semaphore, #tpu.memory_space<semaphore_mem>>)
    %add3A_84 = arith.constant 384 : i32
    %add3A_85 = arith.addi %mul3A_2, %add3A_84 : i32
    %dma_start3A_86 = arith.constant 0 : i32
    %dma_start3A_87 = tpu.memref_slice %arg3[%add3A_85, %dma_start3A_86] : memref<16400x128xf32, #tpu.memory_space<hbm>> -> memref<128x128xf32, #tpu.memory_space<hbm>>
    %dma_start3A_88 = arith.constant 0 : i32
    %dma_start3A_89 = tpu.memref_slice %arg3[%add3A_85, %dma_start3A_88] : memref<16400x128xf32, #tpu.memory_space<hbm>> -> memref<128x128xf32, #tpu.memory_space<hbm>>
    tpu.enqueue_dma source(%dma_start3A_89 : memref<128x128xf32, #tpu.memory_space<hbm>>) target(%arg6 : memref<128x128xf32, #tpu.memory_space<vmem>>) target_semaphore(%arg9 : memref<!tpu.dma_semaphore, #tpu.memory_space<semaphore_mem>>)
    %dma_wait3A_90 = arith.constant 0 : i32
    %dma_wait3A_91 = tpu.memref_slice %arg2[%add3A_79, %dma_wait3A_90] : memref<16400x128xf32, #tpu.memory_space<hbm>> -> memref<128x128xf32, #tpu.memory_space<hbm>>
    %dma_wait3A_92 = arith.constant 0 : i32
    %dma_wait3A_93 = tpu.memref_slice %arg2[%add3A_79, %dma_wait3A_92] : memref<16400x128xf32, #tpu.memory_space<hbm>> -> memref<128x128xf32, #tpu.memory_space<hbm>>
    tpu.wait_dma2 semaphore(%arg8 : memref<!tpu.dma_semaphore, #tpu.memory_space<semaphore_mem>>) src(%dma_wait3A_93 : memref<128x128xf32, #tpu.memory_space<hbm>>) dst(%arg5 : memref<128x128xf32, #tpu.memory_space<vmem>>)
    %dma_wait3A_94 = arith.constant 0 : i32
    %dma_wait3A_95 = tpu.memref_slice %arg3[%add3A_85, %dma_wait3A_94] : memref<16400x128xf32, #tpu.memory_space<hbm>> -> memref<128x128xf32, #tpu.memory_space<hbm>>
    %dma_wait3A_96 = arith.constant 0 : i32
    %dma_wait3A_97 = tpu.memref_slice %arg3[%add3A_85, %dma_wait3A_96] : memref<16400x128xf32, #tpu.memory_space<hbm>> -> memref<128x128xf32, #tpu.memory_space<hbm>>
    tpu.wait_dma2 semaphore(%arg9 : memref<!tpu.dma_semaphore, #tpu.memory_space<semaphore_mem>>) src(%dma_wait3A_97 : memref<128x128xf32, #tpu.memory_space<hbm>>) dst(%arg6 : memref<128x128xf32, #tpu.memory_space<vmem>>)
    %scan3A_98 = arith.constant 0 : i32
    %scan3A_99 = arith.constant 0 : i32
    %scan3A_100 = arith.constant 8 : i32
    %scan3A_101 = arith.addi %scan3A_99, %scan3A_100 : i32
    %scan3A_102 = arith.constant 1 : i32
    scf.for %scan3A_104 = %scan3A_99 to %scan3A_101 step %scan3A_102  : i32 {
      %mul3A_105 = arith.constant 16 : i32
      %mul3A_106 = arith.muli %scan3A_104, %mul3A_105 : i32
      %iota3A = tpu.iota {dimensions = array<i32: 0>} : vector<16xi32>
      %add3A_107 = vector.broadcast %mul3A_106 : i32 to vector<16xi32>
      %add3A_108 = arith.addi %add3A_107, %iota3A : vector<16xi32>
      %broadcast_in_dim3A = arith.constant 0.000000e+00 : f32
      %broadcast_in_dim3A_109 = vector.broadcast %broadcast_in_dim3A : f32 to vector<16xf32>
      %broadcast_in_dim3A_110 = arith.constant 0 : i32
      %broadcast_in_dim3A_111 = vector.broadcast %broadcast_in_dim3A_110 : i32 to vector<16xi32>
      %gather3A = tpu.vector_load_idx %arg5[%add3A_108, %broadcast_in_dim3A_111] : memref<128x128xf32, #tpu.memory_space<vmem>>[vector<16xi32>, vector<16xi32>], vector<16xf32>,
      %gather3A_112 = tpu.vector_load_idx %arg6[%add3A_108, %broadcast_in_dim3A_111] : memref<128x128xf32, #tpu.memory_space<vmem>>[vector<16xi32>, vector<16xi32>], vector<16xf32>,
      %mul3A_113 = arith.mulf %gather3A, %gather3A_112 : vector<16xf32>
      %add3A_114 = arith.addf %broadcast_in_dim3A_109, %mul3A_113 : vector<16xf32>
      %broadcast_in_dim3A_115 = arith.constant 1 : i32
      %broadcast_in_dim3A_116 = vector.broadcast %broadcast_in_dim3A_115 : i32 to vector<16xi32>
      %gather3A_117 = tpu.vector_load_idx %arg5[%add3A_108, %broadcast_in_dim3A_116] : memref<128x128xf32, #tpu.memory_space<vmem>>[vector<16xi32>, vector<16xi32>], vector<16xf32>,
      %gather3A_118 = tpu.vector_load_idx %arg6[%add3A_108, %broadcast_in_dim3A_116] : memref<128x128xf32, #tpu.memory_space<vmem>>[vector<16xi32>, vector<16xi32>], vector<16xf32>,
      %mul3A_119 = arith.mulf %gather3A_117, %gather3A_118 : vector<16xf32>
      %add3A_120 = arith.addf %add3A_114, %mul3A_119 : vector<16xf32>
      %broadcast_in_dim3A_121 = arith.constant 2 : i32
      %broadcast_in_dim3A_122 = vector.broadcast %broadcast_in_dim3A_121 : i32 to vector<16xi32>
      %gather3A_123 = tpu.vector_load_idx %arg5[%add3A_108, %broadcast_in_dim3A_122] : memref<128x128xf32, #tpu.memory_space<vmem>>[vector<16xi32>, vector<16xi32>], vector<16xf32>,
      %gather3A_124 = tpu.vector_load_idx %arg6[%add3A_108, %broadcast_in_dim3A_122] : memref<128x128xf32, #tpu.memory_space<vmem>>[vector<16xi32>, vector<16xi32>], vector<16xf32>,
      %mul3A_125 = arith.mulf %gather3A_123, %gather3A_124 : vector<16xf32>
      %add3A_126 = arith.addf %add3A_120, %mul3A_125 : vector<16xf32>
      %broadcast_in_dim3A_127 = arith.constant 3 : i32
      %broadcast_in_dim3A_128 = vector.broadcast %broadcast_in_dim3A_127 : i32 to vector<16xi32>
      %gather3A_129 = tpu.vector_load_idx %arg5[%add3A_108, %broadcast_in_dim3A_128] : memref<128x128xf32, #tpu.memory_space<vmem>>[vector<16xi32>, vector<16xi32>], vector<16xf32>,
      %gather3A_130 = tpu.vector_load_idx %arg6[%add3A_108, %broadcast_in_dim3A_128] : memref<128x128xf32, #tpu.memory_space<vmem>>[vector<16xi32>, vector<16xi32>], vector<16xf32>,
      %mul3A_131 = arith.mulf %gather3A_129, %gather3A_130 : vector<16xf32>
      %add3A_132 = arith.addf %add3A_126, %mul3A_131 : vector<16xf32>
      %broadcast_in_dim3A_133 = arith.constant 4 : i32
      %broadcast_in_dim3A_134 = vector.broadcast %broadcast_in_dim3A_133 : i32 to vector<16xi32>
      %gather3A_135 = tpu.vector_load_idx %arg5[%add3A_108, %broadcast_in_dim3A_134] : memref<128x128xf32, #tpu.memory_space<vmem>>[vector<16xi32>, vector<16xi32>], vector<16xf32>,
      %gather3A_136 = tpu.vector_load_idx %arg6[%add3A_108, %broadcast_in_dim3A_134] : memref<128x128xf32, #tpu.memory_space<vmem>>[vector<16xi32>, vector<16xi32>], vector<16xf32>,
      %mul3A_137 = arith.mulf %gather3A_135, %gather3A_136 : vector<16xf32>
      %add3A_138 = arith.addf %add3A_132, %mul3A_137 : vector<16xf32>
      %broadcast_in_dim3A_139 = arith.constant 5 : i32
      %broadcast_in_dim3A_140 = vector.broadcast %broadcast_in_dim3A_139 : i32 to vector<16xi32>
      %gather3A_141 = tpu.vector_load_idx %arg5[%add3A_108, %broadcast_in_dim3A_140] : memref<128x128xf32, #tpu.memory_space<vmem>>[vector<16xi32>, vector<16xi32>], vector<16xf32>,
      %gather3A_142 = tpu.vector_load_idx %arg6[%add3A_108, %broadcast_in_dim3A_140] : memref<128x128xf32, #tpu.memory_space<vmem>>[vector<16xi32>, vector<16xi32>], vector<16xf32>,
      %mul3A_143 = arith.mulf %gather3A_141, %gather3A_142 : vector<16xf32>
      %add3A_144 = arith.addf %add3A_138, %mul3A_143 : vector<16xf32>
      %broadcast_in_dim3A_145 = arith.constant 6 : i32
      %broadcast_in_dim3A_146 = vector.broadcast %broadcast_in_dim3A_145 : i32 to vector<16xi32>
      %gather3A_147 = tpu.vector_load_idx %arg5[%add3A_108, %broadcast_in_dim3A_146] : memref<128x128xf32, #tpu.memory_space<vmem>>[vector<16xi32>, vector<16xi32>], vector<16xf32>,
      %gather3A_148 = tpu.vector_load_idx %arg6[%add3A_108, %broadcast_in_dim3A_146] : memref<128x128xf32, #tpu.memory_space<vmem>>[vector<16xi32>, vector<16xi32>], vector<16xf32>,
      %mul3A_149 = arith.mulf %gather3A_147, %gather3A_148 : vector<16xf32>
      %add3A_150 = arith.addf %add3A_144, %mul3A_149 : vector<16xf32>
      %broadcast_in_dim3A_151 = arith.constant 7 : i32
      %broadcast_in_dim3A_152 = vector.broadcast %broadcast_in_dim3A_151 : i32 to vector<16xi32>
      %gather3A_153 = tpu.vector_load_idx %arg5[%add3A_108, %broadcast_in_dim3A_152] : memref<128x128xf32, #tpu.memory_space<vmem>>[vector<16xi32>, vector<16xi32>], vector<16xf32>,
      %gather3A_154 = tpu.vector_load_idx %arg6[%add3A_108, %broadcast_in_dim3A_152] : memref<128x128xf32, #tpu.memory_space<vmem>>[vector<16xi32>, vector<16xi32>], vector<16xf32>,
      %mul3A_155 = arith.mulf %gather3A_153, %gather3A_154 : vector<16xf32>
      %add3A_156 = arith.addf %add3A_150, %mul3A_155 : vector<16xf32>
      %broadcast_in_dim3A_157 = arith.constant 8 : i32
      %broadcast_in_dim3A_158 = vector.broadcast %broadcast_in_dim3A_157 : i32 to vector<16xi32>
      %gather3A_159 = tpu.vector_load_idx %arg5[%add3A_108, %broadcast_in_dim3A_158] : memref<128x128xf32, #tpu.memory_space<vmem>>[vector<16xi32>, vector<16xi32>], vector<16xf32>,
      %gather3A_160 = tpu.vector_load_idx %arg6[%add3A_108, %broadcast_in_dim3A_158] : memref<128x128xf32, #tpu.memory_space<vmem>>[vector<16xi32>, vector<16xi32>], vector<16xf32>,
      %mul3A_161 = arith.mulf %gather3A_159, %gather3A_160 : vector<16xf32>
      %add3A_162 = arith.addf %add3A_156, %mul3A_161 : vector<16xf32>
      %broadcast_in_dim3A_163 = arith.constant 9 : i32
      %broadcast_in_dim3A_164 = vector.broadcast %broadcast_in_dim3A_163 : i32 to vector<16xi32>
      %gather3A_165 = tpu.vector_load_idx %arg5[%add3A_108, %broadcast_in_dim3A_164] : memref<128x128xf32, #tpu.memory_space<vmem>>[vector<16xi32>, vector<16xi32>], vector<16xf32>,
      %gather3A_166 = tpu.vector_load_idx %arg6[%add3A_108, %broadcast_in_dim3A_164] : memref<128x128xf32, #tpu.memory_space<vmem>>[vector<16xi32>, vector<16xi32>], vector<16xf32>,
      %mul3A_167 = arith.mulf %gather3A_165, %gather3A_166 : vector<16xf32>
      %add3A_168 = arith.addf %add3A_162, %mul3A_167 : vector<16xf32>
      %broadcast_in_dim3A_169 = arith.constant 10 : i32
      %broadcast_in_dim3A_170 = vector.broadcast %broadcast_in_dim3A_169 : i32 to vector<16xi32>
      %gather3A_171 = tpu.vector_load_idx %arg5[%add3A_108, %broadcast_in_dim3A_170] : memref<128x128xf32, #tpu.memory_space<vmem>>[vector<16xi32>, vector<16xi32>], vector<16xf32>,
      %gather3A_172 = tpu.vector_load_idx %arg6[%add3A_108, %broadcast_in_dim3A_170] : memref<128x128xf32, #tpu.memory_space<vmem>>[vector<16xi32>, vector<16xi32>], vector<16xf32>,
      %mul3A_173 = arith.mulf %gather3A_171, %gather3A_172 : vector<16xf32>
      %add3A_174 = arith.addf %add3A_168, %mul3A_173 : vector<16xf32>
      %broadcast_in_dim3A_175 = arith.constant 11 : i32
      %broadcast_in_dim3A_176 = vector.broadcast %broadcast_in_dim3A_175 : i32 to vector<16xi32>
      %gather3A_177 = tpu.vector_load_idx %arg5[%add3A_108, %broadcast_in_dim3A_176] : memref<128x128xf32, #tpu.memory_space<vmem>>[vector<16xi32>, vector<16xi32>], vector<16xf32>,
      %gather3A_178 = tpu.vector_load_idx %arg6[%add3A_108, %broadcast_in_dim3A_176] : memref<128x128xf32, #tpu.memory_space<vmem>>[vector<16xi32>, vector<16xi32>], vector<16xf32>,
      %mul3A_179 = arith.mulf %gather3A_177, %gather3A_178 : vector<16xf32>
      %add3A_180 = arith.addf %add3A_174, %mul3A_179 : vector<16xf32>
      %broadcast_in_dim3A_181 = arith.constant 12 : i32
      %broadcast_in_dim3A_182 = vector.broadcast %broadcast_in_dim3A_181 : i32 to vector<16xi32>
      %gather3A_183 = tpu.vector_load_idx %arg5[%add3A_108, %broadcast_in_dim3A_182] : memref<128x128xf32, #tpu.memory_space<vmem>>[vector<16xi32>, vector<16xi32>], vector<16xf32>,
      %gather3A_184 = tpu.vector_load_idx %arg6[%add3A_108, %broadcast_in_dim3A_182] : memref<128x128xf32, #tpu.memory_space<vmem>>[vector<16xi32>, vector<16xi32>], vector<16xf32>,
      %mul3A_185 = arith.mulf %gather3A_183, %gather3A_184 : vector<16xf32>
      %add3A_186 = arith.addf %add3A_180, %mul3A_185 : vector<16xf32>
      %broadcast_in_dim3A_187 = arith.constant 13 : i32
      %broadcast_in_dim3A_188 = vector.broadcast %broadcast_in_dim3A_187 : i32 to vector<16xi32>
      %gather3A_189 = tpu.vector_load_idx %arg5[%add3A_108, %broadcast_in_dim3A_188] : memref<128x128xf32, #tpu.memory_space<vmem>>[vector<16xi32>, vector<16xi32>], vector<16xf32>,
      %gather3A_190 = tpu.vector_load_idx %arg6[%add3A_108, %broadcast_in_dim3A_188] : memref<128x128xf32, #tpu.memory_space<vmem>>[vector<16xi32>, vector<16xi32>], vector<16xf32>,
      %mul3A_191 = arith.mulf %gather3A_189, %gather3A_190 : vector<16xf32>
      %add3A_192 = arith.addf %add3A_186, %mul3A_191 : vector<16xf32>
      %broadcast_in_dim3A_193 = arith.constant 14 : i32
      %broadcast_in_dim3A_194 = vector.broadcast %broadcast_in_dim3A_193 : i32 to vector<16xi32>
      %gather3A_195 = tpu.vector_load_idx %arg5[%add3A_108, %broadcast_in_dim3A_194] : memref<128x128xf32, #tpu.memory_space<vmem>>[vector<16xi32>, vector<16xi32>], vector<16xf32>,
      %gather3A_196 = tpu.vector_load_idx %arg6[%add3A_108, %broadcast_in_dim3A_194] : memref<128x128xf32, #tpu.memory_space<vmem>>[vector<16xi32>, vector<16xi32>], vector<16xf32>,
      %mul3A_197 = arith.mulf %gather3A_195, %gather3A_196 : vector<16xf32>
      %add3A_198 = arith.addf %add3A_192, %mul3A_197 : vector<16xf32>
      %broadcast_in_dim3A_199 = arith.constant 15 : i32
      %broadcast_in_dim3A_200 = vector.broadcast %broadcast_in_dim3A_199 : i32 to vector<16xi32>
      %gather3A_201 = tpu.vector_load_idx %arg5[%add3A_108, %broadcast_in_dim3A_200] : memref<128x128xf32, #tpu.memory_space<vmem>>[vector<16xi32>, vector<16xi32>], vector<16xf32>,
      %gather3A_202 = tpu.vector_load_idx %arg6[%add3A_108, %broadcast_in_dim3A_200] : memref<128x128xf32, #tpu.memory_space<vmem>>[vector<16xi32>, vector<16xi32>], vector<16xf32>,
      %mul3A_203 = arith.mulf %gather3A_201, %gather3A_202 : vector<16xf32>
      %add3A_204 = arith.addf %add3A_198, %mul3A_203 : vector<16xf32>
      %broadcast_in_dim3A_205 = arith.constant 16 : i32
      %broadcast_in_dim3A_206 = vector.broadcast %broadcast_in_dim3A_205 : i32 to vector<16xi32>
      %gather3A_207 = tpu.vector_load_idx %arg5[%add3A_108, %broadcast_in_dim3A_206] : memref<128x128xf32, #tpu.memory_space<vmem>>[vector<16xi32>, vector<16xi32>], vector<16xf32>,
      %gather3A_208 = tpu.vector_load_idx %arg6[%add3A_108, %broadcast_in_dim3A_206] : memref<128x128xf32, #tpu.memory_space<vmem>>[vector<16xi32>, vector<16xi32>], vector<16xf32>,
      %mul3A_209 = arith.mulf %gather3A_207, %gather3A_208 : vector<16xf32>
      %add3A_210 = arith.addf %add3A_204, %mul3A_209 : vector<16xf32>
      %broadcast_in_dim3A_211 = arith.constant 17 : i32
      %broadcast_in_dim3A_212 = vector.broadcast %broadcast_in_dim3A_211 : i32 to vector<16xi32>
      %gather3A_213 = tpu.vector_load_idx %arg5[%add3A_108, %broadcast_in_dim3A_212] : memref<128x128xf32, #tpu.memory_space<vmem>>[vector<16xi32>, vector<16xi32>], vector<16xf32>,
      %gather3A_214 = tpu.vector_load_idx %arg6[%add3A_108, %broadcast_in_dim3A_212] : memref<128x128xf32, #tpu.memory_space<vmem>>[vector<16xi32>, vector<16xi32>], vector<16xf32>,
      %mul3A_215 = arith.mulf %gather3A_213, %gather3A_214 : vector<16xf32>
      %add3A_216 = arith.addf %add3A_210, %mul3A_215 : vector<16xf32>
      %broadcast_in_dim3A_217 = arith.constant 18 : i32
      %broadcast_in_dim3A_218 = vector.broadcast %broadcast_in_dim3A_217 : i32 to vector<16xi32>
      %gather3A_219 = tpu.vector_load_idx %arg5[%add3A_108, %broadcast_in_dim3A_218] : memref<128x128xf32, #tpu.memory_space<vmem>>[vector<16xi32>, vector<16xi32>], vector<16xf32>,
      %gather3A_220 = tpu.vector_load_idx %arg6[%add3A_108, %broadcast_in_dim3A_218] : memref<128x128xf32, #tpu.memory_space<vmem>>[vector<16xi32>, vector<16xi32>], vector<16xf32>,
      %mul3A_221 = arith.mulf %gather3A_219, %gather3A_220 : vector<16xf32>
      %add3A_222 = arith.addf %add3A_216, %mul3A_221 : vector<16xf32>
      %broadcast_in_dim3A_223 = arith.constant 19 : i32
      %broadcast_in_dim3A_224 = vector.broadcast %broadcast_in_dim3A_223 : i32 to vector<16xi32>
      %gather3A_225 = tpu.vector_load_idx %arg5[%add3A_108, %broadcast_in_dim3A_224] : memref<128x128xf32, #tpu.memory_space<vmem>>[vector<16xi32>, vector<16xi32>], vector<16xf32>,
      %gather3A_226 = tpu.vector_load_idx %arg6[%add3A_108, %broadcast_in_dim3A_224] : memref<128x128xf32, #tpu.memory_space<vmem>>[vector<16xi32>, vector<16xi32>], vector<16xf32>,
      %mul3A_227 = arith.mulf %gather3A_225, %gather3A_226 : vector<16xf32>
      %add3A_228 = arith.addf %add3A_222, %mul3A_227 : vector<16xf32>
      %broadcast_in_dim3A_229 = arith.constant 20 : i32
      %broadcast_in_dim3A_230 = vector.broadcast %broadcast_in_dim3A_229 : i32 to vector<16xi32>
      %gather3A_231 = tpu.vector_load_idx %arg5[%add3A_108, %broadcast_in_dim3A_230] : memref<128x128xf32, #tpu.memory_space<vmem>>[vector<16xi32>, vector<16xi32>], vector<16xf32>,
      %gather3A_232 = tpu.vector_load_idx %arg6[%add3A_108, %broadcast_in_dim3A_230] : memref<128x128xf32, #tpu.memory_space<vmem>>[vector<16xi32>, vector<16xi32>], vector<16xf32>,
      %mul3A_233 = arith.mulf %gather3A_231, %gather3A_232 : vector<16xf32>
      %add3A_234 = arith.addf %add3A_228, %mul3A_233 : vector<16xf32>
      %broadcast_in_dim3A_235 = arith.constant 21 : i32
      %broadcast_in_dim3A_236 = vector.broadcast %broadcast_in_dim3A_235 : i32 to vector<16xi32>
      %gather3A_237 = tpu.vector_load_idx %arg5[%add3A_108, %broadcast_in_dim3A_236] : memref<128x128xf32, #tpu.memory_space<vmem>>[vector<16xi32>, vector<16xi32>], vector<16xf32>,
      %gather3A_238 = tpu.vector_load_idx %arg6[%add3A_108, %broadcast_in_dim3A_236] : memref<128x128xf32, #tpu.memory_space<vmem>>[vector<16xi32>, vector<16xi32>], vector<16xf32>,
      %mul3A_239 = arith.mulf %gather3A_237, %gather3A_238 : vector<16xf32>
      %add3A_240 = arith.addf %add3A_234, %mul3A_239 : vector<16xf32>
      %broadcast_in_dim3A_241 = arith.constant 22 : i32
      %broadcast_in_dim3A_242 = vector.broadcast %broadcast_in_dim3A_241 : i32 to vector<16xi32>
      %gather3A_243 = tpu.vector_load_idx %arg5[%add3A_108, %broadcast_in_dim3A_242] : memref<128x128xf32, #tpu.memory_space<vmem>>[vector<16xi32>, vector<16xi32>], vector<16xf32>,
      %gather3A_244 = tpu.vector_load_idx %arg6[%add3A_108, %broadcast_in_dim3A_242] : memref<128x128xf32, #tpu.memory_space<vmem>>[vector<16xi32>, vector<16xi32>], vector<16xf32>,
      %mul3A_245 = arith.mulf %gather3A_243, %gather3A_244 : vector<16xf32>
      %add3A_246 = arith.addf %add3A_240, %mul3A_245 : vector<16xf32>
      %broadcast_in_dim3A_247 = arith.constant 23 : i32
      %broadcast_in_dim3A_248 = vector.broadcast %broadcast_in_dim3A_247 : i32 to vector<16xi32>
      %gather3A_249 = tpu.vector_load_idx %arg5[%add3A_108, %broadcast_in_dim3A_248] : memref<128x128xf32, #tpu.memory_space<vmem>>[vector<16xi32>, vector<16xi32>], vector<16xf32>,
      %gather3A_250 = tpu.vector_load_idx %arg6[%add3A_108, %broadcast_in_dim3A_248] : memref<128x128xf32, #tpu.memory_space<vmem>>[vector<16xi32>, vector<16xi32>], vector<16xf32>,
      %mul3A_251 = arith.mulf %gather3A_249, %gather3A_250 : vector<16xf32>
      %add3A_252 = arith.addf %add3A_246, %mul3A_251 : vector<16xf32>
      %broadcast_in_dim3A_253 = arith.constant 24 : i32
      %broadcast_in_dim3A_254 = vector.broadcast %broadcast_in_dim3A_253 : i32 to vector<16xi32>
      %gather3A_255 = tpu.vector_load_idx %arg5[%add3A_108, %broadcast_in_dim3A_254] : memref<128x128xf32, #tpu.memory_space<vmem>>[vector<16xi32>, vector<16xi32>], vector<16xf32>,
      %gather3A_256 = tpu.vector_load_idx %arg6[%add3A_108, %broadcast_in_dim3A_254] : memref<128x128xf32, #tpu.memory_space<vmem>>[vector<16xi32>, vector<16xi32>], vector<16xf32>,
      %mul3A_257 = arith.mulf %gather3A_255, %gather3A_256 : vector<16xf32>
      %add3A_258 = arith.addf %add3A_252, %mul3A_257 : vector<16xf32>
      %broadcast_in_dim3A_259 = arith.constant 25 : i32
      %broadcast_in_dim3A_260 = vector.broadcast %broadcast_in_dim3A_259 : i32 to vector<16xi32>
      %gather3A_261 = tpu.vector_load_idx %arg5[%add3A_108, %broadcast_in_dim3A_260] : memref<128x128xf32, #tpu.memory_space<vmem>>[vector<16xi32>, vector<16xi32>], vector<16xf32>,
      %gather3A_262 = tpu.vector_load_idx %arg6[%add3A_108, %broadcast_in_dim3A_260] : memref<128x128xf32, #tpu.memory_space<vmem>>[vector<16xi32>, vector<16xi32>], vector<16xf32>,
      %mul3A_263 = arith.mulf %gather3A_261, %gather3A_262 : vector<16xf32>
      %add3A_264 = arith.addf %add3A_258, %mul3A_263 : vector<16xf32>
      %broadcast_in_dim3A_265 = arith.constant 26 : i32
      %broadcast_in_dim3A_266 = vector.broadcast %broadcast_in_dim3A_265 : i32 to vector<16xi32>
      %gather3A_267 = tpu.vector_load_idx %arg5[%add3A_108, %broadcast_in_dim3A_266] : memref<128x128xf32, #tpu.memory_space<vmem>>[vector<16xi32>, vector<16xi32>], vector<16xf32>,
      %gather3A_268 = tpu.vector_load_idx %arg6[%add3A_108, %broadcast_in_dim3A_266] : memref<128x128xf32, #tpu.memory_space<vmem>>[vector<16xi32>, vector<16xi32>], vector<16xf32>,
      %mul3A_269 = arith.mulf %gather3A_267, %gather3A_268 : vector<16xf32>
      %add3A_270 = arith.addf %add3A_264, %mul3A_269 : vector<16xf32>
      %broadcast_in_dim3A_271 = arith.constant 27 : i32
      %broadcast_in_dim3A_272 = vector.broadcast %broadcast_in_dim3A_271 : i32 to vector<16xi32>
      %gather3A_273 = tpu.vector_load_idx %arg5[%add3A_108, %broadcast_in_dim3A_272] : memref<128x128xf32, #tpu.memory_space<vmem>>[vector<16xi32>, vector<16xi32>], vector<16xf32>,
      %gather3A_274 = tpu.vector_load_idx %arg6[%add3A_108, %broadcast_in_dim3A_272] : memref<128x128xf32, #tpu.memory_space<vmem>>[vector<16xi32>, vector<16xi32>], vector<16xf32>,
      %mul3A_275 = arith.mulf %gather3A_273, %gather3A_274 : vector<16xf32>
      %add3A_276 = arith.addf %add3A_270, %mul3A_275 : vector<16xf32>
      %broadcast_in_dim3A_277 = arith.constant 28 : i32
      %broadcast_in_dim3A_278 = vector.broadcast %broadcast_in_dim3A_277 : i32 to vector<16xi32>
      %gather3A_279 = tpu.vector_load_idx %arg5[%add3A_108, %broadcast_in_dim3A_278] : memref<128x128xf32, #tpu.memory_space<vmem>>[vector<16xi32>, vector<16xi32>], vector<16xf32>,
      %gather3A_280 = tpu.vector_load_idx %arg6[%add3A_108, %broadcast_in_dim3A_278] : memref<128x128xf32, #tpu.memory_space<vmem>>[vector<16xi32>, vector<16xi32>], vector<16xf32>,
      %mul3A_281 = arith.mulf %gather3A_279, %gather3A_280 : vector<16xf32>
      %add3A_282 = arith.addf %add3A_276, %mul3A_281 : vector<16xf32>
      %broadcast_in_dim3A_283 = arith.constant 29 : i32
      %broadcast_in_dim3A_284 = vector.broadcast %broadcast_in_dim3A_283 : i32 to vector<16xi32>
      %gather3A_285 = tpu.vector_load_idx %arg5[%add3A_108, %broadcast_in_dim3A_284] : memref<128x128xf32, #tpu.memory_space<vmem>>[vector<16xi32>, vector<16xi32>], vector<16xf32>,
      %gather3A_286 = tpu.vector_load_idx %arg6[%add3A_108, %broadcast_in_dim3A_284] : memref<128x128xf32, #tpu.memory_space<vmem>>[vector<16xi32>, vector<16xi32>], vector<16xf32>,
      %mul3A_287 = arith.mulf %gather3A_285, %gather3A_286 : vector<16xf32>
      %add3A_288 = arith.addf %add3A_282, %mul3A_287 : vector<16xf32>
      %broadcast_in_dim3A_289 = arith.constant 30 : i32
      %broadcast_in_dim3A_290 = vector.broadcast %broadcast_in_dim3A_289 : i32 to vector<16xi32>
      %gather3A_291 = tpu.vector_load_idx %arg5[%add3A_108, %broadcast_in_dim3A_290] : memref<128x128xf32, #tpu.memory_space<vmem>>[vector<16xi32>, vector<16xi32>], vector<16xf32>,
      %gather3A_292 = tpu.vector_load_idx %arg6[%add3A_108, %broadcast_in_dim3A_290] : memref<128x128xf32, #tpu.memory_space<vmem>>[vector<16xi32>, vector<16xi32>], vector<16xf32>,
      %mul3A_293 = arith.mulf %gather3A_291, %gather3A_292 : vector<16xf32>
      %add3A_294 = arith.addf %add3A_288, %mul3A_293 : vector<16xf32>
      %broadcast_in_dim3A_295 = arith.constant 31 : i32
      %broadcast_in_dim3A_296 = vector.broadcast %broadcast_in_dim3A_295 : i32 to vector<16xi32>
      %gather3A_297 = tpu.vector_load_idx %arg5[%add3A_108, %broadcast_in_dim3A_296] : memref<128x128xf32, #tpu.memory_space<vmem>>[vector<16xi32>, vector<16xi32>], vector<16xf32>,
      %gather3A_298 = tpu.vector_load_idx %arg6[%add3A_108, %broadcast_in_dim3A_296] : memref<128x128xf32, #tpu.memory_space<vmem>>[vector<16xi32>, vector<16xi32>], vector<16xf32>,
      %mul3A_299 = arith.mulf %gather3A_297, %gather3A_298 : vector<16xf32>
      %add3A_300 = arith.addf %add3A_294, %mul3A_299 : vector<16xf32>
      %broadcast_in_dim3A_301 = arith.constant 0 : i32
      %broadcast_in_dim3A_302 = vector.broadcast %broadcast_in_dim3A_301 : i32 to vector<16xi32>
      %add3A_303 = arith.constant 384 : i32
      %add3A_304 = vector.broadcast %add3A_303 : i32 to vector<16xi32>
      %add3A_305 = arith.addi %add3A_304, %add3A_108 : vector<16xi32>
      tpu.vector_store_idx %arg7[%broadcast_in_dim3A_302, %add3A_305], %add3A_300 : memref<1x512xf32, #tpu.memory_space<vmem>>[vector<16xi32>, vector<16xi32>], vector<16xf32>,
    }
    %scan3A_103 = arith.constant 8 : i32
    "tpu.region"() ({
      %run_scoped3A = tpu.sem_alloc : memref<!tpu.dma_semaphore, #tpu.memory_space<semaphore_mem>>
      %dma_start3A_104 = arith.constant 0 : i32
      %dma_start3A_105 = arith.constant 0 : i32
      %dma_start3A_106 = tpu.memref_slice %arg4[%add3A, %dma_start3A_104, %dma_start3A_105] : memref<32x1x512xf32, #tpu.memory_space<hbm>> -> memref<1x1x512xf32, #tpu.memory_space<hbm>>
      %dma_start3A_107 = tpu.memref_squeeze %dma_start3A_106 : memref<1x1x512xf32, #tpu.memory_space<hbm>> -> memref<1x512xf32, #tpu.memory_space<hbm>>
      %dma_start3A_108 = arith.constant 0 : i32
      %dma_start3A_109 = arith.constant 0 : i32
      %dma_start3A_110 = tpu.memref_slice %arg4[%add3A, %dma_start3A_108, %dma_start3A_109] : memref<32x1x512xf32, #tpu.memory_space<hbm>> -> memref<1x1x512xf32, #tpu.memory_space<hbm>>
      %dma_start3A_111 = tpu.memref_squeeze %dma_start3A_110 : memref<1x1x512xf32, #tpu.memory_space<hbm>> -> memref<1x512xf32, #tpu.memory_space<hbm>>
      tpu.enqueue_dma source(%arg7 : memref<1x512xf32, #tpu.memory_space<vmem>>) target(%dma_start3A_111 : memref<1x512xf32, #tpu.memory_space<hbm>>) target_semaphore(%run_scoped3A : memref<!tpu.dma_semaphore, #tpu.memory_space<semaphore_mem>>)
      %dma_wait3A_112 = arith.constant 0 : i32
      %dma_wait3A_113 = arith.constant 0 : i32
      %dma_wait3A_114 = tpu.memref_slice %arg4[%add3A, %dma_wait3A_112, %dma_wait3A_113] : memref<32x1x512xf32, #tpu.memory_space<hbm>> -> memref<1x1x512xf32, #tpu.memory_space<hbm>>
      %dma_wait3A_115 = tpu.memref_squeeze %dma_wait3A_114 : memref<1x1x512xf32, #tpu.memory_space<hbm>> -> memref<1x512xf32, #tpu.memory_space<hbm>>
      %dma_wait3A_116 = arith.constant 0 : i32
      %dma_wait3A_117 = arith.constant 0 : i32
      %dma_wait3A_118 = tpu.memref_slice %arg4[%add3A, %dma_wait3A_116, %dma_wait3A_117] : memref<32x1x512xf32, #tpu.memory_space<hbm>> -> memref<1x1x512xf32, #tpu.memory_space<hbm>>
      %dma_wait3A_119 = tpu.memref_squeeze %dma_wait3A_118 : memref<1x1x512xf32, #tpu.memory_space<hbm>> -> memref<1x512xf32, #tpu.memory_space<hbm>>
      tpu.wait_dma2 semaphore(%run_scoped3A : memref<!tpu.dma_semaphore, #tpu.memory_space<semaphore_mem>>) src(%arg7 : memref<1x512xf32, #tpu.memory_space<vmem>>) dst(%dma_wait3A_119 : memref<1x512xf32, #tpu.memory_space<hbm>>)
      tpu.yield
    }) : () -> ()
    return
  }
}

</mosaic_0001>

<sc_bundles>
// kernel: kernel.11.cloned.1.call-start
scs
__scs_entry_jumppad:
0x0: {  	(pc) =	sbr.rel $0x88, $3  }
0x1: {  	(tag) =	ssettag $0x0;
	lr =	simm.s32 $0x1  }
0x2: {  	[smem:$0x3F9D] =	sst lr;
	_ =	strace $0xD0000000  }
0x3: {  	_ = 	snop  }
0x4: {  	_ = 	snop  }
0x5: {  	_ = 	snop  }
0x6: {  	_ = 	snop  }
0x7: {  	_ = 	snop  }
__scs_overlays_trampoline_lowered:
0x8: {  	[smem:$0x3FAC] =	sst s0  }
0x9: {  	[smem:$0x3FAD] =	sst s1  }
0xa: {  	[smem:$0x3FAE] =	sst s2  }
0xb: {  	[smem:$0x3FAF] =	sst s3  }
0xc: {  	[smem:$0x3FB0] =	sst s4  }
0xd: {  	[smem:$0x3FB1] =	sst s5  }
0xe: {  	[smem:$0x3FB2] =	sst s6  }
0xf: {  	[smem:$0x3FB3] =	sst s7  }
0x10: {  	[smem:$0x3FB4] =	sst s8  }
0x11: {  	[smem:$0x3FB5] =	sst s9;
	s0 =	simm.s32 @!p0 $0x0  }
0x12: {  	s1 =	sld [smem:$0x3F9B];
	s0 =	simm.s32 @p0 $0x1  }
0x13: {  	[smem:$0x3FB6] =	sst s0;
	s0 =	simm.s32 @!p1 $0x0  }
0x14: {  	s2 =	sld [smem:$0x3F9A];
	s0 =	simm.s32 @p1 $0x1  }
0x15: {  	[smem:$0x3FB7] =	sst s0;
	s0 =	simm.s32 @!p2 $0x0  }
0x16: {  	s3 =	sld [smem:$0x3FDB];
	s0 =	simm.s32 @p2 $0x1  }
0x17: {  	s4 =	simm.s32 $0x1BF5;
	[smem:$0x3FB9] =	sst s0  }
0x18: {  	s0 =	sld [smem:$0x3F9C];
	_ =	swait.ge [sflag:s4], $0x0  }
0x19: {  	s7 =	sld [smem:$0x3F9D]  }
0x1a: {  	s8 =	sadd.s32 $0xFFFFE003, lr  }
0x1b: {  	s9 =	sadd.s32 $0xFFFFFEF7, lr;
	s5 =	simm.s32 $0xFFFFFFFF;
	p2 =	slt.u32 s8, $0xFFFFF086  }
0x1c: {  	p1 =	slt.u32 s9, $0xF7A;
	s5 =	simm.s32 @!p2 $0x0  }
0x1d: {  	s5 =	simm.s32 @p1 $0x1;
	p0 =	seq.s32 s7, s2  }
0x1e: {  	s7 =	smul.u32 @!p0 $0xF7A, s2;
	p2 =	seq.s32 @!p0 s5, $0x0  }
0x1f: {  	s9 =	smul.u32 $0xF7A, s1;
	s8 =	simm.s32 @!p0 $0x1BF5;
	p2 =	por !p2, p0  }
0x20: {  	[sflag:s8] =	ssyncset.s32 @!p0 $0xFFFFF086;
	s6 =	sadd.s32 @!p0 s3, s7;
	s7 =	simm.s32 @!p0 $0x108  }
0x21: {  	s3 =	sadd.s32 s3, s9;
	s6 =	sadd.s32 @!p0 $0x88, s6;
	s7 =	simm.s32 @p2 $0x1082  }
0x22: {  	[simem:s7], [sflag:s8] =	dma.local @!p0 [hbm:s6], $0xF7A  }
0x23: {  	s9 =	sor.u32 $0xD0000000, s2;
	s6 =	simm.s32 $0x108;
	_ =	swait.ge @!p0 [sflag:s8], $0x0  }
0x24: {  	s3 =	sadd.s32 $0x88, s3;
	s6 =	simm.s32 @!p1 $0x1082;
	[sflag:s4] =	ssyncset.s32 $0xFFFFF086  }
0x25: {  	[simem:s6], [sflag:s4] =	dma.local [hbm:s3], $0xF7A  }
0x26: {  	[smem:$0x3F9D] =	sst s1;
	(tag) =	ssettag s2;
	_ =	strace s9  }
0x27: {  	s1 =	sld [smem:$0x3FAD]  }
0x28: {  	s2 =	sld [smem:$0x3FAE]  }
0x29: {  	s4 =	sld [smem:$0x3FB0]  }
0x2a: {  	p0 =	seq.s32 s5, $0x0;
	s5 =	sld [smem:$0x3FB1]  }
0x2b: {  	s6 =	sld [smem:$0x3FB2]  }
0x2c: {  	s7 =	sld [smem:$0x3FB3]  }
0x2d: {  	s3 =	simm.s32 $0x108;
	s8 =	sld [smem:$0x3FB4]  }
0x2e: {  	s3 =	simm.s32 @!p0 $0x1082;
	s9 =	sld [smem:$0x3FB5]  }
0x2f: {  	lr =	sadd.s32 s0, s3;
	s0 =	sld [smem:$0x3FAC]  }
0x30: {  	s3 =	sld [smem:$0x3FAF]  }
0x31: {  	[smem:$0x3FB8] =	sst s10  }
0x32: {  	s10 =	sld [smem:$0x3FB6];
	_ =	sdelay $0x3  }
0x33: {  	p0 =	seq.s32 s10, $0x1;
	s10 =	sld [smem:$0x3FB8];
	_ =	sdelay $0x3  }
0x34: {  	[smem:$0x3FB8] =	sst s10  }
0x35: {  	s10 =	sld [smem:$0x3FB7];
	_ =	sdelay $0x3  }
0x36: {  	p1 =	seq.s32 s10, $0x1;
	s10 =	sld [smem:$0x3FB8];
	_ =	sdelay $0x3  }
0x37: {  	[smem:$0x3FB8] =	sst s10  }
0x38: {  	s10 =	sld [smem:$0x3FB9]  }
0x39: {  	_ = 	snop;
	(pc) =	sbr.ind lr, $3  }
0x3a: {  	_ = 	snop  }
0x3b: {  	_ = 	snop  }
0x3c: {  	p2 =	seq.s32 s10, $0x1;
	s10 =	sld [smem:$0x3FB8]  }
0x3d: {  	_ =	shalt  }
0x3e: {  	_ =	shalt  }
0x3f: {  	_ =	shalt  }
0x40: {  	_ =	shalt  }
0x41: {  	_ =	shalt  }
0x42: {  	_ =	shalt  }
0x43: {  	_ =	shalt  }
0x44: {  	_ =	shalt  }
0x45: {  	_ =	shalt  }
0x46: {  	_ =	shalt  }
0x47: {  	_ =	shalt  }
0x48: {  	_ =	shalt  }
0x49: {  	_ =	shalt  }
0x4a: {  	_ =	shalt  }
0x4b: {  	_ =	shalt  }
0x4c: {  	_ =	shalt  }
0x4d: {  	_ =	shalt  }
0x4e: {  	_ =	shalt  }
0x4f: {  	_ =	shalt  }
0x50: {  	_ =	shalt  }
0x51: {  	_ =	shalt  }
0x52: {  	_ =	shalt  }
0x53: {  	_ =	shalt  }
0x54: {  	_ =	shalt  }
0x55: {  	_ =	shalt  }
0x56: {  	_ =	shalt  }
0x57: {  	_ =	shalt  }
0x58: {  	_ =	shalt  }
0x59: {  	_ =	shalt  }
0x5a: {  	_ =	shalt  }
0x5b: {  	_ =	shalt  }
0x5c: {  	_ =	shalt  }
0x5d: {  	_ =	shalt  }
0x5e: {  	_ =	shalt  }
0x5f: {  	_ =	shalt  }
0x60: {  	_ =	shalt  }
0x61: {  	_ =	shalt  }
0x62: {  	_ =	shalt  }
0x63: {  	_ =	shalt  }
0x64: {  	_ =	shalt  }
0x65: {  	_ =	shalt  }
0x66: {  	_ =	shalt  }
0x67: {  	_ =	shalt  }
0x68: {  	_ =	shalt  }
0x69: {  	_ =	shalt  }
0x6a: {  	_ =	shalt  }
0x6b: {  	_ =	shalt  }
0x6c: {  	_ =	shalt  }
0x6d: {  	_ =	shalt  }
0x6e: {  	_ =	shalt  }
0x6f: {  	_ =	shalt  }
0x70: {  	_ =	shalt  }
0x71: {  	_ =	shalt  }
0x72: {  	_ =	shalt  }
0x73: {  	_ =	shalt  }
0x74: {  	_ =	shalt  }
0x75: {  	_ =	shalt  }
0x76: {  	_ =	shalt  }
0x77: {  	_ =	shalt  }
0x78: {  	_ =	shalt  }
0x79: {  	_ =	shalt  }
0x7a: {  	_ =	shalt  }
0x7b: {  	_ =	shalt  }
0x7c: {  	_ =	shalt  }
0x7d: {  	_ =	shalt  }
0x7e: {  	_ =	shalt  }
0x7f: {  	_ =	shalt  }
0x80: {  	_ =	shalt  }
0x81: {  	_ =	shalt  }
0x82: {  	_ =	shalt  }
0x83: {  	_ =	shalt  }
0x84: {  	_ =	shalt  }
0x85: {  	_ =	shalt  }
0x86: {  	_ =	shalt  }
0x87: {  	_ =	shalt  }
.Lfunc_end0:
.L_simem_size_0:
called_computation.2_lowered:
.L_overlay_start_0:
0x88: {  	s2 =	sld [smem:$0x3FD9]  }
0x89: {  	s3 =	sld [smem:$0x3FFE];
	_ =	sdelay $0x1  }
0x8a: {  	s1 =	srdreg.scid  }
0x8b: {  	s0 =	sand.u32 $0x1, s1  }
0x8c: {  	s17 =	sshll.u32 s0, $0xA;
	s2 =	sadd.s32 s3, s2  }
0x8d: {  	s2 =	sadd.s32 s2, s17  }
0x8e: {  	[smem:$0x3FC4] =	sst s2  }
0x8f: {  	_ = 	snop  }
0x90: {  	s2 =	sld [smem:$0x3FD0];
	(tm) =	ssettm $0x1  }
0x91: {  	s18 =	sld [smem:$0x3FFB];
	_ =	sdelay $0x3  }
0x92: {  	_ =	strace s18  }
0x93: {  	s3 =	sld [smem:$0x3FFC];
	_ =	sdelay $0x3  }
0x94: {  	_ =	strace s3  }
0x95: {  	s3 =	sld [smem:$0x3FFD];
	_ =	sdelay $0x3  }
0x96: {  	_ =	strace s3  }
0x97: {  	_ =	strace $0x8FFFFFFF  }
0x98: {  	s19 =	sld [smem:$0x3FDB];
	_ =	sdelay $0x1  }
0x99: {  	s4 =	simm.s32 $_scs_section_size  }
0x9a: {  	s5 =	simm.s32 $_size__tile_overlayer_lowered;
	s6 =	simm.s32 $_tile_overlayer_lowered  }
0x9b: {  	s22 =	simm.s32 $0x1BFF;
	s21 =	sshll.u32 s6, $0x1;
	s3 =	sadd.s32 s4, s19  }
0x9c: {  	s7 =	simm.s32 $0x0;
	s20 =	sshll.u32 s5, $0x1;
	s5 =	sadd.s32 s21, s3  }
0x9d: {  	[timem:s7], [sflag:s22] =	dma.local [hbm:s5], s20  }
0x9e: {  	_ =	swait.ge [sflag:s22], s20  }
0x9f: {  	s4 =	ssub.s32 $0x0, s20;
	[sflag:s22] =	ssyncset.done $0x0  }
0xa0: {  	[sflag:s22] =	ssyncadd.s32 s4;
	_ =	sdelay $0x1  }
0xa1: {  	s23 =	simm.s32 $0x1B8B  }
0xa2: {  	_ =	swait.ge [sflag:s23], $0x1  }
0xa3: {  	[sflag:s23] =	ssyncset.done $0x0  }
0xa4: {  	s25 =	simm.s32 $0x1B8E;
	s24 =	sld [smem:$0x3FFE];
	[sflag:s23] =	ssyncadd.s32 $0xFFFFFFFF  }
0xa5: {  	s26 =	simm.s32 $execute0_lowered;
	[smem:$0x3FD2] =	sst s25  }
0xa6: {  	s5 =	sshll.u32 s26, $0x1;
	_ =	strace $0x8000004C;
	[dreg:$0x1] =	wrdreg $0xFFFFFFFF  }
0xa7: {  	s28 =	simm.s32 $_size_execute0_lowered;
	s3 =	sadd.s32 s3, s5;
	[dreg:$0x0] =	wrdreg $0x0  }
0xa8: {  	s5 =	sshll.u32 s28, $0x1;
	[dreg:$0x2] =	wrdreg s3  }
0xa9: {  	[dreg:$0x3] =	wrdreg s5  }
0xaa: {  	[dreg:$0x4] =	wrdreg $0xC0  }
0xab: {  	_ =	task [dreg:s7], $0x5FFFF  }
0xac: {  	[dreg:$0x1] =	wrdreg $0xFFFFFFFF  }
0xad: {  	[dreg:$0x0] =	wrdreg $0x60  }
0xae: {  	[dreg:$0x2] =	wrdreg s24  }
0xaf: {  	[dreg:$0x3] =	wrdreg s2  }
0xb0: {  	[dreg:$0x4] =	wrdreg $0x9  }
0xb1: {  	_ =	task.clear_ibuf [dreg:s7], $0x5FFFF;
	_ =	strace $0x9000004C  }
0xb2: {  	s29 =	simm.s32 $0x9;
	_ =	strace $0x8000004E  }
0xb3: {  	_ =	swait.ge [sflag:s29], $0x1  }
0xb4: {  	[sflag:s29] =	ssyncadd.s32 $0xFFFFFFFF  }
0xb5: {  	_ =	strace $0x9000004E  }
0xb6: {  	_ =	sfence  }
0xb7: {  	s30 =	sld [smem:$0x0];
	_ =	sdelay $0x2  }
0xb8: {  	s31 =	sshll.u32 s1, $0xD;
	s1 =	sshrl.u32 s1, $0x2  }
0xb9: {  	s3 =	sand.u32 $0x4000, s31;
	s1 =	sadd.s32 s1, s30  }
0xba: {  	s0 =	sor.u32 s3, s0;
	s1 =	sshll.u32 s1, $0x11  }
0xbb: {  	s0 =	sor.u32 s1, s0  }
0xbc: {  	s0 =	sadd.s32 $0x8F2B, s0  }
0xbd: {  	[sflag:s0] =	ssyncadd.remote.s32 $0x1  }
0xbe: {  	_ =	sfence.sel $0xFFFF  }
0xbf: {  	[dreg:$0x0] =	wrdreg $0xFFFFFFFF;
	(pc) =	sbr.abs _section_cstart, $3  }
0xc0: {  	[dreg:$0x1] =	wrdreg $0xFFFFFFFF  }
0xc1: {  	_ =	task.clear_ibuf [dreg:s7], $0x2FFFF;
	_ =	strace $0x9FFFFFFF  }
0xc2: {  	(tm) =	ssettm $0x7FFFFFFF  }
0xc3: {  	_ =	shalt  }
tec
execute0_lowered:
.L_overlay_start_1:
0x0: {  	(tag) =	ssettag $0x1  }
0x1: {  	s3 =	rddreg [dreg:$0x0]  }
0x2: {  	s11 =	rddreg [dreg:$0x1]  }
0x3: {  	s0 =	rddreg [dreg:$0x2];
	s2 =	simm.s32 $0x0;
	s4 =	srdreg.scid  }
0x4: {  	s1 =	stileid.u32;
	s16 =	simm.s32 $0x8000;
	s17 =	simm.s32 $0x3  }
0x5: {  	s18 =	simm.s32 $0x0;
	[smem:$0x7FF] =	sst s2;
	s4 =	sand.u32 $0x1, s4  }
0x6: {  	s5 =	sshll.u32 s1, $0xA;
	s9 =	sadd.s32 $0x42200, s3;
	s6 =	sshll.u32 s4, $0x9  }
0x7: {  	s12 =	sadd.s32 $0x1600, s3;
	s4 =	ssub.s32 $0x2, s4;
	s10 =	sor.u32 s6, s5  }
0x8: {  	_ =	strace $0x8000004D;
	s29 =	sshrl.u32 s4, $0x1;
	s8 =	sshll.u32 s10, $0x4  }
0x9: {  	s13 =	ssub.s32 s4, s29;
	s31 =	sshrl.u32 s10, $0x3;
	s3 =	sadd.s32 s9, s8  }
0xa: {  	s30 =	sor.u32 $0x800, s8;
	s4 =	sadd.s32 s12, s8;
	s14 =	sor.u32 $0x1000, s8  }
0xb: {  	s15 =	sor.u32 $0x1800, s8;
	s11 =	sadd.s32 s11, s31;
	s5 =	sadd.s32 s9, s30  }
0xc: {  	v0 =	vlaneseq.u32;
	s6 =	sadd.s32 s12, s30;
	s7 =	sadd.s32 s9, s14;
	s8 =	sadd.s32 s12, s14  }
0xd: {  	v1 =	vmul.u32 $0x80, v0;
	s9 =	sadd.s32 s9, s15;
	s10 =	sadd.s32 s12, s15;
	s12 =	smax.u32 s13, $0x1  }
0xe: {  	v2 =	vor.u32 $0x80, v0;
	s13 =	simm.s32 $0x4000;
	s14 =	simm.s32 $0x1;
	s15 =	simm.s32 $0x2  }
.LBB2_1:
0xf: {  	[tilespmem:s2], [sflag:$0x1] =	stream.linear.gather [hbm4b:s3+s2], $0x4000, $0x38;
	[tilespmem:$0x8200] =	vst v63  }
0x10: {  	_ = 	snop  }
0x11: {  	[tilespmem:s13], [sflag:$0x2] =	stream.linear.gather [hbm4b:s4+s2], $0x4000, $0x38;
	[tilespmem:$0x8200] =	vst v63  }
0x12: {  	v3 =	vor.u32 s2, v0;
	_ =	swait.ge [sflag:s14], $0x4000  }
0x13: {  	v4 =	vshll.u32 v3, $0x7;
	[sflag:s14] =	ssyncset.done $0x0  }
0x14: {  	[sflag:s14] =	ssyncadd.s32 $0xFFFFC000  }
0x15: {  	v5 =	vor.u32 $0x1, v4;
	_ =	swait.ge [sflag:s15], $0x4000  }
0x16: {  	[sflag:s15] =	ssyncset.done $0x0  }
0x17: {  	v6 =	vor.u32 $0x2, v4;
	[sflag:s15] =	ssyncadd.s32 $0xFFFFC000  }
0x18: {  	v7 =	vld.idx.msk [tilespmem:v4+s13+$0x0], $0xffff  }
0x19: {  	v9 =	vor.u32 $0x3, v4;
	v8 =	vld.idx.msk [tilespmem:v4+s2+$0x0], $0xffff  }
0x1a: {  	v10 =	vld.idx.msk [tilespmem:v5+s2+$0x0], $0xffff  }
0x1b: {  	v11 =	vor.u32 $0x4, v4;
	v5 =	vld.idx.msk [tilespmem:v5+s13+$0x0], $0xffff  }
0x1c: {  	v12 =	vld.idx.msk [tilespmem:v6+s2+$0x0], $0xffff  }
0x1d: {  	v13 =	vor.u32 $0x5, v4;
	v6 =	vld.idx.msk [tilespmem:v6+s13+$0x0], $0xffff  }
0x1e: {  	v14 =	vld.idx.msk [tilespmem:v9+s2+$0x0], $0xffff;
	v7 =	vmul.f32 v7, v8  }
0x1f: {  	v47 =	vor.u32 $0x6, v4;
	v8 =	vld.idx.msk [tilespmem:v9+s13+$0x0], $0xffff  }
0x20: {  	v15 =	vld.idx.msk [tilespmem:v11+s2+$0x0], $0xffff;
	v5 =	vmul.f32 v5, v10;
	v7 =	vadd.f32 $0.0e+00, v7  }
0x21: {  	v49 =	vor.u32 $0x7, v4;
	v48 =	vld.idx.msk [tilespmem:v11+s13+$0x0], $0xffff  }
0x22: {  	v16 =	vld.idx.msk [tilespmem:v13+s2+$0x0], $0xffff;
	v6 =	vmul.f32 v6, v12;
	v5 =	vadd.f32 v5, v7  }
0x23: {  	v50 =	vor.u32 $0x8, v4;
	v7 =	vld.idx.msk [tilespmem:v13+s13+$0x0], $0xffff  }
0x24: {  	v51 =	vld.idx.msk [tilespmem:v47+s2+$0x0], $0xffff;
	v5 =	vadd.f32 v6, v5;
	v6 =	vmul.f32 v8, v14  }
0x25: {  	v52 =	vor.u32 $0x9, v4;
	v8 =	vld.idx.msk [tilespmem:v47+s13+$0x0], $0xffff  }
0x26: {  	v53 =	vld.idx.msk [tilespmem:v49+s2+$0x0], $0xffff;
	v5 =	vadd.f32 v6, v5;
	v6 =	vmul.f32 v48, v15  }
0x27: {  	v55 =	vor.u32 $0xA, v4;
	v54 =	vld.idx.msk [tilespmem:v49+s13+$0x0], $0xffff  }
0x28: {  	v56 =	vld.idx.msk [tilespmem:v50+s2+$0x0], $0xffff;
	v5 =	vadd.f32 v6, v5;
	v6 =	vmul.f32 v7, v16  }
0x29: {  	v57 =	vor.u32 $0xB, v4;
	v7 =	vld.idx.msk [tilespmem:v50+s13+$0x0], $0xffff  }
0x2a: {  	v58 =	vld.idx.msk [tilespmem:v52+s2+$0x0], $0xffff;
	v5 =	vadd.f32 v6, v5;
	v6 =	vmul.f32 v8, v51  }
0x2b: {  	v59 =	vor.u32 $0xC, v4;
	v8 =	vld.idx.msk [tilespmem:v52+s13+$0x0], $0xffff  }
0x2c: {  	v60 =	vld.idx.msk [tilespmem:v55+s2+$0x0], $0xffff;
	v5 =	vadd.f32 v6, v5;
	v6 =	vmul.f32 v54, v53  }
0x2d: {  	v62 =	vor.u32 $0xD, v4;
	v61 =	vld.idx.msk [tilespmem:v55+s13+$0x0], $0xffff  }
0x2e: {  	v63 =	vld.idx.msk [tilespmem:v57+s2+$0x0], $0xffff;
	v5 =	vadd.f32 v6, v5;
	v6 =	vmul.f32 v7, v56  }
0x2f: {  	v20 =	vor.u32 $0xE, v4;
	v7 =	vld.idx.msk [tilespmem:v57+s13+$0x0], $0xffff  }
0x30: {  	v21 =	vld.idx.msk [tilespmem:v59+s2+$0x0], $0xffff;
	v5 =	vadd.f32 v6, v5;
	v6 =	vmul.f32 v8, v58  }
0x31: {  	v22 =	vor.u32 $0xF, v4;
	v8 =	vld.idx.msk [tilespmem:v59+s13+$0x0], $0xffff  }
0x32: {  	v23 =	vld.idx.msk [tilespmem:v62+s2+$0x0], $0xffff;
	v5 =	vadd.f32 v6, v5;
	v6 =	vmul.f32 v61, v60  }
0x33: {  	v25 =	vor.u32 $0x10, v4;
	v24 =	vld.idx.msk [tilespmem:v62+s13+$0x0], $0xffff  }
0x34: {  	v26 =	vld.idx.msk [tilespmem:v20+s2+$0x0], $0xffff;
	v5 =	vadd.f32 v6, v5;
	v6 =	vmul.f32 v7, v63  }
0x35: {  	v27 =	vor.u32 $0x11, v4;
	v7 =	vld.idx.msk [tilespmem:v20+s13+$0x0], $0xffff  }
0x36: {  	v28 =	vld.idx.msk [tilespmem:v22+s2+$0x0], $0xffff;
	v5 =	vadd.f32 v6, v5;
	v6 =	vmul.f32 v8, v21  }
0x37: {  	v29 =	vor.u32 $0x12, v4;
	v8 =	vld.idx.msk [tilespmem:v22+s13+$0x0], $0xffff  }
0x38: {  	v30 =	vld.idx.msk [tilespmem:v25+s2+$0x0], $0xffff;
	v5 =	vadd.f32 v6, v5;
	v6 =	vmul.f32 v24, v23  }
0x39: {  	v32 =	vor.u32 $0x13, v4;
	v31 =	vld.idx.msk [tilespmem:v25+s13+$0x0], $0xffff  }
0x3a: {  	v33 =	vld.idx.msk [tilespmem:v27+s2+$0x0], $0xffff;
	v5 =	vadd.f32 v6, v5;
	v6 =	vmul.f32 v7, v26  }
0x3b: {  	v34 =	vor.u32 $0x14, v4;
	v7 =	vld.idx.msk [tilespmem:v27+s13+$0x0], $0xffff  }
0x3c: {  	v35 =	vld.idx.msk [tilespmem:v29+s2+$0x0], $0xffff;
	v5 =	vadd.f32 v6, v5;
	v6 =	vmul.f32 v8, v28  }
0x3d: {  	v36 =	vor.u32 $0x15, v4;
	v8 =	vld.idx.msk [tilespmem:v29+s13+$0x0], $0xffff  }
0x3e: {  	v37 =	vld.idx.msk [tilespmem:v32+s2+$0x0], $0xffff;
	v5 =	vadd.f32 v6, v5;
	v6 =	vmul.f32 v31, v30  }
0x3f: {  	v39 =	vor.u32 $0x16, v4;
	v38 =	vld.idx.msk [tilespmem:v32+s13+$0x0], $0xffff  }
0x40: {  	v40 =	vld.idx.msk [tilespmem:v34+s2+$0x0], $0xffff;
	v5 =	vadd.f32 v6, v5;
	v6 =	vmul.f32 v7, v33  }
0x41: {  	v41 =	vor.u32 $0x17, v4;
	v7 =	vld.idx.msk [tilespmem:v34+s13+$0x0], $0xffff  }
0x42: {  	v42 =	vld.idx.msk [tilespmem:v36+s2+$0x0], $0xffff;
	v5 =	vadd.f32 v6, v5;
	v6 =	vmul.f32 v8, v35  }
0x43: {  	v43 =	vor.u32 $0x18, v4;
	v8 =	vld.idx.msk [tilespmem:v36+s13+$0x0], $0xffff  }
0x44: {  	v44 =	vld.idx.msk [tilespmem:v39+s2+$0x0], $0xffff;
	v5 =	vadd.f32 v6, v5;
	v6 =	vmul.f32 v38, v37  }
0x45: {  	v46 =	vor.u32 $0x19, v4;
	v45 =	vld.idx.msk [tilespmem:v39+s13+$0x0], $0xffff  }
0x46: {  	v47 =	vld.idx.msk [tilespmem:v41+s2+$0x0], $0xffff;
	v5 =	vadd.f32 v6, v5;
	v6 =	vmul.f32 v7, v40  }
0x47: {  	v48 =	vor.u32 $0x1A, v4;
	v7 =	vld.idx.msk [tilespmem:v41+s13+$0x0], $0xffff  }
0x48: {  	v49 =	vld.idx.msk [tilespmem:v43+s2+$0x0], $0xffff;
	v5 =	vadd.f32 v6, v5;
	v6 =	vmul.f32 v8, v42  }
0x49: {  	v50 =	vor.u32 $0x1B, v4;
	v8 =	vld.idx.msk [tilespmem:v43+s13+$0x0], $0xffff  }
0x4a: {  	v51 =	vld.idx.msk [tilespmem:v46+s2+$0x0], $0xffff;
	v5 =	vadd.f32 v6, v5;
	v6 =	vmul.f32 v45, v44  }
0x4b: {  	v52 =	vld.idx.msk [tilespmem:v46+s13+$0x0], $0xffff;
	v53 =	vor.u32 $0x1C, v4  }
0x4c: {  	v54 =	vld.idx.msk [tilespmem:v48+s2+$0x0], $0xffff;
	v5 =	vadd.f32 v6, v5;
	v6 =	vmul.f32 v7, v47  }
0x4d: {  	v55 =	vor.u32 $0x1D, v4;
	v7 =	vld.idx.msk [tilespmem:v48+s13+$0x0], $0xffff  }
0x4e: {  	v56 =	vld.idx.msk [tilespmem:v50+s2+$0x0], $0xffff;
	v5 =	vadd.f32 v6, v5;
	v6 =	vmul.f32 v8, v49  }
0x4f: {  	v57 =	vor.u32 $0x1E, v4;
	v8 =	vld.idx.msk [tilespmem:v50+s13+$0x0], $0xffff  }
0x50: {  	v58 =	vld.idx.msk [tilespmem:v53+s2+$0x0], $0xffff;
	v5 =	vadd.f32 v6, v5;
	v6 =	vmul.f32 v52, v51  }
0x51: {  	v4 =	vor.u32 $0x1F, v4;
	v59 =	vld.idx.msk [tilespmem:v53+s13+$0x0], $0xffff  }
0x52: {  	v60 =	vld.idx.msk [tilespmem:v55+s2+$0x0], $0xffff;
	v5 =	vadd.f32 v6, v5;
	v6 =	vmul.f32 v7, v54  }
0x53: {  	v7 =	vld.idx.msk [tilespmem:v55+s13+$0x0], $0xffff  }
0x54: {  	v61 =	vld.idx.msk [tilespmem:v57+s2+$0x0], $0xffff;
	v5 =	vadd.f32 v6, v5;
	v6 =	vmul.f32 v8, v56  }
0x55: {  	v8 =	vld.idx.msk [tilespmem:v57+s13+$0x0], $0xffff  }
0x56: {  	v62 =	vld.idx.msk [tilespmem:v4+s2+$0x0], $0xffff;
	v5 =	vadd.f32 v6, v5;
	v6 =	vmul.f32 v59, v58  }
0x57: {  	v63 =	vld.idx.msk [tilespmem:v4+s13+$0x0], $0xffff  }
0x58: {  	v4 =	vadd.f32 v6, v5;
	v5 =	vmul.f32 v7, v60;
	_ =	sdelay $0x1  }
0x59: {  	s19 =	simm.s32 $0x10;
	v7 =	vmul.f32 v8, v61;
	v6 =	vadd.f32 v5, v4  }
0x5a: {  	v5 =	vor.u32 s19, v0  }
0x5b: {  	s19 =	simm.s32 $0x20;
	v4 =	vshll.u32 v5, $0x7;
	v6 =	vadd.f32 v7, v6;
	v7 =	vmul.f32 v63, v62  }
.LBB2_2:
0x5c: {  	p0 =	sne.s32 s19, $0x70  }
0x5d: {  	v8 =	vor.u32 $0x1, v4;
	v6 =	vadd.f32 v7, v6;
	_ =	sdelay $0x1  }
0x5e: {  	v7 =	vor.u32 $0x2, v4;
	[tilespmem:v3+s16+$0x0] =	vst.idx.msk $0xffff, v6;
	v3 =	vmov v5  }
0x5f: {  	v5 =	vld.idx.msk [tilespmem:v4+s13+$0x0], $0xffff  }
0x60: {  	v9 =	vor.u32 $0x3, v4;
	v6 =	vld.idx.msk [tilespmem:v4+s2+$0x0], $0xffff  }
0x61: {  	v10 =	vld.idx.msk [tilespmem:v8+s2+$0x0], $0xffff  }
0x62: {  	v11 =	vor.u32 $0x4, v4;
	v8 =	vld.idx.msk [tilespmem:v8+s13+$0x0], $0xffff  }
0x63: {  	v12 =	vld.idx.msk [tilespmem:v7+s2+$0x0], $0xffff  }
0x64: {  	v13 =	vor.u32 $0x5, v4;
	v7 =	vld.idx.msk [tilespmem:v7+s13+$0x0], $0xffff  }
0x65: {  	v14 =	vld.idx.msk [tilespmem:v9+s2+$0x0], $0xffff  }
0x66: {  	v5 =	vmul.f32 v5, v6;
	v6 =	vld.idx.msk [tilespmem:v9+s13+$0x0], $0xffff;
	v9 =	vor.u32 $0x6, v4  }
0x67: {  	v15 =	vld.idx.msk [tilespmem:v11+s2+$0x0], $0xffff  }
0x68: {  	v5 =	vadd.f32 $0.0e+00, v5;
	v8 =	vmul.f32 v8, v10;
	v10 =	vld.idx.msk [tilespmem:v11+s13+$0x0], $0xffff;
	v11 =	vor.u32 $0x7, v4  }
0x69: {  	v16 =	vld.idx.msk [tilespmem:v13+s2+$0x0], $0xffff  }
0x6a: {  	v5 =	vadd.f32 v8, v5;
	v7 =	vmul.f32 v7, v12;
	v12 =	vor.u32 $0x8, v4;
	v8 =	vld.idx.msk [tilespmem:v13+s13+$0x0], $0xffff  }
0x6b: {  	v13 =	vld.idx.msk [tilespmem:v9+s2+$0x0], $0xffff  }
0x6c: {  	v5 =	vadd.f32 v7, v5;
	v6 =	vmul.f32 v6, v14;
	v7 =	vld.idx.msk [tilespmem:v9+s13+$0x0], $0xffff;
	v9 =	vor.u32 $0x9, v4  }
0x6d: {  	v14 =	vld.idx.msk [tilespmem:v11+s2+$0x0], $0xffff  }
0x6e: {  	v5 =	vadd.f32 v6, v5;
	v6 =	vmul.f32 v10, v15;
	v10 =	vld.idx.msk [tilespmem:v11+s13+$0x0], $0xffff;
	v11 =	vor.u32 $0xA, v4  }
0x6f: {  	v15 =	vld.idx.msk [tilespmem:v12+s2+$0x0], $0xffff  }
0x70: {  	v5 =	vadd.f32 v6, v5;
	v6 =	vmul.f32 v8, v16;
	v8 =	vld.idx.msk [tilespmem:v12+s13+$0x0], $0xffff;
	v12 =	vor.u32 $0xB, v4  }
0x71: {  	v16 =	vld.idx.msk [tilespmem:v9+s2+$0x0], $0xffff  }
0x72: {  	v5 =	vadd.f32 v6, v5;
	v6 =	vmul.f32 v7, v13;
	v7 =	vld.idx.msk [tilespmem:v9+s13+$0x0], $0xffff;
	v9 =	vor.u32 $0xC, v4  }
0x73: {  	v13 =	vld.idx.msk [tilespmem:v11+s2+$0x0], $0xffff  }
0x74: {  	v5 =	vadd.f32 v6, v5;
	v6 =	vmul.f32 v10, v14;
	v10 =	vld.idx.msk [tilespmem:v11+s13+$0x0], $0xffff;
	v11 =	vor.u32 $0xD, v4  }
0x75: {  	v14 =	vld.idx.msk [tilespmem:v12+s2+$0x0], $0xffff  }
0x76: {  	v5 =	vadd.f32 v6, v5;
	v6 =	vmul.f32 v8, v15;
	v8 =	vld.idx.msk [tilespmem:v12+s13+$0x0], $0xffff;
	v12 =	vor.u32 $0xE, v4  }
0x77: {  	v15 =	vld.idx.msk [tilespmem:v9+s2+$0x0], $0xffff  }
0x78: {  	v5 =	vadd.f32 v6, v5;
	v6 =	vmul.f32 v7, v16;
	v7 =	vld.idx.msk [tilespmem:v9+s13+$0x0], $0xffff;
	v9 =	vor.u32 $0xF, v4  }
0x79: {  	v16 =	vld.idx.msk [tilespmem:v11+s2+$0x0], $0xffff  }
0x7a: {  	v5 =	vadd.f32 v6, v5;
	v6 =	vmul.f32 v10, v13;
	v10 =	vld.idx.msk [tilespmem:v11+s13+$0x0], $0xffff;
	v11 =	vor.u32 $0x10, v4  }
0x7b: {  	v13 =	vld.idx.msk [tilespmem:v12+s2+$0x0], $0xffff  }
0x7c: {  	v5 =	vadd.f32 v6, v5;
	v6 =	vmul.f32 v8, v14;
	v8 =	vld.idx.msk [tilespmem:v12+s13+$0x0], $0xffff;
	v12 =	vor.u32 $0x11, v4  }
0x7d: {  	v14 =	vld.idx.msk [tilespmem:v9+s2+$0x0], $0xffff  }
0x7e: {  	v5 =	vadd.f32 v6, v5;
	v6 =	vmul.f32 v7, v15;
	v7 =	vld.idx.msk [tilespmem:v9+s13+$0x0], $0xffff;
	v9 =	vor.u32 $0x12, v4  }
0x7f: {  	v15 =	vld.idx.msk [tilespmem:v11+s2+$0x0], $0xffff  }
0x80: {  	v5 =	vadd.f32 v6, v5;
	v6 =	vmul.f32 v10, v16;
	v10 =	vld.idx.msk [tilespmem:v11+s13+$0x0], $0xffff;
	v11 =	vor.u32 $0x13, v4  }
0x81: {  	v16 =	vld.idx.msk [tilespmem:v12+s2+$0x0], $0xffff  }
0x82: {  	v5 =	vadd.f32 v6, v5;
	v6 =	vmul.f32 v8, v13;
	v8 =	vld.idx.msk [tilespmem:v12+s13+$0x0], $0xffff;
	v12 =	vor.u32 $0x14, v4  }
0x83: {  	v13 =	vld.idx.msk [tilespmem:v9+s2+$0x0], $0xffff  }
0x84: {  	v5 =	vadd.f32 v6, v5;
	v6 =	vmul.f32 v7, v14;
	v7 =	vld.idx.msk [tilespmem:v9+s13+$0x0], $0xffff;
	v9 =	vor.u32 $0x15, v4  }
0x85: {  	v14 =	vld.idx.msk [tilespmem:v11+s2+$0x0], $0xffff  }
0x86: {  	v5 =	vadd.f32 v6, v5;
	v6 =	vmul.f32 v10, v15;
	v10 =	vld.idx.msk [tilespmem:v11+s13+$0x0], $0xffff;
	v11 =	vor.u32 $0x16, v4  }
0x87: {  	v15 =	vld.idx.msk [tilespmem:v12+s2+$0x0], $0xffff  }
0x88: {  	v5 =	vadd.f32 v6, v5;
	v6 =	vmul.f32 v8, v16;
	v8 =	vld.idx.msk [tilespmem:v12+s13+$0x0], $0xffff;
	v12 =	vor.u32 $0x17, v4  }
0x89: {  	v16 =	vld.idx.msk [tilespmem:v9+s2+$0x0], $0xffff  }
0x8a: {  	v5 =	vadd.f32 v6, v5;
	v6 =	vmul.f32 v7, v13;
	v7 =	vld.idx.msk [tilespmem:v9+s13+$0x0], $0xffff;
	v9 =	vor.u32 $0x18, v4  }
0x8b: {  	v13 =	vld.idx.msk [tilespmem:v11+s2+$0x0], $0xffff  }
0x8c: {  	v5 =	vadd.f32 v6, v5;
	v6 =	vmul.f32 v10, v14;
	v10 =	vld.idx.msk [tilespmem:v11+s13+$0x0], $0xffff;
	v11 =	vor.u32 $0x19, v4  }
0x8d: {  	v14 =	vld.idx.msk [tilespmem:v12+s2+$0x0], $0xffff  }
0x8e: {  	v5 =	vadd.f32 v6, v5;
	v6 =	vmul.f32 v8, v15;
	v8 =	vld.idx.msk [tilespmem:v12+s13+$0x0], $0xffff;
	v12 =	vor.u32 $0x1A, v4  }
0x8f: {  	v15 =	vld.idx.msk [tilespmem:v9+s2+$0x0], $0xffff  }
0x90: {  	v5 =	vadd.f32 v6, v5;
	v6 =	vmul.f32 v7, v16;
	v7 =	vld.idx.msk [tilespmem:v9+s13+$0x0], $0xffff;
	v9 =	vor.u32 $0x1B, v4  }
0x91: {  	v16 =	vld.idx.msk [tilespmem:v11+s2+$0x0], $0xffff  }
0x92: {  	v5 =	vadd.f32 v6, v5;
	v6 =	vmul.f32 v10, v13;
	v10 =	vld.idx.msk [tilespmem:v11+s13+$0x0], $0xffff;
	v11 =	vor.u32 $0x1C, v4  }
0x93: {  	v13 =	vld.idx.msk [tilespmem:v12+s2+$0x0], $0xffff  }
0x94: {  	v5 =	vadd.f32 v6, v5;
	v6 =	vmul.f32 v8, v14;
	v8 =	vld.idx.msk [tilespmem:v12+s13+$0x0], $0xffff;
	v12 =	vor.u32 $0x1D, v4  }
0x95: {  	v14 =	vld.idx.msk [tilespmem:v9+s2+$0x0], $0xffff  }
0x96: {  	v5 =	vadd.f32 v6, v5;
	v6 =	vmul.f32 v7, v15;
	v7 =	vld.idx.msk [tilespmem:v9+s13+$0x0], $0xffff;
	v9 =	vor.u32 $0x1E, v4  }
0x97: {  	v15 =	vld.idx.msk [tilespmem:v11+s2+$0x0], $0xffff  }
0x98: {  	v4 =	vor.u32 $0x1F, v4;
	v5 =	vadd.f32 v6, v5;
	v6 =	vmul.f32 v10, v16;
	v10 =	vld.idx.msk [tilespmem:v11+s13+$0x0], $0xffff  }
0x99: {  	v11 =	vld.idx.msk [tilespmem:v12+s2+$0x0], $0xffff  }
0x9a: {  	v5 =	vadd.f32 v6, v5;
	v6 =	vmul.f32 v8, v13;
	v8 =	vld.idx.msk [tilespmem:v12+s13+$0x0], $0xffff  }
0x9b: {  	v12 =	vld.idx.msk [tilespmem:v9+s2+$0x0], $0xffff  }
0x9c: {  	v5 =	vadd.f32 v6, v5;
	v6 =	vmul.f32 v7, v14;
	v7 =	vld.idx.msk [tilespmem:v9+s13+$0x0], $0xffff  }
0x9d: {  	v9 =	vld.idx.msk [tilespmem:v4+s2+$0x0], $0xffff  }
0x9e: {  	v5 =	vadd.f32 v6, v5;
	v6 =	vmul.f32 v10, v15;
	v10 =	vld.idx.msk [tilespmem:v4+s13+$0x0], $0xffff;
	_ =	sdelay $0x1  }
.Ltmp0:
0x9f: {  	v4 =	vadd.f32 v6, v5;
	v5 =	vmul.f32 v8, v11;
	(pc) =	sbr.rel @p0 .LBB2_2-.Ltmp0, $4  }
0xa0: {  	_ = 	snop  }
0xa1: {  	v6 =	vadd.f32 v5, v4;
	v7 =	vmul.f32 v7, v12  }
0xa2: {  	v5 =	vor.u32 s19, v0  }
0xa3: {  	s19 =	sadd.s32 $0x10, s19;
	v4 =	vshll.u32 v5, $0x7;
	v6 =	vadd.f32 v7, v6;
	v7 =	vmul.f32 v10, v9  }
0xa4: {  	_ =	sdelay $0x1  }
0xa5: {  	v8 =	vor.u32 $0x1, v4;
	v6 =	vadd.f32 v7, v6;
	_ =	sdelay $0x1  }
0xa6: {  	v7 =	vor.u32 $0x2, v4;
	[tilespmem:v3+s16+$0x0] =	vst.idx.msk $0xffff, v6  }
0xa7: {  	v3 =	vld.idx.msk [tilespmem:v4+s13+$0x0], $0xffff  }
0xa8: {  	v9 =	vor.u32 $0x3, v4;
	v6 =	vld.idx.msk [tilespmem:v4+s2+$0x0], $0xffff  }
0xa9: {  	v10 =	vld.idx.msk [tilespmem:v8+s2+$0x0], $0xffff  }
0xaa: {  	v11 =	vor.u32 $0x4, v4;
	v8 =	vld.idx.msk [tilespmem:v8+s13+$0x0], $0xffff  }
0xab: {  	v12 =	vld.idx.msk [tilespmem:v7+s2+$0x0], $0xffff  }
0xac: {  	v13 =	vor.u32 $0x5, v4;
	v7 =	vld.idx.msk [tilespmem:v7+s13+$0x0], $0xffff  }
0xad: {  	v14 =	vld.idx.msk [tilespmem:v9+s2+$0x0], $0xffff;
	v3 =	vmul.f32 v3, v6  }
0xae: {  	v6 =	vld.idx.msk [tilespmem:v9+s13+$0x0], $0xffff;
	v9 =	vor.u32 $0x6, v4  }
0xaf: {  	v15 =	vld.idx.msk [tilespmem:v11+s2+$0x0], $0xffff;
	v8 =	vmul.f32 v8, v10;
	v3 =	vadd.f32 $0.0e+00, v3  }
0xb0: {  	v10 =	vld.idx.msk [tilespmem:v11+s13+$0x0], $0xffff;
	v11 =	vor.u32 $0x7, v4  }
0xb1: {  	v16 =	vld.idx.msk [tilespmem:v13+s2+$0x0], $0xffff;
	v7 =	vmul.f32 v7, v12;
	v3 =	vadd.f32 v8, v3  }
0xb2: {  	v49 =	vor.u32 $0x8, v4;
	v8 =	vld.idx.msk [tilespmem:v13+s13+$0x0], $0xffff  }
0xb3: {  	v50 =	vld.idx.msk [tilespmem:v9+s2+$0x0], $0xffff;
	v6 =	vmul.f32 v6, v14;
	v3 =	vadd.f32 v7, v3  }
0xb4: {  	v7 =	vld.idx.msk [tilespmem:v9+s13+$0x0], $0xffff;
	v9 =	vor.u32 $0x9, v4  }
0xb5: {  	v51 =	vld.idx.msk [tilespmem:v11+s2+$0x0], $0xffff;
	v3 =	vadd.f32 v6, v3;
	v6 =	vmul.f32 v10, v15  }
0xb6: {  	v10 =	vld.idx.msk [tilespmem:v11+s13+$0x0], $0xffff;
	v11 =	vor.u32 $0xA, v4  }
0xb7: {  	v52 =	vld.idx.msk [tilespmem:v49+s2+$0x0], $0xffff;
	v3 =	vadd.f32 v6, v3;
	v6 =	vmul.f32 v8, v16  }
0xb8: {  	v53 =	vor.u32 $0xB, v4;
	v8 =	vld.idx.msk [tilespmem:v49+s13+$0x0], $0xffff  }
0xb9: {  	v54 =	vld.idx.msk [tilespmem:v9+s2+$0x0], $0xffff;
	v3 =	vadd.f32 v6, v3;
	v6 =	vmul.f32 v7, v50  }
0xba: {  	v7 =	vld.idx.msk [tilespmem:v9+s13+$0x0], $0xffff;
	v9 =	vor.u32 $0xC, v4  }
0xbb: {  	v55 =	vld.idx.msk [tilespmem:v11+s2+$0x0], $0xffff;
	v3 =	vadd.f32 v6, v3;
	v6 =	vmul.f32 v10, v51  }
0xbc: {  	v10 =	vld.idx.msk [tilespmem:v11+s13+$0x0], $0xffff;
	v11 =	vor.u32 $0xD, v4  }
0xbd: {  	v56 =	vld.idx.msk [tilespmem:v53+s2+$0x0], $0xffff;
	v3 =	vadd.f32 v6, v3;
	v6 =	vmul.f32 v8, v52  }
0xbe: {  	v57 =	vor.u32 $0xE, v4;
	v8 =	vld.idx.msk [tilespmem:v53+s13+$0x0], $0xffff  }
0xbf: {  	v58 =	vld.idx.msk [tilespmem:v9+s2+$0x0], $0xffff;
	v3 =	vadd.f32 v6, v3;
	v6 =	vmul.f32 v7, v54  }
0xc0: {  	v7 =	vld.idx.msk [tilespmem:v9+s13+$0x0], $0xffff;
	v9 =	vor.u32 $0xF, v4  }
0xc1: {  	v59 =	vld.idx.msk [tilespmem:v11+s2+$0x0], $0xffff;
	v3 =	vadd.f32 v6, v3;
	v6 =	vmul.f32 v10, v55  }
0xc2: {  	v10 =	vld.idx.msk [tilespmem:v11+s13+$0x0], $0xffff;
	v11 =	vor.u32 $0x10, v4  }
0xc3: {  	v60 =	vld.idx.msk [tilespmem:v57+s2+$0x0], $0xffff;
	v3 =	vadd.f32 v6, v3;
	v6 =	vmul.f32 v8, v56  }
0xc4: {  	v61 =	vor.u32 $0x11, v4;
	v8 =	vld.idx.msk [tilespmem:v57+s13+$0x0], $0xffff  }
0xc5: {  	v62 =	vld.idx.msk [tilespmem:v9+s2+$0x0], $0xffff;
	v3 =	vadd.f32 v6, v3;
	v6 =	vmul.f32 v7, v58  }
0xc6: {  	v7 =	vld.idx.msk [tilespmem:v9+s13+$0x0], $0xffff;
	v9 =	vor.u32 $0x12, v4  }
0xc7: {  	v63 =	vld.idx.msk [tilespmem:v11+s2+$0x0], $0xffff;
	v3 =	vadd.f32 v6, v3;
	v6 =	vmul.f32 v10, v59  }
0xc8: {  	v10 =	vld.idx.msk [tilespmem:v11+s13+$0x0], $0xffff;
	v11 =	vor.u32 $0x13, v4  }
0xc9: {  	v20 =	vld.idx.msk [tilespmem:v61+s2+$0x0], $0xffff;
	v3 =	vadd.f32 v6, v3;
	v6 =	vmul.f32 v8, v60  }
0xca: {  	v21 =	vor.u32 $0x14, v4;
	v8 =	vld.idx.msk [tilespmem:v61+s13+$0x0], $0xffff  }
0xcb: {  	v22 =	vld.idx.msk [tilespmem:v9+s2+$0x0], $0xffff;
	v3 =	vadd.f32 v6, v3;
	v6 =	vmul.f32 v7, v62  }
0xcc: {  	v7 =	vld.idx.msk [tilespmem:v9+s13+$0x0], $0xffff;
	v9 =	vor.u32 $0x15, v4  }
0xcd: {  	v23 =	vld.idx.msk [tilespmem:v11+s2+$0x0], $0xffff;
	v3 =	vadd.f32 v6, v3;
	v6 =	vmul.f32 v10, v63  }
0xce: {  	v10 =	vld.idx.msk [tilespmem:v11+s13+$0x0], $0xffff;
	v11 =	vor.u32 $0x16, v4  }
0xcf: {  	v24 =	vld.idx.msk [tilespmem:v21+s2+$0x0], $0xffff;
	v3 =	vadd.f32 v6, v3;
	v6 =	vmul.f32 v8, v20  }
0xd0: {  	v25 =	vor.u32 $0x17, v4;
	v8 =	vld.idx.msk [tilespmem:v21+s13+$0x0], $0xffff  }
0xd1: {  	v26 =	vld.idx.msk [tilespmem:v9+s2+$0x0], $0xffff;
	v3 =	vadd.f32 v6, v3;
	v6 =	vmul.f32 v7, v22  }
0xd2: {  	v7 =	vld.idx.msk [tilespmem:v9+s13+$0x0], $0xffff;
	v9 =	vor.u32 $0x18, v4  }
0xd3: {  	v27 =	vld.idx.msk [tilespmem:v11+s2+$0x0], $0xffff;
	v3 =	vadd.f32 v6, v3;
	v6 =	vmul.f32 v10, v23  }
0xd4: {  	v10 =	vld.idx.msk [tilespmem:v11+s13+$0x0], $0xffff;
	v11 =	vor.u32 $0x19, v4  }
0xd5: {  	v28 =	vld.idx.msk [tilespmem:v25+s2+$0x0], $0xffff;
	v3 =	vadd.f32 v6, v3;
	v6 =	vmul.f32 v8, v24  }
0xd6: {  	v29 =	vor.u32 $0x1A, v4;
	v8 =	vld.idx.msk [tilespmem:v25+s13+$0x0], $0xffff  }
0xd7: {  	v30 =	vld.idx.msk [tilespmem:v9+s2+$0x0], $0xffff;
	v3 =	vadd.f32 v6, v3;
	v6 =	vmul.f32 v7, v26  }
0xd8: {  	v7 =	vld.idx.msk [tilespmem:v9+s13+$0x0], $0xffff;
	v9 =	vor.u32 $0x1B, v4  }
0xd9: {  	v31 =	vld.idx.msk [tilespmem:v11+s2+$0x0], $0xffff;
	v3 =	vadd.f32 v6, v3;
	v6 =	vmul.f32 v10, v27  }
0xda: {  	v10 =	vld.idx.msk [tilespmem:v11+s13+$0x0], $0xffff;
	v11 =	vor.u32 $0x1C, v4  }
0xdb: {  	v32 =	vld.idx.msk [tilespmem:v29+s2+$0x0], $0xffff;
	v3 =	vadd.f32 v6, v3;
	v6 =	vmul.f32 v8, v28  }
0xdc: {  	v33 =	vor.u32 $0x1D, v4;
	v8 =	vld.idx.msk [tilespmem:v29+s13+$0x0], $0xffff  }
0xdd: {  	v34 =	vld.idx.msk [tilespmem:v9+s2+$0x0], $0xffff;
	v3 =	vadd.f32 v6, v3;
	v6 =	vmul.f32 v7, v30  }
0xde: {  	v7 =	vld.idx.msk [tilespmem:v9+s13+$0x0], $0xffff;
	v9 =	vor.u32 $0x1E, v4  }
0xdf: {  	v35 =	vld.idx.msk [tilespmem:v11+s2+$0x0], $0xffff;
	v3 =	vadd.f32 v6, v3;
	v6 =	vmul.f32 v10, v31  }
0xe0: {  	v4 =	vor.u32 $0x1F, v4;
	v10 =	vld.idx.msk [tilespmem:v11+s13+$0x0], $0xffff  }
0xe1: {  	v11 =	vld.idx.msk [tilespmem:v33+s2+$0x0], $0xffff;
	v3 =	vadd.f32 v6, v3;
	v6 =	vmul.f32 v8, v32  }
0xe2: {  	v8 =	vld.idx.msk [tilespmem:v33+s13+$0x0], $0xffff  }
0xe3: {  	v36 =	vld.idx.msk [tilespmem:v9+s2+$0x0], $0xffff;
	v3 =	vadd.f32 v6, v3;
	v6 =	vmul.f32 v7, v34  }
0xe4: {  	v7 =	vld.idx.msk [tilespmem:v9+s13+$0x0], $0xffff  }
0xe5: {  	v9 =	vld.idx.msk [tilespmem:v4+s2+$0x0], $0xffff;
	v3 =	vadd.f32 v6, v3;
	v6 =	vmul.f32 v10, v35  }
0xe6: {  	v4 =	vld.idx.msk [tilespmem:v4+s13+$0x0], $0xffff  }
0xe7: {  	v3 =	vadd.f32 v6, v3;
	v6 =	vmul.f32 v8, v11;
	_ =	sdelay $0x1  }
0xe8: {  	v3 =	vadd.f32 v6, v3;
	v6 =	vmul.f32 v7, v36;
	_ =	sdelay $0x1  }
0xe9: {  	v4 =	vmul.f32 v4, v9;
	v3 =	vadd.f32 v6, v3;
	_ =	sdelay $0x1  }
0xea: {  	v3 =	vadd.f32 v4, v3;
	_ =	sdelay $0x1  }
0xeb: {  	s21 =	simm.s32 $0x0;
	[tilespmem:v5+s16+$0x0] =	vst.idx.msk $0xffff, v3  }
0xec: {  	[tilespmem:s21], [sflag:$0x1] =	stream.linear.gather [hbm4b:s5+s21], $0x4000, $0x38;
	[tilespmem:$0x8200] =	vst v63  }
0xed: {  	_ = 	snop  }
0xee: {  	v3 =	vmov s21;
	[tilespmem:s13], [sflag:$0x2] =	stream.linear.gather [hbm4b:s6+s21], $0x4000, $0x38;
	[tilespmem:$0x8200] =	vst v63  }
0xef: {  	v3 =	vshll.u32 v3, $0x7;
	_ =	swait.ge [sflag:s14], $0x4000  }
0xf0: {  	v3 =	vor.u32 v1, v3;
	[sflag:s14] =	ssyncset.done $0x0  }
0xf1: {  	[sflag:s14] =	ssyncadd.s32 $0xFFFFC000  }
0xf2: {  	v4 =	vor.u32 $0x1, v3;
	_ =	swait.ge [sflag:s15], $0x4000  }
0xf3: {  	[sflag:s15] =	ssyncset.done $0x0  }
0xf4: {  	v5 =	vor.u32 $0x2, v3;
	[sflag:s15] =	ssyncadd.s32 $0xFFFFC000  }
0xf5: {  	v6 =	vld.idx.msk [tilespmem:v3+s13+$0x0], $0xffff  }
0xf6: {  	v8 =	vor.u32 $0x3, v3;
	v7 =	vld.idx.msk [tilespmem:v3+s2+$0x0], $0xffff  }
0xf7: {  	v9 =	vld.idx.msk [tilespmem:v4+s2+$0x0], $0xffff  }
0xf8: {  	v10 =	vor.u32 $0x4, v3;
	v4 =	vld.idx.msk [tilespmem:v4+s13+$0x0], $0xffff  }
0xf9: {  	v11 =	vld.idx.msk [tilespmem:v5+s2+$0x0], $0xffff  }
0xfa: {  	v37 =	vor.u32 $0x5, v3;
	v5 =	vld.idx.msk [tilespmem:v5+s13+$0x0], $0xffff  }
0xfb: {  	v38 =	vld.idx.msk [tilespmem:v8+s2+$0x0], $0xffff;
	v6 =	vmul.f32 v6, v7  }
0xfc: {  	v7 =	vld.idx.msk [tilespmem:v8+s13+$0x0], $0xffff;
	v8 =	vor.u32 $0x6, v3  }
0xfd: {  	v39 =	vld.idx.msk [tilespmem:v10+s2+$0x0], $0xffff;
	v4 =	vmul.f32 v4, v9;
	v6 =	vadd.f32 $0.0e+00, v6  }
0xfe: {  	v9 =	vld.idx.msk [tilespmem:v10+s13+$0x0], $0xffff;
	v10 =	vor.u32 $0x7, v3  }
0xff: {  	v40 =	vld.idx.msk [tilespmem:v37+s2+$0x0], $0xffff;
	v5 =	vmul.f32 v5, v11;
	v4 =	vadd.f32 v4, v6  }
0x100: {  	v11 =	vor.u32 $0x8, v3;
	v6 =	vld.idx.msk [tilespmem:v37+s13+$0x0], $0xffff  }
0x101: {  	v41 =	vld.idx.msk [tilespmem:v8+s2+$0x0], $0xffff;
	v4 =	vadd.f32 v5, v4;
	v5 =	vmul.f32 v7, v38  }
0x102: {  	v7 =	vld.idx.msk [tilespmem:v8+s13+$0x0], $0xffff;
	v8 =	vor.u32 $0x9, v3  }
0x103: {  	v42 =	vld.idx.msk [tilespmem:v10+s2+$0x0], $0xffff;
	v4 =	vadd.f32 v5, v4;
	v5 =	vmul.f32 v9, v39  }
0x104: {  	v9 =	vld.idx.msk [tilespmem:v10+s13+$0x0], $0xffff;
	v10 =	vor.u32 $0xA, v3  }
0x105: {  	v43 =	vld.idx.msk [tilespmem:v11+s2+$0x0], $0xffff;
	v4 =	vadd.f32 v5, v4;
	v5 =	vmul.f32 v6, v40  }
0x106: {  	v6 =	vld.idx.msk [tilespmem:v11+s13+$0x0], $0xffff;
	v11 =	vor.u32 $0xB, v3  }
0x107: {  	v44 =	vld.idx.msk [tilespmem:v8+s2+$0x0], $0xffff;
	v4 =	vadd.f32 v5, v4;
	v5 =	vmul.f32 v7, v41  }
0x108: {  	v7 =	vld.idx.msk [tilespmem:v8+s13+$0x0], $0xffff;
	v8 =	vor.u32 $0xC, v3  }
0x109: {  	v45 =	vld.idx.msk [tilespmem:v10+s2+$0x0], $0xffff;
	v4 =	vadd.f32 v5, v4;
	v5 =	vmul.f32 v9, v42  }
0x10a: {  	v9 =	vld.idx.msk [tilespmem:v10+s13+$0x0], $0xffff;
	v10 =	vor.u32 $0xD, v3  }
0x10b: {  	v46 =	vld.idx.msk [tilespmem:v11+s2+$0x0], $0xffff;
	v4 =	vadd.f32 v5, v4;
	v5 =	vmul.f32 v6, v43  }
0x10c: {  	v6 =	vld.idx.msk [tilespmem:v11+s13+$0x0], $0xffff;
	v11 =	vor.u32 $0xE, v3  }
0x10d: {  	v47 =	vld.idx.msk [tilespmem:v8+s2+$0x0], $0xffff;
	v4 =	vadd.f32 v5, v4;
	v5 =	vmul.f32 v7, v44  }
0x10e: {  	v7 =	vld.idx.msk [tilespmem:v8+s13+$0x0], $0xffff;
	v8 =	vor.u32 $0xF, v3  }
0x10f: {  	v48 =	vld.idx.msk [tilespmem:v10+s2+$0x0], $0xffff;
	v4 =	vadd.f32 v5, v4;
	v5 =	vmul.f32 v9, v45  }
0x110: {  	v9 =	vld.idx.msk [tilespmem:v10+s13+$0x0], $0xffff;
	v10 =	vor.u32 $0x10, v3  }
0x111: {  	v49 =	vld.idx.msk [tilespmem:v11+s2+$0x0], $0xffff;
	v4 =	vadd.f32 v5, v4;
	v5 =	vmul.f32 v6, v46  }
0x112: {  	v6 =	vld.idx.msk [tilespmem:v11+s13+$0x0], $0xffff;
	v11 =	vor.u32 $0x11, v3  }
0x113: {  	v50 =	vld.idx.msk [tilespmem:v8+s2+$0x0], $0xffff;
	v4 =	vadd.f32 v5, v4;
	v5 =	vmul.f32 v7, v47  }
0x114: {  	v7 =	vld.idx.msk [tilespmem:v8+s13+$0x0], $0xffff;
	v8 =	vor.u32 $0x12, v3  }
0x115: {  	v51 =	vld.idx.msk [tilespmem:v10+s2+$0x0], $0xffff;
	v4 =	vadd.f32 v5, v4;
	v5 =	vmul.f32 v9, v48  }
0x116: {  	v9 =	vld.idx.msk [tilespmem:v10+s13+$0x0], $0xffff;
	v10 =	vor.u32 $0x13, v3  }
0x117: {  	v52 =	vld.idx.msk [tilespmem:v11+s2+$0x0], $0xffff;
	v4 =	vadd.f32 v5, v4;
	v5 =	vmul.f32 v6, v49  }
0x118: {  	v6 =	vld.idx.msk [tilespmem:v11+s13+$0x0], $0xffff;
	v11 =	vor.u32 $0x14, v3  }
0x119: {  	v53 =	vld.idx.msk [tilespmem:v8+s2+$0x0], $0xffff;
	v4 =	vadd.f32 v5, v4;
	v5 =	vmul.f32 v7, v50  }
0x11a: {  	v7 =	vld.idx.msk [tilespmem:v8+s13+$0x0], $0xffff;
	v8 =	vor.u32 $0x15, v3  }
0x11b: {  	v54 =	vld.idx.msk [tilespmem:v10+s2+$0x0], $0xffff;
	v4 =	vadd.f32 v5, v4;
	v5 =	vmul.f32 v9, v51  }
0x11c: {  	v9 =	vld.idx.msk [tilespmem:v10+s13+$0x0], $0xffff;
	v10 =	vor.u32 $0x16, v3  }
0x11d: {  	v55 =	vld.idx.msk [tilespmem:v11+s2+$0x0], $0xffff;
	v4 =	vadd.f32 v5, v4;
	v5 =	vmul.f32 v6, v52  }
0x11e: {  	v6 =	vld.idx.msk [tilespmem:v11+s13+$0x0], $0xffff;
	v11 =	vor.u32 $0x17, v3  }
0x11f: {  	v56 =	vld.idx.msk [tilespmem:v8+s2+$0x0], $0xffff;
	v4 =	vadd.f32 v5, v4;
	v5 =	vmul.f32 v7, v53  }
0x120: {  	v7 =	vld.idx.msk [tilespmem:v8+s13+$0x0], $0xffff;
	v8 =	vor.u32 $0x18, v3  }
0x121: {  	v57 =	vld.idx.msk [tilespmem:v10+s2+$0x0], $0xffff;
	v4 =	vadd.f32 v5, v4;
	v5 =	vmul.f32 v9, v54  }
0x122: {  	v9 =	vld.idx.msk [tilespmem:v10+s13+$0x0], $0xffff;
	v10 =	vor.u32 $0x19, v3  }
0x123: {  	v58 =	vld.idx.msk [tilespmem:v11+s2+$0x0], $0xffff;
	v4 =	vadd.f32 v5, v4;
	v5 =	vmul.f32 v6, v55  }
0x124: {  	v6 =	vld.idx.msk [tilespmem:v11+s13+$0x0], $0xffff;
	v11 =	vor.u32 $0x1A, v3  }
0x125: {  	v59 =	vld.idx.msk [tilespmem:v8+s2+$0x0], $0xffff;
	v4 =	vadd.f32 v5, v4;
	v5 =	vmul.f32 v7, v56  }
0x126: {  	v7 =	vld.idx.msk [tilespmem:v8+s13+$0x0], $0xffff;
	v8 =	vor.u32 $0x1B, v3  }
0x127: {  	v60 =	vld.idx.msk [tilespmem:v10+s2+$0x0], $0xffff;
	v4 =	vadd.f32 v5, v4;
	v5 =	vmul.f32 v9, v57  }
0x128: {  	v9 =	vld.idx.msk [tilespmem:v10+s13+$0x0], $0xffff;
	v10 =	vor.u32 $0x1C, v3  }
0x129: {  	v61 =	vld.idx.msk [tilespmem:v11+s2+$0x0], $0xffff;
	v4 =	vadd.f32 v5, v4;
	v5 =	vmul.f32 v6, v58  }
0x12a: {  	v6 =	vld.idx.msk [tilespmem:v11+s13+$0x0], $0xffff;
	v11 =	vor.u32 $0x1D, v3  }
0x12b: {  	v62 =	vld.idx.msk [tilespmem:v8+s2+$0x0], $0xffff;
	v4 =	vadd.f32 v5, v4;
	v5 =	vmul.f32 v7, v59  }
0x12c: {  	v7 =	vld.idx.msk [tilespmem:v8+s13+$0x0], $0xffff  }
0x12d: {  	v63 =	vld.idx.msk [tilespmem:v10+s2+$0x0], $0xffff;
	v4 =	vadd.f32 v5, v4;
	v5 =	vmul.f32 v9, v60  }
0x12e: {  	v9 =	vld.idx.msk [tilespmem:v10+s13+$0x0], $0xffff  }
0x12f: {  	v8 =	vor.u32 $0x1E, v3;
	v10 =	vld.idx.msk [tilespmem:v11+s2+$0x0], $0xffff;
	v4 =	vadd.f32 v5, v4;
	v5 =	vmul.f32 v6, v61  }
0x130: {  	v6 =	vld.idx.msk [tilespmem:v11+s13+$0x0], $0xffff  }
0x131: {  	v3 =	vor.u32 $0x1F, v3;
	v4 =	vadd.f32 v5, v4;
	v5 =	vmul.f32 v7, v62;
	_ =	sdelay $0x1  }
0x132: {  	v4 =	vadd.f32 v5, v4;
	v5 =	vmul.f32 v9, v63  }
0x133: {  	v11 =	vld.idx.msk [tilespmem:v8+s2+$0x0], $0xffff  }
0x134: {  	v8 =	vld.idx.msk [tilespmem:v8+s13+$0x0], $0xffff;
	v6 =	vmul.f32 v6, v10;
	v5 =	vadd.f32 v5, v4  }
0x135: {  	v4 =	vld.idx.msk [tilespmem:v3+s2+$0x0], $0xffff  }
0x136: {  	v7 =	vadd.f32 v6, v5;
	v5 =	vld.idx.msk [tilespmem:v3+s13+$0x0], $0xffff;
	_ =	sdelay $0x1  }
0x137: {  	s19 =	simm.s32 $0x10  }
0x138: {  	v9 =	vmov s19;
	v8 =	vmul.f32 v8, v11  }
0x139: {  	s20 =	simm.s32 $0x20;
	v3 =	vshll.u32 v9, $0x7;
	v6 =	vor.u32 s21, v2  }
.LBB2_4:
0x13a: {  	p0 =	sne.s32 s20, $0x70;
	v3 =	vor.u32 v1, v3;
	v7 =	vadd.f32 v8, v7;
	v4 =	vmul.f32 v5, v4;
	_ =	sdelay $0x1  }
0x13b: {  	v5 =	vor.u32 $0x1, v3;
	v4 =	vadd.f32 v4, v7;
	_ =	sdelay $0x1  }
0x13c: {  	v7 =	vor.u32 $0x2, v3;
	[tilespmem:v6+s16+$0x0] =	vst.idx.msk $0xffff, v4  }
0x13d: {  	v4 =	vld.idx.msk [tilespmem:v3+s13+$0x0], $0xffff  }
0x13e: {  	v8 =	vor.u32 $0x3, v3;
	v6 =	vld.idx.msk [tilespmem:v3+s2+$0x0], $0xffff  }
0x13f: {  	v9 =	vld.idx.msk [tilespmem:v5+s2+$0x0], $0xffff  }
0x140: {  	v10 =	vor.u32 $0x4, v3;
	v5 =	vld.idx.msk [tilespmem:v5+s13+$0x0], $0xffff  }
0x141: {  	v11 =	vld.idx.msk [tilespmem:v7+s2+$0x0], $0xffff  }
0x142: {  	v12 =	vor.u32 $0x5, v3;
	v7 =	vld.idx.msk [tilespmem:v7+s13+$0x0], $0xffff  }
0x143: {  	v13 =	vld.idx.msk [tilespmem:v8+s2+$0x0], $0xffff  }
0x144: {  	v4 =	vmul.f32 v4, v6;
	v6 =	vld.idx.msk [tilespmem:v8+s13+$0x0], $0xffff;
	v8 =	vor.u32 $0x6, v3  }
0x145: {  	v14 =	vld.idx.msk [tilespmem:v10+s2+$0x0], $0xffff  }
0x146: {  	v4 =	vadd.f32 $0.0e+00, v4;
	v5 =	vmul.f32 v5, v9;
	v9 =	vld.idx.msk [tilespmem:v10+s13+$0x0], $0xffff;
	v10 =	vor.u32 $0x7, v3  }
0x147: {  	v15 =	vld.idx.msk [tilespmem:v12+s2+$0x0], $0xffff  }
0x148: {  	v4 =	vadd.f32 v5, v4;
	v5 =	vmul.f32 v7, v11;
	v11 =	vor.u32 $0x8, v3;
	v7 =	vld.idx.msk [tilespmem:v12+s13+$0x0], $0xffff  }
0x149: {  	v12 =	vld.idx.msk [tilespmem:v8+s2+$0x0], $0xffff  }
0x14a: {  	v4 =	vadd.f32 v5, v4;
	v5 =	vmul.f32 v6, v13;
	v6 =	vld.idx.msk [tilespmem:v8+s13+$0x0], $0xffff;
	v8 =	vor.u32 $0x9, v3  }
0x14b: {  	v13 =	vld.idx.msk [tilespmem:v10+s2+$0x0], $0xffff  }
0x14c: {  	v4 =	vadd.f32 v5, v4;
	v5 =	vmul.f32 v9, v14;
	v9 =	vld.idx.msk [tilespmem:v10+s13+$0x0], $0xffff;
	v10 =	vor.u32 $0xA, v3  }
0x14d: {  	v14 =	vld.idx.msk [tilespmem:v11+s2+$0x0], $0xffff  }
0x14e: {  	v4 =	vadd.f32 v5, v4;
	v5 =	vmul.f32 v7, v15;
	v7 =	vld.idx.msk [tilespmem:v11+s13+$0x0], $0xffff;
	v11 =	vor.u32 $0xB, v3  }
0x14f: {  	v15 =	vld.idx.msk [tilespmem:v8+s2+$0x0], $0xffff  }
0x150: {  	v4 =	vadd.f32 v5, v4;
	v5 =	vmul.f32 v6, v12;
	v6 =	vld.idx.msk [tilespmem:v8+s13+$0x0], $0xffff;
	v8 =	vor.u32 $0xC, v3  }
0x151: {  	v12 =	vld.idx.msk [tilespmem:v10+s2+$0x0], $0xffff  }
0x152: {  	v4 =	vadd.f32 v5, v4;
	v5 =	vmul.f32 v9, v13;
	v9 =	vld.idx.msk [tilespmem:v10+s13+$0x0], $0xffff;
	v10 =	vor.u32 $0xD, v3  }
0x153: {  	v13 =	vld.idx.msk [tilespmem:v11+s2+$0x0], $0xffff  }
0x154: {  	v4 =	vadd.f32 v5, v4;
	v5 =	vmul.f32 v7, v14;
	v7 =	vld.idx.msk [tilespmem:v11+s13+$0x0], $0xffff;
	v11 =	vor.u32 $0xE, v3  }
0x155: {  	v14 =	vld.idx.msk [tilespmem:v8+s2+$0x0], $0xffff  }
0x156: {  	v4 =	vadd.f32 v5, v4;
	v5 =	vmul.f32 v6, v15;
	v6 =	vld.idx.msk [tilespmem:v8+s13+$0x0], $0xffff;
	v8 =	vor.u32 $0xF, v3  }
0x157: {  	v15 =	vld.idx.msk [tilespmem:v10+s2+$0x0], $0xffff  }
0x158: {  	v4 =	vadd.f32 v5, v4;
	v5 =	vmul.f32 v9, v12;
	v9 =	vld.idx.msk [tilespmem:v10+s13+$0x0], $0xffff;
	v10 =	vor.u32 $0x10, v3  }
0x159: {  	v12 =	vld.idx.msk [tilespmem:v11+s2+$0x0], $0xffff  }
0x15a: {  	v4 =	vadd.f32 v5, v4;
	v5 =	vmul.f32 v7, v13;
	v7 =	vld.idx.msk [tilespmem:v11+s13+$0x0], $0xffff;
	v11 =	vor.u32 $0x11, v3  }
0x15b: {  	v13 =	vld.idx.msk [tilespmem:v8+s2+$0x0], $0xffff  }
0x15c: {  	v4 =	vadd.f32 v5, v4;
	v5 =	vmul.f32 v6, v14;
	v6 =	vld.idx.msk [tilespmem:v8+s13+$0x0], $0xffff;
	v8 =	vor.u32 $0x12, v3  }
0x15d: {  	v14 =	vld.idx.msk [tilespmem:v10+s2+$0x0], $0xffff  }
0x15e: {  	v4 =	vadd.f32 v5, v4;
	v5 =	vmul.f32 v9, v15;
	v9 =	vld.idx.msk [tilespmem:v10+s13+$0x0], $0xffff;
	v10 =	vor.u32 $0x13, v3  }
0x15f: {  	v15 =	vld.idx.msk [tilespmem:v11+s2+$0x0], $0xffff  }
0x160: {  	v4 =	vadd.f32 v5, v4;
	v5 =	vmul.f32 v7, v12;
	v7 =	vld.idx.msk [tilespmem:v11+s13+$0x0], $0xffff;
	v11 =	vor.u32 $0x14, v3  }
0x161: {  	v12 =	vld.idx.msk [tilespmem:v8+s2+$0x0], $0xffff  }
0x162: {  	v4 =	vadd.f32 v5, v4;
	v5 =	vmul.f32 v6, v13;
	v6 =	vld.idx.msk [tilespmem:v8+s13+$0x0], $0xffff;
	v8 =	vor.u32 $0x15, v3  }
0x163: {  	v13 =	vld.idx.msk [tilespmem:v10+s2+$0x0], $0xffff  }
0x164: {  	v4 =	vadd.f32 v5, v4;
	v5 =	vmul.f32 v9, v14;
	v9 =	vld.idx.msk [tilespmem:v10+s13+$0x0], $0xffff;
	v10 =	vor.u32 $0x16, v3  }
0x165: {  	v14 =	vld.idx.msk [tilespmem:v11+s2+$0x0], $0xffff  }
0x166: {  	v4 =	vadd.f32 v5, v4;
	v5 =	vmul.f32 v7, v15;
	v7 =	vld.idx.msk [tilespmem:v11+s13+$0x0], $0xffff;
	v11 =	vor.u32 $0x17, v3  }
0x167: {  	v15 =	vld.idx.msk [tilespmem:v8+s2+$0x0], $0xffff  }
0x168: {  	v4 =	vadd.f32 v5, v4;
	v5 =	vmul.f32 v6, v12;
	v6 =	vld.idx.msk [tilespmem:v8+s13+$0x0], $0xffff;
	v8 =	vor.u32 $0x18, v3  }
0x169: {  	v12 =	vld.idx.msk [tilespmem:v10+s2+$0x0], $0xffff  }
0x16a: {  	v4 =	vadd.f32 v5, v4;
	v5 =	vmul.f32 v9, v13;
	v9 =	vld.idx.msk [tilespmem:v10+s13+$0x0], $0xffff;
	v10 =	vor.u32 $0x19, v3  }
0x16b: {  	v13 =	vld.idx.msk [tilespmem:v11+s2+$0x0], $0xffff  }
0x16c: {  	v4 =	vadd.f32 v5, v4;
	v5 =	vmul.f32 v7, v14;
	v7 =	vld.idx.msk [tilespmem:v11+s13+$0x0], $0xffff;
	v11 =	vor.u32 $0x1A, v3  }
0x16d: {  	v14 =	vld.idx.msk [tilespmem:v8+s2+$0x0], $0xffff  }
0x16e: {  	v4 =	vadd.f32 v5, v4;
	v5 =	vmul.f32 v6, v15;
	v6 =	vld.idx.msk [tilespmem:v8+s13+$0x0], $0xffff;
	v8 =	vor.u32 $0x1B, v3  }
0x16f: {  	v15 =	vld.idx.msk [tilespmem:v10+s2+$0x0], $0xffff  }
0x170: {  	v4 =	vadd.f32 v5, v4;
	v5 =	vmul.f32 v9, v12;
	v9 =	vld.idx.msk [tilespmem:v10+s13+$0x0], $0xffff;
	v10 =	vor.u32 $0x1C, v3  }
0x171: {  	v12 =	vld.idx.msk [tilespmem:v11+s2+$0x0], $0xffff  }
0x172: {  	v4 =	vadd.f32 v5, v4;
	v5 =	vmul.f32 v7, v13;
	v7 =	vld.idx.msk [tilespmem:v11+s13+$0x0], $0xffff;
	v11 =	vor.u32 $0x1D, v3  }
0x173: {  	v13 =	vld.idx.msk [tilespmem:v8+s2+$0x0], $0xffff  }
0x174: {  	v4 =	vadd.f32 v5, v4;
	v5 =	vmul.f32 v6, v14;
	v6 =	vld.idx.msk [tilespmem:v8+s13+$0x0], $0xffff;
	v8 =	vor.u32 $0x1E, v3  }
0x175: {  	v14 =	vld.idx.msk [tilespmem:v10+s2+$0x0], $0xffff  }
0x176: {  	v3 =	vor.u32 $0x1F, v3;
	v4 =	vadd.f32 v5, v4;
	v5 =	vmul.f32 v9, v15;
	v9 =	vld.idx.msk [tilespmem:v10+s13+$0x0], $0xffff  }
0x177: {  	v10 =	vld.idx.msk [tilespmem:v11+s2+$0x0], $0xffff  }
0x178: {  	v4 =	vadd.f32 v5, v4;
	v5 =	vmul.f32 v7, v12;
	v7 =	vld.idx.msk [tilespmem:v11+s13+$0x0], $0xffff  }
0x179: {  	v11 =	vld.idx.msk [tilespmem:v8+s2+$0x0], $0xffff  }
0x17a: {  	v5 =	vadd.f32 v5, v4;
	v6 =	vmul.f32 v6, v13;
	v8 =	vld.idx.msk [tilespmem:v8+s13+$0x0], $0xffff  }
0x17b: {  	v4 =	vld.idx.msk [tilespmem:v3+s2+$0x0], $0xffff  }
0x17c: {  	v6 =	vadd.f32 v6, v5;
	v9 =	vmul.f32 v9, v14;
	v5 =	vld.idx.msk [tilespmem:v3+s13+$0x0], $0xffff  }
.Ltmp1:
0x17d: {  	(pc) =	sbr.rel @p0 .LBB2_4-.Ltmp1, $3  }
0x17e: {  	v3 =	vadd.f32 v9, v6;
	v6 =	vmul.f32 v7, v10;
	_ =	sdelay $0x1  }
0x17f: {  	v9 =	vmov s20;
	v7 =	vadd.f32 v6, v3;
	v8 =	vmul.f32 v8, v11  }
0x180: {  	v3 =	vshll.u32 v9, $0x7;
	v6 =	vor.u32 s19, v2;
	s19 =	smov.u32 s20;
	s20 =	sadd.s32 $0x10, s20  }
0x181: {  	v3 =	vor.u32 v1, v3;
	v7 =	vadd.f32 v8, v7;
	v4 =	vmul.f32 v5, v4;
	_ =	sdelay $0x1  }
0x182: {  	v5 =	vor.u32 $0x1, v3;
	v4 =	vadd.f32 v4, v7;
	_ =	sdelay $0x1  }
0x183: {  	v7 =	vor.u32 $0x2, v3;
	[tilespmem:v6+s16+$0x0] =	vst.idx.msk $0xffff, v4  }
0x184: {  	v4 =	vld.idx.msk [tilespmem:v3+s13+$0x0], $0xffff  }
0x185: {  	v8 =	vor.u32 $0x3, v3;
	v6 =	vld.idx.msk [tilespmem:v3+s2+$0x0], $0xffff  }
0x186: {  	v9 =	vld.idx.msk [tilespmem:v5+s2+$0x0], $0xffff  }
0x187: {  	v10 =	vor.u32 $0x4, v3;
	v5 =	vld.idx.msk [tilespmem:v5+s13+$0x0], $0xffff  }
0x188: {  	v11 =	vld.idx.msk [tilespmem:v7+s2+$0x0], $0xffff  }
0x189: {  	v12 =	vor.u32 $0x5, v3;
	v7 =	vld.idx.msk [tilespmem:v7+s13+$0x0], $0xffff  }
0x18a: {  	v13 =	vld.idx.msk [tilespmem:v8+s2+$0x0], $0xffff;
	v4 =	vmul.f32 v4, v6  }
0x18b: {  	v6 =	vld.idx.msk [tilespmem:v8+s13+$0x0], $0xffff;
	v8 =	vor.u32 $0x6, v3  }
0x18c: {  	v14 =	vld.idx.msk [tilespmem:v10+s2+$0x0], $0xffff;
	v5 =	vmul.f32 v5, v9;
	v4 =	vadd.f32 $0.0e+00, v4  }
0x18d: {  	v9 =	vld.idx.msk [tilespmem:v10+s13+$0x0], $0xffff;
	v10 =	vor.u32 $0x7, v3  }
0x18e: {  	v15 =	vld.idx.msk [tilespmem:v12+s2+$0x0], $0xffff;
	v4 =	vadd.f32 v5, v4;
	v5 =	vmul.f32 v7, v11  }
0x18f: {  	v7 =	vld.idx.msk [tilespmem:v12+s13+$0x0], $0xffff;
	v11 =	vor.u32 $0x8, v3  }
0x190: {  	v59 =	vld.idx.msk [tilespmem:v8+s2+$0x0], $0xffff;
	v4 =	vadd.f32 v5, v4;
	v5 =	vmul.f32 v6, v13  }
0x191: {  	v6 =	vld.idx.msk [tilespmem:v8+s13+$0x0], $0xffff;
	v8 =	vor.u32 $0x9, v3  }
0x192: {  	v60 =	vld.idx.msk [tilespmem:v10+s2+$0x0], $0xffff;
	v4 =	vadd.f32 v5, v4;
	v5 =	vmul.f32 v9, v14  }
0x193: {  	v9 =	vld.idx.msk [tilespmem:v10+s13+$0x0], $0xffff;
	v10 =	vor.u32 $0xA, v3  }
0x194: {  	v61 =	vld.idx.msk [tilespmem:v11+s2+$0x0], $0xffff;
	v4 =	vadd.f32 v5, v4;
	v5 =	vmul.f32 v7, v15  }
0x195: {  	v7 =	vld.idx.msk [tilespmem:v11+s13+$0x0], $0xffff;
	v11 =	vor.u32 $0xB, v3  }
0x196: {  	v62 =	vld.idx.msk [tilespmem:v8+s2+$0x0], $0xffff;
	v4 =	vadd.f32 v5, v4;
	v5 =	vmul.f32 v6, v59  }
0x197: {  	v6 =	vld.idx.msk [tilespmem:v8+s13+$0x0], $0xffff;
	v8 =	vor.u32 $0xC, v3  }
0x198: {  	v63 =	vld.idx.msk [tilespmem:v10+s2+$0x0], $0xffff;
	v4 =	vadd.f32 v5, v4;
	v5 =	vmul.f32 v9, v60  }
0x199: {  	v9 =	vld.idx.msk [tilespmem:v10+s13+$0x0], $0xffff;
	v10 =	vor.u32 $0xD, v3  }
0x19a: {  	v18 =	vld.idx.msk [tilespmem:v11+s2+$0x0], $0xffff;
	v4 =	vadd.f32 v5, v4;
	v5 =	vmul.f32 v7, v61  }
0x19b: {  	v7 =	vld.idx.msk [tilespmem:v11+s13+$0x0], $0xffff;
	v11 =	vor.u32 $0xE, v3  }
0x19c: {  	v19 =	vld.idx.msk [tilespmem:v8+s2+$0x0], $0xffff;
	v4 =	vadd.f32 v5, v4;
	v5 =	vmul.f32 v6, v62  }
0x19d: {  	v6 =	vld.idx.msk [tilespmem:v8+s13+$0x0], $0xffff;
	v8 =	vor.u32 $0xF, v3  }
0x19e: {  	v20 =	vld.idx.msk [tilespmem:v10+s2+$0x0], $0xffff;
	v4 =	vadd.f32 v5, v4;
	v5 =	vmul.f32 v9, v63  }
0x19f: {  	v9 =	vld.idx.msk [tilespmem:v10+s13+$0x0], $0xffff;
	v10 =	vor.u32 $0x10, v3  }
0x1a0: {  	v21 =	vld.idx.msk [tilespmem:v11+s2+$0x0], $0xffff;
	v4 =	vadd.f32 v5, v4;
	v5 =	vmul.f32 v7, v18  }
0x1a1: {  	v7 =	vld.idx.msk [tilespmem:v11+s13+$0x0], $0xffff;
	v11 =	vor.u32 $0x11, v3  }
0x1a2: {  	v22 =	vld.idx.msk [tilespmem:v8+s2+$0x0], $0xffff;
	v4 =	vadd.f32 v5, v4;
	v5 =	vmul.f32 v6, v19  }
0x1a3: {  	v6 =	vld.idx.msk [tilespmem:v8+s13+$0x0], $0xffff;
	v8 =	vor.u32 $0x12, v3  }
0x1a4: {  	v23 =	vld.idx.msk [tilespmem:v10+s2+$0x0], $0xffff;
	v4 =	vadd.f32 v5, v4;
	v5 =	vmul.f32 v9, v20  }
0x1a5: {  	v9 =	vld.idx.msk [tilespmem:v10+s13+$0x0], $0xffff;
	v10 =	vor.u32 $0x13, v3  }
0x1a6: {  	v24 =	vld.idx.msk [tilespmem:v11+s2+$0x0], $0xffff;
	v4 =	vadd.f32 v5, v4;
	v5 =	vmul.f32 v7, v21  }
0x1a7: {  	v7 =	vld.idx.msk [tilespmem:v11+s13+$0x0], $0xffff;
	v11 =	vor.u32 $0x14, v3  }
0x1a8: {  	v25 =	vld.idx.msk [tilespmem:v8+s2+$0x0], $0xffff;
	v4 =	vadd.f32 v5, v4;
	v5 =	vmul.f32 v6, v22  }
0x1a9: {  	v6 =	vld.idx.msk [tilespmem:v8+s13+$0x0], $0xffff;
	v8 =	vor.u32 $0x15, v3  }
0x1aa: {  	v26 =	vld.idx.msk [tilespmem:v10+s2+$0x0], $0xffff;
	v4 =	vadd.f32 v5, v4;
	v5 =	vmul.f32 v9, v23  }
0x1ab: {  	v9 =	vld.idx.msk [tilespmem:v10+s13+$0x0], $0xffff;
	v10 =	vor.u32 $0x16, v3  }
0x1ac: {  	v27 =	vld.idx.msk [tilespmem:v11+s2+$0x0], $0xffff;
	v4 =	vadd.f32 v5, v4;
	v5 =	vmul.f32 v7, v24  }
0x1ad: {  	v7 =	vld.idx.msk [tilespmem:v11+s13+$0x0], $0xffff;
	v11 =	vor.u32 $0x17, v3  }
0x1ae: {  	v28 =	vld.idx.msk [tilespmem:v8+s2+$0x0], $0xffff;
	v4 =	vadd.f32 v5, v4;
	v5 =	vmul.f32 v6, v25  }
0x1af: {  	v6 =	vld.idx.msk [tilespmem:v8+s13+$0x0], $0xffff;
	v8 =	vor.u32 $0x18, v3  }
0x1b0: {  	v29 =	vld.idx.msk [tilespmem:v10+s2+$0x0], $0xffff;
	v4 =	vadd.f32 v5, v4;
	v5 =	vmul.f32 v9, v26  }
0x1b1: {  	v9 =	vld.idx.msk [tilespmem:v10+s13+$0x0], $0xffff;
	v10 =	vor.u32 $0x19, v3  }
0x1b2: {  	v30 =	vld.idx.msk [tilespmem:v11+s2+$0x0], $0xffff;
	v4 =	vadd.f32 v5, v4;
	v5 =	vmul.f32 v7, v27  }
0x1b3: {  	v7 =	vld.idx.msk [tilespmem:v11+s13+$0x0], $0xffff;
	v11 =	vor.u32 $0x1A, v3  }
0x1b4: {  	v31 =	vld.idx.msk [tilespmem:v8+s2+$0x0], $0xffff;
	v4 =	vadd.f32 v5, v4;
	v5 =	vmul.f32 v6, v28  }
0x1b5: {  	v6 =	vld.idx.msk [tilespmem:v8+s13+$0x0], $0xffff;
	v8 =	vor.u32 $0x1B, v3  }
0x1b6: {  	v32 =	vld.idx.msk [tilespmem:v10+s2+$0x0], $0xffff;
	v4 =	vadd.f32 v5, v4;
	v5 =	vmul.f32 v9, v29  }
0x1b7: {  	v9 =	vld.idx.msk [tilespmem:v10+s13+$0x0], $0xffff;
	v10 =	vor.u32 $0x1C, v3  }
0x1b8: {  	v33 =	vld.idx.msk [tilespmem:v11+s2+$0x0], $0xffff;
	v4 =	vadd.f32 v5, v4;
	v5 =	vmul.f32 v7, v30  }
0x1b9: {  	v7 =	vld.idx.msk [tilespmem:v11+s13+$0x0], $0xffff;
	v11 =	vor.u32 $0x1D, v3  }
0x1ba: {  	v34 =	vld.idx.msk [tilespmem:v8+s2+$0x0], $0xffff;
	v4 =	vadd.f32 v5, v4;
	v5 =	vmul.f32 v6, v31  }
0x1bb: {  	v6 =	vld.idx.msk [tilespmem:v8+s13+$0x0], $0xffff;
	v8 =	vor.u32 $0x1E, v3  }
0x1bc: {  	v35 =	vld.idx.msk [tilespmem:v10+s2+$0x0], $0xffff;
	v4 =	vadd.f32 v5, v4;
	v5 =	vmul.f32 v9, v32  }
0x1bd: {  	v3 =	vor.u32 $0x1F, v3;
	v9 =	vld.idx.msk [tilespmem:v10+s13+$0x0], $0xffff  }
0x1be: {  	v10 =	vld.idx.msk [tilespmem:v11+s2+$0x0], $0xffff;
	v4 =	vadd.f32 v5, v4;
	v5 =	vmul.f32 v7, v33  }
0x1bf: {  	v7 =	vld.idx.msk [tilespmem:v11+s13+$0x0], $0xffff  }
0x1c0: {  	v11 =	vld.idx.msk [tilespmem:v8+s2+$0x0], $0xffff;
	v4 =	vadd.f32 v5, v4;
	v5 =	vmul.f32 v6, v34  }
0x1c1: {  	v6 =	vld.idx.msk [tilespmem:v8+s13+$0x0], $0xffff  }
0x1c2: {  	v8 =	vld.idx.msk [tilespmem:v3+s2+$0x0], $0xffff;
	v4 =	vadd.f32 v5, v4;
	v5 =	vmul.f32 v9, v35  }
0x1c3: {  	v3 =	vld.idx.msk [tilespmem:v3+s13+$0x0], $0xffff  }
0x1c4: {  	v4 =	vadd.f32 v5, v4;
	v5 =	vmul.f32 v7, v10;
	_ =	sdelay $0x1  }
0x1c5: {  	v4 =	vadd.f32 v5, v4;
	v5 =	vmul.f32 v6, v11  }
0x1c6: {  	v6 =	vor.u32 s19, v2  }
0x1c7: {  	v3 =	vmul.f32 v3, v8;
	v4 =	vadd.f32 v5, v4;
	_ =	sdelay $0x1  }
0x1c8: {  	v3 =	vadd.f32 v3, v4;
	_ =	sdelay $0x1  }
0x1c9: {  	s21 =	simm.s32 $0x0;
	[tilespmem:v6+s16+$0x0] =	vst.idx.msk $0xffff, v3  }
0x1ca: {  	[tilespmem:s21], [sflag:$0x1] =	stream.linear.gather [hbm4b:s7+s21], $0x4000, $0x38;
	[tilespmem:$0x8200] =	vst v63  }
0x1cb: {  	_ = 	snop  }
0x1cc: {  	v3 =	vmov s21;
	[tilespmem:s13], [sflag:$0x2] =	stream.linear.gather [hbm4b:s8+s21], $0x4000, $0x38;
	[tilespmem:$0x8200] =	vst v63  }
0x1cd: {  	v3 =	vshll.u32 v3, $0x7;
	_ =	swait.ge [sflag:s14], $0x4000  }
0x1ce: {  	v3 =	vor.u32 v1, v3;
	[sflag:s14] =	ssyncset.done $0x0  }
0x1cf: {  	[sflag:s14] =	ssyncadd.s32 $0xFFFFC000  }
0x1d0: {  	v4 =	vor.u32 $0x1, v3;
	_ =	swait.ge [sflag:s15], $0x4000  }
0x1d1: {  	[sflag:s15] =	ssyncset.done $0x0  }
0x1d2: {  	v5 =	vor.u32 $0x2, v3;
	[sflag:s15] =	ssyncadd.s32 $0xFFFFC000  }
0x1d3: {  	v6 =	vld.idx.msk [tilespmem:v3+s13+$0x0], $0xffff  }
0x1d4: {  	v8 =	vor.u32 $0x3, v3;
	v7 =	vld.idx.msk [tilespmem:v3+s2+$0x0], $0xffff  }
0x1d5: {  	v9 =	vld.idx.msk [tilespmem:v4+s2+$0x0], $0xffff  }
0x1d6: {  	v10 =	vor.u32 $0x4, v3;
	v4 =	vld.idx.msk [tilespmem:v4+s13+$0x0], $0xffff  }
0x1d7: {  	v11 =	vld.idx.msk [tilespmem:v5+s2+$0x0], $0xffff  }
0x1d8: {  	v36 =	vor.u32 $0x5, v3;
	v5 =	vld.idx.msk [tilespmem:v5+s13+$0x0], $0xffff  }
0x1d9: {  	v37 =	vld.idx.msk [tilespmem:v8+s2+$0x0], $0xffff;
	v6 =	vmul.f32 v6, v7  }
0x1da: {  	v7 =	vld.idx.msk [tilespmem:v8+s13+$0x0], $0xffff;
	v8 =	vor.u32 $0x6, v3  }
0x1db: {  	v38 =	vld.idx.msk [tilespmem:v10+s2+$0x0], $0xffff;
	v4 =	vmul.f32 v4, v9;
	v6 =	vadd.f32 $0.0e+00, v6  }
0x1dc: {  	v9 =	vld.idx.msk [tilespmem:v10+s13+$0x0], $0xffff;
	v10 =	vor.u32 $0x7, v3  }
0x1dd: {  	v39 =	vld.idx.msk [tilespmem:v36+s2+$0x0], $0xffff;
	v5 =	vmul.f32 v5, v11;
	v4 =	vadd.f32 v4, v6  }
0x1de: {  	v11 =	vor.u32 $0x8, v3;
	v6 =	vld.idx.msk [tilespmem:v36+s13+$0x0], $0xffff  }
0x1df: {  	v40 =	vld.idx.msk [tilespmem:v8+s2+$0x0], $0xffff;
	v4 =	vadd.f32 v5, v4;
	v5 =	vmul.f32 v7, v37  }
0x1e0: {  	v7 =	vld.idx.msk [tilespmem:v8+s13+$0x0], $0xffff;
	v8 =	vor.u32 $0x9, v3  }
0x1e1: {  	v41 =	vld.idx.msk [tilespmem:v10+s2+$0x0], $0xffff;
	v4 =	vadd.f32 v5, v4;
	v5 =	vmul.f32 v9, v38  }
0x1e2: {  	v9 =	vld.idx.msk [tilespmem:v10+s13+$0x0], $0xffff;
	v10 =	vor.u32 $0xA, v3  }
0x1e3: {  	v42 =	vld.idx.msk [tilespmem:v11+s2+$0x0], $0xffff;
	v4 =	vadd.f32 v5, v4;
	v5 =	vmul.f32 v6, v39  }
0x1e4: {  	v6 =	vld.idx.msk [tilespmem:v11+s13+$0x0], $0xffff;
	v11 =	vor.u32 $0xB, v3  }
0x1e5: {  	v43 =	vld.idx.msk [tilespmem:v8+s2+$0x0], $0xffff;
	v4 =	vadd.f32 v5, v4;
	v5 =	vmul.f32 v7, v40  }
0x1e6: {  	v7 =	vld.idx.msk [tilespmem:v8+s13+$0x0], $0xffff;
	v8 =	vor.u32 $0xC, v3  }
0x1e7: {  	v44 =	vld.idx.msk [tilespmem:v10+s2+$0x0], $0xffff;
	v4 =	vadd.f32 v5, v4;
	v5 =	vmul.f32 v9, v41  }
0x1e8: {  	v9 =	vld.idx.msk [tilespmem:v10+s13+$0x0], $0xffff;
	v10 =	vor.u32 $0xD, v3  }
0x1e9: {  	v45 =	vld.idx.msk [tilespmem:v11+s2+$0x0], $0xffff;
	v4 =	vadd.f32 v5, v4;
	v5 =	vmul.f32 v6, v42  }
0x1ea: {  	v6 =	vld.idx.msk [tilespmem:v11+s13+$0x0], $0xffff;
	v11 =	vor.u32 $0xE, v3  }
0x1eb: {  	v46 =	vld.idx.msk [tilespmem:v8+s2+$0x0], $0xffff;
	v4 =	vadd.f32 v5, v4;
	v5 =	vmul.f32 v7, v43  }
0x1ec: {  	v7 =	vld.idx.msk [tilespmem:v8+s13+$0x0], $0xffff;
	v8 =	vor.u32 $0xF, v3  }
0x1ed: {  	v47 =	vld.idx.msk [tilespmem:v10+s2+$0x0], $0xffff;
	v4 =	vadd.f32 v5, v4;
	v5 =	vmul.f32 v9, v44  }
0x1ee: {  	v9 =	vld.idx.msk [tilespmem:v10+s13+$0x0], $0xffff;
	v10 =	vor.u32 $0x10, v3  }
0x1ef: {  	v48 =	vld.idx.msk [tilespmem:v11+s2+$0x0], $0xffff;
	v4 =	vadd.f32 v5, v4;
	v5 =	vmul.f32 v6, v45  }
0x1f0: {  	v6 =	vld.idx.msk [tilespmem:v11+s13+$0x0], $0xffff;
	v11 =	vor.u32 $0x11, v3  }
0x1f1: {  	v49 =	vld.idx.msk [tilespmem:v8+s2+$0x0], $0xffff;
	v4 =	vadd.f32 v5, v4;
	v5 =	vmul.f32 v7, v46  }
0x1f2: {  	v7 =	vld.idx.msk [tilespmem:v8+s13+$0x0], $0xffff;
	v8 =	vor.u32 $0x12, v3  }
0x1f3: {  	v50 =	vld.idx.msk [tilespmem:v10+s2+$0x0], $0xffff;
	v4 =	vadd.f32 v5, v4;
	v5 =	vmul.f32 v9, v47  }
0x1f4: {  	v9 =	vld.idx.msk [tilespmem:v10+s13+$0x0], $0xffff;
	v10 =	vor.u32 $0x13, v3  }
0x1f5: {  	v51 =	vld.idx.msk [tilespmem:v11+s2+$0x0], $0xffff;
	v4 =	vadd.f32 v5, v4;
	v5 =	vmul.f32 v6, v48  }
0x1f6: {  	v6 =	vld.idx.msk [tilespmem:v11+s13+$0x0], $0xffff;
	v11 =	vor.u32 $0x14, v3  }
0x1f7: {  	v52 =	vld.idx.msk [tilespmem:v8+s2+$0x0], $0xffff;
	v4 =	vadd.f32 v5, v4;
	v5 =	vmul.f32 v7, v49  }
0x1f8: {  	v7 =	vld.idx.msk [tilespmem:v8+s13+$0x0], $0xffff;
	v8 =	vor.u32 $0x15, v3  }
0x1f9: {  	v53 =	vld.idx.msk [tilespmem:v10+s2+$0x0], $0xffff;
	v4 =	vadd.f32 v5, v4;
	v5 =	vmul.f32 v9, v50  }
0x1fa: {  	v9 =	vld.idx.msk [tilespmem:v10+s13+$0x0], $0xffff;
	v10 =	vor.u32 $0x16, v3  }
0x1fb: {  	v54 =	vld.idx.msk [tilespmem:v11+s2+$0x0], $0xffff;
	v4 =	vadd.f32 v5, v4;
	v5 =	vmul.f32 v6, v51  }
0x1fc: {  	v6 =	vld.idx.msk [tilespmem:v11+s13+$0x0], $0xffff;
	v11 =	vor.u32 $0x17, v3  }
0x1fd: {  	v55 =	vld.idx.msk [tilespmem:v8+s2+$0x0], $0xffff;
	v4 =	vadd.f32 v5, v4;
	v5 =	vmul.f32 v7, v52  }
0x1fe: {  	v7 =	vld.idx.msk [tilespmem:v8+s13+$0x0], $0xffff;
	v8 =	vor.u32 $0x18, v3  }
0x1ff: {  	v56 =	vld.idx.msk [tilespmem:v10+s2+$0x0], $0xffff;
	v4 =	vadd.f32 v5, v4;
	v5 =	vmul.f32 v9, v53  }
0x200: {  	v9 =	vld.idx.msk [tilespmem:v10+s13+$0x0], $0xffff;
	v10 =	vor.u32 $0x19, v3  }
0x201: {  	v57 =	vld.idx.msk [tilespmem:v11+s2+$0x0], $0xffff;
	v4 =	vadd.f32 v5, v4;
	v5 =	vmul.f32 v6, v54  }
0x202: {  	v6 =	vld.idx.msk [tilespmem:v11+s13+$0x0], $0xffff;
	v11 =	vor.u32 $0x1A, v3  }
0x203: {  	v58 =	vld.idx.msk [tilespmem:v8+s2+$0x0], $0xffff;
	v4 =	vadd.f32 v5, v4;
	v5 =	vmul.f32 v7, v55  }
0x204: {  	v7 =	vld.idx.msk [tilespmem:v8+s13+$0x0], $0xffff;
	v8 =	vor.u32 $0x1B, v3  }
0x205: {  	v59 =	vld.idx.msk [tilespmem:v10+s2+$0x0], $0xffff;
	v4 =	vadd.f32 v5, v4;
	v5 =	vmul.f32 v9, v56  }
0x206: {  	v9 =	vld.idx.msk [tilespmem:v10+s13+$0x0], $0xffff;
	v10 =	vor.u32 $0x1C, v3  }
0x207: {  	v60 =	vld.idx.msk [tilespmem:v11+s2+$0x0], $0xffff;
	v4 =	vadd.f32 v5, v4;
	v5 =	vmul.f32 v6, v57  }
0x208: {  	v6 =	vld.idx.msk [tilespmem:v11+s13+$0x0], $0xffff;
	v11 =	vor.u32 $0x1D, v3  }
0x209: {  	v61 =	vld.idx.msk [tilespmem:v8+s2+$0x0], $0xffff;
	v4 =	vadd.f32 v5, v4;
	v5 =	vmul.f32 v7, v58  }
0x20a: {  	v7 =	vld.idx.msk [tilespmem:v8+s13+$0x0], $0xffff  }
0x20b: {  	v62 =	vld.idx.msk [tilespmem:v10+s2+$0x0], $0xffff;
	v4 =	vadd.f32 v5, v4;
	v5 =	vmul.f32 v9, v59  }
0x20c: {  	v9 =	vld.idx.msk [tilespmem:v10+s13+$0x0], $0xffff  }
0x20d: {  	v8 =	vor.u32 $0x1E, v3;
	v10 =	vld.idx.msk [tilespmem:v11+s2+$0x0], $0xffff;
	v4 =	vadd.f32 v5, v4;
	v5 =	vmul.f32 v6, v60  }
0x20e: {  	v6 =	vld.idx.msk [tilespmem:v11+s13+$0x0], $0xffff  }
0x20f: {  	v4 =	vadd.f32 v5, v4;
	v5 =	vmul.f32 v7, v61;
	v7 =	vor.u32 $0x1F, v3;
	_ =	sdelay $0x1  }
0x210: {  	v3 =	vadd.f32 v5, v4;
	v4 =	vmul.f32 v9, v62  }
0x211: {  	v11 =	vld.idx.msk [tilespmem:v8+s2+$0x0], $0xffff  }
0x212: {  	v63 =	vld.idx.msk [tilespmem:v8+s13+$0x0], $0xffff;
	v6 =	vmul.f32 v6, v10;
	v4 =	vadd.f32 v4, v3  }
0x213: {  	v5 =	vld.idx.msk [tilespmem:v7+s2+$0x0], $0xffff  }
0x214: {  	v8 =	vadd.f32 v6, v4;
	v6 =	vld.idx.msk [tilespmem:v7+s13+$0x0], $0xffff;
	_ =	sdelay $0x1  }
0x215: {  	s19 =	simm.s32 $0x10  }
0x216: {  	v10 =	vmov s19;
	v3 =	vor.u32 $0x100, v0;
	v9 =	vmul.f32 v63, v11  }
0x217: {  	s20 =	simm.s32 $0x20;
	v4 =	vshll.u32 v10, $0x7;
	v7 =	vor.u32 s21, v3  }
.LBB2_6:
0x218: {  	p0 =	sne.s32 s20, $0x70;
	v4 =	vor.u32 v1, v4;
	v8 =	vadd.f32 v9, v8;
	v5 =	vmul.f32 v6, v5;
	_ =	sdelay $0x1  }
0x219: {  	v6 =	vor.u32 $0x1, v4;
	v5 =	vadd.f32 v5, v8;
	_ =	sdelay $0x1  }
0x21a: {  	v8 =	vor.u32 $0x2, v4;
	[tilespmem:v7+s16+$0x0] =	vst.idx.msk $0xffff, v5  }
0x21b: {  	v5 =	vld.idx.msk [tilespmem:v4+s13+$0x0], $0xffff  }
0x21c: {  	v9 =	vor.u32 $0x3, v4;
	v7 =	vld.idx.msk [tilespmem:v4+s2+$0x0], $0xffff  }
0x21d: {  	v10 =	vld.idx.msk [tilespmem:v6+s2+$0x0], $0xffff  }
0x21e: {  	v11 =	vor.u32 $0x4, v4;
	v6 =	vld.idx.msk [tilespmem:v6+s13+$0x0], $0xffff  }
0x21f: {  	v12 =	vld.idx.msk [tilespmem:v8+s2+$0x0], $0xffff  }
0x220: {  	v13 =	vor.u32 $0x5, v4;
	v8 =	vld.idx.msk [tilespmem:v8+s13+$0x0], $0xffff  }
0x221: {  	v14 =	vld.idx.msk [tilespmem:v9+s2+$0x0], $0xffff  }
0x222: {  	v5 =	vmul.f32 v5, v7;
	v7 =	vld.idx.msk [tilespmem:v9+s13+$0x0], $0xffff;
	v9 =	vor.u32 $0x6, v4  }
0x223: {  	v15 =	vld.idx.msk [tilespmem:v11+s2+$0x0], $0xffff  }
0x224: {  	v5 =	vadd.f32 $0.0e+00, v5;
	v6 =	vmul.f32 v6, v10;
	v10 =	vld.idx.msk [tilespmem:v11+s13+$0x0], $0xffff;
	v11 =	vor.u32 $0x7, v4  }
0x225: {  	v16 =	vld.idx.msk [tilespmem:v13+s2+$0x0], $0xffff  }
0x226: {  	v5 =	vadd.f32 v6, v5;
	v6 =	vmul.f32 v8, v12;
	v12 =	vor.u32 $0x8, v4;
	v8 =	vld.idx.msk [tilespmem:v13+s13+$0x0], $0xffff  }
0x227: {  	v13 =	vld.idx.msk [tilespmem:v9+s2+$0x0], $0xffff  }
0x228: {  	v5 =	vadd.f32 v6, v5;
	v6 =	vmul.f32 v7, v14;
	v7 =	vld.idx.msk [tilespmem:v9+s13+$0x0], $0xffff;
	v9 =	vor.u32 $0x9, v4  }
0x229: {  	v14 =	vld.idx.msk [tilespmem:v11+s2+$0x0], $0xffff  }
0x22a: {  	v5 =	vadd.f32 v6, v5;
	v6 =	vmul.f32 v10, v15;
	v10 =	vld.idx.msk [tilespmem:v11+s13+$0x0], $0xffff;
	v11 =	vor.u32 $0xA, v4  }
0x22b: {  	v15 =	vld.idx.msk [tilespmem:v12+s2+$0x0], $0xffff  }
0x22c: {  	v5 =	vadd.f32 v6, v5;
	v6 =	vmul.f32 v8, v16;
	v8 =	vld.idx.msk [tilespmem:v12+s13+$0x0], $0xffff;
	v12 =	vor.u32 $0xB, v4  }
0x22d: {  	v16 =	vld.idx.msk [tilespmem:v9+s2+$0x0], $0xffff  }
0x22e: {  	v5 =	vadd.f32 v6, v5;
	v6 =	vmul.f32 v7, v13;
	v7 =	vld.idx.msk [tilespmem:v9+s13+$0x0], $0xffff;
	v9 =	vor.u32 $0xC, v4  }
0x22f: {  	v13 =	vld.idx.msk [tilespmem:v11+s2+$0x0], $0xffff  }
0x230: {  	v5 =	vadd.f32 v6, v5;
	v6 =	vmul.f32 v10, v14;
	v10 =	vld.idx.msk [tilespmem:v11+s13+$0x0], $0xffff;
	v11 =	vor.u32 $0xD, v4  }
0x231: {  	v14 =	vld.idx.msk [tilespmem:v12+s2+$0x0], $0xffff  }
0x232: {  	v5 =	vadd.f32 v6, v5;
	v6 =	vmul.f32 v8, v15;
	v8 =	vld.idx.msk [tilespmem:v12+s13+$0x0], $0xffff;
	v12 =	vor.u32 $0xE, v4  }
0x233: {  	v15 =	vld.idx.msk [tilespmem:v9+s2+$0x0], $0xffff  }
0x234: {  	v5 =	vadd.f32 v6, v5;
	v6 =	vmul.f32 v7, v16;
	v7 =	vld.idx.msk [tilespmem:v9+s13+$0x0], $0xffff;
	v9 =	vor.u32 $0xF, v4  }
0x235: {  	v16 =	vld.idx.msk [tilespmem:v11+s2+$0x0], $0xffff  }
0x236: {  	v5 =	vadd.f32 v6, v5;
	v6 =	vmul.f32 v10, v13;
	v10 =	vld.idx.msk [tilespmem:v11+s13+$0x0], $0xffff;
	v11 =	vor.u32 $0x10, v4  }
0x237: {  	v13 =	vld.idx.msk [tilespmem:v12+s2+$0x0], $0xffff  }
0x238: {  	v5 =	vadd.f32 v6, v5;
	v6 =	vmul.f32 v8, v14;
	v8 =	vld.idx.msk [tilespmem:v12+s13+$0x0], $0xffff;
	v12 =	vor.u32 $0x11, v4  }
0x239: {  	v14 =	vld.idx.msk [tilespmem:v9+s2+$0x0], $0xffff  }
0x23a: {  	v5 =	vadd.f32 v6, v5;
	v6 =	vmul.f32 v7, v15;
	v7 =	vld.idx.msk [tilespmem:v9+s13+$0x0], $0xffff;
	v9 =	vor.u32 $0x12, v4  }
0x23b: {  	v15 =	vld.idx.msk [tilespmem:v11+s2+$0x0], $0xffff  }
0x23c: {  	v5 =	vadd.f32 v6, v5;
	v6 =	vmul.f32 v10, v16;
	v10 =	vld.idx.msk [tilespmem:v11+s13+$0x0], $0xffff;
	v11 =	vor.u32 $0x13, v4  }
0x23d: {  	v16 =	vld.idx.msk [tilespmem:v12+s2+$0x0], $0xffff  }
0x23e: {  	v5 =	vadd.f32 v6, v5;
	v6 =	vmul.f32 v8, v13;
	v8 =	vld.idx.msk [tilespmem:v12+s13+$0x0], $0xffff;
	v12 =	vor.u32 $0x14, v4  }
0x23f: {  	v13 =	vld.idx.msk [tilespmem:v9+s2+$0x0], $0xffff  }
0x240: {  	v5 =	vadd.f32 v6, v5;
	v6 =	vmul.f32 v7, v14;
	v7 =	vld.idx.msk [tilespmem:v9+s13+$0x0], $0xffff;
	v9 =	vor.u32 $0x15, v4  }
0x241: {  	v14 =	vld.idx.msk [tilespmem:v11+s2+$0x0], $0xffff  }
0x242: {  	v5 =	vadd.f32 v6, v5;
	v6 =	vmul.f32 v10, v15;
	v10 =	vld.idx.msk [tilespmem:v11+s13+$0x0], $0xffff;
	v11 =	vor.u32 $0x16, v4  }
0x243: {  	v15 =	vld.idx.msk [tilespmem:v12+s2+$0x0], $0xffff  }
0x244: {  	v5 =	vadd.f32 v6, v5;
	v6 =	vmul.f32 v8, v16;
	v8 =	vld.idx.msk [tilespmem:v12+s13+$0x0], $0xffff;
	v12 =	vor.u32 $0x17, v4  }
0x245: {  	v16 =	vld.idx.msk [tilespmem:v9+s2+$0x0], $0xffff  }
0x246: {  	v5 =	vadd.f32 v6, v5;
	v6 =	vmul.f32 v7, v13;
	v7 =	vld.idx.msk [tilespmem:v9+s13+$0x0], $0xffff;
	v9 =	vor.u32 $0x18, v4  }
0x247: {  	v13 =	vld.idx.msk [tilespmem:v11+s2+$0x0], $0xffff  }
0x248: {  	v5 =	vadd.f32 v6, v5;
	v6 =	vmul.f32 v10, v14;
	v10 =	vld.idx.msk [tilespmem:v11+s13+$0x0], $0xffff;
	v11 =	vor.u32 $0x19, v4  }
0x249: {  	v14 =	vld.idx.msk [tilespmem:v12+s2+$0x0], $0xffff  }
0x24a: {  	v5 =	vadd.f32 v6, v5;
	v6 =	vmul.f32 v8, v15;
	v8 =	vld.idx.msk [tilespmem:v12+s13+$0x0], $0xffff;
	v12 =	vor.u32 $0x1A, v4  }
0x24b: {  	v15 =	vld.idx.msk [tilespmem:v9+s2+$0x0], $0xffff  }
0x24c: {  	v5 =	vadd.f32 v6, v5;
	v6 =	vmul.f32 v7, v16;
	v7 =	vld.idx.msk [tilespmem:v9+s13+$0x0], $0xffff;
	v9 =	vor.u32 $0x1B, v4  }
0x24d: {  	v16 =	vld.idx.msk [tilespmem:v11+s2+$0x0], $0xffff  }
0x24e: {  	v5 =	vadd.f32 v6, v5;
	v6 =	vmul.f32 v10, v13;
	v10 =	vld.idx.msk [tilespmem:v11+s13+$0x0], $0xffff;
	v11 =	vor.u32 $0x1C, v4  }
0x24f: {  	v13 =	vld.idx.msk [tilespmem:v12+s2+$0x0], $0xffff  }
0x250: {  	v5 =	vadd.f32 v6, v5;
	v6 =	vmul.f32 v8, v14;
	v8 =	vld.idx.msk [tilespmem:v12+s13+$0x0], $0xffff;
	v12 =	vor.u32 $0x1D, v4  }
0x251: {  	v14 =	vld.idx.msk [tilespmem:v9+s2+$0x0], $0xffff  }
0x252: {  	v5 =	vadd.f32 v6, v5;
	v6 =	vmul.f32 v7, v15;
	v7 =	vld.idx.msk [tilespmem:v9+s13+$0x0], $0xffff;
	v9 =	vor.u32 $0x1E, v4  }
0x253: {  	v15 =	vld.idx.msk [tilespmem:v11+s2+$0x0], $0xffff  }
0x254: {  	v4 =	vor.u32 $0x1F, v4;
	v5 =	vadd.f32 v6, v5;
	v6 =	vmul.f32 v10, v16;
	v10 =	vld.idx.msk [tilespmem:v11+s13+$0x0], $0xffff  }
0x255: {  	v11 =	vld.idx.msk [tilespmem:v12+s2+$0x0], $0xffff  }
0x256: {  	v5 =	vadd.f32 v6, v5;
	v6 =	vmul.f32 v8, v13;
	v8 =	vld.idx.msk [tilespmem:v12+s13+$0x0], $0xffff  }
0x257: {  	v12 =	vld.idx.msk [tilespmem:v9+s2+$0x0], $0xffff  }
0x258: {  	v6 =	vadd.f32 v6, v5;
	v7 =	vmul.f32 v7, v14;
	v9 =	vld.idx.msk [tilespmem:v9+s13+$0x0], $0xffff  }
0x259: {  	v5 =	vld.idx.msk [tilespmem:v4+s2+$0x0], $0xffff  }
0x25a: {  	v7 =	vadd.f32 v7, v6;
	v10 =	vmul.f32 v10, v15;
	v6 =	vld.idx.msk [tilespmem:v4+s13+$0x0], $0xffff  }
.Ltmp2:
0x25b: {  	(pc) =	sbr.rel @p0 .LBB2_6-.Ltmp2, $3  }
0x25c: {  	v4 =	vadd.f32 v10, v7;
	v7 =	vmul.f32 v8, v11;
	_ =	sdelay $0x1  }
0x25d: {  	v10 =	vmov s20;
	v8 =	vadd.f32 v7, v4;
	v9 =	vmul.f32 v9, v12  }
0x25e: {  	v4 =	vshll.u32 v10, $0x7;
	v7 =	vor.u32 s19, v3;
	s19 =	smov.u32 s20;
	s20 =	sadd.s32 $0x10, s20  }
0x25f: {  	v4 =	vor.u32 v1, v4;
	v8 =	vadd.f32 v9, v8;
	v5 =	vmul.f32 v6, v5;
	_ =	sdelay $0x1  }
0x260: {  	v6 =	vor.u32 $0x1, v4;
	v5 =	vadd.f32 v5, v8;
	_ =	sdelay $0x1  }
0x261: {  	v8 =	vor.u32 $0x2, v4;
	[tilespmem:v7+s16+$0x0] =	vst.idx.msk $0xffff, v5  }
0x262: {  	v5 =	vld.idx.msk [tilespmem:v4+s13+$0x0], $0xffff  }
0x263: {  	v9 =	vor.u32 $0x3, v4;
	v7 =	vld.idx.msk [tilespmem:v4+s2+$0x0], $0xffff  }
0x264: {  	v10 =	vld.idx.msk [tilespmem:v6+s2+$0x0], $0xffff  }
0x265: {  	v11 =	vor.u32 $0x4, v4;
	v6 =	vld.idx.msk [tilespmem:v6+s13+$0x0], $0xffff  }
0x266: {  	v12 =	vld.idx.msk [tilespmem:v8+s2+$0x0], $0xffff  }
0x267: {  	v13 =	vor.u32 $0x5, v4;
	v8 =	vld.idx.msk [tilespmem:v8+s13+$0x0], $0xffff  }
0x268: {  	v14 =	vld.idx.msk [tilespmem:v9+s2+$0x0], $0xffff;
	v5 =	vmul.f32 v5, v7  }
0x269: {  	v7 =	vld.idx.msk [tilespmem:v9+s13+$0x0], $0xffff;
	v9 =	vor.u32 $0x6, v4  }
0x26a: {  	v15 =	vld.idx.msk [tilespmem:v11+s2+$0x0], $0xffff;
	v6 =	vmul.f32 v6, v10;
	v5 =	vadd.f32 $0.0e+00, v5  }
0x26b: {  	v10 =	vld.idx.msk [tilespmem:v11+s13+$0x0], $0xffff;
	v11 =	vor.u32 $0x7, v4  }
0x26c: {  	v16 =	vld.idx.msk [tilespmem:v13+s2+$0x0], $0xffff;
	v5 =	vadd.f32 v6, v5;
	v6 =	vmul.f32 v8, v12  }
0x26d: {  	v48 =	vor.u32 $0x8, v4;
	v8 =	vld.idx.msk [tilespmem:v13+s13+$0x0], $0xffff  }
0x26e: {  	v49 =	vld.idx.msk [tilespmem:v9+s2+$0x0], $0xffff;
	v5 =	vadd.f32 v6, v5;
	v6 =	vmul.f32 v7, v14  }
0x26f: {  	v7 =	vld.idx.msk [tilespmem:v9+s13+$0x0], $0xffff;
	v9 =	vor.u32 $0x9, v4  }
0x270: {  	v50 =	vld.idx.msk [tilespmem:v11+s2+$0x0], $0xffff;
	v5 =	vadd.f32 v6, v5;
	v6 =	vmul.f32 v10, v15  }
0x271: {  	v10 =	vld.idx.msk [tilespmem:v11+s13+$0x0], $0xffff;
	v11 =	vor.u32 $0xA, v4  }
0x272: {  	v51 =	vld.idx.msk [tilespmem:v48+s2+$0x0], $0xffff;
	v5 =	vadd.f32 v6, v5;
	v6 =	vmul.f32 v8, v16  }
0x273: {  	v52 =	vor.u32 $0xB, v4;
	v8 =	vld.idx.msk [tilespmem:v48+s13+$0x0], $0xffff  }
0x274: {  	v53 =	vld.idx.msk [tilespmem:v9+s2+$0x0], $0xffff;
	v5 =	vadd.f32 v6, v5;
	v6 =	vmul.f32 v7, v49  }
0x275: {  	v7 =	vld.idx.msk [tilespmem:v9+s13+$0x0], $0xffff;
	v9 =	vor.u32 $0xC, v4  }
0x276: {  	v54 =	vld.idx.msk [tilespmem:v11+s2+$0x0], $0xffff;
	v5 =	vadd.f32 v6, v5;
	v6 =	vmul.f32 v10, v50  }
0x277: {  	v10 =	vld.idx.msk [tilespmem:v11+s13+$0x0], $0xffff;
	v11 =	vor.u32 $0xD, v4  }
0x278: {  	v55 =	vld.idx.msk [tilespmem:v52+s2+$0x0], $0xffff;
	v5 =	vadd.f32 v6, v5;
	v6 =	vmul.f32 v8, v51  }
0x279: {  	v56 =	vor.u32 $0xE, v4;
	v8 =	vld.idx.msk [tilespmem:v52+s13+$0x0], $0xffff  }
0x27a: {  	v57 =	vld.idx.msk [tilespmem:v9+s2+$0x0], $0xffff;
	v5 =	vadd.f32 v6, v5;
	v6 =	vmul.f32 v7, v53  }
0x27b: {  	v7 =	vld.idx.msk [tilespmem:v9+s13+$0x0], $0xffff;
	v9 =	vor.u32 $0xF, v4  }
0x27c: {  	v58 =	vld.idx.msk [tilespmem:v11+s2+$0x0], $0xffff;
	v5 =	vadd.f32 v6, v5;
	v6 =	vmul.f32 v10, v54  }
0x27d: {  	v10 =	vld.idx.msk [tilespmem:v11+s13+$0x0], $0xffff;
	v11 =	vor.u32 $0x10, v4  }
0x27e: {  	v59 =	vld.idx.msk [tilespmem:v56+s2+$0x0], $0xffff;
	v5 =	vadd.f32 v6, v5;
	v6 =	vmul.f32 v8, v55  }
0x27f: {  	v60 =	vor.u32 $0x11, v4;
	v8 =	vld.idx.msk [tilespmem:v56+s13+$0x0], $0xffff  }
0x280: {  	v61 =	vld.idx.msk [tilespmem:v9+s2+$0x0], $0xffff;
	v5 =	vadd.f32 v6, v5;
	v6 =	vmul.f32 v7, v57  }
0x281: {  	v7 =	vld.idx.msk [tilespmem:v9+s13+$0x0], $0xffff;
	v9 =	vor.u32 $0x12, v4  }
0x282: {  	v62 =	vld.idx.msk [tilespmem:v11+s2+$0x0], $0xffff;
	v5 =	vadd.f32 v6, v5;
	v6 =	vmul.f32 v10, v58  }
0x283: {  	v10 =	vld.idx.msk [tilespmem:v11+s13+$0x0], $0xffff;
	v11 =	vor.u32 $0x13, v4  }
0x284: {  	v63 =	vld.idx.msk [tilespmem:v60+s2+$0x0], $0xffff;
	v5 =	vadd.f32 v6, v5;
	v6 =	vmul.f32 v8, v59  }
0x285: {  	v20 =	vor.u32 $0x14, v4;
	v8 =	vld.idx.msk [tilespmem:v60+s13+$0x0], $0xffff  }
0x286: {  	v21 =	vld.idx.msk [tilespmem:v9+s2+$0x0], $0xffff;
	v5 =	vadd.f32 v6, v5;
	v6 =	vmul.f32 v7, v61  }
0x287: {  	v7 =	vld.idx.msk [tilespmem:v9+s13+$0x0], $0xffff;
	v9 =	vor.u32 $0x15, v4  }
0x288: {  	v22 =	vld.idx.msk [tilespmem:v11+s2+$0x0], $0xffff;
	v5 =	vadd.f32 v6, v5;
	v6 =	vmul.f32 v10, v62  }
0x289: {  	v10 =	vld.idx.msk [tilespmem:v11+s13+$0x0], $0xffff;
	v11 =	vor.u32 $0x16, v4  }
0x28a: {  	v23 =	vld.idx.msk [tilespmem:v20+s2+$0x0], $0xffff;
	v5 =	vadd.f32 v6, v5;
	v6 =	vmul.f32 v8, v63  }
0x28b: {  	v24 =	vor.u32 $0x17, v4;
	v8 =	vld.idx.msk [tilespmem:v20+s13+$0x0], $0xffff  }
0x28c: {  	v25 =	vld.idx.msk [tilespmem:v9+s2+$0x0], $0xffff;
	v5 =	vadd.f32 v6, v5;
	v6 =	vmul.f32 v7, v21  }
0x28d: {  	v7 =	vld.idx.msk [tilespmem:v9+s13+$0x0], $0xffff;
	v9 =	vor.u32 $0x18, v4  }
0x28e: {  	v26 =	vld.idx.msk [tilespmem:v11+s2+$0x0], $0xffff;
	v5 =	vadd.f32 v6, v5;
	v6 =	vmul.f32 v10, v22  }
0x28f: {  	v10 =	vld.idx.msk [tilespmem:v11+s13+$0x0], $0xffff;
	v11 =	vor.u32 $0x19, v4  }
0x290: {  	v27 =	vld.idx.msk [tilespmem:v24+s2+$0x0], $0xffff;
	v5 =	vadd.f32 v6, v5;
	v6 =	vmul.f32 v8, v23  }
0x291: {  	v28 =	vor.u32 $0x1A, v4;
	v8 =	vld.idx.msk [tilespmem:v24+s13+$0x0], $0xffff  }
0x292: {  	v29 =	vld.idx.msk [tilespmem:v9+s2+$0x0], $0xffff;
	v5 =	vadd.f32 v6, v5;
	v6 =	vmul.f32 v7, v25  }
0x293: {  	v7 =	vld.idx.msk [tilespmem:v9+s13+$0x0], $0xffff;
	v9 =	vor.u32 $0x1B, v4  }
0x294: {  	v30 =	vld.idx.msk [tilespmem:v11+s2+$0x0], $0xffff;
	v5 =	vadd.f32 v6, v5;
	v6 =	vmul.f32 v10, v26  }
0x295: {  	v10 =	vld.idx.msk [tilespmem:v11+s13+$0x0], $0xffff;
	v11 =	vor.u32 $0x1C, v4  }
0x296: {  	v31 =	vld.idx.msk [tilespmem:v28+s2+$0x0], $0xffff;
	v5 =	vadd.f32 v6, v5;
	v6 =	vmul.f32 v8, v27  }
0x297: {  	v32 =	vor.u32 $0x1D, v4;
	v8 =	vld.idx.msk [tilespmem:v28+s13+$0x0], $0xffff  }
0x298: {  	v33 =	vld.idx.msk [tilespmem:v9+s2+$0x0], $0xffff;
	v5 =	vadd.f32 v6, v5;
	v6 =	vmul.f32 v7, v29  }
0x299: {  	v7 =	vld.idx.msk [tilespmem:v9+s13+$0x0], $0xffff;
	v9 =	vor.u32 $0x1E, v4  }
0x29a: {  	v34 =	vld.idx.msk [tilespmem:v11+s2+$0x0], $0xffff;
	v5 =	vadd.f32 v6, v5;
	v6 =	vmul.f32 v10, v30  }
0x29b: {  	v4 =	vor.u32 $0x1F, v4;
	v10 =	vld.idx.msk [tilespmem:v11+s13+$0x0], $0xffff  }
0x29c: {  	v11 =	vld.idx.msk [tilespmem:v32+s2+$0x0], $0xffff;
	v5 =	vadd.f32 v6, v5;
	v6 =	vmul.f32 v8, v31  }
0x29d: {  	v8 =	vld.idx.msk [tilespmem:v32+s13+$0x0], $0xffff  }
0x29e: {  	v35 =	vld.idx.msk [tilespmem:v9+s2+$0x0], $0xffff;
	v5 =	vadd.f32 v6, v5;
	v6 =	vmul.f32 v7, v33  }
0x29f: {  	v7 =	vld.idx.msk [tilespmem:v9+s13+$0x0], $0xffff  }
0x2a0: {  	v9 =	vld.idx.msk [tilespmem:v4+s2+$0x0], $0xffff;
	v5 =	vadd.f32 v6, v5;
	v6 =	vmul.f32 v10, v34  }
0x2a1: {  	v4 =	vld.idx.msk [tilespmem:v4+s13+$0x0], $0xffff  }
0x2a2: {  	v5 =	vadd.f32 v6, v5;
	v6 =	vmul.f32 v8, v11;
	_ =	sdelay $0x1  }
0x2a3: {  	v5 =	vadd.f32 v6, v5;
	v6 =	vmul.f32 v7, v35  }
0x2a4: {  	v3 =	vor.u32 s19, v3  }
0x2a5: {  	v4 =	vmul.f32 v4, v9;
	v5 =	vadd.f32 v6, v5;
	_ =	sdelay $0x1  }
0x2a6: {  	v4 =	vadd.f32 v4, v5;
	_ =	sdelay $0x1  }
0x2a7: {  	s21 =	simm.s32 $0x0;
	[tilespmem:v3+s16+$0x0] =	vst.idx.msk $0xffff, v4  }
0x2a8: {  	[tilespmem:s21], [sflag:$0x1] =	stream.linear.gather [hbm4b:s9+s21], $0x4000, $0x38;
	[tilespmem:$0x8200] =	vst v63  }
0x2a9: {  	_ = 	snop  }
0x2aa: {  	v3 =	vmov s21;
	[tilespmem:s13], [sflag:$0x2] =	stream.linear.gather [hbm4b:s10+s21], $0x4000, $0x38;
	[tilespmem:$0x8200] =	vst v63  }
0x2ab: {  	v3 =	vshll.u32 v3, $0x7;
	_ =	swait.ge [sflag:s14], $0x4000  }
0x2ac: {  	v3 =	vor.u32 v1, v3;
	[sflag:s14] =	ssyncset.done $0x0  }
0x2ad: {  	[sflag:s14] =	ssyncadd.s32 $0xFFFFC000  }
0x2ae: {  	v4 =	vor.u32 $0x1, v3;
	_ =	swait.ge [sflag:s15], $0x4000  }
0x2af: {  	[sflag:s15] =	ssyncset.done $0x0  }
0x2b0: {  	v5 =	vor.u32 $0x2, v3;
	[sflag:s15] =	ssyncadd.s32 $0xFFFFC000  }
0x2b1: {  	v6 =	vld.idx.msk [tilespmem:v3+s13+$0x0], $0xffff  }
0x2b2: {  	v8 =	vor.u32 $0x3, v3;
	v7 =	vld.idx.msk [tilespmem:v3+s2+$0x0], $0xffff  }
0x2b3: {  	v9 =	vld.idx.msk [tilespmem:v4+s2+$0x0], $0xffff  }
0x2b4: {  	v10 =	vor.u32 $0x4, v3;
	v4 =	vld.idx.msk [tilespmem:v4+s13+$0x0], $0xffff  }
0x2b5: {  	v11 =	vld.idx.msk [tilespmem:v5+s2+$0x0], $0xffff  }
0x2b6: {  	v36 =	vor.u32 $0x5, v3;
	v5 =	vld.idx.msk [tilespmem:v5+s13+$0x0], $0xffff  }
0x2b7: {  	v37 =	vld.idx.msk [tilespmem:v8+s2+$0x0], $0xffff;
	v6 =	vmul.f32 v6, v7  }
0x2b8: {  	v7 =	vld.idx.msk [tilespmem:v8+s13+$0x0], $0xffff;
	v8 =	vor.u32 $0x6, v3  }
0x2b9: {  	v38 =	vld.idx.msk [tilespmem:v10+s2+$0x0], $0xffff;
	v4 =	vmul.f32 v4, v9;
	v6 =	vadd.f32 $0.0e+00, v6  }
0x2ba: {  	v9 =	vld.idx.msk [tilespmem:v10+s13+$0x0], $0xffff;
	v10 =	vor.u32 $0x7, v3  }
0x2bb: {  	v39 =	vld.idx.msk [tilespmem:v36+s2+$0x0], $0xffff;
	v5 =	vmul.f32 v5, v11;
	v4 =	vadd.f32 v4, v6  }
0x2bc: {  	v11 =	vor.u32 $0x8, v3;
	v6 =	vld.idx.msk [tilespmem:v36+s13+$0x0], $0xffff  }
0x2bd: {  	v40 =	vld.idx.msk [tilespmem:v8+s2+$0x0], $0xffff;
	v4 =	vadd.f32 v5, v4;
	v5 =	vmul.f32 v7, v37  }
0x2be: {  	v7 =	vld.idx.msk [tilespmem:v8+s13+$0x0], $0xffff;
	v8 =	vor.u32 $0x9, v3  }
0x2bf: {  	v41 =	vld.idx.msk [tilespmem:v10+s2+$0x0], $0xffff;
	v4 =	vadd.f32 v5, v4;
	v5 =	vmul.f32 v9, v38  }
0x2c0: {  	v9 =	vld.idx.msk [tilespmem:v10+s13+$0x0], $0xffff;
	v10 =	vor.u32 $0xA, v3  }
0x2c1: {  	v42 =	vld.idx.msk [tilespmem:v11+s2+$0x0], $0xffff;
	v4 =	vadd.f32 v5, v4;
	v5 =	vmul.f32 v6, v39  }
0x2c2: {  	v6 =	vld.idx.msk [tilespmem:v11+s13+$0x0], $0xffff;
	v11 =	vor.u32 $0xB, v3  }
0x2c3: {  	v43 =	vld.idx.msk [tilespmem:v8+s2+$0x0], $0xffff;
	v4 =	vadd.f32 v5, v4;
	v5 =	vmul.f32 v7, v40  }
0x2c4: {  	v7 =	vld.idx.msk [tilespmem:v8+s13+$0x0], $0xffff;
	v8 =	vor.u32 $0xC, v3  }
0x2c5: {  	v44 =	vld.idx.msk [tilespmem:v10+s2+$0x0], $0xffff;
	v4 =	vadd.f32 v5, v4;
	v5 =	vmul.f32 v9, v41  }
0x2c6: {  	v9 =	vld.idx.msk [tilespmem:v10+s13+$0x0], $0xffff;
	v10 =	vor.u32 $0xD, v3  }
0x2c7: {  	v45 =	vld.idx.msk [tilespmem:v11+s2+$0x0], $0xffff;
	v4 =	vadd.f32 v5, v4;
	v5 =	vmul.f32 v6, v42  }
0x2c8: {  	v6 =	vld.idx.msk [tilespmem:v11+s13+$0x0], $0xffff;
	v11 =	vor.u32 $0xE, v3  }
0x2c9: {  	v46 =	vld.idx.msk [tilespmem:v8+s2+$0x0], $0xffff;
	v4 =	vadd.f32 v5, v4;
	v5 =	vmul.f32 v7, v43  }
0x2ca: {  	v7 =	vld.idx.msk [tilespmem:v8+s13+$0x0], $0xffff;
	v8 =	vor.u32 $0xF, v3  }
0x2cb: {  	v47 =	vld.idx.msk [tilespmem:v10+s2+$0x0], $0xffff;
	v4 =	vadd.f32 v5, v4;
	v5 =	vmul.f32 v9, v44  }
0x2cc: {  	v9 =	vld.idx.msk [tilespmem:v10+s13+$0x0], $0xffff;
	v10 =	vor.u32 $0x10, v3  }
0x2cd: {  	v48 =	vld.idx.msk [tilespmem:v11+s2+$0x0], $0xffff;
	v4 =	vadd.f32 v5, v4;
	v5 =	vmul.f32 v6, v45  }
0x2ce: {  	v6 =	vld.idx.msk [tilespmem:v11+s13+$0x0], $0xffff;
	v11 =	vor.u32 $0x11, v3  }
0x2cf: {  	v49 =	vld.idx.msk [tilespmem:v8+s2+$0x0], $0xffff;
	v4 =	vadd.f32 v5, v4;
	v5 =	vmul.f32 v7, v46  }
0x2d0: {  	v7 =	vld.idx.msk [tilespmem:v8+s13+$0x0], $0xffff;
	v8 =	vor.u32 $0x12, v3  }
0x2d1: {  	v50 =	vld.idx.msk [tilespmem:v10+s2+$0x0], $0xffff;
	v4 =	vadd.f32 v5, v4;
	v5 =	vmul.f32 v9, v47  }
0x2d2: {  	v9 =	vld.idx.msk [tilespmem:v10+s13+$0x0], $0xffff;
	v10 =	vor.u32 $0x13, v3  }
0x2d3: {  	v51 =	vld.idx.msk [tilespmem:v11+s2+$0x0], $0xffff;
	v4 =	vadd.f32 v5, v4;
	v5 =	vmul.f32 v6, v48  }
0x2d4: {  	v6 =	vld.idx.msk [tilespmem:v11+s13+$0x0], $0xffff;
	v11 =	vor.u32 $0x14, v3  }
0x2d5: {  	v52 =	vld.idx.msk [tilespmem:v8+s2+$0x0], $0xffff;
	v4 =	vadd.f32 v5, v4;
	v5 =	vmul.f32 v7, v49  }
0x2d6: {  	v7 =	vld.idx.msk [tilespmem:v8+s13+$0x0], $0xffff;
	v8 =	vor.u32 $0x15, v3  }
0x2d7: {  	v53 =	vld.idx.msk [tilespmem:v10+s2+$0x0], $0xffff;
	v4 =	vadd.f32 v5, v4;
	v5 =	vmul.f32 v9, v50  }
0x2d8: {  	v9 =	vld.idx.msk [tilespmem:v10+s13+$0x0], $0xffff;
	v10 =	vor.u32 $0x16, v3  }
0x2d9: {  	v54 =	vld.idx.msk [tilespmem:v11+s2+$0x0], $0xffff;
	v4 =	vadd.f32 v5, v4;
	v5 =	vmul.f32 v6, v51  }
0x2da: {  	v6 =	vld.idx.msk [tilespmem:v11+s13+$0x0], $0xffff;
	v11 =	vor.u32 $0x17, v3  }
0x2db: {  	v55 =	vld.idx.msk [tilespmem:v8+s2+$0x0], $0xffff;
	v4 =	vadd.f32 v5, v4;
	v5 =	vmul.f32 v7, v52  }
0x2dc: {  	v7 =	vld.idx.msk [tilespmem:v8+s13+$0x0], $0xffff;
	v8 =	vor.u32 $0x18, v3  }
0x2dd: {  	v56 =	vld.idx.msk [tilespmem:v10+s2+$0x0], $0xffff;
	v4 =	vadd.f32 v5, v4;
	v5 =	vmul.f32 v9, v53  }
0x2de: {  	v9 =	vld.idx.msk [tilespmem:v10+s13+$0x0], $0xffff;
	v10 =	vor.u32 $0x19, v3  }
0x2df: {  	v57 =	vld.idx.msk [tilespmem:v11+s2+$0x0], $0xffff;
	v4 =	vadd.f32 v5, v4;
	v5 =	vmul.f32 v6, v54  }
0x2e0: {  	v6 =	vld.idx.msk [tilespmem:v11+s13+$0x0], $0xffff;
	v11 =	vor.u32 $0x1A, v3  }
0x2e1: {  	v58 =	vld.idx.msk [tilespmem:v8+s2+$0x0], $0xffff;
	v4 =	vadd.f32 v5, v4;
	v5 =	vmul.f32 v7, v55  }
0x2e2: {  	v7 =	vld.idx.msk [tilespmem:v8+s13+$0x0], $0xffff;
	v8 =	vor.u32 $0x1B, v3  }
0x2e3: {  	v59 =	vld.idx.msk [tilespmem:v10+s2+$0x0], $0xffff;
	v4 =	vadd.f32 v5, v4;
	v5 =	vmul.f32 v9, v56  }
0x2e4: {  	v9 =	vld.idx.msk [tilespmem:v10+s13+$0x0], $0xffff;
	v10 =	vor.u32 $0x1C, v3  }
0x2e5: {  	v60 =	vld.idx.msk [tilespmem:v11+s2+$0x0], $0xffff;
	v4 =	vadd.f32 v5, v4;
	v5 =	vmul.f32 v6, v57  }
0x2e6: {  	v6 =	vld.idx.msk [tilespmem:v11+s13+$0x0], $0xffff;
	v11 =	vor.u32 $0x1D, v3  }
0x2e7: {  	v61 =	vld.idx.msk [tilespmem:v8+s2+$0x0], $0xffff;
	v4 =	vadd.f32 v5, v4;
	v5 =	vmul.f32 v7, v58  }
0x2e8: {  	v7 =	vld.idx.msk [tilespmem:v8+s13+$0x0], $0xffff  }
0x2e9: {  	v62 =	vld.idx.msk [tilespmem:v10+s2+$0x0], $0xffff;
	v4 =	vadd.f32 v5, v4;
	v5 =	vmul.f32 v9, v59  }
0x2ea: {  	v9 =	vld.idx.msk [tilespmem:v10+s13+$0x0], $0xffff  }
0x2eb: {  	v8 =	vor.u32 $0x1E, v3;
	v10 =	vld.idx.msk [tilespmem:v11+s2+$0x0], $0xffff;
	v4 =	vadd.f32 v5, v4;
	v5 =	vmul.f32 v6, v60  }
0x2ec: {  	v6 =	vld.idx.msk [tilespmem:v11+s13+$0x0], $0xffff  }
0x2ed: {  	v4 =	vadd.f32 v5, v4;
	v5 =	vmul.f32 v7, v61;
	v7 =	vor.u32 $0x1F, v3;
	_ =	sdelay $0x1  }
0x2ee: {  	v3 =	vadd.f32 v5, v4;
	v4 =	vmul.f32 v9, v62  }
0x2ef: {  	v11 =	vld.idx.msk [tilespmem:v8+s2+$0x0], $0xffff  }
0x2f0: {  	v63 =	vld.idx.msk [tilespmem:v8+s13+$0x0], $0xffff;
	v6 =	vmul.f32 v6, v10;
	v4 =	vadd.f32 v4, v3  }
0x2f1: {  	v5 =	vld.idx.msk [tilespmem:v7+s2+$0x0], $0xffff  }
0x2f2: {  	v8 =	vadd.f32 v6, v4;
	v6 =	vld.idx.msk [tilespmem:v7+s13+$0x0], $0xffff;
	_ =	sdelay $0x1  }
0x2f3: {  	s19 =	simm.s32 $0x10  }
0x2f4: {  	v10 =	vmov s19;
	v3 =	vor.u32 $0x180, v0;
	v9 =	vmul.f32 v63, v11  }
0x2f5: {  	s20 =	simm.s32 $0x20;
	v4 =	vshll.u32 v10, $0x7;
	v7 =	vor.u32 s21, v3  }
.LBB2_8:
0x2f6: {  	p0 =	sne.s32 s20, $0x70;
	v4 =	vor.u32 v1, v4;
	v8 =	vadd.f32 v9, v8;
	v5 =	vmul.f32 v6, v5;
	_ =	sdelay $0x1  }
0x2f7: {  	v6 =	vor.u32 $0x1, v4;
	v5 =	vadd.f32 v5, v8;
	_ =	sdelay $0x1  }
0x2f8: {  	v8 =	vor.u32 $0x2, v4;
	[tilespmem:v7+s16+$0x0] =	vst.idx.msk $0xffff, v5  }
0x2f9: {  	v5 =	vld.idx.msk [tilespmem:v4+s13+$0x0], $0xffff  }
0x2fa: {  	v9 =	vor.u32 $0x3, v4;
	v7 =	vld.idx.msk [tilespmem:v4+s2+$0x0], $0xffff  }
0x2fb: {  	v10 =	vld.idx.msk [tilespmem:v6+s2+$0x0], $0xffff  }
0x2fc: {  	v11 =	vor.u32 $0x4, v4;
	v6 =	vld.idx.msk [tilespmem:v6+s13+$0x0], $0xffff  }
0x2fd: {  	v12 =	vld.idx.msk [tilespmem:v8+s2+$0x0], $0xffff  }
0x2fe: {  	v13 =	vor.u32 $0x5, v4;
	v8 =	vld.idx.msk [tilespmem:v8+s13+$0x0], $0xffff  }
0x2ff: {  	v14 =	vld.idx.msk [tilespmem:v9+s2+$0x0], $0xffff  }
0x300: {  	v5 =	vmul.f32 v5, v7;
	v7 =	vld.idx.msk [tilespmem:v9+s13+$0x0], $0xffff;
	v9 =	vor.u32 $0x6, v4  }
0x301: {  	v15 =	vld.idx.msk [tilespmem:v11+s2+$0x0], $0xffff  }
0x302: {  	v5 =	vadd.f32 $0.0e+00, v5;
	v6 =	vmul.f32 v6, v10;
	v10 =	vld.idx.msk [tilespmem:v11+s13+$0x0], $0xffff;
	v11 =	vor.u32 $0x7, v4  }
0x303: {  	v16 =	vld.idx.msk [tilespmem:v13+s2+$0x0], $0xffff  }
0x304: {  	v5 =	vadd.f32 v6, v5;
	v6 =	vmul.f32 v8, v12;
	v12 =	vor.u32 $0x8, v4;
	v8 =	vld.idx.msk [tilespmem:v13+s13+$0x0], $0xffff  }
0x305: {  	v13 =	vld.idx.msk [tilespmem:v9+s2+$0x0], $0xffff  }
0x306: {  	v5 =	vadd.f32 v6, v5;
	v6 =	vmul.f32 v7, v14;
	v7 =	vld.idx.msk [tilespmem:v9+s13+$0x0], $0xffff;
	v9 =	vor.u32 $0x9, v4  }
0x307: {  	v14 =	vld.idx.msk [tilespmem:v11+s2+$0x0], $0xffff  }
0x308: {  	v5 =	vadd.f32 v6, v5;
	v6 =	vmul.f32 v10, v15;
	v10 =	vld.idx.msk [tilespmem:v11+s13+$0x0], $0xffff;
	v11 =	vor.u32 $0xA, v4  }
0x309: {  	v15 =	vld.idx.msk [tilespmem:v12+s2+$0x0], $0xffff  }
0x30a: {  	v5 =	vadd.f32 v6, v5;
	v6 =	vmul.f32 v8, v16;
	v8 =	vld.idx.msk [tilespmem:v12+s13+$0x0], $0xffff;
	v12 =	vor.u32 $0xB, v4  }
0x30b: {  	v16 =	vld.idx.msk [tilespmem:v9+s2+$0x0], $0xffff  }
0x30c: {  	v5 =	vadd.f32 v6, v5;
	v6 =	vmul.f32 v7, v13;
	v7 =	vld.idx.msk [tilespmem:v9+s13+$0x0], $0xffff;
	v9 =	vor.u32 $0xC, v4  }
0x30d: {  	v13 =	vld.idx.msk [tilespmem:v11+s2+$0x0], $0xffff  }
0x30e: {  	v5 =	vadd.f32 v6, v5;
	v6 =	vmul.f32 v10, v14;
	v10 =	vld.idx.msk [tilespmem:v11+s13+$0x0], $0xffff;
	v11 =	vor.u32 $0xD, v4  }
0x30f: {  	v14 =	vld.idx.msk [tilespmem:v12+s2+$0x0], $0xffff  }
0x310: {  	v5 =	vadd.f32 v6, v5;
	v6 =	vmul.f32 v8, v15;
	v8 =	vld.idx.msk [tilespmem:v12+s13+$0x0], $0xffff;
	v12 =	vor.u32 $0xE, v4  }
0x311: {  	v15 =	vld.idx.msk [tilespmem:v9+s2+$0x0], $0xffff  }
0x312: {  	v5 =	vadd.f32 v6, v5;
	v6 =	vmul.f32 v7, v16;
	v7 =	vld.idx.msk [tilespmem:v9+s13+$0x0], $0xffff;
	v9 =	vor.u32 $0xF, v4  }
0x313: {  	v16 =	vld.idx.msk [tilespmem:v11+s2+$0x0], $0xffff  }
0x314: {  	v5 =	vadd.f32 v6, v5;
	v6 =	vmul.f32 v10, v13;
	v10 =	vld.idx.msk [tilespmem:v11+s13+$0x0], $0xffff;
	v11 =	vor.u32 $0x10, v4  }
0x315: {  	v13 =	vld.idx.msk [tilespmem:v12+s2+$0x0], $0xffff  }
0x316: {  	v5 =	vadd.f32 v6, v5;
	v6 =	vmul.f32 v8, v14;
	v8 =	vld.idx.msk [tilespmem:v12+s13+$0x0], $0xffff;
	v12 =	vor.u32 $0x11, v4  }
0x317: {  	v14 =	vld.idx.msk [tilespmem:v9+s2+$0x0], $0xffff  }
0x318: {  	v5 =	vadd.f32 v6, v5;
	v6 =	vmul.f32 v7, v15;
	v7 =	vld.idx.msk [tilespmem:v9+s13+$0x0], $0xffff;
	v9 =	vor.u32 $0x12, v4  }
0x319: {  	v15 =	vld.idx.msk [tilespmem:v11+s2+$0x0], $0xffff  }
0x31a: {  	v5 =	vadd.f32 v6, v5;
	v6 =	vmul.f32 v10, v16;
	v10 =	vld.idx.msk [tilespmem:v11+s13+$0x0], $0xffff;
	v11 =	vor.u32 $0x13, v4  }
0x31b: {  	v16 =	vld.idx.msk [tilespmem:v12+s2+$0x0], $0xffff  }
0x31c: {  	v5 =	vadd.f32 v6, v5;
	v6 =	vmul.f32 v8, v13;
	v8 =	vld.idx.msk [tilespmem:v12+s13+$0x0], $0xffff;
	v12 =	vor.u32 $0x14, v4  }
0x31d: {  	v13 =	vld.idx.msk [tilespmem:v9+s2+$0x0], $0xffff  }
0x31e: {  	v5 =	vadd.f32 v6, v5;
	v6 =	vmul.f32 v7, v14;
	v7 =	vld.idx.msk [tilespmem:v9+s13+$0x0], $0xffff;
	v9 =	vor.u32 $0x15, v4  }
0x31f: {  	v14 =	vld.idx.msk [tilespmem:v11+s2+$0x0], $0xffff  }
0x320: {  	v5 =	vadd.f32 v6, v5;
	v6 =	vmul.f32 v10, v15;
	v10 =	vld.idx.msk [tilespmem:v11+s13+$0x0], $0xffff;
	v11 =	vor.u32 $0x16, v4  }
0x321: {  	v15 =	vld.idx.msk [tilespmem:v12+s2+$0x0], $0xffff  }
0x322: {  	v5 =	vadd.f32 v6, v5;
	v6 =	vmul.f32 v8, v16;
	v8 =	vld.idx.msk [tilespmem:v12+s13+$0x0], $0xffff;
	v12 =	vor.u32 $0x17, v4  }
0x323: {  	v16 =	vld.idx.msk [tilespmem:v9+s2+$0x0], $0xffff  }
0x324: {  	v5 =	vadd.f32 v6, v5;
	v6 =	vmul.f32 v7, v13;
	v7 =	vld.idx.msk [tilespmem:v9+s13+$0x0], $0xffff;
	v9 =	vor.u32 $0x18, v4  }
0x325: {  	v13 =	vld.idx.msk [tilespmem:v11+s2+$0x0], $0xffff  }
0x326: {  	v5 =	vadd.f32 v6, v5;
	v6 =	vmul.f32 v10, v14;
	v10 =	vld.idx.msk [tilespmem:v11+s13+$0x0], $0xffff;
	v11 =	vor.u32 $0x19, v4  }
0x327: {  	v14 =	vld.idx.msk [tilespmem:v12+s2+$0x0], $0xffff  }
0x328: {  	v5 =	vadd.f32 v6, v5;
	v6 =	vmul.f32 v8, v15;
	v8 =	vld.idx.msk [tilespmem:v12+s13+$0x0], $0xffff;
	v12 =	vor.u32 $0x1A, v4  }
0x329: {  	v15 =	vld.idx.msk [tilespmem:v9+s2+$0x0], $0xffff  }
0x32a: {  	v5 =	vadd.f32 v6, v5;
	v6 =	vmul.f32 v7, v16;
	v7 =	vld.idx.msk [tilespmem:v9+s13+$0x0], $0xffff;
	v9 =	vor.u32 $0x1B, v4  }
0x32b: {  	v16 =	vld.idx.msk [tilespmem:v11+s2+$0x0], $0xffff  }
0x32c: {  	v5 =	vadd.f32 v6, v5;
	v6 =	vmul.f32 v10, v13;
	v10 =	vld.idx.msk [tilespmem:v11+s13+$0x0], $0xffff;
	v11 =	vor.u32 $0x1C, v4  }
0x32d: {  	v13 =	vld.idx.msk [tilespmem:v12+s2+$0x0], $0xffff  }
0x32e: {  	v5 =	vadd.f32 v6, v5;
	v6 =	vmul.f32 v8, v14;
	v8 =	vld.idx.msk [tilespmem:v12+s13+$0x0], $0xffff;
	v12 =	vor.u32 $0x1D, v4  }
0x32f: {  	v14 =	vld.idx.msk [tilespmem:v9+s2+$0x0], $0xffff  }
0x330: {  	v5 =	vadd.f32 v6, v5;
	v6 =	vmul.f32 v7, v15;
	v7 =	vld.idx.msk [tilespmem:v9+s13+$0x0], $0xffff;
	v9 =	vor.u32 $0x1E, v4  }
0x331: {  	v15 =	vld.idx.msk [tilespmem:v11+s2+$0x0], $0xffff  }
0x332: {  	v4 =	vor.u32 $0x1F, v4;
	v5 =	vadd.f32 v6, v5;
	v6 =	vmul.f32 v10, v16;
	v10 =	vld.idx.msk [tilespmem:v11+s13+$0x0], $0xffff  }
0x333: {  	v11 =	vld.idx.msk [tilespmem:v12+s2+$0x0], $0xffff  }
0x334: {  	v5 =	vadd.f32 v6, v5;
	v6 =	vmul.f32 v8, v13;
	v8 =	vld.idx.msk [tilespmem:v12+s13+$0x0], $0xffff  }
0x335: {  	v12 =	vld.idx.msk [tilespmem:v9+s2+$0x0], $0xffff  }
0x336: {  	v6 =	vadd.f32 v6, v5;
	v7 =	vmul.f32 v7, v14;
	v9 =	vld.idx.msk [tilespmem:v9+s13+$0x0], $0xffff  }
0x337: {  	v5 =	vld.idx.msk [tilespmem:v4+s2+$0x0], $0xffff  }
0x338: {  	v7 =	vadd.f32 v7, v6;
	v10 =	vmul.f32 v10, v15;
	v6 =	vld.idx.msk [tilespmem:v4+s13+$0x0], $0xffff  }
.Ltmp3:
0x339: {  	(pc) =	sbr.rel @p0 .LBB2_8-.Ltmp3, $3  }
0x33a: {  	v4 =	vadd.f32 v10, v7;
	v7 =	vmul.f32 v8, v11;
	_ =	sdelay $0x1  }
0x33b: {  	v10 =	vmov s20;
	v8 =	vadd.f32 v7, v4;
	v9 =	vmul.f32 v9, v12  }
0x33c: {  	v4 =	vshll.u32 v10, $0x7;
	v7 =	vor.u32 s19, v3;
	s19 =	smov.u32 s20;
	s20 =	sadd.s32 $0x10, s20  }
0x33d: {  	v4 =	vor.u32 v1, v4;
	v8 =	vadd.f32 v9, v8;
	v5 =	vmul.f32 v6, v5;
	_ =	sdelay $0x1  }
0x33e: {  	v41 =	vor.u32 $0x1, v4;
	v5 =	vadd.f32 v5, v8;
	_ =	sdelay $0x1  }
0x33f: {  	v42 =	vor.u32 $0x2, v4;
	[tilespmem:v7+s16+$0x0] =	vst.idx.msk $0xffff, v5  }
0x340: {  	v5 =	vld.idx.msk [tilespmem:v4+s13+$0x0], $0xffff  }
0x341: {  	v43 =	vor.u32 $0x3, v4;
	v7 =	vld.idx.msk [tilespmem:v4+s2+$0x0], $0xffff  }
0x342: {  	v10 =	vld.idx.msk [tilespmem:v41+s2+$0x0], $0xffff  }
0x343: {  	v11 =	vor.u32 $0x4, v4;
	v6 =	vld.idx.msk [tilespmem:v41+s13+$0x0], $0xffff  }
0x344: {  	v12 =	vld.idx.msk [tilespmem:v42+s2+$0x0], $0xffff  }
0x345: {  	v13 =	vor.u32 $0x5, v4;
	v8 =	vld.idx.msk [tilespmem:v42+s13+$0x0], $0xffff  }
0x346: {  	v14 =	vld.idx.msk [tilespmem:v43+s2+$0x0], $0xffff;
	v5 =	vmul.f32 v5, v7  }
0x347: {  	v45 =	vor.u32 $0x6, v4;
	v44 =	vld.idx.msk [tilespmem:v43+s13+$0x0], $0xffff  }
0x348: {  	v15 =	vld.idx.msk [tilespmem:v11+s2+$0x0], $0xffff;
	v6 =	vmul.f32 v6, v10;
	v5 =	vadd.f32 $0.0e+00, v5  }
0x349: {  	v47 =	vor.u32 $0x7, v4;
	v46 =	vld.idx.msk [tilespmem:v11+s13+$0x0], $0xffff  }
0x34a: {  	v16 =	vld.idx.msk [tilespmem:v13+s2+$0x0], $0xffff;
	v48 =	vmul.f32 v8, v12;
	v5 =	vadd.f32 v6, v5  }
0x34b: {  	v50 =	vor.u32 $0x8, v4;
	v49 =	vld.idx.msk [tilespmem:v13+s13+$0x0], $0xffff  }
0x34c: {  	v51 =	vld.idx.msk [tilespmem:v45+s2+$0x0], $0xffff;
	v52 =	vmul.f32 v44, v14;
	v5 =	vadd.f32 v48, v5  }
0x34d: {  	v54 =	vor.u32 $0x9, v4;
	v53 =	vld.idx.msk [tilespmem:v45+s13+$0x0], $0xffff  }
0x34e: {  	v55 =	vld.idx.msk [tilespmem:v47+s2+$0x0], $0xffff;
	v56 =	vmul.f32 v46, v15;
	v5 =	vadd.f32 v52, v5  }
0x34f: {  	v58 =	vor.u32 $0xA, v4;
	v57 =	vld.idx.msk [tilespmem:v47+s13+$0x0], $0xffff  }
0x350: {  	v59 =	vld.idx.msk [tilespmem:v50+s2+$0x0], $0xffff;
	v60 =	vmul.f32 v49, v16;
	v5 =	vadd.f32 v56, v5  }
0x351: {  	v62 =	vor.u32 $0xB, v4;
	v61 =	vld.idx.msk [tilespmem:v50+s13+$0x0], $0xffff  }
0x352: {  	v63 =	vld.idx.msk [tilespmem:v54+s2+$0x0], $0xffff;
	v20 =	vmul.f32 v53, v51;
	v5 =	vadd.f32 v60, v5  }
0x353: {  	v22 =	vor.u32 $0xC, v4;
	v21 =	vld.idx.msk [tilespmem:v54+s13+$0x0], $0xffff  }
0x354: {  	v23 =	vld.idx.msk [tilespmem:v58+s2+$0x0], $0xffff;
	v24 =	vmul.f32 v57, v55;
	v5 =	vadd.f32 v20, v5  }
0x355: {  	v26 =	vor.u32 $0xD, v4;
	v25 =	vld.idx.msk [tilespmem:v58+s13+$0x0], $0xffff  }
0x356: {  	v27 =	vld.idx.msk [tilespmem:v62+s2+$0x0], $0xffff;
	v28 =	vmul.f32 v61, v59;
	v5 =	vadd.f32 v24, v5  }
0x357: {  	v30 =	vor.u32 $0xE, v4;
	v29 =	vld.idx.msk [tilespmem:v62+s13+$0x0], $0xffff  }
0x358: {  	v31 =	vld.idx.msk [tilespmem:v22+s2+$0x0], $0xffff;
	v32 =	vmul.f32 v21, v63;
	v5 =	vadd.f32 v28, v5  }
0x359: {  	v34 =	vor.u32 $0xF, v4;
	v33 =	vld.idx.msk [tilespmem:v22+s13+$0x0], $0xffff  }
0x35a: {  	v35 =	vld.idx.msk [tilespmem:v26+s2+$0x0], $0xffff;
	v36 =	vmul.f32 v25, v23;
	v5 =	vadd.f32 v32, v5  }
0x35b: {  	v38 =	vor.u32 $0x10, v4;
	v37 =	vld.idx.msk [tilespmem:v26+s13+$0x0], $0xffff  }
0x35c: {  	v39 =	vld.idx.msk [tilespmem:v30+s2+$0x0], $0xffff;
	v40 =	vmul.f32 v29, v27;
	v5 =	vadd.f32 v36, v5  }
0x35d: {  	v41 =	vld.idx.msk [tilespmem:v30+s13+$0x0], $0xffff;
	v42 =	vor.u32 $0x11, v4  }
0x35e: {  	v43 =	vld.idx.msk [tilespmem:v34+s2+$0x0], $0xffff;
	v44 =	vmul.f32 v33, v31;
	v5 =	vadd.f32 v40, v5  }
0x35f: {  	v45 =	vld.idx.msk [tilespmem:v34+s13+$0x0], $0xffff;
	v46 =	vor.u32 $0x12, v4  }
0x360: {  	v47 =	vld.idx.msk [tilespmem:v38+s2+$0x0], $0xffff;
	v48 =	vmul.f32 v37, v35;
	v5 =	vadd.f32 v44, v5  }
0x361: {  	v50 =	vor.u32 $0x13, v4;
	v49 =	vld.idx.msk [tilespmem:v38+s13+$0x0], $0xffff  }
0x362: {  	v51 =	vld.idx.msk [tilespmem:v42+s2+$0x0], $0xffff;
	v52 =	vmul.f32 v41, v39;
	v5 =	vadd.f32 v48, v5  }
0x363: {  	v54 =	vor.u32 $0x14, v4;
	v53 =	vld.idx.msk [tilespmem:v42+s13+$0x0], $0xffff  }
0x364: {  	v55 =	vld.idx.msk [tilespmem:v46+s2+$0x0], $0xffff;
	v56 =	vmul.f32 v45, v43;
	v5 =	vadd.f32 v52, v5  }
0x365: {  	v58 =	vor.u32 $0x15, v4;
	v57 =	vld.idx.msk [tilespmem:v46+s13+$0x0], $0xffff  }
0x366: {  	v59 =	vld.idx.msk [tilespmem:v50+s2+$0x0], $0xffff;
	v60 =	vmul.f32 v49, v47;
	v5 =	vadd.f32 v56, v5  }
0x367: {  	v62 =	vor.u32 $0x16, v4;
	v61 =	vld.idx.msk [tilespmem:v50+s13+$0x0], $0xffff  }
0x368: {  	v63 =	vld.idx.msk [tilespmem:v54+s2+$0x0], $0xffff;
	v20 =	vmul.f32 v53, v51;
	v5 =	vadd.f32 v60, v5  }
0x369: {  	v22 =	vor.u32 $0x17, v4;
	v21 =	vld.idx.msk [tilespmem:v54+s13+$0x0], $0xffff  }
0x36a: {  	v23 =	vld.idx.msk [tilespmem:v58+s2+$0x0], $0xffff;
	v24 =	vmul.f32 v57, v55;
	v5 =	vadd.f32 v20, v5  }
0x36b: {  	v26 =	vor.u32 $0x18, v4;
	v25 =	vld.idx.msk [tilespmem:v58+s13+$0x0], $0xffff  }
0x36c: {  	v27 =	vld.idx.msk [tilespmem:v62+s2+$0x0], $0xffff;
	v28 =	vmul.f32 v61, v59;
	v5 =	vadd.f32 v24, v5  }
0x36d: {  	v30 =	vor.u32 $0x19, v4;
	v29 =	vld.idx.msk [tilespmem:v62+s13+$0x0], $0xffff  }
0x36e: {  	v31 =	vld.idx.msk [tilespmem:v22+s2+$0x0], $0xffff;
	v32 =	vmul.f32 v21, v63;
	v5 =	vadd.f32 v28, v5  }
0x36f: {  	v34 =	vor.u32 $0x1A, v4;
	v33 =	vld.idx.msk [tilespmem:v22+s13+$0x0], $0xffff  }
0x370: {  	v35 =	vld.idx.msk [tilespmem:v26+s2+$0x0], $0xffff;
	v36 =	vmul.f32 v25, v23;
	v5 =	vadd.f32 v32, v5  }
0x371: {  	v38 =	vor.u32 $0x1B, v4;
	v37 =	vld.idx.msk [tilespmem:v26+s13+$0x0], $0xffff  }
0x372: {  	v39 =	vld.idx.msk [tilespmem:v30+s2+$0x0], $0xffff;
	v40 =	vmul.f32 v29, v27;
	v5 =	vadd.f32 v36, v5  }
0x373: {  	v42 =	vor.u32 $0x1C, v4;
	v41 =	vld.idx.msk [tilespmem:v30+s13+$0x0], $0xffff  }
0x374: {  	v43 =	vld.idx.msk [tilespmem:v34+s2+$0x0], $0xffff;
	v44 =	vmul.f32 v33, v31;
	v5 =	vadd.f32 v40, v5  }
0x375: {  	v46 =	vor.u32 $0x1D, v4;
	v45 =	vld.idx.msk [tilespmem:v34+s13+$0x0], $0xffff  }
0x376: {  	v47 =	vld.idx.msk [tilespmem:v38+s2+$0x0], $0xffff;
	v48 =	vmul.f32 v37, v35;
	v5 =	vadd.f32 v44, v5  }
0x377: {  	v50 =	vor.u32 $0x1E, v4;
	v49 =	vld.idx.msk [tilespmem:v38+s13+$0x0], $0xffff  }
0x378: {  	v51 =	vld.idx.msk [tilespmem:v42+s2+$0x0], $0xffff;
	v52 =	vmul.f32 v41, v39;
	v5 =	vadd.f32 v48, v5  }
0x379: {  	v4 =	vor.u32 $0x1F, v4;
	v53 =	vld.idx.msk [tilespmem:v42+s13+$0x0], $0xffff  }
0x37a: {  	v54 =	vld.idx.msk [tilespmem:v46+s2+$0x0], $0xffff;
	v55 =	vmul.f32 v45, v43;
	v5 =	vadd.f32 v52, v5  }
0x37b: {  	v56 =	vld.idx.msk [tilespmem:v46+s13+$0x0], $0xffff  }
0x37c: {  	v57 =	vld.idx.msk [tilespmem:v50+s2+$0x0], $0xffff;
	v58 =	vmul.f32 v49, v47;
	v5 =	vadd.f32 v55, v5  }
0x37d: {  	v59 =	vld.idx.msk [tilespmem:v50+s13+$0x0], $0xffff  }
0x37e: {  	v61 =	vmul.f32 v53, v51;
	v60 =	vld.idx.msk [tilespmem:v4+s2+$0x0], $0xffff;
	v5 =	vadd.f32 v58, v5  }
0x37f: {  	v4 =	vld.idx.msk [tilespmem:v4+s13+$0x0], $0xffff  }
0x380: {  	v62 =	vmul.f32 v56, v54;
	v5 =	vadd.f32 v61, v5;
	_ =	sdelay $0x1  }
0x381: {  	v63 =	vmul.f32 v59, v57;
	v5 =	vadd.f32 v62, v5  }
0x382: {  	v3 =	vor.u32 s19, v3  }
0x383: {  	v4 =	vmul.f32 v4, v60;
	v5 =	vadd.f32 v63, v5;
	_ =	sdelay $0x1  }
0x384: {  	s18 =	sadd.s32 $0x1, s18;
	v4 =	vadd.f32 v4, v5  }
0x385: {  	p0 =	sne.s32 s18, s12  }
.Ltmp4:
0x386: {  	[tilespmem:v3+s16+$0x0] =	vst.idx.msk $0xffff, v4;
	(pc) =	sbr.rel @p0 .LBB2_1-.Ltmp4, $4  }
0x387: {  	[hbm4b:s11+s2] =	stream.linear.scatter [tilespmem:s16], [sflag:$0x3], $0x200, $0x38;
	[tilespmem:$0x8200] =	vst v63  }
0x388: {  	_ =	swait.ge [sflag:s17], $0x200  }
0x389: {  	[sflag:s17] =	ssyncset.done $0x0  }
0x38a: {  	[sflag:s17] =	ssyncadd.s32 $0xFFFFFE00  }
0x38b: {  	_ =	sfence.sel $0x180000  }
0x38c: {  	[bflag:$0x0] =	sbarrier.arrive $0xFFFF  }
0x38d: {  	p0 =	sne.s32 s1, $0x0;
	_ =	strace $0x9000004D  }
0x38e: {  	s0 =	sadd.s32 @!p0 $0x100000, s0;
	[bflag:$0x2] =	sbarrier.arrive $0xFFFF  }
0x38f: {  	[sflag:s0] =	ssyncadd.tile.s32 @!p0 $0x1;
	_ =	shalt  }
.Lfunc_end2:
_tile_overlayer_lowered:
.L_overlay_start_2:
0x390: {  	(tag) =	ssettag $0x2  }
0x391: {  	s0 =	rddreg [dreg:$0x0];
	s2 =	stileid.u32  }
0x392: {  	s1 =	rddreg [dreg:$0x1];
	p0 =	sne.s32 s2, $0x0  }
0x393: {  	s3 =	rddreg [dreg:$0x2];
	[bflag:$0x3] =	sbarrier.arrive $0xFFFF;
	s2 =	simm.s32 @!p0 $0x1C03  }
0x394: {  	[timem:s3], [sflag:s2] =	dma.local @!p0 [hbm:s0], s1  }
0x395: {  	s0 =	simm.s32 @!p0 $0x3  }
0x396: {  	_ =	swait.ge @!p0 [sflag:s0], s1  }
0x397: {  	s1 =	ssub.s32 @!p0 $0x0, s1;
	[sflag:s0] =	ssyncset.done @!p0 $0x0  }
0x398: {  	[sflag:s0] =	ssyncadd.s32 @!p0 s1  }
0x399: {  	[bflag:$0x3] =	sbarrier.arrive $0xFFFF  }
0x39a: {  	_ =	shalt  }

// kernel: kernel.5.cloned.1.call-start
scs
__scs_entry_jumppad:
0x0: {  	(pc) =	sbr.rel $0x88, $3  }
0x1: {  	(tag) =	ssettag $0x0;
	lr =	simm.s32 $0x1  }
0x2: {  	[smem:$0x3F9D] =	sst lr;
	_ =	strace $0xD0000000  }
0x3: {  	_ = 	snop  }
0x4: {  	_ = 	snop  }
0x5: {  	_ = 	snop  }
0x6: {  	_ = 	snop  }
0x7: {  	_ = 	snop  }
__scs_overlays_trampoline_lowered:
0x8: {  	[smem:$0x3FAC] =	sst s0  }
0x9: {  	[smem:$0x3FAD] =	sst s1  }
0xa: {  	[smem:$0x3FAE] =	sst s2  }
0xb: {  	[smem:$0x3FAF] =	sst s3  }
0xc: {  	[smem:$0x3FB0] =	sst s4  }
0xd: {  	[smem:$0x3FB1] =	sst s5  }
0xe: {  	[smem:$0x3FB2] =	sst s6  }
0xf: {  	[smem:$0x3FB3] =	sst s7  }
0x10: {  	[smem:$0x3FB4] =	sst s8  }
0x11: {  	[smem:$0x3FB5] =	sst s9;
	s0 =	simm.s32 @!p0 $0x0  }
0x12: {  	s1 =	sld [smem:$0x3F9B];
	s0 =	simm.s32 @p0 $0x1  }
0x13: {  	[smem:$0x3FB6] =	sst s0;
	s0 =	simm.s32 @!p1 $0x0  }
0x14: {  	s2 =	sld [smem:$0x3F9A];
	s0 =	simm.s32 @p1 $0x1  }
0x15: {  	[smem:$0x3FB7] =	sst s0;
	s0 =	simm.s32 @!p2 $0x0  }
0x16: {  	s3 =	sld [smem:$0x3FDB];
	s0 =	simm.s32 @p2 $0x1  }
0x17: {  	s4 =	simm.s32 $0x1BF5;
	[smem:$0x3FB9] =	sst s0  }
0x18: {  	s0 =	sld [smem:$0x3F9C];
	_ =	swait.ge [sflag:s4], $0x0  }
0x19: {  	s7 =	sld [smem:$0x3F9D]  }
0x1a: {  	s8 =	sadd.s32 $0xFFFFE003, lr  }
0x1b: {  	s9 =	sadd.s32 $0xFFFFFEF7, lr;
	s5 =	simm.s32 $0xFFFFFFFF;
	p2 =	slt.u32 s8, $0xFFFFF086  }
0x1c: {  	p1 =	slt.u32 s9, $0xF7A;
	s5 =	simm.s32 @!p2 $0x0  }
0x1d: {  	s5 =	simm.s32 @p1 $0x1;
	p0 =	seq.s32 s7, s2  }
0x1e: {  	s7 =	smul.u32 @!p0 $0xF7A, s2;
	p2 =	seq.s32 @!p0 s5, $0x0  }
0x1f: {  	s9 =	smul.u32 $0xF7A, s1;
	s8 =	simm.s32 @!p0 $0x1BF5;
	p2 =	por !p2, p0  }
0x20: {  	[sflag:s8] =	ssyncset.s32 @!p0 $0xFFFFF086;
	s6 =	sadd.s32 @!p0 s3, s7;
	s7 =	simm.s32 @!p0 $0x108  }
0x21: {  	s3 =	sadd.s32 s3, s9;
	s6 =	sadd.s32 @!p0 $0x88, s6;
	s7 =	simm.s32 @p2 $0x1082  }
0x22: {  	[simem:s7], [sflag:s8] =	dma.local @!p0 [hbm:s6], $0xF7A  }
0x23: {  	s9 =	sor.u32 $0xD0000000, s2;
	s6 =	simm.s32 $0x108;
	_ =	swait.ge @!p0 [sflag:s8], $0x0  }
0x24: {  	s3 =	sadd.s32 $0x88, s3;
	s6 =	simm.s32 @!p1 $0x1082;
	[sflag:s4] =	ssyncset.s32 $0xFFFFF086  }
0x25: {  	[simem:s6], [sflag:s4] =	dma.local [hbm:s3], $0xF7A  }
0x26: {  	[smem:$0x3F9D] =	sst s1;
	(tag) =	ssettag s2;
	_ =	strace s9  }
0x27: {  	s1 =	sld [smem:$0x3FAD]  }
0x28: {  	s2 =	sld [smem:$0x3FAE]  }
0x29: {  	s4 =	sld [smem:$0x3FB0]  }
0x2a: {  	p0 =	seq.s32 s5, $0x0;
	s5 =	sld [smem:$0x3FB1]  }
0x2b: {  	s6 =	sld [smem:$0x3FB2]  }
0x2c: {  	s7 =	sld [smem:$0x3FB3]  }
0x2d: {  	s3 =	simm.s32 $0x108;
	s8 =	sld [smem:$0x3FB4]  }
0x2e: {  	s3 =	simm.s32 @!p0 $0x1082;
	s9 =	sld [smem:$0x3FB5]  }
0x2f: {  	lr =	sadd.s32 s0, s3;
	s0 =	sld [smem:$0x3FAC]  }
0x30: {  	s3 =	sld [smem:$0x3FAF]  }
0x31: {  	[smem:$0x3FB8] =	sst s10  }
0x32: {  	s10 =	sld [smem:$0x3FB6];
	_ =	sdelay $0x3  }
0x33: {  	p0 =	seq.s32 s10, $0x1;
	s10 =	sld [smem:$0x3FB8];
	_ =	sdelay $0x3  }
0x34: {  	[smem:$0x3FB8] =	sst s10  }
0x35: {  	s10 =	sld [smem:$0x3FB7];
	_ =	sdelay $0x3  }
0x36: {  	p1 =	seq.s32 s10, $0x1;
	s10 =	sld [smem:$0x3FB8];
	_ =	sdelay $0x3  }
0x37: {  	[smem:$0x3FB8] =	sst s10  }
0x38: {  	s10 =	sld [smem:$0x3FB9]  }
0x39: {  	_ = 	snop;
	(pc) =	sbr.ind lr, $3  }
0x3a: {  	_ = 	snop  }
0x3b: {  	_ = 	snop  }
0x3c: {  	p2 =	seq.s32 s10, $0x1;
	s10 =	sld [smem:$0x3FB8]  }
0x3d: {  	_ =	shalt  }
0x3e: {  	_ =	shalt  }
0x3f: {  	_ =	shalt  }
0x40: {  	_ =	shalt  }
0x41: {  	_ =	shalt  }
0x42: {  	_ =	shalt  }
0x43: {  	_ =	shalt  }
0x44: {  	_ =	shalt  }
0x45: {  	_ =	shalt  }
0x46: {  	_ =	shalt  }
0x47: {  	_ =	shalt  }
0x48: {  	_ =	shalt  }
0x49: {  	_ =	shalt  }
0x4a: {  	_ =	shalt  }
0x4b: {  	_ =	shalt  }
0x4c: {  	_ =	shalt  }
0x4d: {  	_ =	shalt  }
0x4e: {  	_ =	shalt  }
0x4f: {  	_ =	shalt  }
0x50: {  	_ =	shalt  }
0x51: {  	_ =	shalt  }
0x52: {  	_ =	shalt  }
0x53: {  	_ =	shalt  }
0x54: {  	_ =	shalt  }
0x55: {  	_ =	shalt  }
0x56: {  	_ =	shalt  }
0x57: {  	_ =	shalt  }
0x58: {  	_ =	shalt  }
0x59: {  	_ =	shalt  }
0x5a: {  	_ =	shalt  }
0x5b: {  	_ =	shalt  }
0x5c: {  	_ =	shalt  }
0x5d: {  	_ =	shalt  }
0x5e: {  	_ =	shalt  }
0x5f: {  	_ =	shalt  }
0x60: {  	_ =	shalt  }
0x61: {  	_ =	shalt  }
0x62: {  	_ =	shalt  }
0x63: {  	_ =	shalt  }
0x64: {  	_ =	shalt  }
0x65: {  	_ =	shalt  }
0x66: {  	_ =	shalt  }
0x67: {  	_ =	shalt  }
0x68: {  	_ =	shalt  }
0x69: {  	_ =	shalt  }
0x6a: {  	_ =	shalt  }
0x6b: {  	_ =	shalt  }
0x6c: {  	_ =	shalt  }
0x6d: {  	_ =	shalt  }
0x6e: {  	_ =	shalt  }
0x6f: {  	_ =	shalt  }
0x70: {  	_ =	shalt  }
0x71: {  	_ =	shalt  }
0x72: {  	_ =	shalt  }
0x73: {  	_ =	shalt  }
0x74: {  	_ =	shalt  }
0x75: {  	_ =	shalt  }
0x76: {  	_ =	shalt  }
0x77: {  	_ =	shalt  }
0x78: {  	_ =	shalt  }
0x79: {  	_ =	shalt  }
0x7a: {  	_ =	shalt  }
0x7b: {  	_ =	shalt  }
0x7c: {  	_ =	shalt  }
0x7d: {  	_ =	shalt  }
0x7e: {  	_ =	shalt  }
0x7f: {  	_ =	shalt  }
0x80: {  	_ =	shalt  }
0x81: {  	_ =	shalt  }
0x82: {  	_ =	shalt  }
0x83: {  	_ =	shalt  }
0x84: {  	_ =	shalt  }
0x85: {  	_ =	shalt  }
0x86: {  	_ =	shalt  }
0x87: {  	_ =	shalt  }
.Lfunc_end0:
.L_simem_size_0:
called_computation_lowered:
.L_overlay_start_0:
0x88: {  	s2 =	sld [smem:$0x3FD9]  }
0x89: {  	s3 =	sld [smem:$0x3FFE];
	_ =	sdelay $0x1  }
0x8a: {  	s1 =	srdreg.scid  }
0x8b: {  	s0 =	sand.u32 $0x1, s1  }
0x8c: {  	s17 =	sshll.u32 s0, $0xA;
	s2 =	sadd.s32 s3, s2  }
0x8d: {  	s2 =	sadd.s32 s2, s17  }
0x8e: {  	[smem:$0x3FC4] =	sst s2  }
0x8f: {  	_ = 	snop  }
0x90: {  	s18 =	sld [smem:$0x3FC9]  }
0x91: {  	s4 =	sld [smem:$0x3FC7];
	(tm) =	ssettm $0x1  }
0x92: {  	s19 =	sld [smem:$0x3FFB];
	_ =	sdelay $0x3  }
0x93: {  	_ =	strace s19  }
0x94: {  	s2 =	sld [smem:$0x3FFC];
	_ =	sdelay $0x3  }
0x95: {  	_ =	strace s2  }
0x96: {  	s2 =	sld [smem:$0x3FFD];
	_ =	sdelay $0x3  }
0x97: {  	_ =	strace s2  }
0x98: {  	_ =	strace $0x8FFFFFFF  }
0x99: {  	s20 =	sld [smem:$0x3FDB];
	_ =	sdelay $0x1  }
0x9a: {  	s5 =	simm.s32 $_scs_section_size  }
0x9b: {  	s6 =	simm.s32 $_size__tile_overlayer_lowered;
	s7 =	simm.s32 $_tile_overlayer_lowered  }
0x9c: {  	s8 =	simm.s32 $0x1BFF;
	s21 =	sshll.u32 s7, $0x1;
	s5 =	sadd.s32 s5, s20  }
0x9d: {  	s22 =	simm.s32 $0x0;
	s6 =	sshll.u32 s6, $0x1;
	s7 =	sadd.s32 s21, s5  }
0x9e: {  	[timem:s22], [sflag:s8] =	dma.local [hbm:s7], s6  }
0x9f: {  	_ =	swait.ge [sflag:s8], s6  }
0xa0: {  	s6 =	ssub.s32 $0x0, s6;
	[sflag:s8] =	ssyncset.done $0x0  }
0xa1: {  	[sflag:s8] =	ssyncadd.s32 s6;
	_ =	sdelay $0x1  }
0xa2: {  	s23 =	simm.s32 $0x1B8B  }
0xa3: {  	_ =	swait.ge [sflag:s23], $0x1  }
0xa4: {  	[sflag:s23] =	ssyncset.done $0x0  }
0xa5: {  	[sflag:s23] =	ssyncadd.s32 $0xFFFFFFFF  }
0xa6: {  	s6 =	sld [smem:$0x0]  }
0xa7: {  	s7 =	sand.u32 $0xFFFFFFFE, s1  }
0xa8: {  	p0 =	sne.s32 s1, s7  }
0xa9: {  	s7 =	sshll.u32 @p0 s7, $0xE  }
0xaa: {  	s7 =	sadd.s32 @p0 $0x11B8D, s7;
	s8 =	sshll.u32 @p0 s6, $0x11  }
0xab: {  	s7 =	sor.u32 @p0 s8, s7  }
0xac: {  	[sflag:s7] =	ssyncadd.remote.s32 @p0 $0x1;
	_ =	sdelay $0x1  }
0xad: {  	s7 =	simm.s32 @p0 $0x1B8D  }
0xae: {  	_ =	swait.eq @p0 [sflag:s7], $0x1  }
0xaf: {  	[sflag:s7] =	ssyncadd.s32 @p0 $0xFFFFFFFF  }
0xb0: {  	s8 =	sshll.u32 @!p0 s1, $0xE  }
0xb1: {  	s8 =	sor.u32 @!p0 $0x4000, s8;
	s7 =	simm.s32 @!p0 $0x1B8D  }
0xb2: {  	s6 =	sshll.u32 @!p0 s6, $0x11;
	s8 =	sadd.s32 @!p0 $0x11B8D, s8;
	_ =	swait.eq @!p0 [sflag:s7], $0x1  }
0xb3: {  	s6 =	sor.u32 @!p0 s6, s8;
	[sflag:s7] =	ssyncadd.s32 @!p0 $0xFFFFFFFF  }
0xb4: {  	s25 =	simm.s32 $0x1B8E;
	s24 =	sld [smem:$0x3FFE];
	[sflag:s6] =	ssyncadd.remote.s32 @!p0 $0x1  }
0xb5: {  	s26 =	simm.s32 $execute0_lowered;
	[smem:$0x3FD2] =	sst s25  }
0xb6: {  	s7 =	sshll.u32 s26, $0x1;
	_ =	strace $0x80000049;
	[dreg:$0x1] =	wrdreg $0xFFFFFFFF  }
0xb7: {  	s28 =	simm.s32 $_size_execute0_lowered;
	s5 =	sadd.s32 s5, s7;
	[dreg:$0x0] =	wrdreg $0x0  }
0xb8: {  	s7 =	sshll.u32 s28, $0x1;
	[dreg:$0x2] =	wrdreg s5  }
0xb9: {  	[dreg:$0x3] =	wrdreg s7  }
0xba: {  	[dreg:$0x4] =	wrdreg $0xC0  }
0xbb: {  	_ =	task [dreg:s22], $0x5FFFF  }
0xbc: {  	[dreg:$0x1] =	wrdreg $0xFFFFFFFF  }
0xbd: {  	[dreg:$0x0] =	wrdreg $0x60  }
0xbe: {  	[dreg:$0x2] =	wrdreg s18  }
0xbf: {  	[dreg:$0x3] =	wrdreg s4  }
0xc0: {  	[dreg:$0x4] =	wrdreg s24  }
0xc1: {  	[dreg:$0x5] =	wrdreg $0x9  }
0xc2: {  	_ =	task.clear_ibuf [dreg:s22], $0x6FFFF;
	_ =	strace $0x90000049  }
0xc3: {  	s29 =	simm.s32 $0x9;
	_ =	strace $0x8000004B  }
0xc4: {  	_ =	swait.ge [sflag:s29], $0x1  }
0xc5: {  	[sflag:s29] =	ssyncadd.s32 $0xFFFFFFFF  }
0xc6: {  	_ =	strace $0x9000004B  }
0xc7: {  	_ =	sfence  }
0xc8: {  	s30 =	sld [smem:$0x0];
	_ =	sdelay $0x2  }
0xc9: {  	s31 =	sshll.u32 s1, $0xD;
	s1 =	sshrl.u32 s1, $0x2  }
0xca: {  	s4 =	sand.u32 $0x4000, s31;
	s1 =	sadd.s32 s1, s30  }
0xcb: {  	s0 =	sor.u32 s4, s0;
	s1 =	sshll.u32 s1, $0x11  }
0xcc: {  	s0 =	sor.u32 s1, s0  }
0xcd: {  	s0 =	sadd.s32 $0x8F2B, s0  }
0xce: {  	[sflag:s0] =	ssyncadd.remote.s32 $0x1  }
0xcf: {  	_ =	sfence.sel $0xFFFF  }
0xd0: {  	[dreg:$0x0] =	wrdreg $0xFFFFFFFF;
	(pc) =	sbr.abs _section_cstart, $3  }
0xd1: {  	[dreg:$0x1] =	wrdreg $0xFFFFFFFF  }
0xd2: {  	_ =	task.clear_ibuf [dreg:s22], $0x2FFFF;
	_ =	strace $0x9FFFFFFF  }
0xd3: {  	(tm) =	ssettm $0x7FFFFFFF  }
tec
execute0_lowered:
.L_overlay_start_1:
0x0: {  	(tag) =	ssettag $0x1  }
0x1: {  	s2 =	rddreg [dreg:$0x1]  }
0x2: {  	s0 =	rddreg [dreg:$0x2]  }
0x3: {  	s4 =	simm.s32 $0x0;
	s1 =	srdreg.scid;
	s7 =	stileid.u32  }
0x4: {  	s14 =	simm.s32 $0x7;
	s15 =	simm.s32 $0x4000;
	s16 =	simm.s32 $0x8000  }
0x5: {  	s18 =	simm.s32 $0x1C000;
	s19 =	simm.s32 $0x1C800;
	s20 =	simm.s32 $0x1D000  }
0x6: {  	s21 =	simm.s32 $0x1D800;
	s22 =	simm.s32 $0x0;
	[smem:$0x7FF] =	sst s4  }
0x7: {  	s1 =	sand.u32 $0x1, s1;
	s3 =	sshll.u32 s7, $0x1;
	s5 =	sadd.s32 $0x41800, s0  }
0x8: {  	s6 =	sadd.s32 $0x42200, s0;
	p0 =	sgt.u32 s7, $0xB;
	s3 =	sor.u32 s1, s3  }
0x9: {  	s7 =	simm.s32 $0x10;
	s11 =	sadd.s32 $0x41A80, s0;
	s8 =	smul.u32 $0xF, s3  }
0xa: {  	s12 =	sadd.s32 $0x41D00, s0;
	s13 =	sadd.s32 $0x41F80, s0;
	s10 =	smax.u32 s3, $0x18  }
0xb: {  	_ =	strace $0x8000004A;
	s1 =	ssub.s32 $0x2, s1;
	s8 =	sadd.s32 s8, s10  }
.Ltmp0:
0xc: {  	s7 =	simm.s32 @!p0 $0xF;
	s8 =	sadd.s32 $0xFFFFFFE8, s8;
	(pc) =	sbr.rel .LBB2_1-.Ltmp0, $4  }
0xd: {  	s9 =	sshrl.u32 s1, $0x1;
	p0 =	seq.s32 s3, $0x1F;
	s31 =	sadd.s32 s7, s8  }
0xe: {  	s1 =	ssub.s32 s1, s9;
	s9 =	simm.s32 $0x1;
	s3 =	sshll.u32 s31, $0xB  }
0xf: {  	v2 =	vlaneseq.u32;
	v3 =	vimm.s32 $0x0;
	vm0 =	vmmov $0xffff;
	s9 =	simm.s32 @!p0 $0x0;
	s17 =	sshll.u32 s8, $0xB;
	s3 =	simm.s32 @p0 $0xF4240  }
0x10: {  	v4 =	vmul.u32 $0x80, v2;
	s10 =	smax.u32 s1, $0x1;
	s9 =	sadd.s32 s9, s7;
	v0 =	vmov s17;
	s17 =	simm.s32 $0xC000;
	v1 =	vmov s3  }
.LBB2_31:
0x11: {  	p0 =	slt.s32 s24, $0x1  }
0x12: {  	p1 =	seq.s32 @!p0 s24, $0x1  }
0x13: {  	s0 =	simm.s32 @!p0 $0x3;
	p2 =	por p1, p0  }
0x14: {  	_ =	swait.ge @!p0 [sflag:s0], $0x800;
	p3 =	slt.u32 @!p2 s24, $0x3  }
0x15: {  	[sflag:s0] =	ssyncset.done @!p0 $0x0;
	p4 =	por @!p0 p3, p1  }
0x16: {  	[sflag:s0] =	ssyncadd.s32 @!p0 $0xFFFFF800;
	s0 =	simm.s32 @!p2 $0x4;
	p4 =	por p4, p0  }
0x17: {  	_ =	swait.ge @!p2 [sflag:s0], $0x800;
	p5 =	seq.s32 @!p4 s24, $0x3  }
0x18: {  	s22 =	sadd.s32 $0x1, s22;
	[sflag:s0] =	ssyncset.done @!p2 $0x0;
	p3 =	por @!p2 p5, p3  }
0x19: {  	[sflag:s0] =	ssyncadd.s32 @!p2 $0xFFFFF800;
	s0 =	simm.s32 @!p4 $0x5;
	p1 =	por @!p0 p3, p1  }
0x1a: {  	_ =	swait.ge @!p4 [sflag:s0], $0x800;
	p0 =	por p1, p0;
	p1 =	sne.s32 s22, s10  }
.Ltmp1:
0x1b: {  	[sflag:s0] =	ssyncset.done @!p4 $0x0;
	(pc) =	sbr.rel @!p1 .LBB2_32-.Ltmp1, $4  }
0x1c: {  	[sflag:s0] =	ssyncadd.s32 @!p4 $0xFFFFF800;
	s0 =	simm.s32 @!p0 $0x6  }
0x1d: {  	_ =	swait.ge @!p0 [sflag:s0], $0x800  }
0x1e: {  	[sflag:s0] =	ssyncset.done @!p0 $0x0  }
0x1f: {  	[sflag:s0] =	ssyncadd.s32 @!p0 $0xFFFFF800  }
.LBB2_1:
0x20: {  	s0 =	rddreg [dreg:$0x0]  }
0x21: {  	[tilespmem:s4], [sflag:$0x7] =	stream.linear.gather [hbm4b:s0+s4], $0x4000, $0x38;
	[tilespmem:$0x1E000] =	vst v63  }
0x22: {  	_ =	swait.ge [sflag:s14], $0x4000  }
0x23: {  	[sflag:s14] =	ssyncset.done $0x0  }
0x24: {  	[sflag:s14] =	ssyncadd.s32 $0xFFFFC000  }
0x25: {  	v5 =	vld [tilespmem:s4+$0x0];
	_ =	sdelay $0x4  }
0x26: {  	vm1 =	vge.s32 v5, v0;
	vm2 =	vlt.s32 v5, v1  }
0x27: {  	vm1 =	vmand vm1, vm2  }
0x28: {  	v6 =	vsel vm1, $0x1, v3  }
0x29: {  	(xrf0) =	vadd.scan.msk.s32 $0xffff, v6;
	_ =	sdelay $0x2  }
0x2a: {  	v6 =	vmov s4  }
0x2b: {  	v6 =	vadd.s32 $0xFFFFFFFF, v6  }
0x2c: {  	v6 =	vbroadcast v6, $0x0  }
0x2d: {  	v7, _, _ =	vpop (xrf0)  }
0x2e: {  	v6 =	vadd.s32 v7, v6;
	(v2sf) =	vpush v7, $0xF  }
0x2f: {  	v5 =	vsub.s32 v5, v0  }
0x30: {  	v5 =	vshll.u32 v5, $0xE  }
0x31: {  	v5 =	vadd.s32 s4, v5  }
0x32: {  	v5 =	vadd.s32 v2, v5  }
0x33: {  	s24 =	simm.s32 $0x10;
	[tilespmem:v6+s15+$0x0] =	vst.idx.msk vm1, v5  }
0x34: {  	s23 =	simm.s32 $0x0;
	s25 =	simm.s32 $0x10;
	s0 =	simm.s32 $0x20;
	v5 =	vld [tilespmem:s24+$0x0]  }
.LBB2_2:
0x35: {  	p0 =	sne.s32 s0, $0x3FF0;
	_ =	sdelay $0x3  }
0x36: {  	vm1 =	vge.s32 v5, v0;
	vm2 =	vlt.s32 v5, v1;
	v5 =	vsub.s32 v5, v0  }
0x37: {  	vm1 =	vmand vm1, vm2  }
0x38: {  	v6 =	vsel vm1, $0x1, v3  }
0x39: {  	(xrf0) =	vadd.scan.msk.s32 $0xffff, v6  }
0x3a: {  	s1 =	spop (v2sf)  }
0x3b: {  	s23 =	sadd.s32 s23, s1  }
0x3c: {  	v6 =	vmov s23  }
0x3d: {  	v6 =	vadd.s32 $0xFFFFFFFF, v6  }
0x3e: {  	v6 =	vbroadcast v6, $0x0  }
0x3f: {  	v7, _, _ =	vpop (xrf0)  }
0x40: {  	v6 =	vadd.s32 v7, v6;
	(v2sf) =	vpush v7, $0xF;
	_ =	sdelay $0x1  }
.Ltmp2:
0x41: {  	v5 =	vshll.u32 v5, $0xE;
	(pc) =	sbr.rel @p0 .LBB2_2-.Ltmp2, $4  }
0x42: {  	v5 =	vadd.s32 s24, v5;
	s24 =	smov.u32 s0  }
0x43: {  	v5 =	vadd.s32 v2, v5  }
0x44: {  	s25 =	sadd.s32 $0x10, s25;
	[tilespmem:v6+s15+$0x0] =	vst.idx.msk vm1, v5  }
0x45: {  	s0 =	sadd.s32 $0x10, s0;
	v5 =	vld [tilespmem:s25+$0x0]  }
0x46: {  	_ =	sdelay $0x3  }
0x47: {  	vm1 =	vge.s32 v5, v0;
	vm2 =	vlt.s32 v5, v1  }
0x48: {  	vm1 =	vmand vm1, vm2  }
0x49: {  	v6 =	vsel vm1, $0x1, v3  }
0x4a: {  	(xrf0) =	vadd.scan.msk.s32 $0xffff, v6;
	_ =	sdelay $0x5  }
0x4b: {  	v6, _, _ =	vpop (xrf0)  }
0x4c: {  	(v2sf) =	vpush v6, $0xF;
	_ =	sdelay $0xc  }
0x4d: {  	s0 =	spop (v2sf)  }
0x4e: {  	s0 =	sadd.s32 s23, s0  }
0x4f: {  	v7 =	vmov s0;
	s1 =	spop (v2sf)  }
0x50: {  	v7 =	vadd.s32 $0xFFFFFFFF, v7;
	s23 =	sadd.s32 s0, s1  }
0x51: {  	v7 =	vbroadcast v7, $0x0;
	s0 =	sadd.s32 $0xF, s23  }
0x52: {  	s30 =	sand.u32 $0xF, s0  }
0x53: {  	v6 =	vadd.s32 v6, v7;
	s31 =	sshra.s32 s0, $0x1F;
	p1 =	slt.s32 s0, $0x1;
	p0 =	sne.s32 s30, $0x0  }
.Ltmp3:
0x54: {  	v5 =	vsub.s32 v5, v0;
	s1 =	sshrl.u32 s31, $0x1C;
	p0 =	por !p1, !p0;
	(pc) =	sbr.rel .LBB2_4-.Ltmp3, $4  }
0x55: {  	v5 =	vshll.u32 v5, $0xE;
	s0 =	sadd.s32 s1, s0;
	s1 =	simm.s32 $0x1;
	p0 =	por !p0, !p0  }
0x56: {  	v5 =	vadd.s32 s24, v5;
	s0 =	sshra.s32 s0, $0x4;
	s1 =	simm.s32 @!p0 $0x0  }
0x57: {  	v5 =	vadd.s32 v2, v5;
	s25 =	ssub.s32 s0, s1  }
0x58: {  	s26 =	simm.s32 $0x0;
	s24 =	simm.s32 $0x0;
	[tilespmem:v6+s15+$0x0] =	vst.idx.msk vm1, v5;
	p0 =	slt.s32 s25, $0x1  }
.LBB2_29:
0x59: {  	s24 =	smov.u32 s30  }
.LBB2_30:
0x5a: {  	s26 =	sadd.s32 $0x1, s26  }
0x5b: {  	p1 =	sne.s32 s26, s9  }
.Ltmp4:
0x5c: {  	_ = 	snop;
	(pc) =	sbr.rel @!p1 .LBB2_31-.Ltmp4, $1  }
0x5d: {  	_ =	sdelay $0x3  }
.LBB2_4:
0x5e: {  	p1 =	slt.u32 s26, s7  }
0x5f: {  	s0 =	sadd.s32 @p1 s8, s26  }
0x60: {  	s0 =	sshll.u32 @p1 s0, $0xB  }
0x61: {  	s1 =	simm.s32 @p1 $0x4000;
	s0 =	sand.u32 @p1 $0x1FFFF800, s0  }
0x62: {  	s3 =	simm.s32 @p1 $0x7A1400;
	s28 =	simm.s32 @p1 $0xC000;
	s0 =	sadd.s32 @p1 s2, s0  }
0x63: {  	[tilespmem:s28], [sflag:$0x1] =	stream.strided.gather @p1 [hbm4b:s0+s1], $0x10000, s3, s1, $0x38;
	[tilespmem:$0x1E000] =	vst v63  }
0x64: {  	s0 =	simm.s32 @p1 $0x1  }
0x65: {  	_ =	swait.ge @p1 [sflag:s0], $0x10000  }
0x66: {  	[sflag:s0] =	ssyncset.done @p1 $0x0  }
0x67: {  	s1 =	simm.s32 @!p1 $0xC000;
	[sflag:s0] =	ssyncadd.s32 @p1 $0xFFFF0000;
	s0 =	simm.s32 @!p1 $0x0  }
0x68: {  	[tilespmem:s1], [sflag:$0x2] =	stream.linear.gather @!p1 [hbm4b:s5+s0], $0x1400, $0x38;
	[tilespmem:$0x1E000] =	vst v63  }
0x69: {  	s1 =	simm.s32 @!p1 $0x10000  }
0x6a: {  	[tilespmem:s1], [sflag:$0x2] =	stream.linear.gather @!p1 [hbm4b:s11+s0], $0x1400, $0x38;
	[tilespmem:$0x1E000] =	vst v63  }
0x6b: {  	s1 =	simm.s32 @!p1 $0x14000  }
0x6c: {  	[tilespmem:s1], [sflag:$0x2] =	stream.linear.gather @!p1 [hbm4b:s12+s0], $0x1400, $0x38;
	[tilespmem:$0x1E000] =	vst v63  }
0x6d: {  	s1 =	simm.s32 @!p1 $0x18000  }
0x6e: {  	[tilespmem:s1], [sflag:$0x2] =	stream.linear.gather @!p1 [hbm4b:s13+s0], $0x1400, $0x38;
	[tilespmem:$0x1E000] =	vst v63  }
.Ltmp5:
0x6f: {  	_ = 	snop;
	(pc) =	sbr.rel @p0 .LBB2_11-.Ltmp5, $4  }
0x70: {  	s0 =	simm.s32 @!p1 $0x2  }
0x71: {  	_ =	swait.ge @!p1 [sflag:s0], $0x5000  }
0x72: {  	[sflag:s0] =	ssyncset.done @!p1 $0x0  }
0x73: {  	s28 =	simm.s32 $0x0;
	[sflag:s0] =	ssyncadd.s32 @!p1 $0xFFFFB000  }
0x74: {  	p3 =	sne.s32 s25, $0x1  }
.Ltmp6:
0x75: {  	_ = 	snop;
	(pc) =	sbr.rel @!p3 .LBB2_6-.Ltmp6, $4  }
0x76: {  	s0 =	simm.s32 $0x800  }
0x77: {  	s1 =	sshll.u32 s26, $0xB;
	s0 =	simm.s32 @!p1 $0x240  }
0x78: {  	s3 =	simm.s32 $0x4000;
	s0 =	sadd.s32 s1, s0  }
0x79: {  	s28 =	simm.s32 $0x0;
	p2 =	por $0x0, $0x0;
	v5 =	vmov s1;
	v7 =	vld [tilespmem:s3+$0x0];
	v6 =	vmov s0;
	s0 =	sadd.s32 $0xFFFFFFFF, s25  }
0x7a: {  	_ =	sdelay $0x3  }
0x7b: {  	v8 =	vmov s23;
	v9 =	vshra.s32 v7, $0xE  }
0x7c: {  	vm1 =	vgt.s32 v8, v2;
	vm2 =	vge.s32 v9, v5  }
0x7d: {  	vm1 =	vmand vm1, vm2;
	vm2 =	vlt.s32 v9, v6  }
0x7e: {  	vm1 =	vmand vm2, vm1  }
0x7f: {  	v8 =	vsel vm1, $0x1, v3  }
0x80: {  	(xrf0) =	vadd.scan.msk.s32 $0xffff, v8;
	_ =	sdelay $0x2  }
0x81: {  	v8 =	vmov s28  }
0x82: {  	v8 =	vadd.s32 $0xFFFFFFFF, v8  }
0x83: {  	v8 =	vbroadcast v8, $0x0  }
0x84: {  	v10, _, _ =	vpop (xrf0)  }
0x85: {  	v8 =	vadd.s32 v10, v8;
	(v2sf) =	vpush v10, $0xF  }
0x86: {  	p3 =	sne.s32 s0, $0x1  }
.Ltmp7:
0x87: {  	v9 =	vsub.s32 v9, v5;
	(pc) =	sbr.rel @!p3 .LBB2_8-.Ltmp7, $4  }
0x88: {  	v7 =	vand.u32 $0x3FFF, v7;
	v9 =	vshll.u32 v9, $0xE  }
0x89: {  	v7 =	vor.u32 v7, v9  }
0x8a: {  	s31 =	simm.s32 $0x4010;
	s0 =	sadd.s32 $0xFFFFFFFF, s0;
	[tilespmem:v8+s16+$0x0] =	vst.idx.msk vm1, v7  }
0x8b: {  	p2 =	por $0x1, $0x1;
	s30 =	smov.u32 s23;
	s29 =	simm.s32 $0x0;
	v7 =	vld [tilespmem:s31+$0x0]  }
.LBB2_9:
0x8c: {  	p3 =	sne.s32 s0, $0x1;
	_ =	sdelay $0x2  }
0x8d: {  	s30 =	sadd.s32 $0xFFFFFFF0, s30  }
0x8e: {  	v8 =	vmov s30;
	v9 =	vshra.s32 v7, $0xE;
	v7 =	vand.u32 $0x3FFF, v7  }
0x8f: {  	vm1 =	vgt.s32 v8, v2;
	vm2 =	vge.s32 v9, v5;
	v8 =	vsub.s32 v9, v5  }
0x90: {  	vm1 =	vmand vm1, vm2;
	vm2 =	vlt.s32 v9, v6  }
0x91: {  	vm1 =	vmand vm2, vm1  }
0x92: {  	v9 =	vsel vm1, $0x1, v3;
	s1 =	spop (v2sf)  }
0x93: {  	(xrf0) =	vadd.scan.msk.s32 $0xffff, v9;
	s29 =	sadd.s32 s29, s1  }
0x94: {  	v9 =	vmov s29  }
0x95: {  	v9 =	vadd.s32 $0xFFFFFFFF, v9  }
0x96: {  	v9 =	vbroadcast v9, $0x0;
	_ =	sdelay $0x2  }
0x97: {  	v10, _, _ =	vpop (xrf0)  }
0x98: {  	v9 =	vadd.s32 v10, v9;
	(v2sf) =	vpush v10, $0xF;
	_ =	sdelay $0x1  }
.Ltmp8:
0x99: {  	(pc) =	sbr.rel @p3 .LBB2_9-.Ltmp8, $4  }
0x9a: {  	v8 =	vshll.u32 v8, $0xE  }
0x9b: {  	v7 =	vor.u32 v7, v8  }
0x9c: {  	s31 =	sadd.s32 $0x10, s31;
	[tilespmem:v9+s16+$0x0] =	vst.idx.msk vm1, v7  }
0x9d: {  	s0 =	sadd.s32 $0xFFFFFFFF, s0;
	v7 =	vld [tilespmem:s31+$0x0]  }
.LBB2_10:
0x9e: {  	_ =	sdelay $0x1  }
0x9f: {  	s0 =	sadd.s32 @p2 $0xFFFFFFF0, s30;
	s1 =	smov.u32 s23  }
0xa0: {  	s1 =	smov.u32 @p2 s0  }
0xa1: {  	v8 =	vmov s1;
	v9 =	vshra.s32 v7, $0xE  }
0xa2: {  	vm1 =	vgt.s32 v8, v2;
	vm2 =	vge.s32 v9, v5  }
0xa3: {  	vm1 =	vmand vm1, vm2;
	vm2 =	vlt.s32 v9, v6  }
0xa4: {  	vm1 =	vmand vm2, vm1  }
0xa5: {  	v6 =	vsel vm1, $0x1, v3  }
0xa6: {  	(xrf0) =	vadd.scan.msk.s32 $0xffff, v6;
	_ =	sdelay $0x5  }
0xa7: {  	v6, _, _ =	vpop (xrf0)  }
0xa8: {  	(v2sf) =	vpush v6, $0xF;
	_ =	sdelay $0x3  }
0xa9: {  	s0 =	spop @p2 (v2sf)  }
0xaa: {  	s0 =	sadd.s32 @p2 s29, s0  }
0xab: {  	s28 =	smov.u32 @p2 s0  }
0xac: {  	v63 =	vmov s28  }
0xad: {  	v8 =	vadd.s32 $0xFFFFFFFF, v63  }
0xae: {  	v8 =	vbroadcast v8, $0x0;
	_ =	sdelay $0x1  }
0xaf: {  	v6 =	vadd.s32 v6, v8;
	_ =	sdelay $0x1  }
0xb0: {  	v5 =	vsub.s32 v9, v5  }
0xb1: {  	v7 =	vand.u32 $0x3FFF, v7;
	v5 =	vshll.u32 v5, $0xE  }
0xb2: {  	v5 =	vor.u32 v7, v5;
	s31 =	spop (v2sf)  }
0xb3: {  	[tilespmem:v6+s16+$0x0] =	vst.idx.msk vm1, v5;
	s28 =	sadd.s32 s28, s31  }
.LBB2_11:
0xb4: {  	s0 =	sadd.s32 $0xF, s28  }
0xb5: {  	s1 =	sand.u32 $0xF, s0  }
0xb6: {  	s3 =	sshra.s32 s0, $0x1F;
	p2 =	slt.s32 s0, $0x1;
	p3 =	sne.s32 s1, $0x0  }
0xb7: {  	s31 =	sshrl.u32 s3, $0x1C;
	p2 =	por !p2, !p3  }
0xb8: {  	s1 =	simm.s32 $0x1;
	s0 =	sadd.s32 s31, s0;
	p2 =	por !p2, !p2  }
0xb9: {  	s0 =	sshra.s32 s0, $0x4;
	s1 =	simm.s32 @!p2 $0x0  }
0xba: {  	s29 =	ssub.s32 s0, s1  }
0xbb: {  	p3 =	slt.s32 s29, $0x1  }
.Ltmp9:
0xbc: {  	_ = 	snop;
	(pc) =	sbr.rel @p3 .LBB2_30-.Ltmp9, $1  }
0xbd: {  	_ =	sdelay $0x3  }
.Ltmp10:
0xbe: {  	(pc) =	sbr.rel .LBB2_13-.Ltmp10, $4  }
0xbf: {  	_ = 	snop  }
0xc0: {  	s1 =	simm.s32 @!p1 $0x40;
	s3 =	simm.s32 $0xFFFFFFFF  }
0xc1: {  	s0 =	sadd.s32 s0, s24;
	s1 =	simm.s32 @p1 $0x0;
	s3 =	simm.s32 @!p2 $0x0  }
0xc2: {  	s31 =	simm.s32 $0x0;
	v5 =	vmov s1;
	s30 =	sadd.s32 s3, s0  }
.LBB2_27:
0xc3: {  	_ =	sdelay $0x1  }
0xc4: {  	v13 =	vshll.u32 v12, $0xB  }
0xc5: {  	v60 =	vshll.u32 v12, $0x7;
	v13 =	vand.u32 $0xC000, v13  }
0xc6: {  	[tilespmem:v11+s21+$0x0] =	vst.idx.msk $0xffff, v9;
	v61 =	vand.u32 $0x380, v60;
	v8 =	vadd.s32 v8, v13  }
0xc7: {  	v62 =	vor.u32 s0, v4;
	v10 =	vld.idx.msk [tilespmem:v10+s17+$0x0], $0xffff;
	v8 =	vor.u32 v61, v8  }
0xc8: {  	v7 =	vor.u32 v7, v8;
	_ =	sdelay $0x3  }
0xc9: {  	[tilespmem:v62+s21+$0x0] =	vst.idx.msk $0xffff, v10  }
0xca: {  	v63 =	vor.u32 s3, v4;
	v7 =	vld.idx.msk [tilespmem:v7+s17+$0x0], $0xffff;
	_ =	sdelay $0x4  }
0xcb: {  	[tilespmem:v63+s21+$0x0] =	vst.idx.msk $0xffff, v7  }
0xcc: {  	[hbm4b:s6+s4] =	stream.indirect_vreg.scatter [tilespmem:s21], [sflag:$0x6], $0x80, v6, vm0, $0xb8;
	[tilespmem:$0x1E000] =	vst v63  }
.LBB2_28:
0xcd: {  	s31 =	sadd.s32 $0x1, s31  }
0xce: {  	p1 =	sne.s32 s31, s29  }
.Ltmp11:
0xcf: {  	_ = 	snop;
	(pc) =	sbr.rel @!p1 .LBB2_29-.Ltmp11, $2  }
0xd0: {  	_ =	sdelay $0x2  }
0xd1: {  	s24 =	sadd.s32 $0x1, s24  }
.LBB2_13:
0xd2: {  	s0 =	sshll.u32 s31, $0x4  }
0xd3: {  	v6 =	vld [tilespmem:s0+$0x8000]  }
0xd4: {  	s1 =	ssub.s32 s28, s0;
	s0 =	sand.u32 $0x3, s24  }
0xd5: {  	p1 =	sgt.s32 s0, $0x1  }
.Ltmp12:
0xd6: {  	_ = 	snop;
	(pc) =	sbr.rel @p1 .LBB2_24-.Ltmp12, $4  }
0xd7: {  	_ = 	snop  }
0xd8: {  	v7 =	vmov s1;
	v8 =	vshra.s32 v6, $0xE  }
0xd9: {  	vm1 =	vgt.s32 v7, v2;
	v6 =	vand.u32 $0x3FFF, v6;
	v7 =	vadd.s32 v5, v8  }
0xda: {  	v6 =	vnsel vm1, $0x4000, v6;
	v7 =	vnsel vm1, $0x0, v7  }
0xdb: {  	p1 =	seq.s32 s0, $0x0  }
.Ltmp13:
0xdc: {  	s1 =	simm.s32 $0x0;
	(pc) =	sbr.rel @!p1 .LBB2_18-.Ltmp13, $4  }
0xdd: {  	v9 =	vmov s1  }
0xde: {  	v8 =	vshll.u32 v7, $0x3;
	v10 =	vshll.u32 v9, $0xB  }
0xdf: {  	v8 =	vand.u32 $0xFFFFFC00, v8;
	v9 =	vshll.u32 v9, $0x7;
	v10 =	vand.u32 $0xC000, v10  }
0xe0: {  	v7 =	vand.u32 $0x7F, v7;
	v9 =	vand.u32 $0x380, v9;
	v10 =	vadd.s32 v8, v10  }
0xe1: {  	v9 =	vor.u32 v9, v10  }
0xe2: {  	s0 =	simm.s32 $0x1;
	p1 =	slt.s32 s24, $0x4;
	v9 =	vor.u32 v7, v9  }
0xe3: {  	v10 =	vmov s0;
	s3 =	simm.s32 @!p1 $0x3  }
0xe4: {  	v11 =	vshll.u32 v10, $0xB;
	_ =	swait.ge @!p1 [sflag:s3], $0x800  }
0xe5: {  	v10 =	vshll.u32 v10, $0x7;
	v11 =	vand.u32 $0xC000, v11;
	[sflag:s3] =	ssyncset.done @!p1 $0x0  }
0xe6: {  	v10 =	vand.u32 $0x380, v10;
	v11 =	vadd.s32 v8, v11;
	[sflag:s3] =	ssyncadd.s32 @!p1 $0xFFFFF800  }
0xe7: {  	v10 =	vor.u32 v10, v11;
	v11 =	vor.u32 s1, v4;
	v9 =	vld.idx.msk [tilespmem:v9+s17+$0x0], $0xffff  }
0xe8: {  	v10 =	vor.u32 v7, v10  }
0xe9: {  	s3 =	simm.s32 $0x2  }
0xea: {  	v12 =	vmov s3;
	s1 =	simm.s32 $0x3  }
.LBB2_16:
0xeb: {  	p1 =	sne.s32 s1, $0x1F;
	v13 =	vshll.u32 v12, $0xB  }
0xec: {  	v12 =	vshll.u32 v12, $0x7;
	v13 =	vand.u32 $0xC000, v13;
	[tilespmem:v11+s18+$0x0] =	vst.idx.msk $0xffff, v9  }
.Ltmp14:
0xed: {  	v12 =	vand.u32 $0x380, v12;
	v11 =	vadd.s32 v8, v13;
	v9 =	vld.idx.msk [tilespmem:v10+s17+$0x0], $0xffff;
	(pc) =	sbr.rel @p1 .LBB2_16-.Ltmp14, $3  }
0xee: {  	v10 =	vor.u32 v12, v11;
	v11 =	vor.u32 s0, v4;
	s0 =	smov.u32 s3;
	s3 =	smov.u32 s1  }
0xef: {  	v10 =	vor.u32 v7, v10;
	_ =	sdelay $0x1  }
0xf0: {  	s1 =	sadd.s32 $0x1, s1;
	v12 =	vmov s3  }
0xf1: {  	_ =	sdelay $0x1  }
0xf2: {  	v13 =	vshll.u32 v12, $0xB  }
0xf3: {  	v60 =	vshll.u32 v12, $0x7;
	v13 =	vand.u32 $0xC000, v13  }
0xf4: {  	[tilespmem:v11+s18+$0x0] =	vst.idx.msk $0xffff, v9;
	v61 =	vand.u32 $0x380, v60;
	v8 =	vadd.s32 v8, v13  }
0xf5: {  	v62 =	vor.u32 s0, v4;
	v10 =	vld.idx.msk [tilespmem:v10+s17+$0x0], $0xffff;
	v8 =	vor.u32 v61, v8  }
0xf6: {  	v7 =	vor.u32 v7, v8;
	_ =	sdelay $0x3  }
0xf7: {  	[tilespmem:v62+s18+$0x0] =	vst.idx.msk $0xffff, v10  }
0xf8: {  	v63 =	vor.u32 s3, v4;
	v7 =	vld.idx.msk [tilespmem:v7+s17+$0x0], $0xffff;
	_ =	sdelay $0x1  }
.Ltmp15:
0xf9: {  	_ = 	snop;
	(pc) =	sbr.rel .LBB2_28-.Ltmp15, $3  }
0xfa: {  	_ =	sdelay $0x1  }
0xfb: {  	[tilespmem:v63+s18+$0x0] =	vst.idx.msk $0xffff, v7  }
0xfc: {  	[hbm4b:s6+s4] =	stream.indirect_vreg.scatter [tilespmem:s18], [sflag:$0x3], $0x80, v6, vm0, $0xb8;
	[tilespmem:$0x1E000] =	vst v63  }
.LBB2_24:
0xfd: {  	s1 =	simm.s32 $0x0  }
0xfe: {  	p2 =	seq.s32 s0, $0x2;
	v9 =	vmov s1  }
.Ltmp16:
0xff: {  	v8 =	vshll.u32 v7, $0x3;
	v10 =	vshll.u32 v9, $0xB;
	(pc) =	sbr.rel @!p2 .LBB2_25-.Ltmp16, $4  }
0x100: {  	v8 =	vand.u32 $0xFFFFFC00, v8;
	v9 =	vshll.u32 v9, $0x7;
	v10 =	vand.u32 $0xC000, v10  }
0x101: {  	v9 =	vand.u32 $0x380, v9;
	v10 =	vadd.s32 v8, v10  }
0x102: {  	v7 =	vand.u32 $0x7F, v7;
	s0 =	simm.s32 $0x1;
	v9 =	vor.u32 v9, v10  }
0x103: {  	p1 =	slt.s32 s24, $0x4;
	v10 =	vmov s0;
	v9 =	vor.u32 v7, v9  }
0x104: {  	s3 =	simm.s32 @!p1 $0x5  }
0x105: {  	v11 =	vshll.u32 v10, $0xB;
	_ =	swait.ge @!p1 [sflag:s3], $0x800  }
0x106: {  	v10 =	vshll.u32 v10, $0x7;
	v11 =	vand.u32 $0xC000, v11;
	[sflag:s3] =	ssyncset.done @!p1 $0x0  }
0x107: {  	v10 =	vand.u32 $0x380, v10;
	v11 =	vadd.s32 v8, v11;
	[sflag:s3] =	ssyncadd.s32 @!p1 $0xFFFFF800  }
0x108: {  	v10 =	vor.u32 v10, v11;
	v11 =	vor.u32 s1, v4;
	v9 =	vld.idx.msk [tilespmem:v9+s17+$0x0], $0xffff  }
0x109: {  	v10 =	vor.u32 v7, v10  }
0x10a: {  	s3 =	simm.s32 $0x2  }
0x10b: {  	s1 =	simm.s32 $0x3;
	v12 =	vmov s3  }
.LBB2_22:
0x10c: {  	p1 =	sne.s32 s1, $0x1F;
	v13 =	vshll.u32 v12, $0xB  }
0x10d: {  	v12 =	vshll.u32 v12, $0x7;
	v13 =	vand.u32 $0xC000, v13;
	[tilespmem:v11+s20+$0x0] =	vst.idx.msk $0xffff, v9  }
.Ltmp17:
0x10e: {  	v12 =	vand.u32 $0x380, v12;
	v11 =	vadd.s32 v8, v13;
	v9 =	vld.idx.msk [tilespmem:v10+s17+$0x0], $0xffff;
	(pc) =	sbr.rel @p1 .LBB2_22-.Ltmp17, $3  }
0x10f: {  	v10 =	vor.u32 v12, v11;
	v11 =	vor.u32 s0, v4;
	s0 =	smov.u32 s3;
	s3 =	smov.u32 s1  }
0x110: {  	v10 =	vor.u32 v7, v10;
	_ =	sdelay $0x1  }
0x111: {  	s1 =	sadd.s32 $0x1, s1;
	v12 =	vmov s3  }
0x112: {  	_ =	sdelay $0x1  }
0x113: {  	v13 =	vshll.u32 v12, $0xB  }
0x114: {  	v60 =	vshll.u32 v12, $0x7;
	v13 =	vand.u32 $0xC000, v13  }
0x115: {  	[tilespmem:v11+s20+$0x0] =	vst.idx.msk $0xffff, v9;
	v61 =	vand.u32 $0x380, v60;
	v8 =	vadd.s32 v8, v13  }
0x116: {  	v62 =	vor.u32 s0, v4;
	v10 =	vld.idx.msk [tilespmem:v10+s17+$0x0], $0xffff;
	v8 =	vor.u32 v61, v8  }
0x117: {  	v7 =	vor.u32 v7, v8;
	_ =	sdelay $0x3  }
0x118: {  	[tilespmem:v62+s20+$0x0] =	vst.idx.msk $0xffff, v10  }
0x119: {  	v63 =	vor.u32 s3, v4;
	v7 =	vld.idx.msk [tilespmem:v7+s17+$0x0], $0xffff;
	_ =	sdelay $0x1  }
.Ltmp18:
0x11a: {  	_ = 	snop;
	(pc) =	sbr.rel .LBB2_28-.Ltmp18, $3  }
0x11b: {  	_ =	sdelay $0x1  }
0x11c: {  	[tilespmem:v63+s20+$0x0] =	vst.idx.msk $0xffff, v7  }
0x11d: {  	[hbm4b:s6+s4] =	stream.indirect_vreg.scatter [tilespmem:s20], [sflag:$0x5], $0x80, v6, vm0, $0xb8;
	[tilespmem:$0x1E000] =	vst v63  }
.LBB2_18:
0x11e: {  	v9 =	vor.u32 v9, v10  }
0x11f: {  	s0 =	simm.s32 $0x1;
	p1 =	slt.s32 s24, $0x4;
	v9 =	vor.u32 v7, v9  }
0x120: {  	v10 =	vmov s0;
	s3 =	simm.s32 @!p1 $0x4  }
0x121: {  	v11 =	vshll.u32 v10, $0xB;
	_ =	swait.ge @!p1 [sflag:s3], $0x800  }
0x122: {  	v10 =	vshll.u32 v10, $0x7;
	v11 =	vand.u32 $0xC000, v11;
	[sflag:s3] =	ssyncset.done @!p1 $0x0  }
0x123: {  	v10 =	vand.u32 $0x380, v10;
	v11 =	vadd.s32 v8, v11;
	[sflag:s3] =	ssyncadd.s32 @!p1 $0xFFFFF800  }
0x124: {  	v10 =	vor.u32 v10, v11;
	v11 =	vor.u32 s1, v4;
	v9 =	vld.idx.msk [tilespmem:v9+s17+$0x0], $0xffff  }
0x125: {  	v10 =	vor.u32 v7, v10  }
0x126: {  	s3 =	simm.s32 $0x2  }
0x127: {  	v12 =	vmov s3;
	s1 =	simm.s32 $0x3  }
.LBB2_19:
0x128: {  	p1 =	sne.s32 s1, $0x1F;
	v13 =	vshll.u32 v12, $0xB  }
0x129: {  	v12 =	vshll.u32 v12, $0x7;
	v13 =	vand.u32 $0xC000, v13;
	[tilespmem:v11+s19+$0x0] =	vst.idx.msk $0xffff, v9  }
.Ltmp19:
0x12a: {  	v12 =	vand.u32 $0x380, v12;
	v11 =	vadd.s32 v8, v13;
	v9 =	vld.idx.msk [tilespmem:v10+s17+$0x0], $0xffff;
	(pc) =	sbr.rel @p1 .LBB2_19-.Ltmp19, $3  }
0x12b: {  	v10 =	vor.u32 v12, v11;
	v11 =	vor.u32 s0, v4;
	s0 =	smov.u32 s3;
	s3 =	smov.u32 s1  }
0x12c: {  	v10 =	vor.u32 v7, v10;
	_ =	sdelay $0x1  }
0x12d: {  	s1 =	sadd.s32 $0x1, s1;
	v12 =	vmov s3  }
0x12e: {  	_ =	sdelay $0x1  }
0x12f: {  	v13 =	vshll.u32 v12, $0xB  }
0x130: {  	v60 =	vshll.u32 v12, $0x7;
	v13 =	vand.u32 $0xC000, v13  }
0x131: {  	[tilespmem:v11+s19+$0x0] =	vst.idx.msk $0xffff, v9;
	v61 =	vand.u32 $0x380, v60;
	v8 =	vadd.s32 v8, v13  }
0x132: {  	v62 =	vor.u32 s0, v4;
	v10 =	vld.idx.msk [tilespmem:v10+s17+$0x0], $0xffff;
	v8 =	vor.u32 v61, v8  }
0x133: {  	v7 =	vor.u32 v7, v8;
	_ =	sdelay $0x3  }
0x134: {  	[tilespmem:v62+s19+$0x0] =	vst.idx.msk $0xffff, v10  }
0x135: {  	v63 =	vor.u32 s3, v4;
	v7 =	vld.idx.msk [tilespmem:v7+s17+$0x0], $0xffff;
	_ =	sdelay $0x1  }
.Ltmp20:
0x136: {  	_ = 	snop;
	(pc) =	sbr.rel .LBB2_28-.Ltmp20, $3  }
0x137: {  	_ =	sdelay $0x1  }
0x138: {  	[tilespmem:v63+s19+$0x0] =	vst.idx.msk $0xffff, v7  }
0x139: {  	[hbm4b:s6+s4] =	stream.indirect_vreg.scatter [tilespmem:s19], [sflag:$0x4], $0x80, v6, vm0, $0xb8;
	[tilespmem:$0x1E000] =	vst v63  }
.LBB2_25:
0x13a: {  	s3 =	simm.s32 @!p1 $0x6  }
0x13b: {  	v11 =	vshll.u32 v10, $0xB;
	_ =	swait.ge @!p1 [sflag:s3], $0x800  }
0x13c: {  	v10 =	vshll.u32 v10, $0x7;
	v11 =	vand.u32 $0xC000, v11;
	[sflag:s3] =	ssyncset.done @!p1 $0x0  }
0x13d: {  	v10 =	vand.u32 $0x380, v10;
	v11 =	vadd.s32 v8, v11;
	[sflag:s3] =	ssyncadd.s32 @!p1 $0xFFFFF800  }
0x13e: {  	v10 =	vor.u32 v10, v11;
	v11 =	vor.u32 s1, v4;
	v9 =	vld.idx.msk [tilespmem:v9+s17+$0x0], $0xffff  }
0x13f: {  	v10 =	vor.u32 v7, v10  }
0x140: {  	s3 =	simm.s32 $0x2  }
0x141: {  	s1 =	simm.s32 $0x3;
	v12 =	vmov s3  }
.LBB2_26:
0x142: {  	p1 =	sne.s32 s1, $0x1F;
	v13 =	vshll.u32 v12, $0xB  }
0x143: {  	v12 =	vshll.u32 v12, $0x7;
	v13 =	vand.u32 $0xC000, v13;
	[tilespmem:v11+s21+$0x0] =	vst.idx.msk $0xffff, v9  }
.Ltmp21:
0x144: {  	v12 =	vand.u32 $0x380, v12;
	v11 =	vadd.s32 v8, v13;
	v9 =	vld.idx.msk [tilespmem:v10+s17+$0x0], $0xffff;
	(pc) =	sbr.rel @p1 .LBB2_26-.Ltmp21, $3  }
0x145: {  	v10 =	vor.u32 v12, v11;
	v11 =	vor.u32 s0, v4;
	s0 =	smov.u32 s3;
	s3 =	smov.u32 s1  }
0x146: {  	v10 =	vor.u32 v7, v10;
	_ =	sdelay $0x1  }
0x147: {  	s1 =	sadd.s32 $0x1, s1;
	v12 =	vmov s3  }
.Ltmp22:
0x148: {  	_ = 	snop;
	(pc) =	sbr.rel .LBB2_27-.Ltmp22, $1  }
0x149: {  	_ =	sdelay $0x3  }
.LBB2_6:
.Ltmp23:
0x14a: {  	(pc) =	sbr.rel .LBB2_10-.Ltmp23, $2  }
0x14b: {  	_ =	sdelay $0x2  }
0x14c: {  	s30 =	smov.u32 s23;
	s29 =	simm.s32 $0x0  }
.LBB2_8:
.Ltmp24:
0x14d: {  	(pc) =	sbr.rel .LBB2_10-.Ltmp24, $2  }
0x14e: {  	_ =	sdelay $0x2  }
0x14f: {  	s30 =	smov.u32 s23;
	s29 =	simm.s32 $0x0  }
.LBB2_32:
0x150: {  	_ =	sfence.sel $0x180000  }
0x151: {  	[bflag:$0x0] =	sbarrier.arrive $0xFFFF  }
0x152: {  	_ =	strace $0x9000004A  }
0x153: {  	s0 =	stileid.u32;
	[bflag:$0x2] =	sbarrier.arrive $0xFFFF  }
0x154: {  	p0 =	sne.s32 s0, $0x0;
	s0 =	rddreg [dreg:$0x3]  }
0x155: {  	s0 =	sadd.s32 @!p0 $0x100000, s0  }
0x156: {  	[sflag:s0] =	ssyncadd.tile.s32 @!p0 $0x1;
	_ =	shalt  }
.Lfunc_end2:
_tile_overlayer_lowered:
.L_overlay_start_2:
0x157: {  	(tag) =	ssettag $0x2  }
0x158: {  	s0 =	rddreg [dreg:$0x0];
	s2 =	stileid.u32  }
0x159: {  	s1 =	rddreg [dreg:$0x1];
	p0 =	sne.s32 s2, $0x0  }
0x15a: {  	s3 =	rddreg [dreg:$0x2];
	[bflag:$0x3] =	sbarrier.arrive $0xFFFF;
	s2 =	simm.s32 @!p0 $0x1C07  }
0x15b: {  	[timem:s3], [sflag:s2] =	dma.local @!p0 [hbm:s0], s1  }
0x15c: {  	s0 =	simm.s32 @!p0 $0x7  }
0x15d: {  	_ =	swait.ge @!p0 [sflag:s0], s1  }
0x15e: {  	s1 =	ssub.s32 @!p0 $0x0, s1;
	[sflag:s0] =	ssyncset.done @!p0 $0x0  }
0x15f: {  	[sflag:s0] =	ssyncadd.s32 @!p0 s1  }
0x160: {  	[bflag:$0x3] =	sbarrier.arrive $0xFFFF  }
0x161: {  	_ =	shalt  }

// kernel: kernel.8.cloned.1.call-start
scs
__scs_entry_jumppad:
0x0: {  	(pc) =	sbr.rel $0x88, $3  }
0x1: {  	(tag) =	ssettag $0x0;
	lr =	simm.s32 $0x1  }
0x2: {  	[smem:$0x3F9D] =	sst lr;
	_ =	strace $0xD0000000  }
0x3: {  	_ = 	snop  }
0x4: {  	_ = 	snop  }
0x5: {  	_ = 	snop  }
0x6: {  	_ = 	snop  }
0x7: {  	_ = 	snop  }
__scs_overlays_trampoline_lowered:
0x8: {  	[smem:$0x3FAC] =	sst s0  }
0x9: {  	[smem:$0x3FAD] =	sst s1  }
0xa: {  	[smem:$0x3FAE] =	sst s2  }
0xb: {  	[smem:$0x3FAF] =	sst s3  }
0xc: {  	[smem:$0x3FB0] =	sst s4  }
0xd: {  	[smem:$0x3FB1] =	sst s5  }
0xe: {  	[smem:$0x3FB2] =	sst s6  }
0xf: {  	[smem:$0x3FB3] =	sst s7  }
0x10: {  	[smem:$0x3FB4] =	sst s8  }
0x11: {  	[smem:$0x3FB5] =	sst s9;
	s0 =	simm.s32 @!p0 $0x0  }
0x12: {  	s1 =	sld [smem:$0x3F9B];
	s0 =	simm.s32 @p0 $0x1  }
0x13: {  	[smem:$0x3FB6] =	sst s0;
	s0 =	simm.s32 @!p1 $0x0  }
0x14: {  	s2 =	sld [smem:$0x3F9A];
	s0 =	simm.s32 @p1 $0x1  }
0x15: {  	[smem:$0x3FB7] =	sst s0;
	s0 =	simm.s32 @!p2 $0x0  }
0x16: {  	s3 =	sld [smem:$0x3FDB];
	s0 =	simm.s32 @p2 $0x1  }
0x17: {  	s4 =	simm.s32 $0x1BF5;
	[smem:$0x3FB9] =	sst s0  }
0x18: {  	s0 =	sld [smem:$0x3F9C];
	_ =	swait.ge [sflag:s4], $0x0  }
0x19: {  	s7 =	sld [smem:$0x3F9D]  }
0x1a: {  	s8 =	sadd.s32 $0xFFFFE003, lr  }
0x1b: {  	s9 =	sadd.s32 $0xFFFFFEF7, lr;
	s5 =	simm.s32 $0xFFFFFFFF;
	p2 =	slt.u32 s8, $0xFFFFF086  }
0x1c: {  	p1 =	slt.u32 s9, $0xF7A;
	s5 =	simm.s32 @!p2 $0x0  }
0x1d: {  	s5 =	simm.s32 @p1 $0x1;
	p0 =	seq.s32 s7, s2  }
0x1e: {  	s7 =	smul.u32 @!p0 $0xF7A, s2;
	p2 =	seq.s32 @!p0 s5, $0x0  }
0x1f: {  	s9 =	smul.u32 $0xF7A, s1;
	s8 =	simm.s32 @!p0 $0x1BF5;
	p2 =	por !p2, p0  }
0x20: {  	[sflag:s8] =	ssyncset.s32 @!p0 $0xFFFFF086;
	s6 =	sadd.s32 @!p0 s3, s7;
	s7 =	simm.s32 @!p0 $0x108  }
0x21: {  	s3 =	sadd.s32 s3, s9;
	s6 =	sadd.s32 @!p0 $0x88, s6;
	s7 =	simm.s32 @p2 $0x1082  }
0x22: {  	[simem:s7], [sflag:s8] =	dma.local @!p0 [hbm:s6], $0xF7A  }
0x23: {  	s9 =	sor.u32 $0xD0000000, s2;
	s6 =	simm.s32 $0x108;
	_ =	swait.ge @!p0 [sflag:s8], $0x0  }
0x24: {  	s3 =	sadd.s32 $0x88, s3;
	s6 =	simm.s32 @!p1 $0x1082;
	[sflag:s4] =	ssyncset.s32 $0xFFFFF086  }
0x25: {  	[simem:s6], [sflag:s4] =	dma.local [hbm:s3], $0xF7A  }
0x26: {  	[smem:$0x3F9D] =	sst s1;
	(tag) =	ssettag s2;
	_ =	strace s9  }
0x27: {  	s1 =	sld [smem:$0x3FAD]  }
0x28: {  	s2 =	sld [smem:$0x3FAE]  }
0x29: {  	s4 =	sld [smem:$0x3FB0]  }
0x2a: {  	p0 =	seq.s32 s5, $0x0;
	s5 =	sld [smem:$0x3FB1]  }
0x2b: {  	s6 =	sld [smem:$0x3FB2]  }
0x2c: {  	s7 =	sld [smem:$0x3FB3]  }
0x2d: {  	s3 =	simm.s32 $0x108;
	s8 =	sld [smem:$0x3FB4]  }
0x2e: {  	s3 =	simm.s32 @!p0 $0x1082;
	s9 =	sld [smem:$0x3FB5]  }
0x2f: {  	lr =	sadd.s32 s0, s3;
	s0 =	sld [smem:$0x3FAC]  }
0x30: {  	s3 =	sld [smem:$0x3FAF]  }
0x31: {  	[smem:$0x3FB8] =	sst s10  }
0x32: {  	s10 =	sld [smem:$0x3FB6];
	_ =	sdelay $0x3  }
0x33: {  	p0 =	seq.s32 s10, $0x1;
	s10 =	sld [smem:$0x3FB8];
	_ =	sdelay $0x3  }
0x34: {  	[smem:$0x3FB8] =	sst s10  }
0x35: {  	s10 =	sld [smem:$0x3FB7];
	_ =	sdelay $0x3  }
0x36: {  	p1 =	seq.s32 s10, $0x1;
	s10 =	sld [smem:$0x3FB8];
	_ =	sdelay $0x3  }
0x37: {  	[smem:$0x3FB8] =	sst s10  }
0x38: {  	s10 =	sld [smem:$0x3FB9]  }
0x39: {  	_ = 	snop;
	(pc) =	sbr.ind lr, $3  }
0x3a: {  	_ = 	snop  }
0x3b: {  	_ = 	snop  }
0x3c: {  	p2 =	seq.s32 s10, $0x1;
	s10 =	sld [smem:$0x3FB8]  }
0x3d: {  	_ =	shalt  }
0x3e: {  	_ =	shalt  }
0x3f: {  	_ =	shalt  }
0x40: {  	_ =	shalt  }
0x41: {  	_ =	shalt  }
0x42: {  	_ =	shalt  }
0x43: {  	_ =	shalt  }
0x44: {  	_ =	shalt  }
0x45: {  	_ =	shalt  }
0x46: {  	_ =	shalt  }
0x47: {  	_ =	shalt  }
0x48: {  	_ =	shalt  }
0x49: {  	_ =	shalt  }
0x4a: {  	_ =	shalt  }
0x4b: {  	_ =	shalt  }
0x4c: {  	_ =	shalt  }
0x4d: {  	_ =	shalt  }
0x4e: {  	_ =	shalt  }
0x4f: {  	_ =	shalt  }
0x50: {  	_ =	shalt  }
0x51: {  	_ =	shalt  }
0x52: {  	_ =	shalt  }
0x53: {  	_ =	shalt  }
0x54: {  	_ =	shalt  }
0x55: {  	_ =	shalt  }
0x56: {  	_ =	shalt  }
0x57: {  	_ =	shalt  }
0x58: {  	_ =	shalt  }
0x59: {  	_ =	shalt  }
0x5a: {  	_ =	shalt  }
0x5b: {  	_ =	shalt  }
0x5c: {  	_ =	shalt  }
0x5d: {  	_ =	shalt  }
0x5e: {  	_ =	shalt  }
0x5f: {  	_ =	shalt  }
0x60: {  	_ =	shalt  }
0x61: {  	_ =	shalt  }
0x62: {  	_ =	shalt  }
0x63: {  	_ =	shalt  }
0x64: {  	_ =	shalt  }
0x65: {  	_ =	shalt  }
0x66: {  	_ =	shalt  }
0x67: {  	_ =	shalt  }
0x68: {  	_ =	shalt  }
0x69: {  	_ =	shalt  }
0x6a: {  	_ =	shalt  }
0x6b: {  	_ =	shalt  }
0x6c: {  	_ =	shalt  }
0x6d: {  	_ =	shalt  }
0x6e: {  	_ =	shalt  }
0x6f: {  	_ =	shalt  }
0x70: {  	_ =	shalt  }
0x71: {  	_ =	shalt  }
0x72: {  	_ =	shalt  }
0x73: {  	_ =	shalt  }
0x74: {  	_ =	shalt  }
0x75: {  	_ =	shalt  }
0x76: {  	_ =	shalt  }
0x77: {  	_ =	shalt  }
0x78: {  	_ =	shalt  }
0x79: {  	_ =	shalt  }
0x7a: {  	_ =	shalt  }
0x7b: {  	_ =	shalt  }
0x7c: {  	_ =	shalt  }
0x7d: {  	_ =	shalt  }
0x7e: {  	_ =	shalt  }
0x7f: {  	_ =	shalt  }
0x80: {  	_ =	shalt  }
0x81: {  	_ =	shalt  }
0x82: {  	_ =	shalt  }
0x83: {  	_ =	shalt  }
0x84: {  	_ =	shalt  }
0x85: {  	_ =	shalt  }
0x86: {  	_ =	shalt  }
0x87: {  	_ =	shalt  }
.Lfunc_end0:
.L_simem_size_0:
called_computation.1_lowered:
.L_overlay_start_0:
0x88: {  	s2 =	sld [smem:$0x3FD9]  }
0x89: {  	s3 =	sld [smem:$0x3FFE];
	_ =	sdelay $0x1  }
0x8a: {  	s1 =	srdreg.scid  }
0x8b: {  	s0 =	sand.u32 $0x1, s1  }
0x8c: {  	s17 =	sshll.u32 s0, $0xA;
	s2 =	sadd.s32 s3, s2  }
0x8d: {  	s2 =	sadd.s32 s2, s17  }
0x8e: {  	[smem:$0x3FC4] =	sst s2  }
0x8f: {  	_ = 	snop  }
0x90: {  	s2 =	sld [smem:$0x3FC8]  }
0x91: {  	s18 =	sld [smem:$0x3FC6];
	(tm) =	ssettm $0x1  }
0x92: {  	s4 =	sld [smem:$0x3FFB];
	_ =	sdelay $0x3  }
0x93: {  	_ =	strace s4  }
0x94: {  	s4 =	sld [smem:$0x3FFC];
	_ =	sdelay $0x3  }
0x95: {  	_ =	strace s4  }
0x96: {  	s4 =	sld [smem:$0x3FFD];
	_ =	sdelay $0x3  }
0x97: {  	_ =	strace s4  }
0x98: {  	_ =	strace $0x8FFFFFFF  }
0x99: {  	s19 =	sld [smem:$0x3FDB];
	_ =	sdelay $0x1  }
0x9a: {  	s5 =	simm.s32 $_scs_section_size  }
0x9b: {  	s6 =	simm.s32 $_size__tile_overlayer_lowered;
	s7 =	simm.s32 $_tile_overlayer_lowered  }
0x9c: {  	s22 =	simm.s32 $0x1BFF;
	s21 =	sshll.u32 s7, $0x1;
	s4 =	sadd.s32 s5, s19  }
0x9d: {  	s8 =	simm.s32 $0x0;
	s20 =	sshll.u32 s6, $0x1;
	s6 =	sadd.s32 s21, s4  }
0x9e: {  	[timem:s8], [sflag:s22] =	dma.local [hbm:s6], s20  }
0x9f: {  	_ =	swait.ge [sflag:s22], s20  }
0xa0: {  	s5 =	ssub.s32 $0x0, s20;
	[sflag:s22] =	ssyncset.done $0x0  }
0xa1: {  	[sflag:s22] =	ssyncadd.s32 s5;
	_ =	sdelay $0x1  }
0xa2: {  	s23 =	simm.s32 $0x1B8B  }
0xa3: {  	_ =	swait.ge [sflag:s23], $0x1  }
0xa4: {  	[sflag:s23] =	ssyncset.done $0x0  }
0xa5: {  	s25 =	simm.s32 $0x1B8E;
	s24 =	sld [smem:$0x3FFE];
	[sflag:s23] =	ssyncadd.s32 $0xFFFFFFFF  }
0xa6: {  	s26 =	simm.s32 $execute0_lowered;
	[smem:$0x3FD2] =	sst s25  }
0xa7: {  	s6 =	sshll.u32 s26, $0x1;
	_ =	strace $0x80000046;
	[dreg:$0x1] =	wrdreg $0xFFFFFFFF  }
0xa8: {  	s28 =	simm.s32 $_size_execute0_lowered;
	s4 =	sadd.s32 s4, s6;
	[dreg:$0x0] =	wrdreg $0x0  }
0xa9: {  	s6 =	sshll.u32 s28, $0x1;
	[dreg:$0x2] =	wrdreg s4  }
0xaa: {  	[dreg:$0x3] =	wrdreg s6  }
0xab: {  	[dreg:$0x4] =	wrdreg $0xC0  }
0xac: {  	_ =	task [dreg:s8], $0x5FFFF  }
0xad: {  	[dreg:$0x1] =	wrdreg $0xFFFFFFFF  }
0xae: {  	[dreg:$0x0] =	wrdreg $0x60  }
0xaf: {  	[dreg:$0x2] =	wrdreg s2  }
0xb0: {  	[dreg:$0x3] =	wrdreg s18  }
0xb1: {  	[dreg:$0x4] =	wrdreg s24  }
0xb2: {  	[dreg:$0x5] =	wrdreg $0xA  }
0xb3: {  	_ =	task.clear_ibuf [dreg:s8], $0x6FFFF;
	_ =	strace $0x90000046  }
0xb4: {  	s29 =	simm.s32 $0xA;
	_ =	strace $0x80000048  }
0xb5: {  	_ =	swait.ge [sflag:s29], $0x1  }
0xb6: {  	[sflag:s29] =	ssyncadd.s32 $0xFFFFFFFF  }
0xb7: {  	_ =	strace $0x90000048  }
0xb8: {  	_ =	sfence  }
0xb9: {  	s30 =	sld [smem:$0x0];
	_ =	sdelay $0x2  }
0xba: {  	s31 =	sshll.u32 s1, $0xD;
	s1 =	sshrl.u32 s1, $0x2  }
0xbb: {  	s3 =	sand.u32 $0x4000, s31;
	s1 =	sadd.s32 s1, s30  }
0xbc: {  	s0 =	sor.u32 s3, s0;
	s1 =	sshll.u32 s1, $0x11  }
0xbd: {  	s0 =	sor.u32 s1, s0  }
0xbe: {  	s0 =	sadd.s32 $0x8F2B, s0  }
0xbf: {  	[sflag:s0] =	ssyncadd.remote.s32 $0x1  }
0xc0: {  	_ =	sfence.sel $0xFFFF  }
0xc1: {  	[dreg:$0x0] =	wrdreg $0xFFFFFFFF;
	(pc) =	sbr.abs _section_cstart, $3  }
0xc2: {  	[dreg:$0x1] =	wrdreg $0xFFFFFFFF  }
0xc3: {  	_ =	task.clear_ibuf [dreg:s8], $0x2FFFF;
	_ =	strace $0x9FFFFFFF  }
0xc4: {  	(tm) =	ssettm $0x7FFFFFFF  }
0xc5: {  	_ =	shalt  }
tec
execute0_lowered:
.L_overlay_start_1:
0x0: {  	(tag) =	ssettag $0x1  }
0x1: {  	s2 =	rddreg [dreg:$0x1]  }
0x2: {  	s0 =	rddreg [dreg:$0x2]  }
0x3: {  	s4 =	simm.s32 $0x0;
	s1 =	srdreg.scid;
	s7 =	stileid.u32  }
0x4: {  	s14 =	simm.s32 $0x7;
	s15 =	simm.s32 $0x4000;
	s16 =	simm.s32 $0x8000  }
0x5: {  	s18 =	simm.s32 $0x1C000;
	s19 =	simm.s32 $0x1C800;
	s20 =	simm.s32 $0x1D000  }
0x6: {  	s21 =	simm.s32 $0x1D800;
	s22 =	simm.s32 $0x0;
	[smem:$0x7FF] =	sst s4  }
0x7: {  	s1 =	sand.u32 $0x1, s1;
	s3 =	sshll.u32 s7, $0x1;
	s5 =	sadd.s32 $0xC00, s0  }
0x8: {  	s6 =	sadd.s32 $0x1600, s0;
	p0 =	sgt.u32 s7, $0xB;
	s3 =	sor.u32 s1, s3  }
0x9: {  	s7 =	simm.s32 $0x10;
	s11 =	sadd.s32 $0xE80, s0;
	s8 =	smul.u32 $0xF, s3  }
0xa: {  	s12 =	sadd.s32 $0x1100, s0;
	s13 =	sadd.s32 $0x1380, s0;
	s10 =	smax.u32 s3, $0x18  }
0xb: {  	_ =	strace $0x80000047;
	s1 =	ssub.s32 $0x2, s1;
	s8 =	sadd.s32 s8, s10  }
.Ltmp0:
0xc: {  	s7 =	simm.s32 @!p0 $0xF;
	s8 =	sadd.s32 $0xFFFFFFE8, s8;
	(pc) =	sbr.rel .LBB2_1-.Ltmp0, $4  }
0xd: {  	s9 =	sshrl.u32 s1, $0x1;
	p0 =	seq.s32 s3, $0x1F;
	s31 =	sadd.s32 s7, s8  }
0xe: {  	s1 =	ssub.s32 s1, s9;
	s9 =	simm.s32 $0x1;
	s3 =	sshll.u32 s31, $0xB  }
0xf: {  	v2 =	vlaneseq.u32;
	v3 =	vimm.s32 $0x0;
	vm0 =	vmmov $0xffff;
	s9 =	simm.s32 @!p0 $0x0;
	s17 =	sshll.u32 s8, $0xB;
	s3 =	simm.s32 @p0 $0xF4240  }
0x10: {  	v4 =	vmul.u32 $0x80, v2;
	s10 =	smax.u32 s1, $0x1;
	s9 =	sadd.s32 s9, s7;
	v0 =	vmov s17;
	s17 =	simm.s32 $0xC000;
	v1 =	vmov s3  }
.LBB2_31:
0x11: {  	p0 =	slt.s32 s24, $0x1  }
0x12: {  	p1 =	seq.s32 @!p0 s24, $0x1  }
0x13: {  	s0 =	simm.s32 @!p0 $0x3;
	p2 =	por p1, p0  }
0x14: {  	_ =	swait.ge @!p0 [sflag:s0], $0x800;
	p3 =	slt.u32 @!p2 s24, $0x3  }
0x15: {  	[sflag:s0] =	ssyncset.done @!p0 $0x0;
	p4 =	por @!p0 p3, p1  }
0x16: {  	[sflag:s0] =	ssyncadd.s32 @!p0 $0xFFFFF800;
	s0 =	simm.s32 @!p2 $0x4;
	p4 =	por p4, p0  }
0x17: {  	_ =	swait.ge @!p2 [sflag:s0], $0x800;
	p5 =	seq.s32 @!p4 s24, $0x3  }
0x18: {  	s22 =	sadd.s32 $0x1, s22;
	[sflag:s0] =	ssyncset.done @!p2 $0x0;
	p3 =	por @!p2 p5, p3  }
0x19: {  	[sflag:s0] =	ssyncadd.s32 @!p2 $0xFFFFF800;
	s0 =	simm.s32 @!p4 $0x5;
	p1 =	por @!p0 p3, p1  }
0x1a: {  	_ =	swait.ge @!p4 [sflag:s0], $0x800;
	p0 =	por p1, p0;
	p1 =	sne.s32 s22, s10  }
.Ltmp1:
0x1b: {  	[sflag:s0] =	ssyncset.done @!p4 $0x0;
	(pc) =	sbr.rel @!p1 .LBB2_32-.Ltmp1, $4  }
0x1c: {  	[sflag:s0] =	ssyncadd.s32 @!p4 $0xFFFFF800;
	s0 =	simm.s32 @!p0 $0x6  }
0x1d: {  	_ =	swait.ge @!p0 [sflag:s0], $0x800  }
0x1e: {  	[sflag:s0] =	ssyncset.done @!p0 $0x0  }
0x1f: {  	[sflag:s0] =	ssyncadd.s32 @!p0 $0xFFFFF800  }
.LBB2_1:
0x20: {  	s0 =	rddreg [dreg:$0x0]  }
0x21: {  	[tilespmem:s4], [sflag:$0x7] =	stream.linear.gather [hbm4b:s0+s4], $0x4000, $0x38;
	[tilespmem:$0x1E000] =	vst v63  }
0x22: {  	_ =	swait.ge [sflag:s14], $0x4000  }
0x23: {  	[sflag:s14] =	ssyncset.done $0x0  }
0x24: {  	[sflag:s14] =	ssyncadd.s32 $0xFFFFC000  }
0x25: {  	v5 =	vld [tilespmem:s4+$0x0];
	_ =	sdelay $0x4  }
0x26: {  	vm1 =	vge.s32 v5, v0;
	vm2 =	vlt.s32 v5, v1  }
0x27: {  	vm1 =	vmand vm1, vm2  }
0x28: {  	v6 =	vsel vm1, $0x1, v3  }
0x29: {  	(xrf0) =	vadd.scan.msk.s32 $0xffff, v6;
	_ =	sdelay $0x2  }
0x2a: {  	v6 =	vmov s4  }
0x2b: {  	v6 =	vadd.s32 $0xFFFFFFFF, v6  }
0x2c: {  	v6 =	vbroadcast v6, $0x0  }
0x2d: {  	v7, _, _ =	vpop (xrf0)  }
0x2e: {  	v6 =	vadd.s32 v7, v6;
	(v2sf) =	vpush v7, $0xF  }
0x2f: {  	v5 =	vsub.s32 v5, v0  }
0x30: {  	v5 =	vshll.u32 v5, $0xE  }
0x31: {  	v5 =	vadd.s32 s4, v5  }
0x32: {  	v5 =	vadd.s32 v2, v5  }
0x33: {  	s24 =	simm.s32 $0x10;
	[tilespmem:v6+s15+$0x0] =	vst.idx.msk vm1, v5  }
0x34: {  	s23 =	simm.s32 $0x0;
	s25 =	simm.s32 $0x10;
	s0 =	simm.s32 $0x20;
	v5 =	vld [tilespmem:s24+$0x0]  }
.LBB2_2:
0x35: {  	p0 =	sne.s32 s0, $0x3FF0;
	_ =	sdelay $0x3  }
0x36: {  	vm1 =	vge.s32 v5, v0;
	vm2 =	vlt.s32 v5, v1;
	v5 =	vsub.s32 v5, v0  }
0x37: {  	vm1 =	vmand vm1, vm2  }
0x38: {  	v6 =	vsel vm1, $0x1, v3  }
0x39: {  	(xrf0) =	vadd.scan.msk.s32 $0xffff, v6  }
0x3a: {  	s1 =	spop (v2sf)  }
0x3b: {  	s23 =	sadd.s32 s23, s1  }
0x3c: {  	v6 =	vmov s23  }
0x3d: {  	v6 =	vadd.s32 $0xFFFFFFFF, v6  }
0x3e: {  	v6 =	vbroadcast v6, $0x0  }
0x3f: {  	v7, _, _ =	vpop (xrf0)  }
0x40: {  	v6 =	vadd.s32 v7, v6;
	(v2sf) =	vpush v7, $0xF;
	_ =	sdelay $0x1  }
.Ltmp2:
0x41: {  	v5 =	vshll.u32 v5, $0xE;
	(pc) =	sbr.rel @p0 .LBB2_2-.Ltmp2, $4  }
0x42: {  	v5 =	vadd.s32 s24, v5;
	s24 =	smov.u32 s0  }
0x43: {  	v5 =	vadd.s32 v2, v5  }
0x44: {  	s25 =	sadd.s32 $0x10, s25;
	[tilespmem:v6+s15+$0x0] =	vst.idx.msk vm1, v5  }
0x45: {  	s0 =	sadd.s32 $0x10, s0;
	v5 =	vld [tilespmem:s25+$0x0]  }
0x46: {  	_ =	sdelay $0x3  }
0x47: {  	vm1 =	vge.s32 v5, v0;
	vm2 =	vlt.s32 v5, v1  }
0x48: {  	vm1 =	vmand vm1, vm2  }
0x49: {  	v6 =	vsel vm1, $0x1, v3  }
0x4a: {  	(xrf0) =	vadd.scan.msk.s32 $0xffff, v6;
	_ =	sdelay $0x5  }
0x4b: {  	v6, _, _ =	vpop (xrf0)  }
0x4c: {  	(v2sf) =	vpush v6, $0xF;
	_ =	sdelay $0xc  }
0x4d: {  	s0 =	spop (v2sf)  }
0x4e: {  	s0 =	sadd.s32 s23, s0  }
0x4f: {  	v7 =	vmov s0;
	s1 =	spop (v2sf)  }
0x50: {  	v7 =	vadd.s32 $0xFFFFFFFF, v7;
	s23 =	sadd.s32 s0, s1  }
0x51: {  	v7 =	vbroadcast v7, $0x0;
	s0 =	sadd.s32 $0xF, s23  }
0x52: {  	s30 =	sand.u32 $0xF, s0  }
0x53: {  	v6 =	vadd.s32 v6, v7;
	s31 =	sshra.s32 s0, $0x1F;
	p1 =	slt.s32 s0, $0x1;
	p0 =	sne.s32 s30, $0x0  }
.Ltmp3:
0x54: {  	v5 =	vsub.s32 v5, v0;
	s1 =	sshrl.u32 s31, $0x1C;
	p0 =	por !p1, !p0;
	(pc) =	sbr.rel .LBB2_4-.Ltmp3, $4  }
0x55: {  	v5 =	vshll.u32 v5, $0xE;
	s0 =	sadd.s32 s1, s0;
	s1 =	simm.s32 $0x1;
	p0 =	por !p0, !p0  }
0x56: {  	v5 =	vadd.s32 s24, v5;
	s0 =	sshra.s32 s0, $0x4;
	s1 =	simm.s32 @!p0 $0x0  }
0x57: {  	v5 =	vadd.s32 v2, v5;
	s25 =	ssub.s32 s0, s1  }
0x58: {  	s26 =	simm.s32 $0x0;
	s24 =	simm.s32 $0x0;
	[tilespmem:v6+s15+$0x0] =	vst.idx.msk vm1, v5;
	p0 =	slt.s32 s25, $0x1  }
.LBB2_29:
0x59: {  	s24 =	smov.u32 s30  }
.LBB2_30:
0x5a: {  	s26 =	sadd.s32 $0x1, s26  }
0x5b: {  	p1 =	sne.s32 s26, s9  }
.Ltmp4:
0x5c: {  	_ = 	snop;
	(pc) =	sbr.rel @!p1 .LBB2_31-.Ltmp4, $1  }
0x5d: {  	_ =	sdelay $0x3  }
.LBB2_4:
0x5e: {  	p1 =	slt.u32 s26, s7  }
0x5f: {  	s0 =	sadd.s32 @p1 s8, s26  }
0x60: {  	s0 =	sshll.u32 @p1 s0, $0xB  }
0x61: {  	s1 =	simm.s32 @p1 $0x4000;
	s0 =	sand.u32 @p1 $0x1FFFF800, s0  }
0x62: {  	s3 =	simm.s32 @p1 $0x7A1400;
	s28 =	simm.s32 @p1 $0xC000;
	s0 =	sadd.s32 @p1 s2, s0  }
0x63: {  	[tilespmem:s28], [sflag:$0x1] =	stream.strided.gather @p1 [hbm4b:s0+s1], $0x10000, s3, s1, $0x38;
	[tilespmem:$0x1E000] =	vst v63  }
0x64: {  	s0 =	simm.s32 @p1 $0x1  }
0x65: {  	_ =	swait.ge @p1 [sflag:s0], $0x10000  }
0x66: {  	[sflag:s0] =	ssyncset.done @p1 $0x0  }
0x67: {  	s1 =	simm.s32 @!p1 $0xC000;
	[sflag:s0] =	ssyncadd.s32 @p1 $0xFFFF0000;
	s0 =	simm.s32 @!p1 $0x0  }
0x68: {  	[tilespmem:s1], [sflag:$0x2] =	stream.linear.gather @!p1 [hbm4b:s5+s0], $0x1400, $0x38;
	[tilespmem:$0x1E000] =	vst v63  }
0x69: {  	s1 =	simm.s32 @!p1 $0x10000  }
0x6a: {  	[tilespmem:s1], [sflag:$0x2] =	stream.linear.gather @!p1 [hbm4b:s11+s0], $0x1400, $0x38;
	[tilespmem:$0x1E000] =	vst v63  }
0x6b: {  	s1 =	simm.s32 @!p1 $0x14000  }
0x6c: {  	[tilespmem:s1], [sflag:$0x2] =	stream.linear.gather @!p1 [hbm4b:s12+s0], $0x1400, $0x38;
	[tilespmem:$0x1E000] =	vst v63  }
0x6d: {  	s1 =	simm.s32 @!p1 $0x18000  }
0x6e: {  	[tilespmem:s1], [sflag:$0x2] =	stream.linear.gather @!p1 [hbm4b:s13+s0], $0x1400, $0x38;
	[tilespmem:$0x1E000] =	vst v63  }
.Ltmp5:
0x6f: {  	_ = 	snop;
	(pc) =	sbr.rel @p0 .LBB2_11-.Ltmp5, $4  }
0x70: {  	s0 =	simm.s32 @!p1 $0x2  }
0x71: {  	_ =	swait.ge @!p1 [sflag:s0], $0x5000  }
0x72: {  	[sflag:s0] =	ssyncset.done @!p1 $0x0  }
0x73: {  	s28 =	simm.s32 $0x0;
	[sflag:s0] =	ssyncadd.s32 @!p1 $0xFFFFB000  }
0x74: {  	p3 =	sne.s32 s25, $0x1  }
.Ltmp6:
0x75: {  	_ = 	snop;
	(pc) =	sbr.rel @!p3 .LBB2_6-.Ltmp6, $4  }
0x76: {  	s0 =	simm.s32 $0x800  }
0x77: {  	s1 =	sshll.u32 s26, $0xB;
	s0 =	simm.s32 @!p1 $0x240  }
0x78: {  	s3 =	simm.s32 $0x4000;
	s0 =	sadd.s32 s1, s0  }
0x79: {  	s28 =	simm.s32 $0x0;
	p2 =	por $0x0, $0x0;
	v5 =	vmov s1;
	v7 =	vld [tilespmem:s3+$0x0];
	v6 =	vmov s0;
	s0 =	sadd.s32 $0xFFFFFFFF, s25  }
0x7a: {  	_ =	sdelay $0x3  }
0x7b: {  	v8 =	vmov s23;
	v9 =	vshra.s32 v7, $0xE  }
0x7c: {  	vm1 =	vgt.s32 v8, v2;
	vm2 =	vge.s32 v9, v5  }
0x7d: {  	vm1 =	vmand vm1, vm2;
	vm2 =	vlt.s32 v9, v6  }
0x7e: {  	vm1 =	vmand vm2, vm1  }
0x7f: {  	v8 =	vsel vm1, $0x1, v3  }
0x80: {  	(xrf0) =	vadd.scan.msk.s32 $0xffff, v8;
	_ =	sdelay $0x2  }
0x81: {  	v8 =	vmov s28  }
0x82: {  	v8 =	vadd.s32 $0xFFFFFFFF, v8  }
0x83: {  	v8 =	vbroadcast v8, $0x0  }
0x84: {  	v10, _, _ =	vpop (xrf0)  }
0x85: {  	v8 =	vadd.s32 v10, v8;
	(v2sf) =	vpush v10, $0xF  }
0x86: {  	p3 =	sne.s32 s0, $0x1  }
.Ltmp7:
0x87: {  	v9 =	vsub.s32 v9, v5;
	(pc) =	sbr.rel @!p3 .LBB2_8-.Ltmp7, $4  }
0x88: {  	v7 =	vand.u32 $0x3FFF, v7;
	v9 =	vshll.u32 v9, $0xE  }
0x89: {  	v7 =	vor.u32 v7, v9  }
0x8a: {  	s31 =	simm.s32 $0x4010;
	s0 =	sadd.s32 $0xFFFFFFFF, s0;
	[tilespmem:v8+s16+$0x0] =	vst.idx.msk vm1, v7  }
0x8b: {  	p2 =	por $0x1, $0x1;
	s30 =	smov.u32 s23;
	s29 =	simm.s32 $0x0;
	v7 =	vld [tilespmem:s31+$0x0]  }
.LBB2_9:
0x8c: {  	p3 =	sne.s32 s0, $0x1;
	_ =	sdelay $0x2  }
0x8d: {  	s30 =	sadd.s32 $0xFFFFFFF0, s30  }
0x8e: {  	v8 =	vmov s30;
	v9 =	vshra.s32 v7, $0xE;
	v7 =	vand.u32 $0x3FFF, v7  }
0x8f: {  	vm1 =	vgt.s32 v8, v2;
	vm2 =	vge.s32 v9, v5;
	v8 =	vsub.s32 v9, v5  }
0x90: {  	vm1 =	vmand vm1, vm2;
	vm2 =	vlt.s32 v9, v6  }
0x91: {  	vm1 =	vmand vm2, vm1  }
0x92: {  	v9 =	vsel vm1, $0x1, v3;
	s1 =	spop (v2sf)  }
0x93: {  	(xrf0) =	vadd.scan.msk.s32 $0xffff, v9;
	s29 =	sadd.s32 s29, s1  }
0x94: {  	v9 =	vmov s29  }
0x95: {  	v9 =	vadd.s32 $0xFFFFFFFF, v9  }
0x96: {  	v9 =	vbroadcast v9, $0x0;
	_ =	sdelay $0x2  }
0x97: {  	v10, _, _ =	vpop (xrf0)  }
0x98: {  	v9 =	vadd.s32 v10, v9;
	(v2sf) =	vpush v10, $0xF;
	_ =	sdelay $0x1  }
.Ltmp8:
0x99: {  	(pc) =	sbr.rel @p3 .LBB2_9-.Ltmp8, $4  }
0x9a: {  	v8 =	vshll.u32 v8, $0xE  }
0x9b: {  	v7 =	vor.u32 v7, v8  }
0x9c: {  	s31 =	sadd.s32 $0x10, s31;
	[tilespmem:v9+s16+$0x0] =	vst.idx.msk vm1, v7  }
0x9d: {  	s0 =	sadd.s32 $0xFFFFFFFF, s0;
	v7 =	vld [tilespmem:s31+$0x0]  }
.LBB2_10:
0x9e: {  	_ =	sdelay $0x1  }
0x9f: {  	s0 =	sadd.s32 @p2 $0xFFFFFFF0, s30;
	s1 =	smov.u32 s23  }
0xa0: {  	s1 =	smov.u32 @p2 s0  }
0xa1: {  	v8 =	vmov s1;
	v9 =	vshra.s32 v7, $0xE  }
0xa2: {  	vm1 =	vgt.s32 v8, v2;
	vm2 =	vge.s32 v9, v5  }
0xa3: {  	vm1 =	vmand vm1, vm2;
	vm2 =	vlt.s32 v9, v6  }
0xa4: {  	vm1 =	vmand vm2, vm1  }
0xa5: {  	v6 =	vsel vm1, $0x1, v3  }
0xa6: {  	(xrf0) =	vadd.scan.msk.s32 $0xffff, v6;
	_ =	sdelay $0x5  }
0xa7: {  	v6, _, _ =	vpop (xrf0)  }
0xa8: {  	(v2sf) =	vpush v6, $0xF;
	_ =	sdelay $0x3  }
0xa9: {  	s0 =	spop @p2 (v2sf)  }
0xaa: {  	s0 =	sadd.s32 @p2 s29, s0  }
0xab: {  	s28 =	smov.u32 @p2 s0  }
0xac: {  	v63 =	vmov s28  }
0xad: {  	v8 =	vadd.s32 $0xFFFFFFFF, v63  }
0xae: {  	v8 =	vbroadcast v8, $0x0;
	_ =	sdelay $0x1  }
0xaf: {  	v6 =	vadd.s32 v6, v8;
	_ =	sdelay $0x1  }
0xb0: {  	v5 =	vsub.s32 v9, v5  }
0xb1: {  	v7 =	vand.u32 $0x3FFF, v7;
	v5 =	vshll.u32 v5, $0xE  }
0xb2: {  	v5 =	vor.u32 v7, v5;
	s31 =	spop (v2sf)  }
0xb3: {  	[tilespmem:v6+s16+$0x0] =	vst.idx.msk vm1, v5;
	s28 =	sadd.s32 s28, s31  }
.LBB2_11:
0xb4: {  	s0 =	sadd.s32 $0xF, s28  }
0xb5: {  	s1 =	sand.u32 $0xF, s0  }
0xb6: {  	s3 =	sshra.s32 s0, $0x1F;
	p2 =	slt.s32 s0, $0x1;
	p3 =	sne.s32 s1, $0x0  }
0xb7: {  	s31 =	sshrl.u32 s3, $0x1C;
	p2 =	por !p2, !p3  }
0xb8: {  	s1 =	simm.s32 $0x1;
	s0 =	sadd.s32 s31, s0;
	p2 =	por !p2, !p2  }
0xb9: {  	s0 =	sshra.s32 s0, $0x4;
	s1 =	simm.s32 @!p2 $0x0  }
0xba: {  	s29 =	ssub.s32 s0, s1  }
0xbb: {  	p3 =	slt.s32 s29, $0x1  }
.Ltmp9:
0xbc: {  	_ = 	snop;
	(pc) =	sbr.rel @p3 .LBB2_30-.Ltmp9, $1  }
0xbd: {  	_ =	sdelay $0x3  }
.Ltmp10:
0xbe: {  	(pc) =	sbr.rel .LBB2_13-.Ltmp10, $4  }
0xbf: {  	_ = 	snop  }
0xc0: {  	s1 =	simm.s32 @!p1 $0x40;
	s3 =	simm.s32 $0xFFFFFFFF  }
0xc1: {  	s0 =	sadd.s32 s0, s24;
	s1 =	simm.s32 @p1 $0x0;
	s3 =	simm.s32 @!p2 $0x0  }
0xc2: {  	s31 =	simm.s32 $0x0;
	v5 =	vmov s1;
	s30 =	sadd.s32 s3, s0  }
.LBB2_27:
0xc3: {  	_ =	sdelay $0x1  }
0xc4: {  	v13 =	vshll.u32 v12, $0xB  }
0xc5: {  	v60 =	vshll.u32 v12, $0x7;
	v13 =	vand.u32 $0xC000, v13  }
0xc6: {  	[tilespmem:v11+s21+$0x0] =	vst.idx.msk $0xffff, v9;
	v61 =	vand.u32 $0x380, v60;
	v8 =	vadd.s32 v8, v13  }
0xc7: {  	v62 =	vor.u32 s0, v4;
	v10 =	vld.idx.msk [tilespmem:v10+s17+$0x0], $0xffff;
	v8 =	vor.u32 v61, v8  }
0xc8: {  	v7 =	vor.u32 v7, v8;
	_ =	sdelay $0x3  }
0xc9: {  	[tilespmem:v62+s21+$0x0] =	vst.idx.msk $0xffff, v10  }
0xca: {  	v63 =	vor.u32 s3, v4;
	v7 =	vld.idx.msk [tilespmem:v7+s17+$0x0], $0xffff;
	_ =	sdelay $0x4  }
0xcb: {  	[tilespmem:v63+s21+$0x0] =	vst.idx.msk $0xffff, v7  }
0xcc: {  	[hbm4b:s6+s4] =	stream.indirect_vreg.scatter [tilespmem:s21], [sflag:$0x6], $0x80, v6, vm0, $0xb8;
	[tilespmem:$0x1E000] =	vst v63  }
.LBB2_28:
0xcd: {  	s31 =	sadd.s32 $0x1, s31  }
0xce: {  	p1 =	sne.s32 s31, s29  }
.Ltmp11:
0xcf: {  	_ = 	snop;
	(pc) =	sbr.rel @!p1 .LBB2_29-.Ltmp11, $2  }
0xd0: {  	_ =	sdelay $0x2  }
0xd1: {  	s24 =	sadd.s32 $0x1, s24  }
.LBB2_13:
0xd2: {  	s0 =	sshll.u32 s31, $0x4  }
0xd3: {  	v6 =	vld [tilespmem:s0+$0x8000]  }
0xd4: {  	s1 =	ssub.s32 s28, s0;
	s0 =	sand.u32 $0x3, s24  }
0xd5: {  	p1 =	sgt.s32 s0, $0x1  }
.Ltmp12:
0xd6: {  	_ = 	snop;
	(pc) =	sbr.rel @p1 .LBB2_24-.Ltmp12, $4  }
0xd7: {  	_ = 	snop  }
0xd8: {  	v7 =	vmov s1;
	v8 =	vshra.s32 v6, $0xE  }
0xd9: {  	vm1 =	vgt.s32 v7, v2;
	v6 =	vand.u32 $0x3FFF, v6;
	v7 =	vadd.s32 v5, v8  }
0xda: {  	v6 =	vnsel vm1, $0x4000, v6;
	v7 =	vnsel vm1, $0x0, v7  }
0xdb: {  	p1 =	seq.s32 s0, $0x0  }
.Ltmp13:
0xdc: {  	s1 =	simm.s32 $0x0;
	(pc) =	sbr.rel @!p1 .LBB2_18-.Ltmp13, $4  }
0xdd: {  	v9 =	vmov s1  }
0xde: {  	v8 =	vshll.u32 v7, $0x3;
	v10 =	vshll.u32 v9, $0xB  }
0xdf: {  	v8 =	vand.u32 $0xFFFFFC00, v8;
	v9 =	vshll.u32 v9, $0x7;
	v10 =	vand.u32 $0xC000, v10  }
0xe0: {  	v7 =	vand.u32 $0x7F, v7;
	v9 =	vand.u32 $0x380, v9;
	v10 =	vadd.s32 v8, v10  }
0xe1: {  	v9 =	vor.u32 v9, v10  }
0xe2: {  	s0 =	simm.s32 $0x1;
	p1 =	slt.s32 s24, $0x4;
	v9 =	vor.u32 v7, v9  }
0xe3: {  	v10 =	vmov s0;
	s3 =	simm.s32 @!p1 $0x3  }
0xe4: {  	v11 =	vshll.u32 v10, $0xB;
	_ =	swait.ge @!p1 [sflag:s3], $0x800  }
0xe5: {  	v10 =	vshll.u32 v10, $0x7;
	v11 =	vand.u32 $0xC000, v11;
	[sflag:s3] =	ssyncset.done @!p1 $0x0  }
0xe6: {  	v10 =	vand.u32 $0x380, v10;
	v11 =	vadd.s32 v8, v11;
	[sflag:s3] =	ssyncadd.s32 @!p1 $0xFFFFF800  }
0xe7: {  	v10 =	vor.u32 v10, v11;
	v11 =	vor.u32 s1, v4;
	v9 =	vld.idx.msk [tilespmem:v9+s17+$0x0], $0xffff  }
0xe8: {  	v10 =	vor.u32 v7, v10  }
0xe9: {  	s3 =	simm.s32 $0x2  }
0xea: {  	v12 =	vmov s3;
	s1 =	simm.s32 $0x3  }
.LBB2_16:
0xeb: {  	p1 =	sne.s32 s1, $0x1F;
	v13 =	vshll.u32 v12, $0xB  }
0xec: {  	v12 =	vshll.u32 v12, $0x7;
	v13 =	vand.u32 $0xC000, v13;
	[tilespmem:v11+s18+$0x0] =	vst.idx.msk $0xffff, v9  }
.Ltmp14:
0xed: {  	v12 =	vand.u32 $0x380, v12;
	v11 =	vadd.s32 v8, v13;
	v9 =	vld.idx.msk [tilespmem:v10+s17+$0x0], $0xffff;
	(pc) =	sbr.rel @p1 .LBB2_16-.Ltmp14, $3  }
0xee: {  	v10 =	vor.u32 v12, v11;
	v11 =	vor.u32 s0, v4;
	s0 =	smov.u32 s3;
	s3 =	smov.u32 s1  }
0xef: {  	v10 =	vor.u32 v7, v10;
	_ =	sdelay $0x1  }
0xf0: {  	s1 =	sadd.s32 $0x1, s1;
	v12 =	vmov s3  }
0xf1: {  	_ =	sdelay $0x1  }
0xf2: {  	v13 =	vshll.u32 v12, $0xB  }
0xf3: {  	v60 =	vshll.u32 v12, $0x7;
	v13 =	vand.u32 $0xC000, v13  }
0xf4: {  	[tilespmem:v11+s18+$0x0] =	vst.idx.msk $0xffff, v9;
	v61 =	vand.u32 $0x380, v60;
	v8 =	vadd.s32 v8, v13  }
0xf5: {  	v62 =	vor.u32 s0, v4;
	v10 =	vld.idx.msk [tilespmem:v10+s17+$0x0], $0xffff;
	v8 =	vor.u32 v61, v8  }
0xf6: {  	v7 =	vor.u32 v7, v8;
	_ =	sdelay $0x3  }
0xf7: {  	[tilespmem:v62+s18+$0x0] =	vst.idx.msk $0xffff, v10  }
0xf8: {  	v63 =	vor.u32 s3, v4;
	v7 =	vld.idx.msk [tilespmem:v7+s17+$0x0], $0xffff;
	_ =	sdelay $0x1  }
.Ltmp15:
0xf9: {  	_ = 	snop;
	(pc) =	sbr.rel .LBB2_28-.Ltmp15, $3  }
0xfa: {  	_ =	sdelay $0x1  }
0xfb: {  	[tilespmem:v63+s18+$0x0] =	vst.idx.msk $0xffff, v7  }
0xfc: {  	[hbm4b:s6+s4] =	stream.indirect_vreg.scatter [tilespmem:s18], [sflag:$0x3], $0x80, v6, vm0, $0xb8;
	[tilespmem:$0x1E000] =	vst v63  }
.LBB2_24:
0xfd: {  	s1 =	simm.s32 $0x0  }
0xfe: {  	p2 =	seq.s32 s0, $0x2;
	v9 =	vmov s1  }
.Ltmp16:
0xff: {  	v8 =	vshll.u32 v7, $0x3;
	v10 =	vshll.u32 v9, $0xB;
	(pc) =	sbr.rel @!p2 .LBB2_25-.Ltmp16, $4  }
0x100: {  	v8 =	vand.u32 $0xFFFFFC00, v8;
	v9 =	vshll.u32 v9, $0x7;
	v10 =	vand.u32 $0xC000, v10  }
0x101: {  	v9 =	vand.u32 $0x380, v9;
	v10 =	vadd.s32 v8, v10  }
0x102: {  	v7 =	vand.u32 $0x7F, v7;
	s0 =	simm.s32 $0x1;
	v9 =	vor.u32 v9, v10  }
0x103: {  	p1 =	slt.s32 s24, $0x4;
	v10 =	vmov s0;
	v9 =	vor.u32 v7, v9  }
0x104: {  	s3 =	simm.s32 @!p1 $0x5  }
0x105: {  	v11 =	vshll.u32 v10, $0xB;
	_ =	swait.ge @!p1 [sflag:s3], $0x800  }
0x106: {  	v10 =	vshll.u32 v10, $0x7;
	v11 =	vand.u32 $0xC000, v11;
	[sflag:s3] =	ssyncset.done @!p1 $0x0  }
0x107: {  	v10 =	vand.u32 $0x380, v10;
	v11 =	vadd.s32 v8, v11;
	[sflag:s3] =	ssyncadd.s32 @!p1 $0xFFFFF800  }
0x108: {  	v10 =	vor.u32 v10, v11;
	v11 =	vor.u32 s1, v4;
	v9 =	vld.idx.msk [tilespmem:v9+s17+$0x0], $0xffff  }
0x109: {  	v10 =	vor.u32 v7, v10  }
0x10a: {  	s3 =	simm.s32 $0x2  }
0x10b: {  	s1 =	simm.s32 $0x3;
	v12 =	vmov s3  }
.LBB2_22:
0x10c: {  	p1 =	sne.s32 s1, $0x1F;
	v13 =	vshll.u32 v12, $0xB  }
0x10d: {  	v12 =	vshll.u32 v12, $0x7;
	v13 =	vand.u32 $0xC000, v13;
	[tilespmem:v11+s20+$0x0] =	vst.idx.msk $0xffff, v9  }
.Ltmp17:
0x10e: {  	v12 =	vand.u32 $0x380, v12;
	v11 =	vadd.s32 v8, v13;
	v9 =	vld.idx.msk [tilespmem:v10+s17+$0x0], $0xffff;
	(pc) =	sbr.rel @p1 .LBB2_22-.Ltmp17, $3  }
0x10f: {  	v10 =	vor.u32 v12, v11;
	v11 =	vor.u32 s0, v4;
	s0 =	smov.u32 s3;
	s3 =	smov.u32 s1  }
0x110: {  	v10 =	vor.u32 v7, v10;
	_ =	sdelay $0x1  }
0x111: {  	s1 =	sadd.s32 $0x1, s1;
	v12 =	vmov s3  }
0x112: {  	_ =	sdelay $0x1  }
0x113: {  	v13 =	vshll.u32 v12, $0xB  }
0x114: {  	v60 =	vshll.u32 v12, $0x7;
	v13 =	vand.u32 $0xC000, v13  }
0x115: {  	[tilespmem:v11+s20+$0x0] =	vst.idx.msk $0xffff, v9;
	v61 =	vand.u32 $0x380, v60;
	v8 =	vadd.s32 v8, v13  }
0x116: {  	v62 =	vor.u32 s0, v4;
	v10 =	vld.idx.msk [tilespmem:v10+s17+$0x0], $0xffff;
	v8 =	vor.u32 v61, v8  }
0x117: {  	v7 =	vor.u32 v7, v8;
	_ =	sdelay $0x3  }
0x118: {  	[tilespmem:v62+s20+$0x0] =	vst.idx.msk $0xffff, v10  }
0x119: {  	v63 =	vor.u32 s3, v4;
	v7 =	vld.idx.msk [tilespmem:v7+s17+$0x0], $0xffff;
	_ =	sdelay $0x1  }
.Ltmp18:
0x11a: {  	_ = 	snop;
	(pc) =	sbr.rel .LBB2_28-.Ltmp18, $3  }
0x11b: {  	_ =	sdelay $0x1  }
0x11c: {  	[tilespmem:v63+s20+$0x0] =	vst.idx.msk $0xffff, v7  }
0x11d: {  	[hbm4b:s6+s4] =	stream.indirect_vreg.scatter [tilespmem:s20], [sflag:$0x5], $0x80, v6, vm0, $0xb8;
	[tilespmem:$0x1E000] =	vst v63  }
.LBB2_18:
0x11e: {  	v9 =	vor.u32 v9, v10  }
0x11f: {  	s0 =	simm.s32 $0x1;
	p1 =	slt.s32 s24, $0x4;
	v9 =	vor.u32 v7, v9  }
0x120: {  	v10 =	vmov s0;
	s3 =	simm.s32 @!p1 $0x4  }
0x121: {  	v11 =	vshll.u32 v10, $0xB;
	_ =	swait.ge @!p1 [sflag:s3], $0x800  }
0x122: {  	v10 =	vshll.u32 v10, $0x7;
	v11 =	vand.u32 $0xC000, v11;
	[sflag:s3] =	ssyncset.done @!p1 $0x0  }
0x123: {  	v10 =	vand.u32 $0x380, v10;
	v11 =	vadd.s32 v8, v11;
	[sflag:s3] =	ssyncadd.s32 @!p1 $0xFFFFF800  }
0x124: {  	v10 =	vor.u32 v10, v11;
	v11 =	vor.u32 s1, v4;
	v9 =	vld.idx.msk [tilespmem:v9+s17+$0x0], $0xffff  }
0x125: {  	v10 =	vor.u32 v7, v10  }
0x126: {  	s3 =	simm.s32 $0x2  }
0x127: {  	v12 =	vmov s3;
	s1 =	simm.s32 $0x3  }
.LBB2_19:
0x128: {  	p1 =	sne.s32 s1, $0x1F;
	v13 =	vshll.u32 v12, $0xB  }
0x129: {  	v12 =	vshll.u32 v12, $0x7;
	v13 =	vand.u32 $0xC000, v13;
	[tilespmem:v11+s19+$0x0] =	vst.idx.msk $0xffff, v9  }
.Ltmp19:
0x12a: {  	v12 =	vand.u32 $0x380, v12;
	v11 =	vadd.s32 v8, v13;
	v9 =	vld.idx.msk [tilespmem:v10+s17+$0x0], $0xffff;
	(pc) =	sbr.rel @p1 .LBB2_19-.Ltmp19, $3  }
0x12b: {  	v10 =	vor.u32 v12, v11;
	v11 =	vor.u32 s0, v4;
	s0 =	smov.u32 s3;
	s3 =	smov.u32 s1  }
0x12c: {  	v10 =	vor.u32 v7, v10;
	_ =	sdelay $0x1  }
0x12d: {  	s1 =	sadd.s32 $0x1, s1;
	v12 =	vmov s3  }
0x12e: {  	_ =	sdelay $0x1  }
0x12f: {  	v13 =	vshll.u32 v12, $0xB  }
0x130: {  	v60 =	vshll.u32 v12, $0x7;
	v13 =	vand.u32 $0xC000, v13  }
0x131: {  	[tilespmem:v11+s19+$0x0] =	vst.idx.msk $0xffff, v9;
	v61 =	vand.u32 $0x380, v60;
	v8 =	vadd.s32 v8, v13  }
0x132: {  	v62 =	vor.u32 s0, v4;
	v10 =	vld.idx.msk [tilespmem:v10+s17+$0x0], $0xffff;
	v8 =	vor.u32 v61, v8  }
0x133: {  	v7 =	vor.u32 v7, v8;
	_ =	sdelay $0x3  }
0x134: {  	[tilespmem:v62+s19+$0x0] =	vst.idx.msk $0xffff, v10  }
0x135: {  	v63 =	vor.u32 s3, v4;
	v7 =	vld.idx.msk [tilespmem:v7+s17+$0x0], $0xffff;
	_ =	sdelay $0x1  }
.Ltmp20:
0x136: {  	_ = 	snop;
	(pc) =	sbr.rel .LBB2_28-.Ltmp20, $3  }
0x137: {  	_ =	sdelay $0x1  }
0x138: {  	[tilespmem:v63+s19+$0x0] =	vst.idx.msk $0xffff, v7  }
0x139: {  	[hbm4b:s6+s4] =	stream.indirect_vreg.scatter [tilespmem:s19], [sflag:$0x4], $0x80, v6, vm0, $0xb8;
	[tilespmem:$0x1E000] =	vst v63  }
.LBB2_25:
0x13a: {  	s3 =	simm.s32 @!p1 $0x6  }
0x13b: {  	v11 =	vshll.u32 v10, $0xB;
	_ =	swait.ge @!p1 [sflag:s3], $0x800  }
0x13c: {  	v10 =	vshll.u32 v10, $0x7;
	v11 =	vand.u32 $0xC000, v11;
	[sflag:s3] =	ssyncset.done @!p1 $0x0  }
0x13d: {  	v10 =	vand.u32 $0x380, v10;
	v11 =	vadd.s32 v8, v11;
	[sflag:s3] =	ssyncadd.s32 @!p1 $0xFFFFF800  }
0x13e: {  	v10 =	vor.u32 v10, v11;
	v11 =	vor.u32 s1, v4;
	v9 =	vld.idx.msk [tilespmem:v9+s17+$0x0], $0xffff  }
0x13f: {  	v10 =	vor.u32 v7, v10  }
0x140: {  	s3 =	simm.s32 $0x2  }
0x141: {  	s1 =	simm.s32 $0x3;
	v12 =	vmov s3  }
.LBB2_26:
0x142: {  	p1 =	sne.s32 s1, $0x1F;
	v13 =	vshll.u32 v12, $0xB  }
0x143: {  	v12 =	vshll.u32 v12, $0x7;
	v13 =	vand.u32 $0xC000, v13;
	[tilespmem:v11+s21+$0x0] =	vst.idx.msk $0xffff, v9  }
.Ltmp21:
0x144: {  	v12 =	vand.u32 $0x380, v12;
	v11 =	vadd.s32 v8, v13;
	v9 =	vld.idx.msk [tilespmem:v10+s17+$0x0], $0xffff;
	(pc) =	sbr.rel @p1 .LBB2_26-.Ltmp21, $3  }
0x145: {  	v10 =	vor.u32 v12, v11;
	v11 =	vor.u32 s0, v4;
	s0 =	smov.u32 s3;
	s3 =	smov.u32 s1  }
0x146: {  	v10 =	vor.u32 v7, v10;
	_ =	sdelay $0x1  }
0x147: {  	s1 =	sadd.s32 $0x1, s1;
	v12 =	vmov s3  }
.Ltmp22:
0x148: {  	_ = 	snop;
	(pc) =	sbr.rel .LBB2_27-.Ltmp22, $1  }
0x149: {  	_ =	sdelay $0x3  }
.LBB2_6:
.Ltmp23:
0x14a: {  	(pc) =	sbr.rel .LBB2_10-.Ltmp23, $2  }
0x14b: {  	_ =	sdelay $0x2  }
0x14c: {  	s30 =	smov.u32 s23;
	s29 =	simm.s32 $0x0  }
.LBB2_8:
.Ltmp24:
0x14d: {  	(pc) =	sbr.rel .LBB2_10-.Ltmp24, $2  }
0x14e: {  	_ =	sdelay $0x2  }
0x14f: {  	s30 =	smov.u32 s23;
	s29 =	simm.s32 $0x0  }
.LBB2_32:
0x150: {  	_ =	sfence.sel $0x180000  }
0x151: {  	[bflag:$0x0] =	sbarrier.arrive $0xFFFF  }
0x152: {  	_ =	strace $0x90000047  }
0x153: {  	s0 =	stileid.u32;
	[bflag:$0x2] =	sbarrier.arrive $0xFFFF  }
0x154: {  	p0 =	sne.s32 s0, $0x0;
	s0 =	rddreg [dreg:$0x3]  }
0x155: {  	s0 =	sadd.s32 @!p0 $0x100000, s0  }
0x156: {  	[sflag:s0] =	ssyncadd.tile.s32 @!p0 $0x1;
	_ =	shalt  }
.Lfunc_end2:
_tile_overlayer_lowered:
.L_overlay_start_2:
0x157: {  	(tag) =	ssettag $0x2  }
0x158: {  	s0 =	rddreg [dreg:$0x0];
	s2 =	stileid.u32  }
0x159: {  	s1 =	rddreg [dreg:$0x1];
	p0 =	sne.s32 s2, $0x0  }
0x15a: {  	s3 =	rddreg [dreg:$0x2];
	[bflag:$0x3] =	sbarrier.arrive $0xFFFF;
	s2 =	simm.s32 @!p0 $0x1C07  }
0x15b: {  	[timem:s3], [sflag:s2] =	dma.local @!p0 [hbm:s0], s1  }
0x15c: {  	s0 =	simm.s32 @!p0 $0x7  }
0x15d: {  	_ =	swait.ge @!p0 [sflag:s0], s1  }
0x15e: {  	s1 =	ssub.s32 @!p0 $0x0, s1;
	[sflag:s0] =	ssyncset.done @!p0 $0x0  }
0x15f: {  	[sflag:s0] =	ssyncadd.s32 @!p0 s1  }
0x160: {  	[bflag:$0x3] =	sbarrier.arrive $0xFFFF  }
0x161: {  	_ =	shalt  }

</sc_bundles>
